<compile_context>
chip_gen: v7x
topology: tpu7x:2x2x1
jax: 0.10.2.dev20260603
libtpu: 0.0.44.dev20260713+nightly
codegen_flags: <defaults>
</compile_context>

<pallas_src>
import functools

import jax
import jax.numpy as jnp
from jax import lax
from jax.experimental import pallas as pl
from jax.experimental.pallas import tpu as pltpu
from jax.experimental.pallas import tpu_sc as plsc

EMB = 64
BATCH = 4096
SEQ = 50
N_TOK = BATCH * SEQ
NW = 32
PER_W = N_TOK // NW
SUB = 128
N_SUB = 10
CHUNK = SUB * N_SUB
N_CHUNK = PER_W // CHUNK


def _gather_one_table(table_hbm, idx_hbm, out_hbm, idx_v, rows_v, sem,
                      tok_base, out_base):
    for k in range(N_CHUNK):
        pltpu.sync_copy(idx_hbm.at[pl.ds(tok_base + k * CHUNK, CHUNK)], idx_v)
        copies = []
        for j in range(N_SUB):
            copies.append(pltpu.async_copy(
                table_hbm.at[idx_v.at[pl.ds(j * SUB, SUB)]],
                rows_v.at[pl.ds(j * SUB, SUB)],
                sem))
        for c in copies:
            c.wait()
        pltpu.sync_copy(rows_v,
                        out_hbm.at[pl.ds(out_base + k * CHUNK, CHUNK)])


@functools.partial(
    pl.kernel,
    mesh=plsc.VectorSubcoreMesh(core_axis_name="c", subcore_axis_name="s"),
    out_type=jax.ShapeDtypeStruct((2 * N_TOK, EMB), jnp.float32),
    scratch_types=[
        pltpu.VMEM((CHUNK,), jnp.int32),
        pltpu.VMEM((CHUNK, EMB), jnp.float32),
        pltpu.SemaphoreType.DMA,
    ],
    compiler_params=pltpu.CompilerParams(use_tc_tiling_on_sc=False),
)
def _emb_lookup(src_idx, tgt_idx, src_table, tgt_table, out_hbm,
                idx_v, rows_v, sem):
    info = plsc.get_sparse_core_info()
    wid = lax.axis_index("s") * info.num_cores + lax.axis_index("c")
    tok_base = wid * PER_W
    _gather_one_table(src_table, src_idx, out_hbm, idx_v, rows_v, sem,
                      tok_base, tok_base)
    _gather_one_table(tgt_table, tgt_idx, out_hbm, idx_v, rows_v, sem,
                      tok_base, N_TOK + tok_base)


def kernel(src, tgt, src_table, tgt_table):
    src_idx = src.reshape(N_TOK)
    tgt_idx = tgt.reshape(N_TOK)
    out = _emb_lookup(src_idx, tgt_idx, src_table, tgt_table)
    return out.reshape(2, BATCH, SEQ, EMB)

# --- scband reference (transcript-rebuilt; emitter-appended) ---
"""Pipeline reference for scband-embeddings-31533649887352 (READ-ONLY COPY).

The authoritative reference and input builder live on the scoring server;
editing this copy changes nothing except your own understanding.
"""

import jax, jax.numpy as jnp
import numpy as np

SRC_VOCAB = 100000
TGT_VOCAB = 100000
EMBED = 64
PAD_IDX = 0
BATCH = 4096
SEQ = 50


def setup_inputs(seed: int = 0) -> dict:
    key = jax.random.key(seed)
    k1, k2, k3, k4 = jax.random.split(key, 4)
    src = jax.random.randint(k1, (BATCH, SEQ), 0, SRC_VOCAB, dtype=jnp.int32)
    tgt = jax.random.randint(k2, (BATCH, SEQ), 0, TGT_VOCAB, dtype=jnp.int32)
    src_table = jax.random.normal(k3, (SRC_VOCAB, EMBED), dtype=jnp.float32) * 0.02
    tgt_table = jax.random.normal(k4, (TGT_VOCAB, EMBED), dtype=jnp.float32) * 0.02
    # nn.Embedding(padding_idx=pad) keeps the pad row at zero
    src_table = src_table.at[PAD_IDX].set(0.0)
    tgt_table = tgt_table.at[PAD_IDX].set(0.0)
    return {"src": src, "tgt": tgt, "src_table": src_table, "tgt_table": tgt_table}


def reference(src, tgt, src_table, tgt_table):
    # source and target embedding lookups (nn.Embedding forward == row gather)
    src_emb = jnp.take(src_table, src, axis=0)
    tgt_emb = jnp.take(tgt_table, tgt, axis=0)
    # pack both outputs into a single array along a leading axis
    return jnp.stack([src_emb, tgt_emb], axis=0)

if __name__ == "__main__":
    import jax
    _d = setup_inputs()
    print(jax.jit(kernel)(*tuple(_d.values())))

</pallas_src>

<mosaic_0001>
#map = affine_map<(d0, d1) -> (0)>
#map1 = affine_map<(d0, d1) -> (0, 0)>
module attributes {stable_mosaic.version = 14 : i64} {
  func.func @_emb_lookup(%arg0: i32, %arg1: i32, %arg2: memref<204800xi32, #tpu.memory_space<hbm>>, %arg3: memref<204800xi32, #tpu.memory_space<hbm>>, %arg4: memref<100000x64xf32, #tpu.memory_space<hbm>>, %arg5: memref<100000x64xf32, #tpu.memory_space<hbm>>, %arg6: memref<409600x64xf32, #tpu.memory_space<hbm>>, %arg7: memref<1280xi32, #tpu.memory_space<vmem>>, %arg8: memref<1280x64xf32, #tpu.memory_space<vmem>>, %arg9: memref<!tpu.dma_semaphore, #tpu.memory_space<semaphore_mem>>) attributes {dimension_semantics = [#tpu.dimension_semantics<core_parallel>, #tpu.dimension_semantics<subcore_parallel>], iteration_bounds = array<i64: 2, 16>, scalar_prefetch = 0 : i64, scratch_operands = 3 : i64, tpu.core_type = #tpu.core_type<sc_vector_subcore>, window_params = [{transform_indices = #map}, {transform_indices = #map}, {transform_indices = #map1}, {transform_indices = #map1}, {transform_indices = #map1}]} {
    %mul3A = arith.constant 2 : i32
    %mul3A_0 = arith.muli %arg1, %mul3A : i32
    %add3A = arith.addi %mul3A_0, %arg0 : i32
    %mul3A_1 = arith.constant 6400 : i32
    %mul3A_2 = arith.muli %add3A, %mul3A_1 : i32
    %add3A_3 = arith.constant 0 : i32
    %add3A_4 = arith.addi %mul3A_2, %add3A_3 : i32
    "tpu.region"() ({
      %run_scoped3A = tpu.sem_alloc : memref<!tpu.dma_semaphore, #tpu.memory_space<semaphore_mem>>
      %dma_start3A_1643 = tpu.memref_slice %arg2[%add3A_4] : memref<204800xi32, #tpu.memory_space<hbm>> -> memref<1280xi32, #tpu.memory_space<hbm>>
      %dma_start3A_1644 = tpu.memref_slice %arg2[%add3A_4] : memref<204800xi32, #tpu.memory_space<hbm>> -> memref<1280xi32, #tpu.memory_space<hbm>>
      tpu.enqueue_dma source(%dma_start3A_1644 : memref<1280xi32, #tpu.memory_space<hbm>>) target(%arg7 : memref<1280xi32, #tpu.memory_space<vmem>>) target_semaphore(%run_scoped3A : memref<!tpu.dma_semaphore, #tpu.memory_space<semaphore_mem>>)
      %dma_wait3A_1645 = tpu.memref_slice %arg2[%add3A_4] : memref<204800xi32, #tpu.memory_space<hbm>> -> memref<1280xi32, #tpu.memory_space<hbm>>
      %dma_wait3A_1646 = tpu.memref_slice %arg2[%add3A_4] : memref<204800xi32, #tpu.memory_space<hbm>> -> memref<1280xi32, #tpu.memory_space<hbm>>
      tpu.wait_dma2 semaphore(%run_scoped3A : memref<!tpu.dma_semaphore, #tpu.memory_space<semaphore_mem>>) src(%dma_wait3A_1646 : memref<1280xi32, #tpu.memory_space<hbm>>) dst(%arg7 : memref<1280xi32, #tpu.memory_space<vmem>>)
      tpu.yield
    }) : () -> ()
    %dma_start3A = arith.constant 0 : i32
    %dma_start3A_5 = arith.constant 0 : i32
    %dma_start3A_6 = tpu.memref_slice %arg8[%dma_start3A, %dma_start3A_5] : memref<1280x64xf32, #tpu.memory_space<vmem>> -> memref<128x64xf32, #tpu.memory_space<vmem>>
    %dma_start3A_7 = arith.constant 0 : i32
    %dma_start3A_8 = tpu.memref_slice %arg7[%dma_start3A_7] : memref<1280xi32, #tpu.memory_space<vmem>> -> memref<128xi32, #tpu.memory_space<vmem>>
    %dma_start3A_9 = arith.constant 0 : i32
    %dma_start3A_10 = arith.constant 0 : i32
    %dma_start3A_11 = tpu.memref_slice %arg4[%dma_start3A_9, %dma_start3A_10] : memref<100000x64xf32, #tpu.memory_space<hbm>> -> memref<100000x64xf32, #tpu.memory_space<hbm>>
    tpu.enqueue_indirect_dma source(%dma_start3A_11 : memref<100000x64xf32, #tpu.memory_space<hbm>>) target(%dma_start3A_6 : memref<128x64xf32, #tpu.memory_space<vmem>>) offsets(%dma_start3A_8 : memref<128xi32, #tpu.memory_space<vmem>>) semaphore(%arg9 : memref<!tpu.dma_semaphore, #tpu.memory_space<semaphore_mem>>)
    %dma_start3A_12 = arith.constant 128 : i32
    %dma_start3A_13 = arith.constant 0 : i32
    %dma_start3A_14 = tpu.memref_slice %arg8[%dma_start3A_12, %dma_start3A_13] : memref<1280x64xf32, #tpu.memory_space<vmem>> -> memref<128x64xf32, #tpu.memory_space<vmem>>
    %dma_start3A_15 = arith.constant 128 : i32
    %dma_start3A_16 = tpu.memref_slice %arg7[%dma_start3A_15] : memref<1280xi32, #tpu.memory_space<vmem>> -> memref<128xi32, #tpu.memory_space<vmem>>
    %dma_start3A_17 = arith.constant 0 : i32
    %dma_start3A_18 = arith.constant 0 : i32
    %dma_start3A_19 = tpu.memref_slice %arg4[%dma_start3A_17, %dma_start3A_18] : memref<100000x64xf32, #tpu.memory_space<hbm>> -> memref<100000x64xf32, #tpu.memory_space<hbm>>
    tpu.enqueue_indirect_dma source(%dma_start3A_19 : memref<100000x64xf32, #tpu.memory_space<hbm>>) target(%dma_start3A_14 : memref<128x64xf32, #tpu.memory_space<vmem>>) offsets(%dma_start3A_16 : memref<128xi32, #tpu.memory_space<vmem>>) semaphore(%arg9 : memref<!tpu.dma_semaphore, #tpu.memory_space<semaphore_mem>>)
    %dma_start3A_20 = arith.constant 256 : i32
    %dma_start3A_21 = arith.constant 0 : i32
    %dma_start3A_22 = tpu.memref_slice %arg8[%dma_start3A_20, %dma_start3A_21] : memref<1280x64xf32, #tpu.memory_space<vmem>> -> memref<128x64xf32, #tpu.memory_space<vmem>>
    %dma_start3A_23 = arith.constant 256 : i32
    %dma_start3A_24 = tpu.memref_slice %arg7[%dma_start3A_23] : memref<1280xi32, #tpu.memory_space<vmem>> -> memref<128xi32, #tpu.memory_space<vmem>>
    %dma_start3A_25 = arith.constant 0 : i32
    %dma_start3A_26 = arith.constant 0 : i32
    %dma_start3A_27 = tpu.memref_slice %arg4[%dma_start3A_25, %dma_start3A_26] : memref<100000x64xf32, #tpu.memory_space<hbm>> -> memref<100000x64xf32, #tpu.memory_space<hbm>>
    tpu.enqueue_indirect_dma source(%dma_start3A_27 : memref<100000x64xf32, #tpu.memory_space<hbm>>) target(%dma_start3A_22 : memref<128x64xf32, #tpu.memory_space<vmem>>) offsets(%dma_start3A_24 : memref<128xi32, #tpu.memory_space<vmem>>) semaphore(%arg9 : memref<!tpu.dma_semaphore, #tpu.memory_space<semaphore_mem>>)
    %dma_start3A_28 = arith.constant 384 : i32
    %dma_start3A_29 = arith.constant 0 : i32
    %dma_start3A_30 = tpu.memref_slice %arg8[%dma_start3A_28, %dma_start3A_29] : memref<1280x64xf32, #tpu.memory_space<vmem>> -> memref<128x64xf32, #tpu.memory_space<vmem>>
    %dma_start3A_31 = arith.constant 384 : i32
    %dma_start3A_32 = tpu.memref_slice %arg7[%dma_start3A_31] : memref<1280xi32, #tpu.memory_space<vmem>> -> memref<128xi32, #tpu.memory_space<vmem>>
    %dma_start3A_33 = arith.constant 0 : i32
    %dma_start3A_34 = arith.constant 0 : i32
    %dma_start3A_35 = tpu.memref_slice %arg4[%dma_start3A_33, %dma_start3A_34] : memref<100000x64xf32, #tpu.memory_space<hbm>> -> memref<100000x64xf32, #tpu.memory_space<hbm>>
    tpu.enqueue_indirect_dma source(%dma_start3A_35 : memref<100000x64xf32, #tpu.memory_space<hbm>>) target(%dma_start3A_30 : memref<128x64xf32, #tpu.memory_space<vmem>>) offsets(%dma_start3A_32 : memref<128xi32, #tpu.memory_space<vmem>>) semaphore(%arg9 : memref<!tpu.dma_semaphore, #tpu.memory_space<semaphore_mem>>)
    %dma_start3A_36 = arith.constant 512 : i32
    %dma_start3A_37 = arith.constant 0 : i32
    %dma_start3A_38 = tpu.memref_slice %arg8[%dma_start3A_36, %dma_start3A_37] : memref<1280x64xf32, #tpu.memory_space<vmem>> -> memref<128x64xf32, #tpu.memory_space<vmem>>
    %dma_start3A_39 = arith.constant 512 : i32
    %dma_start3A_40 = tpu.memref_slice %arg7[%dma_start3A_39] : memref<1280xi32, #tpu.memory_space<vmem>> -> memref<128xi32, #tpu.memory_space<vmem>>
    %dma_start3A_41 = arith.constant 0 : i32
    %dma_start3A_42 = arith.constant 0 : i32
    %dma_start3A_43 = tpu.memref_slice %arg4[%dma_start3A_41, %dma_start3A_42] : memref<100000x64xf32, #tpu.memory_space<hbm>> -> memref<100000x64xf32, #tpu.memory_space<hbm>>
    tpu.enqueue_indirect_dma source(%dma_start3A_43 : memref<100000x64xf32, #tpu.memory_space<hbm>>) target(%dma_start3A_38 : memref<128x64xf32, #tpu.memory_space<vmem>>) offsets(%dma_start3A_40 : memref<128xi32, #tpu.memory_space<vmem>>) semaphore(%arg9 : memref<!tpu.dma_semaphore, #tpu.memory_space<semaphore_mem>>)
    %dma_start3A_44 = arith.constant 640 : i32
    %dma_start3A_45 = arith.constant 0 : i32
    %dma_start3A_46 = tpu.memref_slice %arg8[%dma_start3A_44, %dma_start3A_45] : memref<1280x64xf32, #tpu.memory_space<vmem>> -> memref<128x64xf32, #tpu.memory_space<vmem>>
    %dma_start3A_47 = arith.constant 640 : i32
    %dma_start3A_48 = tpu.memref_slice %arg7[%dma_start3A_47] : memref<1280xi32, #tpu.memory_space<vmem>> -> memref<128xi32, #tpu.memory_space<vmem>>
    %dma_start3A_49 = arith.constant 0 : i32
    %dma_start3A_50 = arith.constant 0 : i32
    %dma_start3A_51 = tpu.memref_slice %arg4[%dma_start3A_49, %dma_start3A_50] : memref<100000x64xf32, #tpu.memory_space<hbm>> -> memref<100000x64xf32, #tpu.memory_space<hbm>>
    tpu.enqueue_indirect_dma source(%dma_start3A_51 : memref<100000x64xf32, #tpu.memory_space<hbm>>) target(%dma_start3A_46 : memref<128x64xf32, #tpu.memory_space<vmem>>) offsets(%dma_start3A_48 : memref<128xi32, #tpu.memory_space<vmem>>) semaphore(%arg9 : memref<!tpu.dma_semaphore, #tpu.memory_space<semaphore_mem>>)
    %dma_start3A_52 = arith.constant 768 : i32
    %dma_start3A_53 = arith.constant 0 : i32
    %dma_start3A_54 = tpu.memref_slice %arg8[%dma_start3A_52, %dma_start3A_53] : memref<1280x64xf32, #tpu.memory_space<vmem>> -> memref<128x64xf32, #tpu.memory_space<vmem>>
    %dma_start3A_55 = arith.constant 768 : i32
    %dma_start3A_56 = tpu.memref_slice %arg7[%dma_start3A_55] : memref<1280xi32, #tpu.memory_space<vmem>> -> memref<128xi32, #tpu.memory_space<vmem>>
    %dma_start3A_57 = arith.constant 0 : i32
    %dma_start3A_58 = arith.constant 0 : i32
    %dma_start3A_59 = tpu.memref_slice %arg4[%dma_start3A_57, %dma_start3A_58] : memref<100000x64xf32, #tpu.memory_space<hbm>> -> memref<100000x64xf32, #tpu.memory_space<hbm>>
    tpu.enqueue_indirect_dma source(%dma_start3A_59 : memref<100000x64xf32, #tpu.memory_space<hbm>>) target(%dma_start3A_54 : memref<128x64xf32, #tpu.memory_space<vmem>>) offsets(%dma_start3A_56 : memref<128xi32, #tpu.memory_space<vmem>>) semaphore(%arg9 : memref<!tpu.dma_semaphore, #tpu.memory_space<semaphore_mem>>)
    %dma_start3A_60 = arith.constant 896 : i32
    %dma_start3A_61 = arith.constant 0 : i32
    %dma_start3A_62 = tpu.memref_slice %arg8[%dma_start3A_60, %dma_start3A_61] : memref<1280x64xf32, #tpu.memory_space<vmem>> -> memref<128x64xf32, #tpu.memory_space<vmem>>
    %dma_start3A_63 = arith.constant 896 : i32
    %dma_start3A_64 = tpu.memref_slice %arg7[%dma_start3A_63] : memref<1280xi32, #tpu.memory_space<vmem>> -> memref<128xi32, #tpu.memory_space<vmem>>
    %dma_start3A_65 = arith.constant 0 : i32
    %dma_start3A_66 = arith.constant 0 : i32
    %dma_start3A_67 = tpu.memref_slice %arg4[%dma_start3A_65, %dma_start3A_66] : memref<100000x64xf32, #tpu.memory_space<hbm>> -> memref<100000x64xf32, #tpu.memory_space<hbm>>
    tpu.enqueue_indirect_dma source(%dma_start3A_67 : memref<100000x64xf32, #tpu.memory_space<hbm>>) target(%dma_start3A_62 : memref<128x64xf32, #tpu.memory_space<vmem>>) offsets(%dma_start3A_64 : memref<128xi32, #tpu.memory_space<vmem>>) semaphore(%arg9 : memref<!tpu.dma_semaphore, #tpu.memory_space<semaphore_mem>>)
    %dma_start3A_68 = arith.constant 1024 : i32
    %dma_start3A_69 = arith.constant 0 : i32
    %dma_start3A_70 = tpu.memref_slice %arg8[%dma_start3A_68, %dma_start3A_69] : memref<1280x64xf32, #tpu.memory_space<vmem>> -> memref<128x64xf32, #tpu.memory_space<vmem>>
    %dma_start3A_71 = arith.constant 1024 : i32
    %dma_start3A_72 = tpu.memref_slice %arg7[%dma_start3A_71] : memref<1280xi32, #tpu.memory_space<vmem>> -> memref<128xi32, #tpu.memory_space<vmem>>
    %dma_start3A_73 = arith.constant 0 : i32
    %dma_start3A_74 = arith.constant 0 : i32
    %dma_start3A_75 = tpu.memref_slice %arg4[%dma_start3A_73, %dma_start3A_74] : memref<100000x64xf32, #tpu.memory_space<hbm>> -> memref<100000x64xf32, #tpu.memory_space<hbm>>
    tpu.enqueue_indirect_dma source(%dma_start3A_75 : memref<100000x64xf32, #tpu.memory_space<hbm>>) target(%dma_start3A_70 : memref<128x64xf32, #tpu.memory_space<vmem>>) offsets(%dma_start3A_72 : memref<128xi32, #tpu.memory_space<vmem>>) semaphore(%arg9 : memref<!tpu.dma_semaphore, #tpu.memory_space<semaphore_mem>>)
    %dma_start3A_76 = arith.constant 1152 : i32
    %dma_start3A_77 = arith.constant 0 : i32
    %dma_start3A_78 = tpu.memref_slice %arg8[%dma_start3A_76, %dma_start3A_77] : memref<1280x64xf32, #tpu.memory_space<vmem>> -> memref<128x64xf32, #tpu.memory_space<vmem>>
    %dma_start3A_79 = arith.constant 1152 : i32
    %dma_start3A_80 = tpu.memref_slice %arg7[%dma_start3A_79] : memref<1280xi32, #tpu.memory_space<vmem>> -> memref<128xi32, #tpu.memory_space<vmem>>
    %dma_start3A_81 = arith.constant 0 : i32
    %dma_start3A_82 = arith.constant 0 : i32
    %dma_start3A_83 = tpu.memref_slice %arg4[%dma_start3A_81, %dma_start3A_82] : memref<100000x64xf32, #tpu.memory_space<hbm>> -> memref<100000x64xf32, #tpu.memory_space<hbm>>
    tpu.enqueue_indirect_dma source(%dma_start3A_83 : memref<100000x64xf32, #tpu.memory_space<hbm>>) target(%dma_start3A_78 : memref<128x64xf32, #tpu.memory_space<vmem>>) offsets(%dma_start3A_80 : memref<128xi32, #tpu.memory_space<vmem>>) semaphore(%arg9 : memref<!tpu.dma_semaphore, #tpu.memory_space<semaphore_mem>>)
    %dma_wait3A = arith.constant 0 : i32
    %dma_wait3A_84 = arith.constant 0 : i32
    %dma_wait3A_85 = tpu.memref_slice %arg8[%dma_wait3A, %dma_wait3A_84] : memref<1280x64xf32, #tpu.memory_space<vmem>> -> memref<128x64xf32, #tpu.memory_space<vmem>>
    %dma_wait3A_86 = arith.constant 0 : i32
    %dma_wait3A_87 = tpu.memref_slice %arg7[%dma_wait3A_86] : memref<1280xi32, #tpu.memory_space<vmem>> -> memref<128xi32, #tpu.memory_space<vmem>>
    %dma_wait3A_88 = arith.constant 0 : i32
    %dma_wait3A_89 = arith.constant 0 : i32
    %dma_wait3A_90 = tpu.memref_slice %arg4[%dma_wait3A_88, %dma_wait3A_89] : memref<100000x64xf32, #tpu.memory_space<hbm>> -> memref<100000x64xf32, #tpu.memory_space<hbm>>
    tpu.wait_indirect_dma semaphore(%arg9 : memref<!tpu.dma_semaphore, #tpu.memory_space<semaphore_mem>>) src(%dma_wait3A_90 : memref<100000x64xf32, #tpu.memory_space<hbm>>) dst(%dma_wait3A_85 : memref<128x64xf32, #tpu.memory_space<vmem>>)
    %dma_wait3A_91 = arith.constant 128 : i32
    %dma_wait3A_92 = arith.constant 0 : i32
    %dma_wait3A_93 = tpu.memref_slice %arg8[%dma_wait3A_91, %dma_wait3A_92] : memref<1280x64xf32, #tpu.memory_space<vmem>> -> memref<128x64xf32, #tpu.memory_space<vmem>>
    %dma_wait3A_94 = arith.constant 128 : i32
    %dma_wait3A_95 = tpu.memref_slice %arg7[%dma_wait3A_94] : memref<1280xi32, #tpu.memory_space<vmem>> -> memref<128xi32, #tpu.memory_space<vmem>>
    %dma_wait3A_96 = arith.constant 0 : i32
    %dma_wait3A_97 = arith.constant 0 : i32
    %dma_wait3A_98 = tpu.memref_slice %arg4[%dma_wait3A_96, %dma_wait3A_97] : memref<100000x64xf32, #tpu.memory_space<hbm>> -> memref<100000x64xf32, #tpu.memory_space<hbm>>
    tpu.wait_indirect_dma semaphore(%arg9 : memref<!tpu.dma_semaphore, #tpu.memory_space<semaphore_mem>>) src(%dma_wait3A_98 : memref<100000x64xf32, #tpu.memory_space<hbm>>) dst(%dma_wait3A_93 : memref<128x64xf32, #tpu.memory_space<vmem>>)
    %dma_wait3A_99 = arith.constant 256 : i32
    %dma_wait3A_100 = arith.constant 0 : i32
    %dma_wait3A_101 = tpu.memref_slice %arg8[%dma_wait3A_99, %dma_wait3A_100] : memref<1280x64xf32, #tpu.memory_space<vmem>> -> memref<128x64xf32, #tpu.memory_space<vmem>>
    %dma_wait3A_102 = arith.constant 256 : i32
    %dma_wait3A_103 = tpu.memref_slice %arg7[%dma_wait3A_102] : memref<1280xi32, #tpu.memory_space<vmem>> -> memref<128xi32, #tpu.memory_space<vmem>>
    %dma_wait3A_104 = arith.constant 0 : i32
    %dma_wait3A_105 = arith.constant 0 : i32
    %dma_wait3A_106 = tpu.memref_slice %arg4[%dma_wait3A_104, %dma_wait3A_105] : memref<100000x64xf32, #tpu.memory_space<hbm>> -> memref<100000x64xf32, #tpu.memory_space<hbm>>
    tpu.wait_indirect_dma semaphore(%arg9 : memref<!tpu.dma_semaphore, #tpu.memory_space<semaphore_mem>>) src(%dma_wait3A_106 : memref<100000x64xf32, #tpu.memory_space<hbm>>) dst(%dma_wait3A_101 : memref<128x64xf32, #tpu.memory_space<vmem>>)
    %dma_wait3A_107 = arith.constant 384 : i32
    %dma_wait3A_108 = arith.constant 0 : i32
    %dma_wait3A_109 = tpu.memref_slice %arg8[%dma_wait3A_107, %dma_wait3A_108] : memref<1280x64xf32, #tpu.memory_space<vmem>> -> memref<128x64xf32, #tpu.memory_space<vmem>>
    %dma_wait3A_110 = arith.constant 384 : i32
    %dma_wait3A_111 = tpu.memref_slice %arg7[%dma_wait3A_110] : memref<1280xi32, #tpu.memory_space<vmem>> -> memref<128xi32, #tpu.memory_space<vmem>>
    %dma_wait3A_112 = arith.constant 0 : i32
    %dma_wait3A_113 = arith.constant 0 : i32
    %dma_wait3A_114 = tpu.memref_slice %arg4[%dma_wait3A_112, %dma_wait3A_113] : memref<100000x64xf32, #tpu.memory_space<hbm>> -> memref<100000x64xf32, #tpu.memory_space<hbm>>
    tpu.wait_indirect_dma semaphore(%arg9 : memref<!tpu.dma_semaphore, #tpu.memory_space<semaphore_mem>>) src(%dma_wait3A_114 : memref<100000x64xf32, #tpu.memory_space<hbm>>) dst(%dma_wait3A_109 : memref<128x64xf32, #tpu.memory_space<vmem>>)
    %dma_wait3A_115 = arith.constant 512 : i32
    %dma_wait3A_116 = arith.constant 0 : i32
    %dma_wait3A_117 = tpu.memref_slice %arg8[%dma_wait3A_115, %dma_wait3A_116] : memref<1280x64xf32, #tpu.memory_space<vmem>> -> memref<128x64xf32, #tpu.memory_space<vmem>>
    %dma_wait3A_118 = arith.constant 512 : i32
    %dma_wait3A_119 = tpu.memref_slice %arg7[%dma_wait3A_118] : memref<1280xi32, #tpu.memory_space<vmem>> -> memref<128xi32, #tpu.memory_space<vmem>>
    %dma_wait3A_120 = arith.constant 0 : i32
    %dma_wait3A_121 = arith.constant 0 : i32
    %dma_wait3A_122 = tpu.memref_slice %arg4[%dma_wait3A_120, %dma_wait3A_121] : memref<100000x64xf32, #tpu.memory_space<hbm>> -> memref<100000x64xf32, #tpu.memory_space<hbm>>
    tpu.wait_indirect_dma semaphore(%arg9 : memref<!tpu.dma_semaphore, #tpu.memory_space<semaphore_mem>>) src(%dma_wait3A_122 : memref<100000x64xf32, #tpu.memory_space<hbm>>) dst(%dma_wait3A_117 : memref<128x64xf32, #tpu.memory_space<vmem>>)
    %dma_wait3A_123 = arith.constant 640 : i32
    %dma_wait3A_124 = arith.constant 0 : i32
    %dma_wait3A_125 = tpu.memref_slice %arg8[%dma_wait3A_123, %dma_wait3A_124] : memref<1280x64xf32, #tpu.memory_space<vmem>> -> memref<128x64xf32, #tpu.memory_space<vmem>>
    %dma_wait3A_126 = arith.constant 640 : i32
    %dma_wait3A_127 = tpu.memref_slice %arg7[%dma_wait3A_126] : memref<1280xi32, #tpu.memory_space<vmem>> -> memref<128xi32, #tpu.memory_space<vmem>>
    %dma_wait3A_128 = arith.constant 0 : i32
    %dma_wait3A_129 = arith.constant 0 : i32
    %dma_wait3A_130 = tpu.memref_slice %arg4[%dma_wait3A_128, %dma_wait3A_129] : memref<100000x64xf32, #tpu.memory_space<hbm>> -> memref<100000x64xf32, #tpu.memory_space<hbm>>
    tpu.wait_indirect_dma semaphore(%arg9 : memref<!tpu.dma_semaphore, #tpu.memory_space<semaphore_mem>>) src(%dma_wait3A_130 : memref<100000x64xf32, #tpu.memory_space<hbm>>) dst(%dma_wait3A_125 : memref<128x64xf32, #tpu.memory_space<vmem>>)
    %dma_wait3A_131 = arith.constant 768 : i32
    %dma_wait3A_132 = arith.constant 0 : i32
    %dma_wait3A_133 = tpu.memref_slice %arg8[%dma_wait3A_131, %dma_wait3A_132] : memref<1280x64xf32, #tpu.memory_space<vmem>> -> memref<128x64xf32, #tpu.memory_space<vmem>>
    %dma_wait3A_134 = arith.constant 768 : i32
    %dma_wait3A_135 = tpu.memref_slice %arg7[%dma_wait3A_134] : memref<1280xi32, #tpu.memory_space<vmem>> -> memref<128xi32, #tpu.memory_space<vmem>>
    %dma_wait3A_136 = arith.constant 0 : i32
    %dma_wait3A_137 = arith.constant 0 : i32
    %dma_wait3A_138 = tpu.memref_slice %arg4[%dma_wait3A_136, %dma_wait3A_137] : memref<100000x64xf32, #tpu.memory_space<hbm>> -> memref<100000x64xf32, #tpu.memory_space<hbm>>
    tpu.wait_indirect_dma semaphore(%arg9 : memref<!tpu.dma_semaphore, #tpu.memory_space<semaphore_mem>>) src(%dma_wait3A_138 : memref<100000x64xf32, #tpu.memory_space<hbm>>) dst(%dma_wait3A_133 : memref<128x64xf32, #tpu.memory_space<vmem>>)
    %dma_wait3A_139 = arith.constant 896 : i32
    %dma_wait3A_140 = arith.constant 0 : i32
    %dma_wait3A_141 = tpu.memref_slice %arg8[%dma_wait3A_139, %dma_wait3A_140] : memref<1280x64xf32, #tpu.memory_space<vmem>> -> memref<128x64xf32, #tpu.memory_space<vmem>>
    %dma_wait3A_142 = arith.constant 896 : i32
    %dma_wait3A_143 = tpu.memref_slice %arg7[%dma_wait3A_142] : memref<1280xi32, #tpu.memory_space<vmem>> -> memref<128xi32, #tpu.memory_space<vmem>>
    %dma_wait3A_144 = arith.constant 0 : i32
    %dma_wait3A_145 = arith.constant 0 : i32
    %dma_wait3A_146 = tpu.memref_slice %arg4[%dma_wait3A_144, %dma_wait3A_145] : memref<100000x64xf32, #tpu.memory_space<hbm>> -> memref<100000x64xf32, #tpu.memory_space<hbm>>
    tpu.wait_indirect_dma semaphore(%arg9 : memref<!tpu.dma_semaphore, #tpu.memory_space<semaphore_mem>>) src(%dma_wait3A_146 : memref<100000x64xf32, #tpu.memory_space<hbm>>) dst(%dma_wait3A_141 : memref<128x64xf32, #tpu.memory_space<vmem>>)
    %dma_wait3A_147 = arith.constant 1024 : i32
    %dma_wait3A_148 = arith.constant 0 : i32
    %dma_wait3A_149 = tpu.memref_slice %arg8[%dma_wait3A_147, %dma_wait3A_148] : memref<1280x64xf32, #tpu.memory_space<vmem>> -> memref<128x64xf32, #tpu.memory_space<vmem>>
    %dma_wait3A_150 = arith.constant 1024 : i32
    %dma_wait3A_151 = tpu.memref_slice %arg7[%dma_wait3A_150] : memref<1280xi32, #tpu.memory_space<vmem>> -> memref<128xi32, #tpu.memory_space<vmem>>
    %dma_wait3A_152 = arith.constant 0 : i32
    %dma_wait3A_153 = arith.constant 0 : i32
    %dma_wait3A_154 = tpu.memref_slice %arg4[%dma_wait3A_152, %dma_wait3A_153] : memref<100000x64xf32, #tpu.memory_space<hbm>> -> memref<100000x64xf32, #tpu.memory_space<hbm>>
    tpu.wait_indirect_dma semaphore(%arg9 : memref<!tpu.dma_semaphore, #tpu.memory_space<semaphore_mem>>) src(%dma_wait3A_154 : memref<100000x64xf32, #tpu.memory_space<hbm>>) dst(%dma_wait3A_149 : memref<128x64xf32, #tpu.memory_space<vmem>>)
    %dma_wait3A_155 = arith.constant 1152 : i32
    %dma_wait3A_156 = arith.constant 0 : i32
    %dma_wait3A_157 = tpu.memref_slice %arg8[%dma_wait3A_155, %dma_wait3A_156] : memref<1280x64xf32, #tpu.memory_space<vmem>> -> memref<128x64xf32, #tpu.memory_space<vmem>>
    %dma_wait3A_158 = arith.constant 1152 : i32
    %dma_wait3A_159 = tpu.memref_slice %arg7[%dma_wait3A_158] : memref<1280xi32, #tpu.memory_space<vmem>> -> memref<128xi32, #tpu.memory_space<vmem>>
    %dma_wait3A_160 = arith.constant 0 : i32
    %dma_wait3A_161 = arith.constant 0 : i32
    %dma_wait3A_162 = tpu.memref_slice %arg4[%dma_wait3A_160, %dma_wait3A_161] : memref<100000x64xf32, #tpu.memory_space<hbm>> -> memref<100000x64xf32, #tpu.memory_space<hbm>>
    tpu.wait_indirect_dma semaphore(%arg9 : memref<!tpu.dma_semaphore, #tpu.memory_space<semaphore_mem>>) src(%dma_wait3A_162 : memref<100000x64xf32, #tpu.memory_space<hbm>>) dst(%dma_wait3A_157 : memref<128x64xf32, #tpu.memory_space<vmem>>)
    %add3A_163 = arith.constant 0 : i32
    %add3A_164 = arith.addi %mul3A_2, %add3A_163 : i32
    "tpu.region"() ({
      %run_scoped3A = tpu.sem_alloc : memref<!tpu.dma_semaphore, #tpu.memory_space<semaphore_mem>>
      %dma_start3A_1643 = arith.constant 0 : i32
      %dma_start3A_1644 = tpu.memref_slice %arg6[%add3A_164, %dma_start3A_1643] : memref<409600x64xf32, #tpu.memory_space<hbm>> -> memref<1280x64xf32, #tpu.memory_space<hbm>>
      %dma_start3A_1645 = arith.constant 0 : i32
      %dma_start3A_1646 = tpu.memref_slice %arg6[%add3A_164, %dma_start3A_1645] : memref<409600x64xf32, #tpu.memory_space<hbm>> -> memref<1280x64xf32, #tpu.memory_space<hbm>>
      tpu.enqueue_dma source(%arg8 : memref<1280x64xf32, #tpu.memory_space<vmem>>) target(%dma_start3A_1646 : memref<1280x64xf32, #tpu.memory_space<hbm>>) target_semaphore(%run_scoped3A : memref<!tpu.dma_semaphore, #tpu.memory_space<semaphore_mem>>)
      %dma_wait3A_1647 = arith.constant 0 : i32
      %dma_wait3A_1648 = tpu.memref_slice %arg6[%add3A_164, %dma_wait3A_1647] : memref<409600x64xf32, #tpu.memory_space<hbm>> -> memref<1280x64xf32, #tpu.memory_space<hbm>>
      %dma_wait3A_1649 = arith.constant 0 : i32
      %dma_wait3A_1650 = tpu.memref_slice %arg6[%add3A_164, %dma_wait3A_1649] : memref<409600x64xf32, #tpu.memory_space<hbm>> -> memref<1280x64xf32, #tpu.memory_space<hbm>>
      tpu.wait_dma2 semaphore(%run_scoped3A : memref<!tpu.dma_semaphore, #tpu.memory_space<semaphore_mem>>) src(%arg8 : memref<1280x64xf32, #tpu.memory_space<vmem>>) dst(%dma_wait3A_1650 : memref<1280x64xf32, #tpu.memory_space<hbm>>)
      tpu.yield
    }) : () -> ()
    %add3A_165 = arith.constant 1280 : i32
    %add3A_166 = arith.addi %mul3A_2, %add3A_165 : i32
    "tpu.region"() ({
      %run_scoped3A = tpu.sem_alloc : memref<!tpu.dma_semaphore, #tpu.memory_space<semaphore_mem>>
      %dma_start3A_1643 = tpu.memref_slice %arg2[%add3A_166] : memref<204800xi32, #tpu.memory_space<hbm>> -> memref<1280xi32, #tpu.memory_space<hbm>>
      %dma_start3A_1644 = tpu.memref_slice %arg2[%add3A_166] : memref<204800xi32, #tpu.memory_space<hbm>> -> memref<1280xi32, #tpu.memory_space<hbm>>
      tpu.enqueue_dma source(%dma_start3A_1644 : memref<1280xi32, #tpu.memory_space<hbm>>) target(%arg7 : memref<1280xi32, #tpu.memory_space<vmem>>) target_semaphore(%run_scoped3A : memref<!tpu.dma_semaphore, #tpu.memory_space<semaphore_mem>>)
      %dma_wait3A_1645 = tpu.memref_slice %arg2[%add3A_166] : memref<204800xi32, #tpu.memory_space<hbm>> -> memref<1280xi32, #tpu.memory_space<hbm>>
      %dma_wait3A_1646 = tpu.memref_slice %arg2[%add3A_166] : memref<204800xi32, #tpu.memory_space<hbm>> -> memref<1280xi32, #tpu.memory_space<hbm>>
      tpu.wait_dma2 semaphore(%run_scoped3A : memref<!tpu.dma_semaphore, #tpu.memory_space<semaphore_mem>>) src(%dma_wait3A_1646 : memref<1280xi32, #tpu.memory_space<hbm>>) dst(%arg7 : memref<1280xi32, #tpu.memory_space<vmem>>)
      tpu.yield
    }) : () -> ()
    %dma_start3A_167 = arith.constant 0 : i32
    %dma_start3A_168 = arith.constant 0 : i32
    %dma_start3A_169 = tpu.memref_slice %arg8[%dma_start3A_167, %dma_start3A_168] : memref<1280x64xf32, #tpu.memory_space<vmem>> -> memref<128x64xf32, #tpu.memory_space<vmem>>
    %dma_start3A_170 = arith.constant 0 : i32
    %dma_start3A_171 = tpu.memref_slice %arg7[%dma_start3A_170] : memref<1280xi32, #tpu.memory_space<vmem>> -> memref<128xi32, #tpu.memory_space<vmem>>
    %dma_start3A_172 = arith.constant 0 : i32
    %dma_start3A_173 = arith.constant 0 : i32
    %dma_start3A_174 = tpu.memref_slice %arg4[%dma_start3A_172, %dma_start3A_173] : memref<100000x64xf32, #tpu.memory_space<hbm>> -> memref<100000x64xf32, #tpu.memory_space<hbm>>
    tpu.enqueue_indirect_dma source(%dma_start3A_174 : memref<100000x64xf32, #tpu.memory_space<hbm>>) target(%dma_start3A_169 : memref<128x64xf32, #tpu.memory_space<vmem>>) offsets(%dma_start3A_171 : memref<128xi32, #tpu.memory_space<vmem>>) semaphore(%arg9 : memref<!tpu.dma_semaphore, #tpu.memory_space<semaphore_mem>>)
    %dma_start3A_175 = arith.constant 128 : i32
    %dma_start3A_176 = arith.constant 0 : i32
    %dma_start3A_177 = tpu.memref_slice %arg8[%dma_start3A_175, %dma_start3A_176] : memref<1280x64xf32, #tpu.memory_space<vmem>> -> memref<128x64xf32, #tpu.memory_space<vmem>>
    %dma_start3A_178 = arith.constant 128 : i32
    %dma_start3A_179 = tpu.memref_slice %arg7[%dma_start3A_178] : memref<1280xi32, #tpu.memory_space<vmem>> -> memref<128xi32, #tpu.memory_space<vmem>>
    %dma_start3A_180 = arith.constant 0 : i32
    %dma_start3A_181 = arith.constant 0 : i32
    %dma_start3A_182 = tpu.memref_slice %arg4[%dma_start3A_180, %dma_start3A_181] : memref<100000x64xf32, #tpu.memory_space<hbm>> -> memref<100000x64xf32, #tpu.memory_space<hbm>>
    tpu.enqueue_indirect_dma source(%dma_start3A_182 : memref<100000x64xf32, #tpu.memory_space<hbm>>) target(%dma_start3A_177 : memref<128x64xf32, #tpu.memory_space<vmem>>) offsets(%dma_start3A_179 : memref<128xi32, #tpu.memory_space<vmem>>) semaphore(%arg9 : memref<!tpu.dma_semaphore, #tpu.memory_space<semaphore_mem>>)
    %dma_start3A_183 = arith.constant 256 : i32
    %dma_start3A_184 = arith.constant 0 : i32
    %dma_start3A_185 = tpu.memref_slice %arg8[%dma_start3A_183, %dma_start3A_184] : memref<1280x64xf32, #tpu.memory_space<vmem>> -> memref<128x64xf32, #tpu.memory_space<vmem>>
    %dma_start3A_186 = arith.constant 256 : i32
    %dma_start3A_187 = tpu.memref_slice %arg7[%dma_start3A_186] : memref<1280xi32, #tpu.memory_space<vmem>> -> memref<128xi32, #tpu.memory_space<vmem>>
    %dma_start3A_188 = arith.constant 0 : i32
    %dma_start3A_189 = arith.constant 0 : i32
    %dma_start3A_190 = tpu.memref_slice %arg4[%dma_start3A_188, %dma_start3A_189] : memref<100000x64xf32, #tpu.memory_space<hbm>> -> memref<100000x64xf32, #tpu.memory_space<hbm>>
    tpu.enqueue_indirect_dma source(%dma_start3A_190 : memref<100000x64xf32, #tpu.memory_space<hbm>>) target(%dma_start3A_185 : memref<128x64xf32, #tpu.memory_space<vmem>>) offsets(%dma_start3A_187 : memref<128xi32, #tpu.memory_space<vmem>>) semaphore(%arg9 : memref<!tpu.dma_semaphore, #tpu.memory_space<semaphore_mem>>)
    %dma_start3A_191 = arith.constant 384 : i32
    %dma_start3A_192 = arith.constant 0 : i32
    %dma_start3A_193 = tpu.memref_slice %arg8[%dma_start3A_191, %dma_start3A_192] : memref<1280x64xf32, #tpu.memory_space<vmem>> -> memref<128x64xf32, #tpu.memory_space<vmem>>
    %dma_start3A_194 = arith.constant 384 : i32
    %dma_start3A_195 = tpu.memref_slice %arg7[%dma_start3A_194] : memref<1280xi32, #tpu.memory_space<vmem>> -> memref<128xi32, #tpu.memory_space<vmem>>
    %dma_start3A_196 = arith.constant 0 : i32
    %dma_start3A_197 = arith.constant 0 : i32
    %dma_start3A_198 = tpu.memref_slice %arg4[%dma_start3A_196, %dma_start3A_197] : memref<100000x64xf32, #tpu.memory_space<hbm>> -> memref<100000x64xf32, #tpu.memory_space<hbm>>
    tpu.enqueue_indirect_dma source(%dma_start3A_198 : memref<100000x64xf32, #tpu.memory_space<hbm>>) target(%dma_start3A_193 : memref<128x64xf32, #tpu.memory_space<vmem>>) offsets(%dma_start3A_195 : memref<128xi32, #tpu.memory_space<vmem>>) semaphore(%arg9 : memref<!tpu.dma_semaphore, #tpu.memory_space<semaphore_mem>>)
    %dma_start3A_199 = arith.constant 512 : i32
    %dma_start3A_200 = arith.constant 0 : i32
    %dma_start3A_201 = tpu.memref_slice %arg8[%dma_start3A_199, %dma_start3A_200] : memref<1280x64xf32, #tpu.memory_space<vmem>> -> memref<128x64xf32, #tpu.memory_space<vmem>>
    %dma_start3A_202 = arith.constant 512 : i32
    %dma_start3A_203 = tpu.memref_slice %arg7[%dma_start3A_202] : memref<1280xi32, #tpu.memory_space<vmem>> -> memref<128xi32, #tpu.memory_space<vmem>>
    %dma_start3A_204 = arith.constant 0 : i32
    %dma_start3A_205 = arith.constant 0 : i32
    %dma_start3A_206 = tpu.memref_slice %arg4[%dma_start3A_204, %dma_start3A_205] : memref<100000x64xf32, #tpu.memory_space<hbm>> -> memref<100000x64xf32, #tpu.memory_space<hbm>>
    tpu.enqueue_indirect_dma source(%dma_start3A_206 : memref<100000x64xf32, #tpu.memory_space<hbm>>) target(%dma_start3A_201 : memref<128x64xf32, #tpu.memory_space<vmem>>) offsets(%dma_start3A_203 : memref<128xi32, #tpu.memory_space<vmem>>) semaphore(%arg9 : memref<!tpu.dma_semaphore, #tpu.memory_space<semaphore_mem>>)
    %dma_start3A_207 = arith.constant 640 : i32
    %dma_start3A_208 = arith.constant 0 : i32
    %dma_start3A_209 = tpu.memref_slice %arg8[%dma_start3A_207, %dma_start3A_208] : memref<1280x64xf32, #tpu.memory_space<vmem>> -> memref<128x64xf32, #tpu.memory_space<vmem>>
    %dma_start3A_210 = arith.constant 640 : i32
    %dma_start3A_211 = tpu.memref_slice %arg7[%dma_start3A_210] : memref<1280xi32, #tpu.memory_space<vmem>> -> memref<128xi32, #tpu.memory_space<vmem>>
    %dma_start3A_212 = arith.constant 0 : i32
    %dma_start3A_213 = arith.constant 0 : i32
    %dma_start3A_214 = tpu.memref_slice %arg4[%dma_start3A_212, %dma_start3A_213] : memref<100000x64xf32, #tpu.memory_space<hbm>> -> memref<100000x64xf32, #tpu.memory_space<hbm>>
    tpu.enqueue_indirect_dma source(%dma_start3A_214 : memref<100000x64xf32, #tpu.memory_space<hbm>>) target(%dma_start3A_209 : memref<128x64xf32, #tpu.memory_space<vmem>>) offsets(%dma_start3A_211 : memref<128xi32, #tpu.memory_space<vmem>>) semaphore(%arg9 : memref<!tpu.dma_semaphore, #tpu.memory_space<semaphore_mem>>)
    %dma_start3A_215 = arith.constant 768 : i32
    %dma_start3A_216 = arith.constant 0 : i32
    %dma_start3A_217 = tpu.memref_slice %arg8[%dma_start3A_215, %dma_start3A_216] : memref<1280x64xf32, #tpu.memory_space<vmem>> -> memref<128x64xf32, #tpu.memory_space<vmem>>
    %dma_start3A_218 = arith.constant 768 : i32
    %dma_start3A_219 = tpu.memref_slice %arg7[%dma_start3A_218] : memref<1280xi32, #tpu.memory_space<vmem>> -> memref<128xi32, #tpu.memory_space<vmem>>
    %dma_start3A_220 = arith.constant 0 : i32
    %dma_start3A_221 = arith.constant 0 : i32
    %dma_start3A_222 = tpu.memref_slice %arg4[%dma_start3A_220, %dma_start3A_221] : memref<100000x64xf32, #tpu.memory_space<hbm>> -> memref<100000x64xf32, #tpu.memory_space<hbm>>
    tpu.enqueue_indirect_dma source(%dma_start3A_222 : memref<100000x64xf32, #tpu.memory_space<hbm>>) target(%dma_start3A_217 : memref<128x64xf32, #tpu.memory_space<vmem>>) offsets(%dma_start3A_219 : memref<128xi32, #tpu.memory_space<vmem>>) semaphore(%arg9 : memref<!tpu.dma_semaphore, #tpu.memory_space<semaphore_mem>>)
    %dma_start3A_223 = arith.constant 896 : i32
    %dma_start3A_224 = arith.constant 0 : i32
    %dma_start3A_225 = tpu.memref_slice %arg8[%dma_start3A_223, %dma_start3A_224] : memref<1280x64xf32, #tpu.memory_space<vmem>> -> memref<128x64xf32, #tpu.memory_space<vmem>>
    %dma_start3A_226 = arith.constant 896 : i32
    %dma_start3A_227 = tpu.memref_slice %arg7[%dma_start3A_226] : memref<1280xi32, #tpu.memory_space<vmem>> -> memref<128xi32, #tpu.memory_space<vmem>>
    %dma_start3A_228 = arith.constant 0 : i32
    %dma_start3A_229 = arith.constant 0 : i32
    %dma_start3A_230 = tpu.memref_slice %arg4[%dma_start3A_228, %dma_start3A_229] : memref<100000x64xf32, #tpu.memory_space<hbm>> -> memref<100000x64xf32, #tpu.memory_space<hbm>>
    tpu.enqueue_indirect_dma source(%dma_start3A_230 : memref<100000x64xf32, #tpu.memory_space<hbm>>) target(%dma_start3A_225 : memref<128x64xf32, #tpu.memory_space<vmem>>) offsets(%dma_start3A_227 : memref<128xi32, #tpu.memory_space<vmem>>) semaphore(%arg9 : memref<!tpu.dma_semaphore, #tpu.memory_space<semaphore_mem>>)
    %dma_start3A_231 = arith.constant 1024 : i32
    %dma_start3A_232 = arith.constant 0 : i32
    %dma_start3A_233 = tpu.memref_slice %arg8[%dma_start3A_231, %dma_start3A_232] : memref<1280x64xf32, #tpu.memory_space<vmem>> -> memref<128x64xf32, #tpu.memory_space<vmem>>
    %dma_start3A_234 = arith.constant 1024 : i32
    %dma_start3A_235 = tpu.memref_slice %arg7[%dma_start3A_234] : memref<1280xi32, #tpu.memory_space<vmem>> -> memref<128xi32, #tpu.memory_space<vmem>>
    %dma_start3A_236 = arith.constant 0 : i32
    %dma_start3A_237 = arith.constant 0 : i32
    %dma_start3A_238 = tpu.memref_slice %arg4[%dma_start3A_236, %dma_start3A_237] : memref<100000x64xf32, #tpu.memory_space<hbm>> -> memref<100000x64xf32, #tpu.memory_space<hbm>>
    tpu.enqueue_indirect_dma source(%dma_start3A_238 : memref<100000x64xf32, #tpu.memory_space<hbm>>) target(%dma_start3A_233 : memref<128x64xf32, #tpu.memory_space<vmem>>) offsets(%dma_start3A_235 : memref<128xi32, #tpu.memory_space<vmem>>) semaphore(%arg9 : memref<!tpu.dma_semaphore, #tpu.memory_space<semaphore_mem>>)
    %dma_start3A_239 = arith.constant 1152 : i32
    %dma_start3A_240 = arith.constant 0 : i32
    %dma_start3A_241 = tpu.memref_slice %arg8[%dma_start3A_239, %dma_start3A_240] : memref<1280x64xf32, #tpu.memory_space<vmem>> -> memref<128x64xf32, #tpu.memory_space<vmem>>
    %dma_start3A_242 = arith.constant 1152 : i32
    %dma_start3A_243 = tpu.memref_slice %arg7[%dma_start3A_242] : memref<1280xi32, #tpu.memory_space<vmem>> -> memref<128xi32, #tpu.memory_space<vmem>>
    %dma_start3A_244 = arith.constant 0 : i32
    %dma_start3A_245 = arith.constant 0 : i32
    %dma_start3A_246 = tpu.memref_slice %arg4[%dma_start3A_244, %dma_start3A_245] : memref<100000x64xf32, #tpu.memory_space<hbm>> -> memref<100000x64xf32, #tpu.memory_space<hbm>>
    tpu.enqueue_indirect_dma source(%dma_start3A_246 : memref<100000x64xf32, #tpu.memory_space<hbm>>) target(%dma_start3A_241 : memref<128x64xf32, #tpu.memory_space<vmem>>) offsets(%dma_start3A_243 : memref<128xi32, #tpu.memory_space<vmem>>) semaphore(%arg9 : memref<!tpu.dma_semaphore, #tpu.memory_space<semaphore_mem>>)
    %dma_wait3A_247 = arith.constant 0 : i32
    %dma_wait3A_248 = arith.constant 0 : i32
    %dma_wait3A_249 = tpu.memref_slice %arg8[%dma_wait3A_247, %dma_wait3A_248] : memref<1280x64xf32, #tpu.memory_space<vmem>> -> memref<128x64xf32, #tpu.memory_space<vmem>>
    %dma_wait3A_250 = arith.constant 0 : i32
    %dma_wait3A_251 = tpu.memref_slice %arg7[%dma_wait3A_250] : memref<1280xi32, #tpu.memory_space<vmem>> -> memref<128xi32, #tpu.memory_space<vmem>>
    %dma_wait3A_252 = arith.constant 0 : i32
    %dma_wait3A_253 = arith.constant 0 : i32
    %dma_wait3A_254 = tpu.memref_slice %arg4[%dma_wait3A_252, %dma_wait3A_253] : memref<100000x64xf32, #tpu.memory_space<hbm>> -> memref<100000x64xf32, #tpu.memory_space<hbm>>
    tpu.wait_indirect_dma semaphore(%arg9 : memref<!tpu.dma_semaphore, #tpu.memory_space<semaphore_mem>>) src(%dma_wait3A_254 : memref<100000x64xf32, #tpu.memory_space<hbm>>) dst(%dma_wait3A_249 : memref<128x64xf32, #tpu.memory_space<vmem>>)
    %dma_wait3A_255 = arith.constant 128 : i32
    %dma_wait3A_256 = arith.constant 0 : i32
    %dma_wait3A_257 = tpu.memref_slice %arg8[%dma_wait3A_255, %dma_wait3A_256] : memref<1280x64xf32, #tpu.memory_space<vmem>> -> memref<128x64xf32, #tpu.memory_space<vmem>>
    %dma_wait3A_258 = arith.constant 128 : i32
    %dma_wait3A_259 = tpu.memref_slice %arg7[%dma_wait3A_258] : memref<1280xi32, #tpu.memory_space<vmem>> -> memref<128xi32, #tpu.memory_space<vmem>>
    %dma_wait3A_260 = arith.constant 0 : i32
    %dma_wait3A_261 = arith.constant 0 : i32
    %dma_wait3A_262 = tpu.memref_slice %arg4[%dma_wait3A_260, %dma_wait3A_261] : memref<100000x64xf32, #tpu.memory_space<hbm>> -> memref<100000x64xf32, #tpu.memory_space<hbm>>
    tpu.wait_indirect_dma semaphore(%arg9 : memref<!tpu.dma_semaphore, #tpu.memory_space<semaphore_mem>>) src(%dma_wait3A_262 : memref<100000x64xf32, #tpu.memory_space<hbm>>) dst(%dma_wait3A_257 : memref<128x64xf32, #tpu.memory_space<vmem>>)
    %dma_wait3A_263 = arith.constant 256 : i32
    %dma_wait3A_264 = arith.constant 0 : i32
    %dma_wait3A_265 = tpu.memref_slice %arg8[%dma_wait3A_263, %dma_wait3A_264] : memref<1280x64xf32, #tpu.memory_space<vmem>> -> memref<128x64xf32, #tpu.memory_space<vmem>>
    %dma_wait3A_266 = arith.constant 256 : i32
    %dma_wait3A_267 = tpu.memref_slice %arg7[%dma_wait3A_266] : memref<1280xi32, #tpu.memory_space<vmem>> -> memref<128xi32, #tpu.memory_space<vmem>>
    %dma_wait3A_268 = arith.constant 0 : i32
    %dma_wait3A_269 = arith.constant 0 : i32
    %dma_wait3A_270 = tpu.memref_slice %arg4[%dma_wait3A_268, %dma_wait3A_269] : memref<100000x64xf32, #tpu.memory_space<hbm>> -> memref<100000x64xf32, #tpu.memory_space<hbm>>
    tpu.wait_indirect_dma semaphore(%arg9 : memref<!tpu.dma_semaphore, #tpu.memory_space<semaphore_mem>>) src(%dma_wait3A_270 : memref<100000x64xf32, #tpu.memory_space<hbm>>) dst(%dma_wait3A_265 : memref<128x64xf32, #tpu.memory_space<vmem>>)
    %dma_wait3A_271 = arith.constant 384 : i32
    %dma_wait3A_272 = arith.constant 0 : i32
    %dma_wait3A_273 = tpu.memref_slice %arg8[%dma_wait3A_271, %dma_wait3A_272] : memref<1280x64xf32, #tpu.memory_space<vmem>> -> memref<128x64xf32, #tpu.memory_space<vmem>>
    %dma_wait3A_274 = arith.constant 384 : i32
    %dma_wait3A_275 = tpu.memref_slice %arg7[%dma_wait3A_274] : memref<1280xi32, #tpu.memory_space<vmem>> -> memref<128xi32, #tpu.memory_space<vmem>>
    %dma_wait3A_276 = arith.constant 0 : i32
    %dma_wait3A_277 = arith.constant 0 : i32
    %dma_wait3A_278 = tpu.memref_slice %arg4[%dma_wait3A_276, %dma_wait3A_277] : memref<100000x64xf32, #tpu.memory_space<hbm>> -> memref<100000x64xf32, #tpu.memory_space<hbm>>
    tpu.wait_indirect_dma semaphore(%arg9 : memref<!tpu.dma_semaphore, #tpu.memory_space<semaphore_mem>>) src(%dma_wait3A_278 : memref<100000x64xf32, #tpu.memory_space<hbm>>) dst(%dma_wait3A_273 : memref<128x64xf32, #tpu.memory_space<vmem>>)
    %dma_wait3A_279 = arith.constant 512 : i32
    %dma_wait3A_280 = arith.constant 0 : i32
    %dma_wait3A_281 = tpu.memref_slice %arg8[%dma_wait3A_279, %dma_wait3A_280] : memref<1280x64xf32, #tpu.memory_space<vmem>> -> memref<128x64xf32, #tpu.memory_space<vmem>>
    %dma_wait3A_282 = arith.constant 512 : i32
    %dma_wait3A_283 = tpu.memref_slice %arg7[%dma_wait3A_282] : memref<1280xi32, #tpu.memory_space<vmem>> -> memref<128xi32, #tpu.memory_space<vmem>>
    %dma_wait3A_284 = arith.constant 0 : i32
    %dma_wait3A_285 = arith.constant 0 : i32
    %dma_wait3A_286 = tpu.memref_slice %arg4[%dma_wait3A_284, %dma_wait3A_285] : memref<100000x64xf32, #tpu.memory_space<hbm>> -> memref<100000x64xf32, #tpu.memory_space<hbm>>
    tpu.wait_indirect_dma semaphore(%arg9 : memref<!tpu.dma_semaphore, #tpu.memory_space<semaphore_mem>>) src(%dma_wait3A_286 : memref<100000x64xf32, #tpu.memory_space<hbm>>) dst(%dma_wait3A_281 : memref<128x64xf32, #tpu.memory_space<vmem>>)
    %dma_wait3A_287 = arith.constant 640 : i32
    %dma_wait3A_288 = arith.constant 0 : i32
    %dma_wait3A_289 = tpu.memref_slice %arg8[%dma_wait3A_287, %dma_wait3A_288] : memref<1280x64xf32, #tpu.memory_space<vmem>> -> memref<128x64xf32, #tpu.memory_space<vmem>>
    %dma_wait3A_290 = arith.constant 640 : i32
    %dma_wait3A_291 = tpu.memref_slice %arg7[%dma_wait3A_290] : memref<1280xi32, #tpu.memory_space<vmem>> -> memref<128xi32, #tpu.memory_space<vmem>>
    %dma_wait3A_292 = arith.constant 0 : i32
    %dma_wait3A_293 = arith.constant 0 : i32
    %dma_wait3A_294 = tpu.memref_slice %arg4[%dma_wait3A_292, %dma_wait3A_293] : memref<100000x64xf32, #tpu.memory_space<hbm>> -> memref<100000x64xf32, #tpu.memory_space<hbm>>
    tpu.wait_indirect_dma semaphore(%arg9 : memref<!tpu.dma_semaphore, #tpu.memory_space<semaphore_mem>>) src(%dma_wait3A_294 : memref<100000x64xf32, #tpu.memory_space<hbm>>) dst(%dma_wait3A_289 : memref<128x64xf32, #tpu.memory_space<vmem>>)
    %dma_wait3A_295 = arith.constant 768 : i32
    %dma_wait3A_296 = arith.constant 0 : i32
    %dma_wait3A_297 = tpu.memref_slice %arg8[%dma_wait3A_295, %dma_wait3A_296] : memref<1280x64xf32, #tpu.memory_space<vmem>> -> memref<128x64xf32, #tpu.memory_space<vmem>>
    %dma_wait3A_298 = arith.constant 768 : i32
    %dma_wait3A_299 = tpu.memref_slice %arg7[%dma_wait3A_298] : memref<1280xi32, #tpu.memory_space<vmem>> -> memref<128xi32, #tpu.memory_space<vmem>>
    %dma_wait3A_300 = arith.constant 0 : i32
    %dma_wait3A_301 = arith.constant 0 : i32
    %dma_wait3A_302 = tpu.memref_slice %arg4[%dma_wait3A_300, %dma_wait3A_301] : memref<100000x64xf32, #tpu.memory_space<hbm>> -> memref<100000x64xf32, #tpu.memory_space<hbm>>
    tpu.wait_indirect_dma semaphore(%arg9 : memref<!tpu.dma_semaphore, #tpu.memory_space<semaphore_mem>>) src(%dma_wait3A_302 : memref<100000x64xf32, #tpu.memory_space<hbm>>) dst(%dma_wait3A_297 : memref<128x64xf32, #tpu.memory_space<vmem>>)
    %dma_wait3A_303 = arith.constant 896 : i32
    %dma_wait3A_304 = arith.constant 0 : i32
    %dma_wait3A_305 = tpu.memref_slice %arg8[%dma_wait3A_303, %dma_wait3A_304] : memref<1280x64xf32, #tpu.memory_space<vmem>> -> memref<128x64xf32, #tpu.memory_space<vmem>>
    %dma_wait3A_306 = arith.constant 896 : i32
    %dma_wait3A_307 = tpu.memref_slice %arg7[%dma_wait3A_306] : memref<1280xi32, #tpu.memory_space<vmem>> -> memref<128xi32, #tpu.memory_space<vmem>>
    %dma_wait3A_308 = arith.constant 0 : i32
    %dma_wait3A_309 = arith.constant 0 : i32
    %dma_wait3A_310 = tpu.memref_slice %arg4[%dma_wait3A_308, %dma_wait3A_309] : memref<100000x64xf32, #tpu.memory_space<hbm>> -> memref<100000x64xf32, #tpu.memory_space<hbm>>
    tpu.wait_indirect_dma semaphore(%arg9 : memref<!tpu.dma_semaphore, #tpu.memory_space<semaphore_mem>>) src(%dma_wait3A_310 : memref<100000x64xf32, #tpu.memory_space<hbm>>) dst(%dma_wait3A_305 : memref<128x64xf32, #tpu.memory_space<vmem>>)
    %dma_wait3A_311 = arith.constant 1024 : i32
    %dma_wait3A_312 = arith.constant 0 : i32
    %dma_wait3A_313 = tpu.memref_slice %arg8[%dma_wait3A_311, %dma_wait3A_312] : memref<1280x64xf32, #tpu.memory_space<vmem>> -> memref<128x64xf32, #tpu.memory_space<vmem>>
    %dma_wait3A_314 = arith.constant 1024 : i32
    %dma_wait3A_315 = tpu.memref_slice %arg7[%dma_wait3A_314] : memref<1280xi32, #tpu.memory_space<vmem>> -> memref<128xi32, #tpu.memory_space<vmem>>
    %dma_wait3A_316 = arith.constant 0 : i32
    %dma_wait3A_317 = arith.constant 0 : i32
    %dma_wait3A_318 = tpu.memref_slice %arg4[%dma_wait3A_316, %dma_wait3A_317] : memref<100000x64xf32, #tpu.memory_space<hbm>> -> memref<100000x64xf32, #tpu.memory_space<hbm>>
    tpu.wait_indirect_dma semaphore(%arg9 : memref<!tpu.dma_semaphore, #tpu.memory_space<semaphore_mem>>) src(%dma_wait3A_318 : memref<100000x64xf32, #tpu.memory_space<hbm>>) dst(%dma_wait3A_313 : memref<128x64xf32, #tpu.memory_space<vmem>>)
    %dma_wait3A_319 = arith.constant 1152 : i32
    %dma_wait3A_320 = arith.constant 0 : i32
    %dma_wait3A_321 = tpu.memref_slice %arg8[%dma_wait3A_319, %dma_wait3A_320] : memref<1280x64xf32, #tpu.memory_space<vmem>> -> memref<128x64xf32, #tpu.memory_space<vmem>>
    %dma_wait3A_322 = arith.constant 1152 : i32
    %dma_wait3A_323 = tpu.memref_slice %arg7[%dma_wait3A_322] : memref<1280xi32, #tpu.memory_space<vmem>> -> memref<128xi32, #tpu.memory_space<vmem>>
    %dma_wait3A_324 = arith.constant 0 : i32
    %dma_wait3A_325 = arith.constant 0 : i32
    %dma_wait3A_326 = tpu.memref_slice %arg4[%dma_wait3A_324, %dma_wait3A_325] : memref<100000x64xf32, #tpu.memory_space<hbm>> -> memref<100000x64xf32, #tpu.memory_space<hbm>>
    tpu.wait_indirect_dma semaphore(%arg9 : memref<!tpu.dma_semaphore, #tpu.memory_space<semaphore_mem>>) src(%dma_wait3A_326 : memref<100000x64xf32, #tpu.memory_space<hbm>>) dst(%dma_wait3A_321 : memref<128x64xf32, #tpu.memory_space<vmem>>)
    %add3A_327 = arith.constant 1280 : i32
    %add3A_328 = arith.addi %mul3A_2, %add3A_327 : i32
    "tpu.region"() ({
      %run_scoped3A = tpu.sem_alloc : memref<!tpu.dma_semaphore, #tpu.memory_space<semaphore_mem>>
      %dma_start3A_1643 = arith.constant 0 : i32
      %dma_start3A_1644 = tpu.memref_slice %arg6[%add3A_328, %dma_start3A_1643] : memref<409600x64xf32, #tpu.memory_space<hbm>> -> memref<1280x64xf32, #tpu.memory_space<hbm>>
      %dma_start3A_1645 = arith.constant 0 : i32
      %dma_start3A_1646 = tpu.memref_slice %arg6[%add3A_328, %dma_start3A_1645] : memref<409600x64xf32, #tpu.memory_space<hbm>> -> memref<1280x64xf32, #tpu.memory_space<hbm>>
      tpu.enqueue_dma source(%arg8 : memref<1280x64xf32, #tpu.memory_space<vmem>>) target(%dma_start3A_1646 : memref<1280x64xf32, #tpu.memory_space<hbm>>) target_semaphore(%run_scoped3A : memref<!tpu.dma_semaphore, #tpu.memory_space<semaphore_mem>>)
      %dma_wait3A_1647 = arith.constant 0 : i32
      %dma_wait3A_1648 = tpu.memref_slice %arg6[%add3A_328, %dma_wait3A_1647] : memref<409600x64xf32, #tpu.memory_space<hbm>> -> memref<1280x64xf32, #tpu.memory_space<hbm>>
      %dma_wait3A_1649 = arith.constant 0 : i32
      %dma_wait3A_1650 = tpu.memref_slice %arg6[%add3A_328, %dma_wait3A_1649] : memref<409600x64xf32, #tpu.memory_space<hbm>> -> memref<1280x64xf32, #tpu.memory_space<hbm>>
      tpu.wait_dma2 semaphore(%run_scoped3A : memref<!tpu.dma_semaphore, #tpu.memory_space<semaphore_mem>>) src(%arg8 : memref<1280x64xf32, #tpu.memory_space<vmem>>) dst(%dma_wait3A_1650 : memref<1280x64xf32, #tpu.memory_space<hbm>>)
      tpu.yield
    }) : () -> ()
    %add3A_329 = arith.constant 2560 : i32
    %add3A_330 = arith.addi %mul3A_2, %add3A_329 : i32
    "tpu.region"() ({
      %run_scoped3A = tpu.sem_alloc : memref<!tpu.dma_semaphore, #tpu.memory_space<semaphore_mem>>
      %dma_start3A_1643 = tpu.memref_slice %arg2[%add3A_330] : memref<204800xi32, #tpu.memory_space<hbm>> -> memref<1280xi32, #tpu.memory_space<hbm>>
      %dma_start3A_1644 = tpu.memref_slice %arg2[%add3A_330] : memref<204800xi32, #tpu.memory_space<hbm>> -> memref<1280xi32, #tpu.memory_space<hbm>>
      tpu.enqueue_dma source(%dma_start3A_1644 : memref<1280xi32, #tpu.memory_space<hbm>>) target(%arg7 : memref<1280xi32, #tpu.memory_space<vmem>>) target_semaphore(%run_scoped3A : memref<!tpu.dma_semaphore, #tpu.memory_space<semaphore_mem>>)
      %dma_wait3A_1645 = tpu.memref_slice %arg2[%add3A_330] : memref<204800xi32, #tpu.memory_space<hbm>> -> memref<1280xi32, #tpu.memory_space<hbm>>
      %dma_wait3A_1646 = tpu.memref_slice %arg2[%add3A_330] : memref<204800xi32, #tpu.memory_space<hbm>> -> memref<1280xi32, #tpu.memory_space<hbm>>
      tpu.wait_dma2 semaphore(%run_scoped3A : memref<!tpu.dma_semaphore, #tpu.memory_space<semaphore_mem>>) src(%dma_wait3A_1646 : memref<1280xi32, #tpu.memory_space<hbm>>) dst(%arg7 : memref<1280xi32, #tpu.memory_space<vmem>>)
      tpu.yield
    }) : () -> ()
    %dma_start3A_331 = arith.constant 0 : i32
    %dma_start3A_332 = arith.constant 0 : i32
    %dma_start3A_333 = tpu.memref_slice %arg8[%dma_start3A_331, %dma_start3A_332] : memref<1280x64xf32, #tpu.memory_space<vmem>> -> memref<128x64xf32, #tpu.memory_space<vmem>>
    %dma_start3A_334 = arith.constant 0 : i32
    %dma_start3A_335 = tpu.memref_slice %arg7[%dma_start3A_334] : memref<1280xi32, #tpu.memory_space<vmem>> -> memref<128xi32, #tpu.memory_space<vmem>>
    %dma_start3A_336 = arith.constant 0 : i32
    %dma_start3A_337 = arith.constant 0 : i32
    %dma_start3A_338 = tpu.memref_slice %arg4[%dma_start3A_336, %dma_start3A_337] : memref<100000x64xf32, #tpu.memory_space<hbm>> -> memref<100000x64xf32, #tpu.memory_space<hbm>>
    tpu.enqueue_indirect_dma source(%dma_start3A_338 : memref<100000x64xf32, #tpu.memory_space<hbm>>) target(%dma_start3A_333 : memref<128x64xf32, #tpu.memory_space<vmem>>) offsets(%dma_start3A_335 : memref<128xi32, #tpu.memory_space<vmem>>) semaphore(%arg9 : memref<!tpu.dma_semaphore, #tpu.memory_space<semaphore_mem>>)
    %dma_start3A_339 = arith.constant 128 : i32
    %dma_start3A_340 = arith.constant 0 : i32
    %dma_start3A_341 = tpu.memref_slice %arg8[%dma_start3A_339, %dma_start3A_340] : memref<1280x64xf32, #tpu.memory_space<vmem>> -> memref<128x64xf32, #tpu.memory_space<vmem>>
    %dma_start3A_342 = arith.constant 128 : i32
    %dma_start3A_343 = tpu.memref_slice %arg7[%dma_start3A_342] : memref<1280xi32, #tpu.memory_space<vmem>> -> memref<128xi32, #tpu.memory_space<vmem>>
    %dma_start3A_344 = arith.constant 0 : i32
    %dma_start3A_345 = arith.constant 0 : i32
    %dma_start3A_346 = tpu.memref_slice %arg4[%dma_start3A_344, %dma_start3A_345] : memref<100000x64xf32, #tpu.memory_space<hbm>> -> memref<100000x64xf32, #tpu.memory_space<hbm>>
    tpu.enqueue_indirect_dma source(%dma_start3A_346 : memref<100000x64xf32, #tpu.memory_space<hbm>>) target(%dma_start3A_341 : memref<128x64xf32, #tpu.memory_space<vmem>>) offsets(%dma_start3A_343 : memref<128xi32, #tpu.memory_space<vmem>>) semaphore(%arg9 : memref<!tpu.dma_semaphore, #tpu.memory_space<semaphore_mem>>)
    %dma_start3A_347 = arith.constant 256 : i32
    %dma_start3A_348 = arith.constant 0 : i32
    %dma_start3A_349 = tpu.memref_slice %arg8[%dma_start3A_347, %dma_start3A_348] : memref<1280x64xf32, #tpu.memory_space<vmem>> -> memref<128x64xf32, #tpu.memory_space<vmem>>
    %dma_start3A_350 = arith.constant 256 : i32
    %dma_start3A_351 = tpu.memref_slice %arg7[%dma_start3A_350] : memref<1280xi32, #tpu.memory_space<vmem>> -> memref<128xi32, #tpu.memory_space<vmem>>
    %dma_start3A_352 = arith.constant 0 : i32
    %dma_start3A_353 = arith.constant 0 : i32
    %dma_start3A_354 = tpu.memref_slice %arg4[%dma_start3A_352, %dma_start3A_353] : memref<100000x64xf32, #tpu.memory_space<hbm>> -> memref<100000x64xf32, #tpu.memory_space<hbm>>
    tpu.enqueue_indirect_dma source(%dma_start3A_354 : memref<100000x64xf32, #tpu.memory_space<hbm>>) target(%dma_start3A_349 : memref<128x64xf32, #tpu.memory_space<vmem>>) offsets(%dma_start3A_351 : memref<128xi32, #tpu.memory_space<vmem>>) semaphore(%arg9 : memref<!tpu.dma_semaphore, #tpu.memory_space<semaphore_mem>>)
    %dma_start3A_355 = arith.constant 384 : i32
    %dma_start3A_356 = arith.constant 0 : i32
    %dma_start3A_357 = tpu.memref_slice %arg8[%dma_start3A_355, %dma_start3A_356] : memref<1280x64xf32, #tpu.memory_space<vmem>> -> memref<128x64xf32, #tpu.memory_space<vmem>>
    %dma_start3A_358 = arith.constant 384 : i32
    %dma_start3A_359 = tpu.memref_slice %arg7[%dma_start3A_358] : memref<1280xi32, #tpu.memory_space<vmem>> -> memref<128xi32, #tpu.memory_space<vmem>>
    %dma_start3A_360 = arith.constant 0 : i32
    %dma_start3A_361 = arith.constant 0 : i32
    %dma_start3A_362 = tpu.memref_slice %arg4[%dma_start3A_360, %dma_start3A_361] : memref<100000x64xf32, #tpu.memory_space<hbm>> -> memref<100000x64xf32, #tpu.memory_space<hbm>>
    tpu.enqueue_indirect_dma source(%dma_start3A_362 : memref<100000x64xf32, #tpu.memory_space<hbm>>) target(%dma_start3A_357 : memref<128x64xf32, #tpu.memory_space<vmem>>) offsets(%dma_start3A_359 : memref<128xi32, #tpu.memory_space<vmem>>) semaphore(%arg9 : memref<!tpu.dma_semaphore, #tpu.memory_space<semaphore_mem>>)
    %dma_start3A_363 = arith.constant 512 : i32
    %dma_start3A_364 = arith.constant 0 : i32
    %dma_start3A_365 = tpu.memref_slice %arg8[%dma_start3A_363, %dma_start3A_364] : memref<1280x64xf32, #tpu.memory_space<vmem>> -> memref<128x64xf32, #tpu.memory_space<vmem>>
    %dma_start3A_366 = arith.constant 512 : i32
    %dma_start3A_367 = tpu.memref_slice %arg7[%dma_start3A_366] : memref<1280xi32, #tpu.memory_space<vmem>> -> memref<128xi32, #tpu.memory_space<vmem>>
    %dma_start3A_368 = arith.constant 0 : i32
    %dma_start3A_369 = arith.constant 0 : i32
    %dma_start3A_370 = tpu.memref_slice %arg4[%dma_start3A_368, %dma_start3A_369] : memref<100000x64xf32, #tpu.memory_space<hbm>> -> memref<100000x64xf32, #tpu.memory_space<hbm>>
    tpu.enqueue_indirect_dma source(%dma_start3A_370 : memref<100000x64xf32, #tpu.memory_space<hbm>>) target(%dma_start3A_365 : memref<128x64xf32, #tpu.memory_space<vmem>>) offsets(%dma_start3A_367 : memref<128xi32, #tpu.memory_space<vmem>>) semaphore(%arg9 : memref<!tpu.dma_semaphore, #tpu.memory_space<semaphore_mem>>)
    %dma_start3A_371 = arith.constant 640 : i32
    %dma_start3A_372 = arith.constant 0 : i32
    %dma_start3A_373 = tpu.memref_slice %arg8[%dma_start3A_371, %dma_start3A_372] : memref<1280x64xf32, #tpu.memory_space<vmem>> -> memref<128x64xf32, #tpu.memory_space<vmem>>
    %dma_start3A_374 = arith.constant 640 : i32
    %dma_start3A_375 = tpu.memref_slice %arg7[%dma_start3A_374] : memref<1280xi32, #tpu.memory_space<vmem>> -> memref<128xi32, #tpu.memory_space<vmem>>
    %dma_start3A_376 = arith.constant 0 : i32
    %dma_start3A_377 = arith.constant 0 : i32
    %dma_start3A_378 = tpu.memref_slice %arg4[%dma_start3A_376, %dma_start3A_377] : memref<100000x64xf32, #tpu.memory_space<hbm>> -> memref<100000x64xf32, #tpu.memory_space<hbm>>
    tpu.enqueue_indirect_dma source(%dma_start3A_378 : memref<100000x64xf32, #tpu.memory_space<hbm>>) target(%dma_start3A_373 : memref<128x64xf32, #tpu.memory_space<vmem>>) offsets(%dma_start3A_375 : memref<128xi32, #tpu.memory_space<vmem>>) semaphore(%arg9 : memref<!tpu.dma_semaphore, #tpu.memory_space<semaphore_mem>>)
    %dma_start3A_379 = arith.constant 768 : i32
    %dma_start3A_380 = arith.constant 0 : i32
    %dma_start3A_381 = tpu.memref_slice %arg8[%dma_start3A_379, %dma_start3A_380] : memref<1280x64xf32, #tpu.memory_space<vmem>> -> memref<128x64xf32, #tpu.memory_space<vmem>>
    %dma_start3A_382 = arith.constant 768 : i32
    %dma_start3A_383 = tpu.memref_slice %arg7[%dma_start3A_382] : memref<1280xi32, #tpu.memory_space<vmem>> -> memref<128xi32, #tpu.memory_space<vmem>>
    %dma_start3A_384 = arith.constant 0 : i32
    %dma_start3A_385 = arith.constant 0 : i32
    %dma_start3A_386 = tpu.memref_slice %arg4[%dma_start3A_384, %dma_start3A_385] : memref<100000x64xf32, #tpu.memory_space<hbm>> -> memref<100000x64xf32, #tpu.memory_space<hbm>>
    tpu.enqueue_indirect_dma source(%dma_start3A_386 : memref<100000x64xf32, #tpu.memory_space<hbm>>) target(%dma_start3A_381 : memref<128x64xf32, #tpu.memory_space<vmem>>) offsets(%dma_start3A_383 : memref<128xi32, #tpu.memory_space<vmem>>) semaphore(%arg9 : memref<!tpu.dma_semaphore, #tpu.memory_space<semaphore_mem>>)
    %dma_start3A_387 = arith.constant 896 : i32
    %dma_start3A_388 = arith.constant 0 : i32
    %dma_start3A_389 = tpu.memref_slice %arg8[%dma_start3A_387, %dma_start3A_388] : memref<1280x64xf32, #tpu.memory_space<vmem>> -> memref<128x64xf32, #tpu.memory_space<vmem>>
    %dma_start3A_390 = arith.constant 896 : i32
    %dma_start3A_391 = tpu.memref_slice %arg7[%dma_start3A_390] : memref<1280xi32, #tpu.memory_space<vmem>> -> memref<128xi32, #tpu.memory_space<vmem>>
    %dma_start3A_392 = arith.constant 0 : i32
    %dma_start3A_393 = arith.constant 0 : i32
    %dma_start3A_394 = tpu.memref_slice %arg4[%dma_start3A_392, %dma_start3A_393] : memref<100000x64xf32, #tpu.memory_space<hbm>> -> memref<100000x64xf32, #tpu.memory_space<hbm>>
    tpu.enqueue_indirect_dma source(%dma_start3A_394 : memref<100000x64xf32, #tpu.memory_space<hbm>>) target(%dma_start3A_389 : memref<128x64xf32, #tpu.memory_space<vmem>>) offsets(%dma_start3A_391 : memref<128xi32, #tpu.memory_space<vmem>>) semaphore(%arg9 : memref<!tpu.dma_semaphore, #tpu.memory_space<semaphore_mem>>)
    %dma_start3A_395 = arith.constant 1024 : i32
    %dma_start3A_396 = arith.constant 0 : i32
    %dma_start3A_397 = tpu.memref_slice %arg8[%dma_start3A_395, %dma_start3A_396] : memref<1280x64xf32, #tpu.memory_space<vmem>> -> memref<128x64xf32, #tpu.memory_space<vmem>>
    %dma_start3A_398 = arith.constant 1024 : i32
    %dma_start3A_399 = tpu.memref_slice %arg7[%dma_start3A_398] : memref<1280xi32, #tpu.memory_space<vmem>> -> memref<128xi32, #tpu.memory_space<vmem>>
    %dma_start3A_400 = arith.constant 0 : i32
    %dma_start3A_401 = arith.constant 0 : i32
    %dma_start3A_402 = tpu.memref_slice %arg4[%dma_start3A_400, %dma_start3A_401] : memref<100000x64xf32, #tpu.memory_space<hbm>> -> memref<100000x64xf32, #tpu.memory_space<hbm>>
    tpu.enqueue_indirect_dma source(%dma_start3A_402 : memref<100000x64xf32, #tpu.memory_space<hbm>>) target(%dma_start3A_397 : memref<128x64xf32, #tpu.memory_space<vmem>>) offsets(%dma_start3A_399 : memref<128xi32, #tpu.memory_space<vmem>>) semaphore(%arg9 : memref<!tpu.dma_semaphore, #tpu.memory_space<semaphore_mem>>)
    %dma_start3A_403 = arith.constant 1152 : i32
    %dma_start3A_404 = arith.constant 0 : i32
    %dma_start3A_405 = tpu.memref_slice %arg8[%dma_start3A_403, %dma_start3A_404] : memref<1280x64xf32, #tpu.memory_space<vmem>> -> memref<128x64xf32, #tpu.memory_space<vmem>>
    %dma_start3A_406 = arith.constant 1152 : i32
    %dma_start3A_407 = tpu.memref_slice %arg7[%dma_start3A_406] : memref<1280xi32, #tpu.memory_space<vmem>> -> memref<128xi32, #tpu.memory_space<vmem>>
    %dma_start3A_408 = arith.constant 0 : i32
    %dma_start3A_409 = arith.constant 0 : i32
    %dma_start3A_410 = tpu.memref_slice %arg4[%dma_start3A_408, %dma_start3A_409] : memref<100000x64xf32, #tpu.memory_space<hbm>> -> memref<100000x64xf32, #tpu.memory_space<hbm>>
    tpu.enqueue_indirect_dma source(%dma_start3A_410 : memref<100000x64xf32, #tpu.memory_space<hbm>>) target(%dma_start3A_405 : memref<128x64xf32, #tpu.memory_space<vmem>>) offsets(%dma_start3A_407 : memref<128xi32, #tpu.memory_space<vmem>>) semaphore(%arg9 : memref<!tpu.dma_semaphore, #tpu.memory_space<semaphore_mem>>)
    %dma_wait3A_411 = arith.constant 0 : i32
    %dma_wait3A_412 = arith.constant 0 : i32
    %dma_wait3A_413 = tpu.memref_slice %arg8[%dma_wait3A_411, %dma_wait3A_412] : memref<1280x64xf32, #tpu.memory_space<vmem>> -> memref<128x64xf32, #tpu.memory_space<vmem>>
    %dma_wait3A_414 = arith.constant 0 : i32
    %dma_wait3A_415 = tpu.memref_slice %arg7[%dma_wait3A_414] : memref<1280xi32, #tpu.memory_space<vmem>> -> memref<128xi32, #tpu.memory_space<vmem>>
    %dma_wait3A_416 = arith.constant 0 : i32
    %dma_wait3A_417 = arith.constant 0 : i32
    %dma_wait3A_418 = tpu.memref_slice %arg4[%dma_wait3A_416, %dma_wait3A_417] : memref<100000x64xf32, #tpu.memory_space<hbm>> -> memref<100000x64xf32, #tpu.memory_space<hbm>>
    tpu.wait_indirect_dma semaphore(%arg9 : memref<!tpu.dma_semaphore, #tpu.memory_space<semaphore_mem>>) src(%dma_wait3A_418 : memref<100000x64xf32, #tpu.memory_space<hbm>>) dst(%dma_wait3A_413 : memref<128x64xf32, #tpu.memory_space<vmem>>)
    %dma_wait3A_419 = arith.constant 128 : i32
    %dma_wait3A_420 = arith.constant 0 : i32
    %dma_wait3A_421 = tpu.memref_slice %arg8[%dma_wait3A_419, %dma_wait3A_420] : memref<1280x64xf32, #tpu.memory_space<vmem>> -> memref<128x64xf32, #tpu.memory_space<vmem>>
    %dma_wait3A_422 = arith.constant 128 : i32
    %dma_wait3A_423 = tpu.memref_slice %arg7[%dma_wait3A_422] : memref<1280xi32, #tpu.memory_space<vmem>> -> memref<128xi32, #tpu.memory_space<vmem>>
    %dma_wait3A_424 = arith.constant 0 : i32
    %dma_wait3A_425 = arith.constant 0 : i32
    %dma_wait3A_426 = tpu.memref_slice %arg4[%dma_wait3A_424, %dma_wait3A_425] : memref<100000x64xf32, #tpu.memory_space<hbm>> -> memref<100000x64xf32, #tpu.memory_space<hbm>>
    tpu.wait_indirect_dma semaphore(%arg9 : memref<!tpu.dma_semaphore, #tpu.memory_space<semaphore_mem>>) src(%dma_wait3A_426 : memref<100000x64xf32, #tpu.memory_space<hbm>>) dst(%dma_wait3A_421 : memref<128x64xf32, #tpu.memory_space<vmem>>)
    %dma_wait3A_427 = arith.constant 256 : i32
    %dma_wait3A_428 = arith.constant 0 : i32
    %dma_wait3A_429 = tpu.memref_slice %arg8[%dma_wait3A_427, %dma_wait3A_428] : memref<1280x64xf32, #tpu.memory_space<vmem>> -> memref<128x64xf32, #tpu.memory_space<vmem>>
    %dma_wait3A_430 = arith.constant 256 : i32
    %dma_wait3A_431 = tpu.memref_slice %arg7[%dma_wait3A_430] : memref<1280xi32, #tpu.memory_space<vmem>> -> memref<128xi32, #tpu.memory_space<vmem>>
    %dma_wait3A_432 = arith.constant 0 : i32
    %dma_wait3A_433 = arith.constant 0 : i32
    %dma_wait3A_434 = tpu.memref_slice %arg4[%dma_wait3A_432, %dma_wait3A_433] : memref<100000x64xf32, #tpu.memory_space<hbm>> -> memref<100000x64xf32, #tpu.memory_space<hbm>>
    tpu.wait_indirect_dma semaphore(%arg9 : memref<!tpu.dma_semaphore, #tpu.memory_space<semaphore_mem>>) src(%dma_wait3A_434 : memref<100000x64xf32, #tpu.memory_space<hbm>>) dst(%dma_wait3A_429 : memref<128x64xf32, #tpu.memory_space<vmem>>)
    %dma_wait3A_435 = arith.constant 384 : i32
    %dma_wait3A_436 = arith.constant 0 : i32
    %dma_wait3A_437 = tpu.memref_slice %arg8[%dma_wait3A_435, %dma_wait3A_436] : memref<1280x64xf32, #tpu.memory_space<vmem>> -> memref<128x64xf32, #tpu.memory_space<vmem>>
    %dma_wait3A_438 = arith.constant 384 : i32
    %dma_wait3A_439 = tpu.memref_slice %arg7[%dma_wait3A_438] : memref<1280xi32, #tpu.memory_space<vmem>> -> memref<128xi32, #tpu.memory_space<vmem>>
    %dma_wait3A_440 = arith.constant 0 : i32
    %dma_wait3A_441 = arith.constant 0 : i32
    %dma_wait3A_442 = tpu.memref_slice %arg4[%dma_wait3A_440, %dma_wait3A_441] : memref<100000x64xf32, #tpu.memory_space<hbm>> -> memref<100000x64xf32, #tpu.memory_space<hbm>>
    tpu.wait_indirect_dma semaphore(%arg9 : memref<!tpu.dma_semaphore, #tpu.memory_space<semaphore_mem>>) src(%dma_wait3A_442 : memref<100000x64xf32, #tpu.memory_space<hbm>>) dst(%dma_wait3A_437 : memref<128x64xf32, #tpu.memory_space<vmem>>)
    %dma_wait3A_443 = arith.constant 512 : i32
    %dma_wait3A_444 = arith.constant 0 : i32
    %dma_wait3A_445 = tpu.memref_slice %arg8[%dma_wait3A_443, %dma_wait3A_444] : memref<1280x64xf32, #tpu.memory_space<vmem>> -> memref<128x64xf32, #tpu.memory_space<vmem>>
    %dma_wait3A_446 = arith.constant 512 : i32
    %dma_wait3A_447 = tpu.memref_slice %arg7[%dma_wait3A_446] : memref<1280xi32, #tpu.memory_space<vmem>> -> memref<128xi32, #tpu.memory_space<vmem>>
    %dma_wait3A_448 = arith.constant 0 : i32
    %dma_wait3A_449 = arith.constant 0 : i32
    %dma_wait3A_450 = tpu.memref_slice %arg4[%dma_wait3A_448, %dma_wait3A_449] : memref<100000x64xf32, #tpu.memory_space<hbm>> -> memref<100000x64xf32, #tpu.memory_space<hbm>>
    tpu.wait_indirect_dma semaphore(%arg9 : memref<!tpu.dma_semaphore, #tpu.memory_space<semaphore_mem>>) src(%dma_wait3A_450 : memref<100000x64xf32, #tpu.memory_space<hbm>>) dst(%dma_wait3A_445 : memref<128x64xf32, #tpu.memory_space<vmem>>)
    %dma_wait3A_451 = arith.constant 640 : i32
    %dma_wait3A_452 = arith.constant 0 : i32
    %dma_wait3A_453 = tpu.memref_slice %arg8[%dma_wait3A_451, %dma_wait3A_452] : memref<1280x64xf32, #tpu.memory_space<vmem>> -> memref<128x64xf32, #tpu.memory_space<vmem>>
    %dma_wait3A_454 = arith.constant 640 : i32
    %dma_wait3A_455 = tpu.memref_slice %arg7[%dma_wait3A_454] : memref<1280xi32, #tpu.memory_space<vmem>> -> memref<128xi32, #tpu.memory_space<vmem>>
    %dma_wait3A_456 = arith.constant 0 : i32
    %dma_wait3A_457 = arith.constant 0 : i32
    %dma_wait3A_458 = tpu.memref_slice %arg4[%dma_wait3A_456, %dma_wait3A_457] : memref<100000x64xf32, #tpu.memory_space<hbm>> -> memref<100000x64xf32, #tpu.memory_space<hbm>>
    tpu.wait_indirect_dma semaphore(%arg9 : memref<!tpu.dma_semaphore, #tpu.memory_space<semaphore_mem>>) src(%dma_wait3A_458 : memref<100000x64xf32, #tpu.memory_space<hbm>>) dst(%dma_wait3A_453 : memref<128x64xf32, #tpu.memory_space<vmem>>)
    %dma_wait3A_459 = arith.constant 768 : i32
    %dma_wait3A_460 = arith.constant 0 : i32
    %dma_wait3A_461 = tpu.memref_slice %arg8[%dma_wait3A_459, %dma_wait3A_460] : memref<1280x64xf32, #tpu.memory_space<vmem>> -> memref<128x64xf32, #tpu.memory_space<vmem>>
    %dma_wait3A_462 = arith.constant 768 : i32
    %dma_wait3A_463 = tpu.memref_slice %arg7[%dma_wait3A_462] : memref<1280xi32, #tpu.memory_space<vmem>> -> memref<128xi32, #tpu.memory_space<vmem>>
    %dma_wait3A_464 = arith.constant 0 : i32
    %dma_wait3A_465 = arith.constant 0 : i32
    %dma_wait3A_466 = tpu.memref_slice %arg4[%dma_wait3A_464, %dma_wait3A_465] : memref<100000x64xf32, #tpu.memory_space<hbm>> -> memref<100000x64xf32, #tpu.memory_space<hbm>>
    tpu.wait_indirect_dma semaphore(%arg9 : memref<!tpu.dma_semaphore, #tpu.memory_space<semaphore_mem>>) src(%dma_wait3A_466 : memref<100000x64xf32, #tpu.memory_space<hbm>>) dst(%dma_wait3A_461 : memref<128x64xf32, #tpu.memory_space<vmem>>)
    %dma_wait3A_467 = arith.constant 896 : i32
    %dma_wait3A_468 = arith.constant 0 : i32
    %dma_wait3A_469 = tpu.memref_slice %arg8[%dma_wait3A_467, %dma_wait3A_468] : memref<1280x64xf32, #tpu.memory_space<vmem>> -> memref<128x64xf32, #tpu.memory_space<vmem>>
    %dma_wait3A_470 = arith.constant 896 : i32
    %dma_wait3A_471 = tpu.memref_slice %arg7[%dma_wait3A_470] : memref<1280xi32, #tpu.memory_space<vmem>> -> memref<128xi32, #tpu.memory_space<vmem>>
    %dma_wait3A_472 = arith.constant 0 : i32
    %dma_wait3A_473 = arith.constant 0 : i32
    %dma_wait3A_474 = tpu.memref_slice %arg4[%dma_wait3A_472, %dma_wait3A_473] : memref<100000x64xf32, #tpu.memory_space<hbm>> -> memref<100000x64xf32, #tpu.memory_space<hbm>>
    tpu.wait_indirect_dma semaphore(%arg9 : memref<!tpu.dma_semaphore, #tpu.memory_space<semaphore_mem>>) src(%dma_wait3A_474 : memref<100000x64xf32, #tpu.memory_space<hbm>>) dst(%dma_wait3A_469 : memref<128x64xf32, #tpu.memory_space<vmem>>)
    %dma_wait3A_475 = arith.constant 1024 : i32
    %dma_wait3A_476 = arith.constant 0 : i32
    %dma_wait3A_477 = tpu.memref_slice %arg8[%dma_wait3A_475, %dma_wait3A_476] : memref<1280x64xf32, #tpu.memory_space<vmem>> -> memref<128x64xf32, #tpu.memory_space<vmem>>
    %dma_wait3A_478 = arith.constant 1024 : i32
    %dma_wait3A_479 = tpu.memref_slice %arg7[%dma_wait3A_478] : memref<1280xi32, #tpu.memory_space<vmem>> -> memref<128xi32, #tpu.memory_space<vmem>>
    %dma_wait3A_480 = arith.constant 0 : i32
    %dma_wait3A_481 = arith.constant 0 : i32
    %dma_wait3A_482 = tpu.memref_slice %arg4[%dma_wait3A_480, %dma_wait3A_481] : memref<100000x64xf32, #tpu.memory_space<hbm>> -> memref<100000x64xf32, #tpu.memory_space<hbm>>
    tpu.wait_indirect_dma semaphore(%arg9 : memref<!tpu.dma_semaphore, #tpu.memory_space<semaphore_mem>>) src(%dma_wait3A_482 : memref<100000x64xf32, #tpu.memory_space<hbm>>) dst(%dma_wait3A_477 : memref<128x64xf32, #tpu.memory_space<vmem>>)
    %dma_wait3A_483 = arith.constant 1152 : i32
    %dma_wait3A_484 = arith.constant 0 : i32
    %dma_wait3A_485 = tpu.memref_slice %arg8[%dma_wait3A_483, %dma_wait3A_484] : memref<1280x64xf32, #tpu.memory_space<vmem>> -> memref<128x64xf32, #tpu.memory_space<vmem>>
    %dma_wait3A_486 = arith.constant 1152 : i32
    %dma_wait3A_487 = tpu.memref_slice %arg7[%dma_wait3A_486] : memref<1280xi32, #tpu.memory_space<vmem>> -> memref<128xi32, #tpu.memory_space<vmem>>
    %dma_wait3A_488 = arith.constant 0 : i32
    %dma_wait3A_489 = arith.constant 0 : i32
    %dma_wait3A_490 = tpu.memref_slice %arg4[%dma_wait3A_488, %dma_wait3A_489] : memref<100000x64xf32, #tpu.memory_space<hbm>> -> memref<100000x64xf32, #tpu.memory_space<hbm>>
    tpu.wait_indirect_dma semaphore(%arg9 : memref<!tpu.dma_semaphore, #tpu.memory_space<semaphore_mem>>) src(%dma_wait3A_490 : memref<100000x64xf32, #tpu.memory_space<hbm>>) dst(%dma_wait3A_485 : memref<128x64xf32, #tpu.memory_space<vmem>>)
    %add3A_491 = arith.constant 2560 : i32
    %add3A_492 = arith.addi %mul3A_2, %add3A_491 : i32
    "tpu.region"() ({
      %run_scoped3A = tpu.sem_alloc : memref<!tpu.dma_semaphore, #tpu.memory_space<semaphore_mem>>
      %dma_start3A_1643 = arith.constant 0 : i32
      %dma_start3A_1644 = tpu.memref_slice %arg6[%add3A_492, %dma_start3A_1643] : memref<409600x64xf32, #tpu.memory_space<hbm>> -> memref<1280x64xf32, #tpu.memory_space<hbm>>
      %dma_start3A_1645 = arith.constant 0 : i32
      %dma_start3A_1646 = tpu.memref_slice %arg6[%add3A_492, %dma_start3A_1645] : memref<409600x64xf32, #tpu.memory_space<hbm>> -> memref<1280x64xf32, #tpu.memory_space<hbm>>
      tpu.enqueue_dma source(%arg8 : memref<1280x64xf32, #tpu.memory_space<vmem>>) target(%dma_start3A_1646 : memref<1280x64xf32, #tpu.memory_space<hbm>>) target_semaphore(%run_scoped3A : memref<!tpu.dma_semaphore, #tpu.memory_space<semaphore_mem>>)
      %dma_wait3A_1647 = arith.constant 0 : i32
      %dma_wait3A_1648 = tpu.memref_slice %arg6[%add3A_492, %dma_wait3A_1647] : memref<409600x64xf32, #tpu.memory_space<hbm>> -> memref<1280x64xf32, #tpu.memory_space<hbm>>
      %dma_wait3A_1649 = arith.constant 0 : i32
      %dma_wait3A_1650 = tpu.memref_slice %arg6[%add3A_492, %dma_wait3A_1649] : memref<409600x64xf32, #tpu.memory_space<hbm>> -> memref<1280x64xf32, #tpu.memory_space<hbm>>
      tpu.wait_dma2 semaphore(%run_scoped3A : memref<!tpu.dma_semaphore, #tpu.memory_space<semaphore_mem>>) src(%arg8 : memref<1280x64xf32, #tpu.memory_space<vmem>>) dst(%dma_wait3A_1650 : memref<1280x64xf32, #tpu.memory_space<hbm>>)
      tpu.yield
    }) : () -> ()
    %add3A_493 = arith.constant 3840 : i32
    %add3A_494 = arith.addi %mul3A_2, %add3A_493 : i32
    "tpu.region"() ({
      %run_scoped3A = tpu.sem_alloc : memref<!tpu.dma_semaphore, #tpu.memory_space<semaphore_mem>>
      %dma_start3A_1643 = tpu.memref_slice %arg2[%add3A_494] : memref<204800xi32, #tpu.memory_space<hbm>> -> memref<1280xi32, #tpu.memory_space<hbm>>
      %dma_start3A_1644 = tpu.memref_slice %arg2[%add3A_494] : memref<204800xi32, #tpu.memory_space<hbm>> -> memref<1280xi32, #tpu.memory_space<hbm>>
      tpu.enqueue_dma source(%dma_start3A_1644 : memref<1280xi32, #tpu.memory_space<hbm>>) target(%arg7 : memref<1280xi32, #tpu.memory_space<vmem>>) target_semaphore(%run_scoped3A : memref<!tpu.dma_semaphore, #tpu.memory_space<semaphore_mem>>)
      %dma_wait3A_1645 = tpu.memref_slice %arg2[%add3A_494] : memref<204800xi32, #tpu.memory_space<hbm>> -> memref<1280xi32, #tpu.memory_space<hbm>>
      %dma_wait3A_1646 = tpu.memref_slice %arg2[%add3A_494] : memref<204800xi32, #tpu.memory_space<hbm>> -> memref<1280xi32, #tpu.memory_space<hbm>>
      tpu.wait_dma2 semaphore(%run_scoped3A : memref<!tpu.dma_semaphore, #tpu.memory_space<semaphore_mem>>) src(%dma_wait3A_1646 : memref<1280xi32, #tpu.memory_space<hbm>>) dst(%arg7 : memref<1280xi32, #tpu.memory_space<vmem>>)
      tpu.yield
    }) : () -> ()
    %dma_start3A_495 = arith.constant 0 : i32
    %dma_start3A_496 = arith.constant 0 : i32
    %dma_start3A_497 = tpu.memref_slice %arg8[%dma_start3A_495, %dma_start3A_496] : memref<1280x64xf32, #tpu.memory_space<vmem>> -> memref<128x64xf32, #tpu.memory_space<vmem>>
    %dma_start3A_498 = arith.constant 0 : i32
    %dma_start3A_499 = tpu.memref_slice %arg7[%dma_start3A_498] : memref<1280xi32, #tpu.memory_space<vmem>> -> memref<128xi32, #tpu.memory_space<vmem>>
    %dma_start3A_500 = arith.constant 0 : i32
    %dma_start3A_501 = arith.constant 0 : i32
    %dma_start3A_502 = tpu.memref_slice %arg4[%dma_start3A_500, %dma_start3A_501] : memref<100000x64xf32, #tpu.memory_space<hbm>> -> memref<100000x64xf32, #tpu.memory_space<hbm>>
    tpu.enqueue_indirect_dma source(%dma_start3A_502 : memref<100000x64xf32, #tpu.memory_space<hbm>>) target(%dma_start3A_497 : memref<128x64xf32, #tpu.memory_space<vmem>>) offsets(%dma_start3A_499 : memref<128xi32, #tpu.memory_space<vmem>>) semaphore(%arg9 : memref<!tpu.dma_semaphore, #tpu.memory_space<semaphore_mem>>)
    %dma_start3A_503 = arith.constant 128 : i32
    %dma_start3A_504 = arith.constant 0 : i32
    %dma_start3A_505 = tpu.memref_slice %arg8[%dma_start3A_503, %dma_start3A_504] : memref<1280x64xf32, #tpu.memory_space<vmem>> -> memref<128x64xf32, #tpu.memory_space<vmem>>
    %dma_start3A_506 = arith.constant 128 : i32
    %dma_start3A_507 = tpu.memref_slice %arg7[%dma_start3A_506] : memref<1280xi32, #tpu.memory_space<vmem>> -> memref<128xi32, #tpu.memory_space<vmem>>
    %dma_start3A_508 = arith.constant 0 : i32
    %dma_start3A_509 = arith.constant 0 : i32
    %dma_start3A_510 = tpu.memref_slice %arg4[%dma_start3A_508, %dma_start3A_509] : memref<100000x64xf32, #tpu.memory_space<hbm>> -> memref<100000x64xf32, #tpu.memory_space<hbm>>
    tpu.enqueue_indirect_dma source(%dma_start3A_510 : memref<100000x64xf32, #tpu.memory_space<hbm>>) target(%dma_start3A_505 : memref<128x64xf32, #tpu.memory_space<vmem>>) offsets(%dma_start3A_507 : memref<128xi32, #tpu.memory_space<vmem>>) semaphore(%arg9 : memref<!tpu.dma_semaphore, #tpu.memory_space<semaphore_mem>>)
    %dma_start3A_511 = arith.constant 256 : i32
    %dma_start3A_512 = arith.constant 0 : i32
    %dma_start3A_513 = tpu.memref_slice %arg8[%dma_start3A_511, %dma_start3A_512] : memref<1280x64xf32, #tpu.memory_space<vmem>> -> memref<128x64xf32, #tpu.memory_space<vmem>>
    %dma_start3A_514 = arith.constant 256 : i32
    %dma_start3A_515 = tpu.memref_slice %arg7[%dma_start3A_514] : memref<1280xi32, #tpu.memory_space<vmem>> -> memref<128xi32, #tpu.memory_space<vmem>>
    %dma_start3A_516 = arith.constant 0 : i32
    %dma_start3A_517 = arith.constant 0 : i32
    %dma_start3A_518 = tpu.memref_slice %arg4[%dma_start3A_516, %dma_start3A_517] : memref<100000x64xf32, #tpu.memory_space<hbm>> -> memref<100000x64xf32, #tpu.memory_space<hbm>>
    tpu.enqueue_indirect_dma source(%dma_start3A_518 : memref<100000x64xf32, #tpu.memory_space<hbm>>) target(%dma_start3A_513 : memref<128x64xf32, #tpu.memory_space<vmem>>) offsets(%dma_start3A_515 : memref<128xi32, #tpu.memory_space<vmem>>) semaphore(%arg9 : memref<!tpu.dma_semaphore, #tpu.memory_space<semaphore_mem>>)
    %dma_start3A_519 = arith.constant 384 : i32
    %dma_start3A_520 = arith.constant 0 : i32
    %dma_start3A_521 = tpu.memref_slice %arg8[%dma_start3A_519, %dma_start3A_520] : memref<1280x64xf32, #tpu.memory_space<vmem>> -> memref<128x64xf32, #tpu.memory_space<vmem>>
    %dma_start3A_522 = arith.constant 384 : i32
    %dma_start3A_523 = tpu.memref_slice %arg7[%dma_start3A_522] : memref<1280xi32, #tpu.memory_space<vmem>> -> memref<128xi32, #tpu.memory_space<vmem>>
    %dma_start3A_524 = arith.constant 0 : i32
    %dma_start3A_525 = arith.constant 0 : i32
    %dma_start3A_526 = tpu.memref_slice %arg4[%dma_start3A_524, %dma_start3A_525] : memref<100000x64xf32, #tpu.memory_space<hbm>> -> memref<100000x64xf32, #tpu.memory_space<hbm>>
    tpu.enqueue_indirect_dma source(%dma_start3A_526 : memref<100000x64xf32, #tpu.memory_space<hbm>>) target(%dma_start3A_521 : memref<128x64xf32, #tpu.memory_space<vmem>>) offsets(%dma_start3A_523 : memref<128xi32, #tpu.memory_space<vmem>>) semaphore(%arg9 : memref<!tpu.dma_semaphore, #tpu.memory_space<semaphore_mem>>)
    %dma_start3A_527 = arith.constant 512 : i32
    %dma_start3A_528 = arith.constant 0 : i32
    %dma_start3A_529 = tpu.memref_slice %arg8[%dma_start3A_527, %dma_start3A_528] : memref<1280x64xf32, #tpu.memory_space<vmem>> -> memref<128x64xf32, #tpu.memory_space<vmem>>
    %dma_start3A_530 = arith.constant 512 : i32
    %dma_start3A_531 = tpu.memref_slice %arg7[%dma_start3A_530] : memref<1280xi32, #tpu.memory_space<vmem>> -> memref<128xi32, #tpu.memory_space<vmem>>
    %dma_start3A_532 = arith.constant 0 : i32
    %dma_start3A_533 = arith.constant 0 : i32
    %dma_start3A_534 = tpu.memref_slice %arg4[%dma_start3A_532, %dma_start3A_533] : memref<100000x64xf32, #tpu.memory_space<hbm>> -> memref<100000x64xf32, #tpu.memory_space<hbm>>
    tpu.enqueue_indirect_dma source(%dma_start3A_534 : memref<100000x64xf32, #tpu.memory_space<hbm>>) target(%dma_start3A_529 : memref<128x64xf32, #tpu.memory_space<vmem>>) offsets(%dma_start3A_531 : memref<128xi32, #tpu.memory_space<vmem>>) semaphore(%arg9 : memref<!tpu.dma_semaphore, #tpu.memory_space<semaphore_mem>>)
    %dma_start3A_535 = arith.constant 640 : i32
    %dma_start3A_536 = arith.constant 0 : i32
    %dma_start3A_537 = tpu.memref_slice %arg8[%dma_start3A_535, %dma_start3A_536] : memref<1280x64xf32, #tpu.memory_space<vmem>> -> memref<128x64xf32, #tpu.memory_space<vmem>>
    %dma_start3A_538 = arith.constant 640 : i32
    %dma_start3A_539 = tpu.memref_slice %arg7[%dma_start3A_538] : memref<1280xi32, #tpu.memory_space<vmem>> -> memref<128xi32, #tpu.memory_space<vmem>>
    %dma_start3A_540 = arith.constant 0 : i32
    %dma_start3A_541 = arith.constant 0 : i32
    %dma_start3A_542 = tpu.memref_slice %arg4[%dma_start3A_540, %dma_start3A_541] : memref<100000x64xf32, #tpu.memory_space<hbm>> -> memref<100000x64xf32, #tpu.memory_space<hbm>>
    tpu.enqueue_indirect_dma source(%dma_start3A_542 : memref<100000x64xf32, #tpu.memory_space<hbm>>) target(%dma_start3A_537 : memref<128x64xf32, #tpu.memory_space<vmem>>) offsets(%dma_start3A_539 : memref<128xi32, #tpu.memory_space<vmem>>) semaphore(%arg9 : memref<!tpu.dma_semaphore, #tpu.memory_space<semaphore_mem>>)
    %dma_start3A_543 = arith.constant 768 : i32
    %dma_start3A_544 = arith.constant 0 : i32
    %dma_start3A_545 = tpu.memref_slice %arg8[%dma_start3A_543, %dma_start3A_544] : memref<1280x64xf32, #tpu.memory_space<vmem>> -> memref<128x64xf32, #tpu.memory_space<vmem>>
    %dma_start3A_546 = arith.constant 768 : i32
    %dma_start3A_547 = tpu.memref_slice %arg7[%dma_start3A_546] : memref<1280xi32, #tpu.memory_space<vmem>> -> memref<128xi32, #tpu.memory_space<vmem>>
    %dma_start3A_548 = arith.constant 0 : i32
    %dma_start3A_549 = arith.constant 0 : i32
    %dma_start3A_550 = tpu.memref_slice %arg4[%dma_start3A_548, %dma_start3A_549] : memref<100000x64xf32, #tpu.memory_space<hbm>> -> memref<100000x64xf32, #tpu.memory_space<hbm>>
    tpu.enqueue_indirect_dma source(%dma_start3A_550 : memref<100000x64xf32, #tpu.memory_space<hbm>>) target(%dma_start3A_545 : memref<128x64xf32, #tpu.memory_space<vmem>>) offsets(%dma_start3A_547 : memref<128xi32, #tpu.memory_space<vmem>>) semaphore(%arg9 : memref<!tpu.dma_semaphore, #tpu.memory_space<semaphore_mem>>)
    %dma_start3A_551 = arith.constant 896 : i32
    %dma_start3A_552 = arith.constant 0 : i32
    %dma_start3A_553 = tpu.memref_slice %arg8[%dma_start3A_551, %dma_start3A_552] : memref<1280x64xf32, #tpu.memory_space<vmem>> -> memref<128x64xf32, #tpu.memory_space<vmem>>
    %dma_start3A_554 = arith.constant 896 : i32
    %dma_start3A_555 = tpu.memref_slice %arg7[%dma_start3A_554] : memref<1280xi32, #tpu.memory_space<vmem>> -> memref<128xi32, #tpu.memory_space<vmem>>
    %dma_start3A_556 = arith.constant 0 : i32
    %dma_start3A_557 = arith.constant 0 : i32
    %dma_start3A_558 = tpu.memref_slice %arg4[%dma_start3A_556, %dma_start3A_557] : memref<100000x64xf32, #tpu.memory_space<hbm>> -> memref<100000x64xf32, #tpu.memory_space<hbm>>
    tpu.enqueue_indirect_dma source(%dma_start3A_558 : memref<100000x64xf32, #tpu.memory_space<hbm>>) target(%dma_start3A_553 : memref<128x64xf32, #tpu.memory_space<vmem>>) offsets(%dma_start3A_555 : memref<128xi32, #tpu.memory_space<vmem>>) semaphore(%arg9 : memref<!tpu.dma_semaphore, #tpu.memory_space<semaphore_mem>>)
    %dma_start3A_559 = arith.constant 1024 : i32
    %dma_start3A_560 = arith.constant 0 : i32
    %dma_start3A_561 = tpu.memref_slice %arg8[%dma_start3A_559, %dma_start3A_560] : memref<1280x64xf32, #tpu.memory_space<vmem>> -> memref<128x64xf32, #tpu.memory_space<vmem>>
    %dma_start3A_562 = arith.constant 1024 : i32
    %dma_start3A_563 = tpu.memref_slice %arg7[%dma_start3A_562] : memref<1280xi32, #tpu.memory_space<vmem>> -> memref<128xi32, #tpu.memory_space<vmem>>
    %dma_start3A_564 = arith.constant 0 : i32
    %dma_start3A_565 = arith.constant 0 : i32
    %dma_start3A_566 = tpu.memref_slice %arg4[%dma_start3A_564, %dma_start3A_565] : memref<100000x64xf32, #tpu.memory_space<hbm>> -> memref<100000x64xf32, #tpu.memory_space<hbm>>
    tpu.enqueue_indirect_dma source(%dma_start3A_566 : memref<100000x64xf32, #tpu.memory_space<hbm>>) target(%dma_start3A_561 : memref<128x64xf32, #tpu.memory_space<vmem>>) offsets(%dma_start3A_563 : memref<128xi32, #tpu.memory_space<vmem>>) semaphore(%arg9 : memref<!tpu.dma_semaphore, #tpu.memory_space<semaphore_mem>>)
    %dma_start3A_567 = arith.constant 1152 : i32
    %dma_start3A_568 = arith.constant 0 : i32
    %dma_start3A_569 = tpu.memref_slice %arg8[%dma_start3A_567, %dma_start3A_568] : memref<1280x64xf32, #tpu.memory_space<vmem>> -> memref<128x64xf32, #tpu.memory_space<vmem>>
    %dma_start3A_570 = arith.constant 1152 : i32
    %dma_start3A_571 = tpu.memref_slice %arg7[%dma_start3A_570] : memref<1280xi32, #tpu.memory_space<vmem>> -> memref<128xi32, #tpu.memory_space<vmem>>
    %dma_start3A_572 = arith.constant 0 : i32
    %dma_start3A_573 = arith.constant 0 : i32
    %dma_start3A_574 = tpu.memref_slice %arg4[%dma_start3A_572, %dma_start3A_573] : memref<100000x64xf32, #tpu.memory_space<hbm>> -> memref<100000x64xf32, #tpu.memory_space<hbm>>
    tpu.enqueue_indirect_dma source(%dma_start3A_574 : memref<100000x64xf32, #tpu.memory_space<hbm>>) target(%dma_start3A_569 : memref<128x64xf32, #tpu.memory_space<vmem>>) offsets(%dma_start3A_571 : memref<128xi32, #tpu.memory_space<vmem>>) semaphore(%arg9 : memref<!tpu.dma_semaphore, #tpu.memory_space<semaphore_mem>>)
    %dma_wait3A_575 = arith.constant 0 : i32
    %dma_wait3A_576 = arith.constant 0 : i32
    %dma_wait3A_577 = tpu.memref_slice %arg8[%dma_wait3A_575, %dma_wait3A_576] : memref<1280x64xf32, #tpu.memory_space<vmem>> -> memref<128x64xf32, #tpu.memory_space<vmem>>
    %dma_wait3A_578 = arith.constant 0 : i32
    %dma_wait3A_579 = tpu.memref_slice %arg7[%dma_wait3A_578] : memref<1280xi32, #tpu.memory_space<vmem>> -> memref<128xi32, #tpu.memory_space<vmem>>
    %dma_wait3A_580 = arith.constant 0 : i32
    %dma_wait3A_581 = arith.constant 0 : i32
    %dma_wait3A_582 = tpu.memref_slice %arg4[%dma_wait3A_580, %dma_wait3A_581] : memref<100000x64xf32, #tpu.memory_space<hbm>> -> memref<100000x64xf32, #tpu.memory_space<hbm>>
    tpu.wait_indirect_dma semaphore(%arg9 : memref<!tpu.dma_semaphore, #tpu.memory_space<semaphore_mem>>) src(%dma_wait3A_582 : memref<100000x64xf32, #tpu.memory_space<hbm>>) dst(%dma_wait3A_577 : memref<128x64xf32, #tpu.memory_space<vmem>>)
    %dma_wait3A_583 = arith.constant 128 : i32
    %dma_wait3A_584 = arith.constant 0 : i32
    %dma_wait3A_585 = tpu.memref_slice %arg8[%dma_wait3A_583, %dma_wait3A_584] : memref<1280x64xf32, #tpu.memory_space<vmem>> -> memref<128x64xf32, #tpu.memory_space<vmem>>
    %dma_wait3A_586 = arith.constant 128 : i32
    %dma_wait3A_587 = tpu.memref_slice %arg7[%dma_wait3A_586] : memref<1280xi32, #tpu.memory_space<vmem>> -> memref<128xi32, #tpu.memory_space<vmem>>
    %dma_wait3A_588 = arith.constant 0 : i32
    %dma_wait3A_589 = arith.constant 0 : i32
    %dma_wait3A_590 = tpu.memref_slice %arg4[%dma_wait3A_588, %dma_wait3A_589] : memref<100000x64xf32, #tpu.memory_space<hbm>> -> memref<100000x64xf32, #tpu.memory_space<hbm>>
    tpu.wait_indirect_dma semaphore(%arg9 : memref<!tpu.dma_semaphore, #tpu.memory_space<semaphore_mem>>) src(%dma_wait3A_590 : memref<100000x64xf32, #tpu.memory_space<hbm>>) dst(%dma_wait3A_585 : memref<128x64xf32, #tpu.memory_space<vmem>>)
    %dma_wait3A_591 = arith.constant 256 : i32
    %dma_wait3A_592 = arith.constant 0 : i32
    %dma_wait3A_593 = tpu.memref_slice %arg8[%dma_wait3A_591, %dma_wait3A_592] : memref<1280x64xf32, #tpu.memory_space<vmem>> -> memref<128x64xf32, #tpu.memory_space<vmem>>
    %dma_wait3A_594 = arith.constant 256 : i32
    %dma_wait3A_595 = tpu.memref_slice %arg7[%dma_wait3A_594] : memref<1280xi32, #tpu.memory_space<vmem>> -> memref<128xi32, #tpu.memory_space<vmem>>
    %dma_wait3A_596 = arith.constant 0 : i32
    %dma_wait3A_597 = arith.constant 0 : i32
    %dma_wait3A_598 = tpu.memref_slice %arg4[%dma_wait3A_596, %dma_wait3A_597] : memref<100000x64xf32, #tpu.memory_space<hbm>> -> memref<100000x64xf32, #tpu.memory_space<hbm>>
    tpu.wait_indirect_dma semaphore(%arg9 : memref<!tpu.dma_semaphore, #tpu.memory_space<semaphore_mem>>) src(%dma_wait3A_598 : memref<100000x64xf32, #tpu.memory_space<hbm>>) dst(%dma_wait3A_593 : memref<128x64xf32, #tpu.memory_space<vmem>>)
    %dma_wait3A_599 = arith.constant 384 : i32
    %dma_wait3A_600 = arith.constant 0 : i32
    %dma_wait3A_601 = tpu.memref_slice %arg8[%dma_wait3A_599, %dma_wait3A_600] : memref<1280x64xf32, #tpu.memory_space<vmem>> -> memref<128x64xf32, #tpu.memory_space<vmem>>
    %dma_wait3A_602 = arith.constant 384 : i32
    %dma_wait3A_603 = tpu.memref_slice %arg7[%dma_wait3A_602] : memref<1280xi32, #tpu.memory_space<vmem>> -> memref<128xi32, #tpu.memory_space<vmem>>
    %dma_wait3A_604 = arith.constant 0 : i32
    %dma_wait3A_605 = arith.constant 0 : i32
    %dma_wait3A_606 = tpu.memref_slice %arg4[%dma_wait3A_604, %dma_wait3A_605] : memref<100000x64xf32, #tpu.memory_space<hbm>> -> memref<100000x64xf32, #tpu.memory_space<hbm>>
    tpu.wait_indirect_dma semaphore(%arg9 : memref<!tpu.dma_semaphore, #tpu.memory_space<semaphore_mem>>) src(%dma_wait3A_606 : memref<100000x64xf32, #tpu.memory_space<hbm>>) dst(%dma_wait3A_601 : memref<128x64xf32, #tpu.memory_space<vmem>>)
    %dma_wait3A_607 = arith.constant 512 : i32
    %dma_wait3A_608 = arith.constant 0 : i32
    %dma_wait3A_609 = tpu.memref_slice %arg8[%dma_wait3A_607, %dma_wait3A_608] : memref<1280x64xf32, #tpu.memory_space<vmem>> -> memref<128x64xf32, #tpu.memory_space<vmem>>
    %dma_wait3A_610 = arith.constant 512 : i32
    %dma_wait3A_611 = tpu.memref_slice %arg7[%dma_wait3A_610] : memref<1280xi32, #tpu.memory_space<vmem>> -> memref<128xi32, #tpu.memory_space<vmem>>
    %dma_wait3A_612 = arith.constant 0 : i32
    %dma_wait3A_613 = arith.constant 0 : i32
    %dma_wait3A_614 = tpu.memref_slice %arg4[%dma_wait3A_612, %dma_wait3A_613] : memref<100000x64xf32, #tpu.memory_space<hbm>> -> memref<100000x64xf32, #tpu.memory_space<hbm>>
    tpu.wait_indirect_dma semaphore(%arg9 : memref<!tpu.dma_semaphore, #tpu.memory_space<semaphore_mem>>) src(%dma_wait3A_614 : memref<100000x64xf32, #tpu.memory_space<hbm>>) dst(%dma_wait3A_609 : memref<128x64xf32, #tpu.memory_space<vmem>>)
    %dma_wait3A_615 = arith.constant 640 : i32
    %dma_wait3A_616 = arith.constant 0 : i32
    %dma_wait3A_617 = tpu.memref_slice %arg8[%dma_wait3A_615, %dma_wait3A_616] : memref<1280x64xf32, #tpu.memory_space<vmem>> -> memref<128x64xf32, #tpu.memory_space<vmem>>
    %dma_wait3A_618 = arith.constant 640 : i32
    %dma_wait3A_619 = tpu.memref_slice %arg7[%dma_wait3A_618] : memref<1280xi32, #tpu.memory_space<vmem>> -> memref<128xi32, #tpu.memory_space<vmem>>
    %dma_wait3A_620 = arith.constant 0 : i32
    %dma_wait3A_621 = arith.constant 0 : i32
    %dma_wait3A_622 = tpu.memref_slice %arg4[%dma_wait3A_620, %dma_wait3A_621] : memref<100000x64xf32, #tpu.memory_space<hbm>> -> memref<100000x64xf32, #tpu.memory_space<hbm>>
    tpu.wait_indirect_dma semaphore(%arg9 : memref<!tpu.dma_semaphore, #tpu.memory_space<semaphore_mem>>) src(%dma_wait3A_622 : memref<100000x64xf32, #tpu.memory_space<hbm>>) dst(%dma_wait3A_617 : memref<128x64xf32, #tpu.memory_space<vmem>>)
    %dma_wait3A_623 = arith.constant 768 : i32
    %dma_wait3A_624 = arith.constant 0 : i32
    %dma_wait3A_625 = tpu.memref_slice %arg8[%dma_wait3A_623, %dma_wait3A_624] : memref<1280x64xf32, #tpu.memory_space<vmem>> -> memref<128x64xf32, #tpu.memory_space<vmem>>
    %dma_wait3A_626 = arith.constant 768 : i32
    %dma_wait3A_627 = tpu.memref_slice %arg7[%dma_wait3A_626] : memref<1280xi32, #tpu.memory_space<vmem>> -> memref<128xi32, #tpu.memory_space<vmem>>
    %dma_wait3A_628 = arith.constant 0 : i32
    %dma_wait3A_629 = arith.constant 0 : i32
    %dma_wait3A_630 = tpu.memref_slice %arg4[%dma_wait3A_628, %dma_wait3A_629] : memref<100000x64xf32, #tpu.memory_space<hbm>> -> memref<100000x64xf32, #tpu.memory_space<hbm>>
    tpu.wait_indirect_dma semaphore(%arg9 : memref<!tpu.dma_semaphore, #tpu.memory_space<semaphore_mem>>) src(%dma_wait3A_630 : memref<100000x64xf32, #tpu.memory_space<hbm>>) dst(%dma_wait3A_625 : memref<128x64xf32, #tpu.memory_space<vmem>>)
    %dma_wait3A_631 = arith.constant 896 : i32
    %dma_wait3A_632 = arith.constant 0 : i32
    %dma_wait3A_633 = tpu.memref_slice %arg8[%dma_wait3A_631, %dma_wait3A_632] : memref<1280x64xf32, #tpu.memory_space<vmem>> -> memref<128x64xf32, #tpu.memory_space<vmem>>
    %dma_wait3A_634 = arith.constant 896 : i32
    %dma_wait3A_635 = tpu.memref_slice %arg7[%dma_wait3A_634] : memref<1280xi32, #tpu.memory_space<vmem>> -> memref<128xi32, #tpu.memory_space<vmem>>
    %dma_wait3A_636 = arith.constant 0 : i32
    %dma_wait3A_637 = arith.constant 0 : i32
    %dma_wait3A_638 = tpu.memref_slice %arg4[%dma_wait3A_636, %dma_wait3A_637] : memref<100000x64xf32, #tpu.memory_space<hbm>> -> memref<100000x64xf32, #tpu.memory_space<hbm>>
    tpu.wait_indirect_dma semaphore(%arg9 : memref<!tpu.dma_semaphore, #tpu.memory_space<semaphore_mem>>) src(%dma_wait3A_638 : memref<100000x64xf32, #tpu.memory_space<hbm>>) dst(%dma_wait3A_633 : memref<128x64xf32, #tpu.memory_space<vmem>>)
    %dma_wait3A_639 = arith.constant 1024 : i32
    %dma_wait3A_640 = arith.constant 0 : i32
    %dma_wait3A_641 = tpu.memref_slice %arg8[%dma_wait3A_639, %dma_wait3A_640] : memref<1280x64xf32, #tpu.memory_space<vmem>> -> memref<128x64xf32, #tpu.memory_space<vmem>>
    %dma_wait3A_642 = arith.constant 1024 : i32
    %dma_wait3A_643 = tpu.memref_slice %arg7[%dma_wait3A_642] : memref<1280xi32, #tpu.memory_space<vmem>> -> memref<128xi32, #tpu.memory_space<vmem>>
    %dma_wait3A_644 = arith.constant 0 : i32
    %dma_wait3A_645 = arith.constant 0 : i32
    %dma_wait3A_646 = tpu.memref_slice %arg4[%dma_wait3A_644, %dma_wait3A_645] : memref<100000x64xf32, #tpu.memory_space<hbm>> -> memref<100000x64xf32, #tpu.memory_space<hbm>>
    tpu.wait_indirect_dma semaphore(%arg9 : memref<!tpu.dma_semaphore, #tpu.memory_space<semaphore_mem>>) src(%dma_wait3A_646 : memref<100000x64xf32, #tpu.memory_space<hbm>>) dst(%dma_wait3A_641 : memref<128x64xf32, #tpu.memory_space<vmem>>)
    %dma_wait3A_647 = arith.constant 1152 : i32
    %dma_wait3A_648 = arith.constant 0 : i32
    %dma_wait3A_649 = tpu.memref_slice %arg8[%dma_wait3A_647, %dma_wait3A_648] : memref<1280x64xf32, #tpu.memory_space<vmem>> -> memref<128x64xf32, #tpu.memory_space<vmem>>
    %dma_wait3A_650 = arith.constant 1152 : i32
    %dma_wait3A_651 = tpu.memref_slice %arg7[%dma_wait3A_650] : memref<1280xi32, #tpu.memory_space<vmem>> -> memref<128xi32, #tpu.memory_space<vmem>>
    %dma_wait3A_652 = arith.constant 0 : i32
    %dma_wait3A_653 = arith.constant 0 : i32
    %dma_wait3A_654 = tpu.memref_slice %arg4[%dma_wait3A_652, %dma_wait3A_653] : memref<100000x64xf32, #tpu.memory_space<hbm>> -> memref<100000x64xf32, #tpu.memory_space<hbm>>
    tpu.wait_indirect_dma semaphore(%arg9 : memref<!tpu.dma_semaphore, #tpu.memory_space<semaphore_mem>>) src(%dma_wait3A_654 : memref<100000x64xf32, #tpu.memory_space<hbm>>) dst(%dma_wait3A_649 : memref<128x64xf32, #tpu.memory_space<vmem>>)
    %add3A_655 = arith.constant 3840 : i32
    %add3A_656 = arith.addi %mul3A_2, %add3A_655 : i32
    "tpu.region"() ({
      %run_scoped3A = tpu.sem_alloc : memref<!tpu.dma_semaphore, #tpu.memory_space<semaphore_mem>>
      %dma_start3A_1643 = arith.constant 0 : i32
      %dma_start3A_1644 = tpu.memref_slice %arg6[%add3A_656, %dma_start3A_1643] : memref<409600x64xf32, #tpu.memory_space<hbm>> -> memref<1280x64xf32, #tpu.memory_space<hbm>>
      %dma_start3A_1645 = arith.constant 0 : i32
      %dma_start3A_1646 = tpu.memref_slice %arg6[%add3A_656, %dma_start3A_1645] : memref<409600x64xf32, #tpu.memory_space<hbm>> -> memref<1280x64xf32, #tpu.memory_space<hbm>>
      tpu.enqueue_dma source(%arg8 : memref<1280x64xf32, #tpu.memory_space<vmem>>) target(%dma_start3A_1646 : memref<1280x64xf32, #tpu.memory_space<hbm>>) target_semaphore(%run_scoped3A : memref<!tpu.dma_semaphore, #tpu.memory_space<semaphore_mem>>)
      %dma_wait3A_1647 = arith.constant 0 : i32
      %dma_wait3A_1648 = tpu.memref_slice %arg6[%add3A_656, %dma_wait3A_1647] : memref<409600x64xf32, #tpu.memory_space<hbm>> -> memref<1280x64xf32, #tpu.memory_space<hbm>>
      %dma_wait3A_1649 = arith.constant 0 : i32
      %dma_wait3A_1650 = tpu.memref_slice %arg6[%add3A_656, %dma_wait3A_1649] : memref<409600x64xf32, #tpu.memory_space<hbm>> -> memref<1280x64xf32, #tpu.memory_space<hbm>>
      tpu.wait_dma2 semaphore(%run_scoped3A : memref<!tpu.dma_semaphore, #tpu.memory_space<semaphore_mem>>) src(%arg8 : memref<1280x64xf32, #tpu.memory_space<vmem>>) dst(%dma_wait3A_1650 : memref<1280x64xf32, #tpu.memory_space<hbm>>)
      tpu.yield
    }) : () -> ()
    %add3A_657 = arith.constant 5120 : i32
    %add3A_658 = arith.addi %mul3A_2, %add3A_657 : i32
    "tpu.region"() ({
      %run_scoped3A = tpu.sem_alloc : memref<!tpu.dma_semaphore, #tpu.memory_space<semaphore_mem>>
      %dma_start3A_1643 = tpu.memref_slice %arg2[%add3A_658] : memref<204800xi32, #tpu.memory_space<hbm>> -> memref<1280xi32, #tpu.memory_space<hbm>>
      %dma_start3A_1644 = tpu.memref_slice %arg2[%add3A_658] : memref<204800xi32, #tpu.memory_space<hbm>> -> memref<1280xi32, #tpu.memory_space<hbm>>
      tpu.enqueue_dma source(%dma_start3A_1644 : memref<1280xi32, #tpu.memory_space<hbm>>) target(%arg7 : memref<1280xi32, #tpu.memory_space<vmem>>) target_semaphore(%run_scoped3A : memref<!tpu.dma_semaphore, #tpu.memory_space<semaphore_mem>>)
      %dma_wait3A_1645 = tpu.memref_slice %arg2[%add3A_658] : memref<204800xi32, #tpu.memory_space<hbm>> -> memref<1280xi32, #tpu.memory_space<hbm>>
      %dma_wait3A_1646 = tpu.memref_slice %arg2[%add3A_658] : memref<204800xi32, #tpu.memory_space<hbm>> -> memref<1280xi32, #tpu.memory_space<hbm>>
      tpu.wait_dma2 semaphore(%run_scoped3A : memref<!tpu.dma_semaphore, #tpu.memory_space<semaphore_mem>>) src(%dma_wait3A_1646 : memref<1280xi32, #tpu.memory_space<hbm>>) dst(%arg7 : memref<1280xi32, #tpu.memory_space<vmem>>)
      tpu.yield
    }) : () -> ()
    %dma_start3A_659 = arith.constant 0 : i32
    %dma_start3A_660 = arith.constant 0 : i32
    %dma_start3A_661 = tpu.memref_slice %arg8[%dma_start3A_659, %dma_start3A_660] : memref<1280x64xf32, #tpu.memory_space<vmem>> -> memref<128x64xf32, #tpu.memory_space<vmem>>
    %dma_start3A_662 = arith.constant 0 : i32
    %dma_start3A_663 = tpu.memref_slice %arg7[%dma_start3A_662] : memref<1280xi32, #tpu.memory_space<vmem>> -> memref<128xi32, #tpu.memory_space<vmem>>
    %dma_start3A_664 = arith.constant 0 : i32
    %dma_start3A_665 = arith.constant 0 : i32
    %dma_start3A_666 = tpu.memref_slice %arg4[%dma_start3A_664, %dma_start3A_665] : memref<100000x64xf32, #tpu.memory_space<hbm>> -> memref<100000x64xf32, #tpu.memory_space<hbm>>
    tpu.enqueue_indirect_dma source(%dma_start3A_666 : memref<100000x64xf32, #tpu.memory_space<hbm>>) target(%dma_start3A_661 : memref<128x64xf32, #tpu.memory_space<vmem>>) offsets(%dma_start3A_663 : memref<128xi32, #tpu.memory_space<vmem>>) semaphore(%arg9 : memref<!tpu.dma_semaphore, #tpu.memory_space<semaphore_mem>>)
    %dma_start3A_667 = arith.constant 128 : i32
    %dma_start3A_668 = arith.constant 0 : i32
    %dma_start3A_669 = tpu.memref_slice %arg8[%dma_start3A_667, %dma_start3A_668] : memref<1280x64xf32, #tpu.memory_space<vmem>> -> memref<128x64xf32, #tpu.memory_space<vmem>>
    %dma_start3A_670 = arith.constant 128 : i32
    %dma_start3A_671 = tpu.memref_slice %arg7[%dma_start3A_670] : memref<1280xi32, #tpu.memory_space<vmem>> -> memref<128xi32, #tpu.memory_space<vmem>>
    %dma_start3A_672 = arith.constant 0 : i32
    %dma_start3A_673 = arith.constant 0 : i32
    %dma_start3A_674 = tpu.memref_slice %arg4[%dma_start3A_672, %dma_start3A_673] : memref<100000x64xf32, #tpu.memory_space<hbm>> -> memref<100000x64xf32, #tpu.memory_space<hbm>>
    tpu.enqueue_indirect_dma source(%dma_start3A_674 : memref<100000x64xf32, #tpu.memory_space<hbm>>) target(%dma_start3A_669 : memref<128x64xf32, #tpu.memory_space<vmem>>) offsets(%dma_start3A_671 : memref<128xi32, #tpu.memory_space<vmem>>) semaphore(%arg9 : memref<!tpu.dma_semaphore, #tpu.memory_space<semaphore_mem>>)
    %dma_start3A_675 = arith.constant 256 : i32
    %dma_start3A_676 = arith.constant 0 : i32
    %dma_start3A_677 = tpu.memref_slice %arg8[%dma_start3A_675, %dma_start3A_676] : memref<1280x64xf32, #tpu.memory_space<vmem>> -> memref<128x64xf32, #tpu.memory_space<vmem>>
    %dma_start3A_678 = arith.constant 256 : i32
    %dma_start3A_679 = tpu.memref_slice %arg7[%dma_start3A_678] : memref<1280xi32, #tpu.memory_space<vmem>> -> memref<128xi32, #tpu.memory_space<vmem>>
    %dma_start3A_680 = arith.constant 0 : i32
    %dma_start3A_681 = arith.constant 0 : i32
    %dma_start3A_682 = tpu.memref_slice %arg4[%dma_start3A_680, %dma_start3A_681] : memref<100000x64xf32, #tpu.memory_space<hbm>> -> memref<100000x64xf32, #tpu.memory_space<hbm>>
    tpu.enqueue_indirect_dma source(%dma_start3A_682 : memref<100000x64xf32, #tpu.memory_space<hbm>>) target(%dma_start3A_677 : memref<128x64xf32, #tpu.memory_space<vmem>>) offsets(%dma_start3A_679 : memref<128xi32, #tpu.memory_space<vmem>>) semaphore(%arg9 : memref<!tpu.dma_semaphore, #tpu.memory_space<semaphore_mem>>)
    %dma_start3A_683 = arith.constant 384 : i32
    %dma_start3A_684 = arith.constant 0 : i32
    %dma_start3A_685 = tpu.memref_slice %arg8[%dma_start3A_683, %dma_start3A_684] : memref<1280x64xf32, #tpu.memory_space<vmem>> -> memref<128x64xf32, #tpu.memory_space<vmem>>
    %dma_start3A_686 = arith.constant 384 : i32
    %dma_start3A_687 = tpu.memref_slice %arg7[%dma_start3A_686] : memref<1280xi32, #tpu.memory_space<vmem>> -> memref<128xi32, #tpu.memory_space<vmem>>
    %dma_start3A_688 = arith.constant 0 : i32
    %dma_start3A_689 = arith.constant 0 : i32
    %dma_start3A_690 = tpu.memref_slice %arg4[%dma_start3A_688, %dma_start3A_689] : memref<100000x64xf32, #tpu.memory_space<hbm>> -> memref<100000x64xf32, #tpu.memory_space<hbm>>
    tpu.enqueue_indirect_dma source(%dma_start3A_690 : memref<100000x64xf32, #tpu.memory_space<hbm>>) target(%dma_start3A_685 : memref<128x64xf32, #tpu.memory_space<vmem>>) offsets(%dma_start3A_687 : memref<128xi32, #tpu.memory_space<vmem>>) semaphore(%arg9 : memref<!tpu.dma_semaphore, #tpu.memory_space<semaphore_mem>>)
    %dma_start3A_691 = arith.constant 512 : i32
    %dma_start3A_692 = arith.constant 0 : i32
    %dma_start3A_693 = tpu.memref_slice %arg8[%dma_start3A_691, %dma_start3A_692] : memref<1280x64xf32, #tpu.memory_space<vmem>> -> memref<128x64xf32, #tpu.memory_space<vmem>>
    %dma_start3A_694 = arith.constant 512 : i32
    %dma_start3A_695 = tpu.memref_slice %arg7[%dma_start3A_694] : memref<1280xi32, #tpu.memory_space<vmem>> -> memref<128xi32, #tpu.memory_space<vmem>>
    %dma_start3A_696 = arith.constant 0 : i32
    %dma_start3A_697 = arith.constant 0 : i32
    %dma_start3A_698 = tpu.memref_slice %arg4[%dma_start3A_696, %dma_start3A_697] : memref<100000x64xf32, #tpu.memory_space<hbm>> -> memref<100000x64xf32, #tpu.memory_space<hbm>>
    tpu.enqueue_indirect_dma source(%dma_start3A_698 : memref<100000x64xf32, #tpu.memory_space<hbm>>) target(%dma_start3A_693 : memref<128x64xf32, #tpu.memory_space<vmem>>) offsets(%dma_start3A_695 : memref<128xi32, #tpu.memory_space<vmem>>) semaphore(%arg9 : memref<!tpu.dma_semaphore, #tpu.memory_space<semaphore_mem>>)
    %dma_start3A_699 = arith.constant 640 : i32
    %dma_start3A_700 = arith.constant 0 : i32
    %dma_start3A_701 = tpu.memref_slice %arg8[%dma_start3A_699, %dma_start3A_700] : memref<1280x64xf32, #tpu.memory_space<vmem>> -> memref<128x64xf32, #tpu.memory_space<vmem>>
    %dma_start3A_702 = arith.constant 640 : i32
    %dma_start3A_703 = tpu.memref_slice %arg7[%dma_start3A_702] : memref<1280xi32, #tpu.memory_space<vmem>> -> memref<128xi32, #tpu.memory_space<vmem>>
    %dma_start3A_704 = arith.constant 0 : i32
    %dma_start3A_705 = arith.constant 0 : i32
    %dma_start3A_706 = tpu.memref_slice %arg4[%dma_start3A_704, %dma_start3A_705] : memref<100000x64xf32, #tpu.memory_space<hbm>> -> memref<100000x64xf32, #tpu.memory_space<hbm>>
    tpu.enqueue_indirect_dma source(%dma_start3A_706 : memref<100000x64xf32, #tpu.memory_space<hbm>>) target(%dma_start3A_701 : memref<128x64xf32, #tpu.memory_space<vmem>>) offsets(%dma_start3A_703 : memref<128xi32, #tpu.memory_space<vmem>>) semaphore(%arg9 : memref<!tpu.dma_semaphore, #tpu.memory_space<semaphore_mem>>)
    %dma_start3A_707 = arith.constant 768 : i32
    %dma_start3A_708 = arith.constant 0 : i32
    %dma_start3A_709 = tpu.memref_slice %arg8[%dma_start3A_707, %dma_start3A_708] : memref<1280x64xf32, #tpu.memory_space<vmem>> -> memref<128x64xf32, #tpu.memory_space<vmem>>
    %dma_start3A_710 = arith.constant 768 : i32
    %dma_start3A_711 = tpu.memref_slice %arg7[%dma_start3A_710] : memref<1280xi32, #tpu.memory_space<vmem>> -> memref<128xi32, #tpu.memory_space<vmem>>
    %dma_start3A_712 = arith.constant 0 : i32
    %dma_start3A_713 = arith.constant 0 : i32
    %dma_start3A_714 = tpu.memref_slice %arg4[%dma_start3A_712, %dma_start3A_713] : memref<100000x64xf32, #tpu.memory_space<hbm>> -> memref<100000x64xf32, #tpu.memory_space<hbm>>
    tpu.enqueue_indirect_dma source(%dma_start3A_714 : memref<100000x64xf32, #tpu.memory_space<hbm>>) target(%dma_start3A_709 : memref<128x64xf32, #tpu.memory_space<vmem>>) offsets(%dma_start3A_711 : memref<128xi32, #tpu.memory_space<vmem>>) semaphore(%arg9 : memref<!tpu.dma_semaphore, #tpu.memory_space<semaphore_mem>>)
    %dma_start3A_715 = arith.constant 896 : i32
    %dma_start3A_716 = arith.constant 0 : i32
    %dma_start3A_717 = tpu.memref_slice %arg8[%dma_start3A_715, %dma_start3A_716] : memref<1280x64xf32, #tpu.memory_space<vmem>> -> memref<128x64xf32, #tpu.memory_space<vmem>>
    %dma_start3A_718 = arith.constant 896 : i32
    %dma_start3A_719 = tpu.memref_slice %arg7[%dma_start3A_718] : memref<1280xi32, #tpu.memory_space<vmem>> -> memref<128xi32, #tpu.memory_space<vmem>>
    %dma_start3A_720 = arith.constant 0 : i32
    %dma_start3A_721 = arith.constant 0 : i32
    %dma_start3A_722 = tpu.memref_slice %arg4[%dma_start3A_720, %dma_start3A_721] : memref<100000x64xf32, #tpu.memory_space<hbm>> -> memref<100000x64xf32, #tpu.memory_space<hbm>>
    tpu.enqueue_indirect_dma source(%dma_start3A_722 : memref<100000x64xf32, #tpu.memory_space<hbm>>) target(%dma_start3A_717 : memref<128x64xf32, #tpu.memory_space<vmem>>) offsets(%dma_start3A_719 : memref<128xi32, #tpu.memory_space<vmem>>) semaphore(%arg9 : memref<!tpu.dma_semaphore, #tpu.memory_space<semaphore_mem>>)
    %dma_start3A_723 = arith.constant 1024 : i32
    %dma_start3A_724 = arith.constant 0 : i32
    %dma_start3A_725 = tpu.memref_slice %arg8[%dma_start3A_723, %dma_start3A_724] : memref<1280x64xf32, #tpu.memory_space<vmem>> -> memref<128x64xf32, #tpu.memory_space<vmem>>
    %dma_start3A_726 = arith.constant 1024 : i32
    %dma_start3A_727 = tpu.memref_slice %arg7[%dma_start3A_726] : memref<1280xi32, #tpu.memory_space<vmem>> -> memref<128xi32, #tpu.memory_space<vmem>>
    %dma_start3A_728 = arith.constant 0 : i32
    %dma_start3A_729 = arith.constant 0 : i32
    %dma_start3A_730 = tpu.memref_slice %arg4[%dma_start3A_728, %dma_start3A_729] : memref<100000x64xf32, #tpu.memory_space<hbm>> -> memref<100000x64xf32, #tpu.memory_space<hbm>>
    tpu.enqueue_indirect_dma source(%dma_start3A_730 : memref<100000x64xf32, #tpu.memory_space<hbm>>) target(%dma_start3A_725 : memref<128x64xf32, #tpu.memory_space<vmem>>) offsets(%dma_start3A_727 : memref<128xi32, #tpu.memory_space<vmem>>) semaphore(%arg9 : memref<!tpu.dma_semaphore, #tpu.memory_space<semaphore_mem>>)
    %dma_start3A_731 = arith.constant 1152 : i32
    %dma_start3A_732 = arith.constant 0 : i32
    %dma_start3A_733 = tpu.memref_slice %arg8[%dma_start3A_731, %dma_start3A_732] : memref<1280x64xf32, #tpu.memory_space<vmem>> -> memref<128x64xf32, #tpu.memory_space<vmem>>
    %dma_start3A_734 = arith.constant 1152 : i32
    %dma_start3A_735 = tpu.memref_slice %arg7[%dma_start3A_734] : memref<1280xi32, #tpu.memory_space<vmem>> -> memref<128xi32, #tpu.memory_space<vmem>>
    %dma_start3A_736 = arith.constant 0 : i32
    %dma_start3A_737 = arith.constant 0 : i32
    %dma_start3A_738 = tpu.memref_slice %arg4[%dma_start3A_736, %dma_start3A_737] : memref<100000x64xf32, #tpu.memory_space<hbm>> -> memref<100000x64xf32, #tpu.memory_space<hbm>>
    tpu.enqueue_indirect_dma source(%dma_start3A_738 : memref<100000x64xf32, #tpu.memory_space<hbm>>) target(%dma_start3A_733 : memref<128x64xf32, #tpu.memory_space<vmem>>) offsets(%dma_start3A_735 : memref<128xi32, #tpu.memory_space<vmem>>) semaphore(%arg9 : memref<!tpu.dma_semaphore, #tpu.memory_space<semaphore_mem>>)
    %dma_wait3A_739 = arith.constant 0 : i32
    %dma_wait3A_740 = arith.constant 0 : i32
    %dma_wait3A_741 = tpu.memref_slice %arg8[%dma_wait3A_739, %dma_wait3A_740] : memref<1280x64xf32, #tpu.memory_space<vmem>> -> memref<128x64xf32, #tpu.memory_space<vmem>>
    %dma_wait3A_742 = arith.constant 0 : i32
    %dma_wait3A_743 = tpu.memref_slice %arg7[%dma_wait3A_742] : memref<1280xi32, #tpu.memory_space<vmem>> -> memref<128xi32, #tpu.memory_space<vmem>>
    %dma_wait3A_744 = arith.constant 0 : i32
    %dma_wait3A_745 = arith.constant 0 : i32
    %dma_wait3A_746 = tpu.memref_slice %arg4[%dma_wait3A_744, %dma_wait3A_745] : memref<100000x64xf32, #tpu.memory_space<hbm>> -> memref<100000x64xf32, #tpu.memory_space<hbm>>
    tpu.wait_indirect_dma semaphore(%arg9 : memref<!tpu.dma_semaphore, #tpu.memory_space<semaphore_mem>>) src(%dma_wait3A_746 : memref<100000x64xf32, #tpu.memory_space<hbm>>) dst(%dma_wait3A_741 : memref<128x64xf32, #tpu.memory_space<vmem>>)
    %dma_wait3A_747 = arith.constant 128 : i32
    %dma_wait3A_748 = arith.constant 0 : i32
    %dma_wait3A_749 = tpu.memref_slice %arg8[%dma_wait3A_747, %dma_wait3A_748] : memref<1280x64xf32, #tpu.memory_space<vmem>> -> memref<128x64xf32, #tpu.memory_space<vmem>>
    %dma_wait3A_750 = arith.constant 128 : i32
    %dma_wait3A_751 = tpu.memref_slice %arg7[%dma_wait3A_750] : memref<1280xi32, #tpu.memory_space<vmem>> -> memref<128xi32, #tpu.memory_space<vmem>>
    %dma_wait3A_752 = arith.constant 0 : i32
    %dma_wait3A_753 = arith.constant 0 : i32
    %dma_wait3A_754 = tpu.memref_slice %arg4[%dma_wait3A_752, %dma_wait3A_753] : memref<100000x64xf32, #tpu.memory_space<hbm>> -> memref<100000x64xf32, #tpu.memory_space<hbm>>
    tpu.wait_indirect_dma semaphore(%arg9 : memref<!tpu.dma_semaphore, #tpu.memory_space<semaphore_mem>>) src(%dma_wait3A_754 : memref<100000x64xf32, #tpu.memory_space<hbm>>) dst(%dma_wait3A_749 : memref<128x64xf32, #tpu.memory_space<vmem>>)
    %dma_wait3A_755 = arith.constant 256 : i32
    %dma_wait3A_756 = arith.constant 0 : i32
    %dma_wait3A_757 = tpu.memref_slice %arg8[%dma_wait3A_755, %dma_wait3A_756] : memref<1280x64xf32, #tpu.memory_space<vmem>> -> memref<128x64xf32, #tpu.memory_space<vmem>>
    %dma_wait3A_758 = arith.constant 256 : i32
    %dma_wait3A_759 = tpu.memref_slice %arg7[%dma_wait3A_758] : memref<1280xi32, #tpu.memory_space<vmem>> -> memref<128xi32, #tpu.memory_space<vmem>>
    %dma_wait3A_760 = arith.constant 0 : i32
    %dma_wait3A_761 = arith.constant 0 : i32
    %dma_wait3A_762 = tpu.memref_slice %arg4[%dma_wait3A_760, %dma_wait3A_761] : memref<100000x64xf32, #tpu.memory_space<hbm>> -> memref<100000x64xf32, #tpu.memory_space<hbm>>
    tpu.wait_indirect_dma semaphore(%arg9 : memref<!tpu.dma_semaphore, #tpu.memory_space<semaphore_mem>>) src(%dma_wait3A_762 : memref<100000x64xf32, #tpu.memory_space<hbm>>) dst(%dma_wait3A_757 : memref<128x64xf32, #tpu.memory_space<vmem>>)
    %dma_wait3A_763 = arith.constant 384 : i32
    %dma_wait3A_764 = arith.constant 0 : i32
    %dma_wait3A_765 = tpu.memref_slice %arg8[%dma_wait3A_763, %dma_wait3A_764] : memref<1280x64xf32, #tpu.memory_space<vmem>> -> memref<128x64xf32, #tpu.memory_space<vmem>>
    %dma_wait3A_766 = arith.constant 384 : i32
    %dma_wait3A_767 = tpu.memref_slice %arg7[%dma_wait3A_766] : memref<1280xi32, #tpu.memory_space<vmem>> -> memref<128xi32, #tpu.memory_space<vmem>>
    %dma_wait3A_768 = arith.constant 0 : i32
    %dma_wait3A_769 = arith.constant 0 : i32
    %dma_wait3A_770 = tpu.memref_slice %arg4[%dma_wait3A_768, %dma_wait3A_769] : memref<100000x64xf32, #tpu.memory_space<hbm>> -> memref<100000x64xf32, #tpu.memory_space<hbm>>
    tpu.wait_indirect_dma semaphore(%arg9 : memref<!tpu.dma_semaphore, #tpu.memory_space<semaphore_mem>>) src(%dma_wait3A_770 : memref<100000x64xf32, #tpu.memory_space<hbm>>) dst(%dma_wait3A_765 : memref<128x64xf32, #tpu.memory_space<vmem>>)
    %dma_wait3A_771 = arith.constant 512 : i32
    %dma_wait3A_772 = arith.constant 0 : i32
    %dma_wait3A_773 = tpu.memref_slice %arg8[%dma_wait3A_771, %dma_wait3A_772] : memref<1280x64xf32, #tpu.memory_space<vmem>> -> memref<128x64xf32, #tpu.memory_space<vmem>>
    %dma_wait3A_774 = arith.constant 512 : i32
    %dma_wait3A_775 = tpu.memref_slice %arg7[%dma_wait3A_774] : memref<1280xi32, #tpu.memory_space<vmem>> -> memref<128xi32, #tpu.memory_space<vmem>>
    %dma_wait3A_776 = arith.constant 0 : i32
    %dma_wait3A_777 = arith.constant 0 : i32
    %dma_wait3A_778 = tpu.memref_slice %arg4[%dma_wait3A_776, %dma_wait3A_777] : memref<100000x64xf32, #tpu.memory_space<hbm>> -> memref<100000x64xf32, #tpu.memory_space<hbm>>
    tpu.wait_indirect_dma semaphore(%arg9 : memref<!tpu.dma_semaphore, #tpu.memory_space<semaphore_mem>>) src(%dma_wait3A_778 : memref<100000x64xf32, #tpu.memory_space<hbm>>) dst(%dma_wait3A_773 : memref<128x64xf32, #tpu.memory_space<vmem>>)
    %dma_wait3A_779 = arith.constant 640 : i32
    %dma_wait3A_780 = arith.constant 0 : i32
    %dma_wait3A_781 = tpu.memref_slice %arg8[%dma_wait3A_779, %dma_wait3A_780] : memref<1280x64xf32, #tpu.memory_space<vmem>> -> memref<128x64xf32, #tpu.memory_space<vmem>>
    %dma_wait3A_782 = arith.constant 640 : i32
    %dma_wait3A_783 = tpu.memref_slice %arg7[%dma_wait3A_782] : memref<1280xi32, #tpu.memory_space<vmem>> -> memref<128xi32, #tpu.memory_space<vmem>>
    %dma_wait3A_784 = arith.constant 0 : i32
    %dma_wait3A_785 = arith.constant 0 : i32
    %dma_wait3A_786 = tpu.memref_slice %arg4[%dma_wait3A_784, %dma_wait3A_785] : memref<100000x64xf32, #tpu.memory_space<hbm>> -> memref<100000x64xf32, #tpu.memory_space<hbm>>
    tpu.wait_indirect_dma semaphore(%arg9 : memref<!tpu.dma_semaphore, #tpu.memory_space<semaphore_mem>>) src(%dma_wait3A_786 : memref<100000x64xf32, #tpu.memory_space<hbm>>) dst(%dma_wait3A_781 : memref<128x64xf32, #tpu.memory_space<vmem>>)
    %dma_wait3A_787 = arith.constant 768 : i32
    %dma_wait3A_788 = arith.constant 0 : i32
    %dma_wait3A_789 = tpu.memref_slice %arg8[%dma_wait3A_787, %dma_wait3A_788] : memref<1280x64xf32, #tpu.memory_space<vmem>> -> memref<128x64xf32, #tpu.memory_space<vmem>>
    %dma_wait3A_790 = arith.constant 768 : i32
    %dma_wait3A_791 = tpu.memref_slice %arg7[%dma_wait3A_790] : memref<1280xi32, #tpu.memory_space<vmem>> -> memref<128xi32, #tpu.memory_space<vmem>>
    %dma_wait3A_792 = arith.constant 0 : i32
    %dma_wait3A_793 = arith.constant 0 : i32
    %dma_wait3A_794 = tpu.memref_slice %arg4[%dma_wait3A_792, %dma_wait3A_793] : memref<100000x64xf32, #tpu.memory_space<hbm>> -> memref<100000x64xf32, #tpu.memory_space<hbm>>
    tpu.wait_indirect_dma semaphore(%arg9 : memref<!tpu.dma_semaphore, #tpu.memory_space<semaphore_mem>>) src(%dma_wait3A_794 : memref<100000x64xf32, #tpu.memory_space<hbm>>) dst(%dma_wait3A_789 : memref<128x64xf32, #tpu.memory_space<vmem>>)
    %dma_wait3A_795 = arith.constant 896 : i32
    %dma_wait3A_796 = arith.constant 0 : i32
    %dma_wait3A_797 = tpu.memref_slice %arg8[%dma_wait3A_795, %dma_wait3A_796] : memref<1280x64xf32, #tpu.memory_space<vmem>> -> memref<128x64xf32, #tpu.memory_space<vmem>>
    %dma_wait3A_798 = arith.constant 896 : i32
    %dma_wait3A_799 = tpu.memref_slice %arg7[%dma_wait3A_798] : memref<1280xi32, #tpu.memory_space<vmem>> -> memref<128xi32, #tpu.memory_space<vmem>>
    %dma_wait3A_800 = arith.constant 0 : i32
    %dma_wait3A_801 = arith.constant 0 : i32
    %dma_wait3A_802 = tpu.memref_slice %arg4[%dma_wait3A_800, %dma_wait3A_801] : memref<100000x64xf32, #tpu.memory_space<hbm>> -> memref<100000x64xf32, #tpu.memory_space<hbm>>
    tpu.wait_indirect_dma semaphore(%arg9 : memref<!tpu.dma_semaphore, #tpu.memory_space<semaphore_mem>>) src(%dma_wait3A_802 : memref<100000x64xf32, #tpu.memory_space<hbm>>) dst(%dma_wait3A_797 : memref<128x64xf32, #tpu.memory_space<vmem>>)
    %dma_wait3A_803 = arith.constant 1024 : i32
    %dma_wait3A_804 = arith.constant 0 : i32
    %dma_wait3A_805 = tpu.memref_slice %arg8[%dma_wait3A_803, %dma_wait3A_804] : memref<1280x64xf32, #tpu.memory_space<vmem>> -> memref<128x64xf32, #tpu.memory_space<vmem>>
    %dma_wait3A_806 = arith.constant 1024 : i32
    %dma_wait3A_807 = tpu.memref_slice %arg7[%dma_wait3A_806] : memref<1280xi32, #tpu.memory_space<vmem>> -> memref<128xi32, #tpu.memory_space<vmem>>
    %dma_wait3A_808 = arith.constant 0 : i32
    %dma_wait3A_809 = arith.constant 0 : i32
    %dma_wait3A_810 = tpu.memref_slice %arg4[%dma_wait3A_808, %dma_wait3A_809] : memref<100000x64xf32, #tpu.memory_space<hbm>> -> memref<100000x64xf32, #tpu.memory_space<hbm>>
    tpu.wait_indirect_dma semaphore(%arg9 : memref<!tpu.dma_semaphore, #tpu.memory_space<semaphore_mem>>) src(%dma_wait3A_810 : memref<100000x64xf32, #tpu.memory_space<hbm>>) dst(%dma_wait3A_805 : memref<128x64xf32, #tpu.memory_space<vmem>>)
    %dma_wait3A_811 = arith.constant 1152 : i32
    %dma_wait3A_812 = arith.constant 0 : i32
    %dma_wait3A_813 = tpu.memref_slice %arg8[%dma_wait3A_811, %dma_wait3A_812] : memref<1280x64xf32, #tpu.memory_space<vmem>> -> memref<128x64xf32, #tpu.memory_space<vmem>>
    %dma_wait3A_814 = arith.constant 1152 : i32
    %dma_wait3A_815 = tpu.memref_slice %arg7[%dma_wait3A_814] : memref<1280xi32, #tpu.memory_space<vmem>> -> memref<128xi32, #tpu.memory_space<vmem>>
    %dma_wait3A_816 = arith.constant 0 : i32
    %dma_wait3A_817 = arith.constant 0 : i32
    %dma_wait3A_818 = tpu.memref_slice %arg4[%dma_wait3A_816, %dma_wait3A_817] : memref<100000x64xf32, #tpu.memory_space<hbm>> -> memref<100000x64xf32, #tpu.memory_space<hbm>>
    tpu.wait_indirect_dma semaphore(%arg9 : memref<!tpu.dma_semaphore, #tpu.memory_space<semaphore_mem>>) src(%dma_wait3A_818 : memref<100000x64xf32, #tpu.memory_space<hbm>>) dst(%dma_wait3A_813 : memref<128x64xf32, #tpu.memory_space<vmem>>)
    %add3A_819 = arith.constant 5120 : i32
    %add3A_820 = arith.addi %mul3A_2, %add3A_819 : i32
    "tpu.region"() ({
      %run_scoped3A = tpu.sem_alloc : memref<!tpu.dma_semaphore, #tpu.memory_space<semaphore_mem>>
      %dma_start3A_1643 = arith.constant 0 : i32
      %dma_start3A_1644 = tpu.memref_slice %arg6[%add3A_820, %dma_start3A_1643] : memref<409600x64xf32, #tpu.memory_space<hbm>> -> memref<1280x64xf32, #tpu.memory_space<hbm>>
      %dma_start3A_1645 = arith.constant 0 : i32
      %dma_start3A_1646 = tpu.memref_slice %arg6[%add3A_820, %dma_start3A_1645] : memref<409600x64xf32, #tpu.memory_space<hbm>> -> memref<1280x64xf32, #tpu.memory_space<hbm>>
      tpu.enqueue_dma source(%arg8 : memref<1280x64xf32, #tpu.memory_space<vmem>>) target(%dma_start3A_1646 : memref<1280x64xf32, #tpu.memory_space<hbm>>) target_semaphore(%run_scoped3A : memref<!tpu.dma_semaphore, #tpu.memory_space<semaphore_mem>>)
      %dma_wait3A_1647 = arith.constant 0 : i32
      %dma_wait3A_1648 = tpu.memref_slice %arg6[%add3A_820, %dma_wait3A_1647] : memref<409600x64xf32, #tpu.memory_space<hbm>> -> memref<1280x64xf32, #tpu.memory_space<hbm>>
      %dma_wait3A_1649 = arith.constant 0 : i32
      %dma_wait3A_1650 = tpu.memref_slice %arg6[%add3A_820, %dma_wait3A_1649] : memref<409600x64xf32, #tpu.memory_space<hbm>> -> memref<1280x64xf32, #tpu.memory_space<hbm>>
      tpu.wait_dma2 semaphore(%run_scoped3A : memref<!tpu.dma_semaphore, #tpu.memory_space<semaphore_mem>>) src(%arg8 : memref<1280x64xf32, #tpu.memory_space<vmem>>) dst(%dma_wait3A_1650 : memref<1280x64xf32, #tpu.memory_space<hbm>>)
      tpu.yield
    }) : () -> ()
    %add3A_821 = arith.constant 204800 : i32
    %add3A_822 = arith.addi %add3A_821, %mul3A_2 : i32
    %add3A_823 = arith.constant 0 : i32
    %add3A_824 = arith.addi %mul3A_2, %add3A_823 : i32
    "tpu.region"() ({
      %run_scoped3A = tpu.sem_alloc : memref<!tpu.dma_semaphore, #tpu.memory_space<semaphore_mem>>
      %dma_start3A_1643 = tpu.memref_slice %arg3[%add3A_824] : memref<204800xi32, #tpu.memory_space<hbm>> -> memref<1280xi32, #tpu.memory_space<hbm>>
      %dma_start3A_1644 = tpu.memref_slice %arg3[%add3A_824] : memref<204800xi32, #tpu.memory_space<hbm>> -> memref<1280xi32, #tpu.memory_space<hbm>>
      tpu.enqueue_dma source(%dma_start3A_1644 : memref<1280xi32, #tpu.memory_space<hbm>>) target(%arg7 : memref<1280xi32, #tpu.memory_space<vmem>>) target_semaphore(%run_scoped3A : memref<!tpu.dma_semaphore, #tpu.memory_space<semaphore_mem>>)
      %dma_wait3A_1645 = tpu.memref_slice %arg3[%add3A_824] : memref<204800xi32, #tpu.memory_space<hbm>> -> memref<1280xi32, #tpu.memory_space<hbm>>
      %dma_wait3A_1646 = tpu.memref_slice %arg3[%add3A_824] : memref<204800xi32, #tpu.memory_space<hbm>> -> memref<1280xi32, #tpu.memory_space<hbm>>
      tpu.wait_dma2 semaphore(%run_scoped3A : memref<!tpu.dma_semaphore, #tpu.memory_space<semaphore_mem>>) src(%dma_wait3A_1646 : memref<1280xi32, #tpu.memory_space<hbm>>) dst(%arg7 : memref<1280xi32, #tpu.memory_space<vmem>>)
      tpu.yield
    }) : () -> ()
    %dma_start3A_825 = arith.constant 0 : i32
    %dma_start3A_826 = arith.constant 0 : i32
    %dma_start3A_827 = tpu.memref_slice %arg8[%dma_start3A_825, %dma_start3A_826] : memref<1280x64xf32, #tpu.memory_space<vmem>> -> memref<128x64xf32, #tpu.memory_space<vmem>>
    %dma_start3A_828 = arith.constant 0 : i32
    %dma_start3A_829 = tpu.memref_slice %arg7[%dma_start3A_828] : memref<1280xi32, #tpu.memory_space<vmem>> -> memref<128xi32, #tpu.memory_space<vmem>>
    %dma_start3A_830 = arith.constant 0 : i32
    %dma_start3A_831 = arith.constant 0 : i32
    %dma_start3A_832 = tpu.memref_slice %arg5[%dma_start3A_830, %dma_start3A_831] : memref<100000x64xf32, #tpu.memory_space<hbm>> -> memref<100000x64xf32, #tpu.memory_space<hbm>>
    tpu.enqueue_indirect_dma source(%dma_start3A_832 : memref<100000x64xf32, #tpu.memory_space<hbm>>) target(%dma_start3A_827 : memref<128x64xf32, #tpu.memory_space<vmem>>) offsets(%dma_start3A_829 : memref<128xi32, #tpu.memory_space<vmem>>) semaphore(%arg9 : memref<!tpu.dma_semaphore, #tpu.memory_space<semaphore_mem>>)
    %dma_start3A_833 = arith.constant 128 : i32
    %dma_start3A_834 = arith.constant 0 : i32
    %dma_start3A_835 = tpu.memref_slice %arg8[%dma_start3A_833, %dma_start3A_834] : memref<1280x64xf32, #tpu.memory_space<vmem>> -> memref<128x64xf32, #tpu.memory_space<vmem>>
    %dma_start3A_836 = arith.constant 128 : i32
    %dma_start3A_837 = tpu.memref_slice %arg7[%dma_start3A_836] : memref<1280xi32, #tpu.memory_space<vmem>> -> memref<128xi32, #tpu.memory_space<vmem>>
    %dma_start3A_838 = arith.constant 0 : i32
    %dma_start3A_839 = arith.constant 0 : i32
    %dma_start3A_840 = tpu.memref_slice %arg5[%dma_start3A_838, %dma_start3A_839] : memref<100000x64xf32, #tpu.memory_space<hbm>> -> memref<100000x64xf32, #tpu.memory_space<hbm>>
    tpu.enqueue_indirect_dma source(%dma_start3A_840 : memref<100000x64xf32, #tpu.memory_space<hbm>>) target(%dma_start3A_835 : memref<128x64xf32, #tpu.memory_space<vmem>>) offsets(%dma_start3A_837 : memref<128xi32, #tpu.memory_space<vmem>>) semaphore(%arg9 : memref<!tpu.dma_semaphore, #tpu.memory_space<semaphore_mem>>)
    %dma_start3A_841 = arith.constant 256 : i32
    %dma_start3A_842 = arith.constant 0 : i32
    %dma_start3A_843 = tpu.memref_slice %arg8[%dma_start3A_841, %dma_start3A_842] : memref<1280x64xf32, #tpu.memory_space<vmem>> -> memref<128x64xf32, #tpu.memory_space<vmem>>
    %dma_start3A_844 = arith.constant 256 : i32
    %dma_start3A_845 = tpu.memref_slice %arg7[%dma_start3A_844] : memref<1280xi32, #tpu.memory_space<vmem>> -> memref<128xi32, #tpu.memory_space<vmem>>
    %dma_start3A_846 = arith.constant 0 : i32
    %dma_start3A_847 = arith.constant 0 : i32
    %dma_start3A_848 = tpu.memref_slice %arg5[%dma_start3A_846, %dma_start3A_847] : memref<100000x64xf32, #tpu.memory_space<hbm>> -> memref<100000x64xf32, #tpu.memory_space<hbm>>
    tpu.enqueue_indirect_dma source(%dma_start3A_848 : memref<100000x64xf32, #tpu.memory_space<hbm>>) target(%dma_start3A_843 : memref<128x64xf32, #tpu.memory_space<vmem>>) offsets(%dma_start3A_845 : memref<128xi32, #tpu.memory_space<vmem>>) semaphore(%arg9 : memref<!tpu.dma_semaphore, #tpu.memory_space<semaphore_mem>>)
    %dma_start3A_849 = arith.constant 384 : i32
    %dma_start3A_850 = arith.constant 0 : i32
    %dma_start3A_851 = tpu.memref_slice %arg8[%dma_start3A_849, %dma_start3A_850] : memref<1280x64xf32, #tpu.memory_space<vmem>> -> memref<128x64xf32, #tpu.memory_space<vmem>>
    %dma_start3A_852 = arith.constant 384 : i32
    %dma_start3A_853 = tpu.memref_slice %arg7[%dma_start3A_852] : memref<1280xi32, #tpu.memory_space<vmem>> -> memref<128xi32, #tpu.memory_space<vmem>>
    %dma_start3A_854 = arith.constant 0 : i32
    %dma_start3A_855 = arith.constant 0 : i32
    %dma_start3A_856 = tpu.memref_slice %arg5[%dma_start3A_854, %dma_start3A_855] : memref<100000x64xf32, #tpu.memory_space<hbm>> -> memref<100000x64xf32, #tpu.memory_space<hbm>>
    tpu.enqueue_indirect_dma source(%dma_start3A_856 : memref<100000x64xf32, #tpu.memory_space<hbm>>) target(%dma_start3A_851 : memref<128x64xf32, #tpu.memory_space<vmem>>) offsets(%dma_start3A_853 : memref<128xi32, #tpu.memory_space<vmem>>) semaphore(%arg9 : memref<!tpu.dma_semaphore, #tpu.memory_space<semaphore_mem>>)
    %dma_start3A_857 = arith.constant 512 : i32
    %dma_start3A_858 = arith.constant 0 : i32
    %dma_start3A_859 = tpu.memref_slice %arg8[%dma_start3A_857, %dma_start3A_858] : memref<1280x64xf32, #tpu.memory_space<vmem>> -> memref<128x64xf32, #tpu.memory_space<vmem>>
    %dma_start3A_860 = arith.constant 512 : i32
    %dma_start3A_861 = tpu.memref_slice %arg7[%dma_start3A_860] : memref<1280xi32, #tpu.memory_space<vmem>> -> memref<128xi32, #tpu.memory_space<vmem>>
    %dma_start3A_862 = arith.constant 0 : i32
    %dma_start3A_863 = arith.constant 0 : i32
    %dma_start3A_864 = tpu.memref_slice %arg5[%dma_start3A_862, %dma_start3A_863] : memref<100000x64xf32, #tpu.memory_space<hbm>> -> memref<100000x64xf32, #tpu.memory_space<hbm>>
    tpu.enqueue_indirect_dma source(%dma_start3A_864 : memref<100000x64xf32, #tpu.memory_space<hbm>>) target(%dma_start3A_859 : memref<128x64xf32, #tpu.memory_space<vmem>>) offsets(%dma_start3A_861 : memref<128xi32, #tpu.memory_space<vmem>>) semaphore(%arg9 : memref<!tpu.dma_semaphore, #tpu.memory_space<semaphore_mem>>)
    %dma_start3A_865 = arith.constant 640 : i32
    %dma_start3A_866 = arith.constant 0 : i32
    %dma_start3A_867 = tpu.memref_slice %arg8[%dma_start3A_865, %dma_start3A_866] : memref<1280x64xf32, #tpu.memory_space<vmem>> -> memref<128x64xf32, #tpu.memory_space<vmem>>
    %dma_start3A_868 = arith.constant 640 : i32
    %dma_start3A_869 = tpu.memref_slice %arg7[%dma_start3A_868] : memref<1280xi32, #tpu.memory_space<vmem>> -> memref<128xi32, #tpu.memory_space<vmem>>
    %dma_start3A_870 = arith.constant 0 : i32
    %dma_start3A_871 = arith.constant 0 : i32
    %dma_start3A_872 = tpu.memref_slice %arg5[%dma_start3A_870, %dma_start3A_871] : memref<100000x64xf32, #tpu.memory_space<hbm>> -> memref<100000x64xf32, #tpu.memory_space<hbm>>
    tpu.enqueue_indirect_dma source(%dma_start3A_872 : memref<100000x64xf32, #tpu.memory_space<hbm>>) target(%dma_start3A_867 : memref<128x64xf32, #tpu.memory_space<vmem>>) offsets(%dma_start3A_869 : memref<128xi32, #tpu.memory_space<vmem>>) semaphore(%arg9 : memref<!tpu.dma_semaphore, #tpu.memory_space<semaphore_mem>>)
    %dma_start3A_873 = arith.constant 768 : i32
    %dma_start3A_874 = arith.constant 0 : i32
    %dma_start3A_875 = tpu.memref_slice %arg8[%dma_start3A_873, %dma_start3A_874] : memref<1280x64xf32, #tpu.memory_space<vmem>> -> memref<128x64xf32, #tpu.memory_space<vmem>>
    %dma_start3A_876 = arith.constant 768 : i32
    %dma_start3A_877 = tpu.memref_slice %arg7[%dma_start3A_876] : memref<1280xi32, #tpu.memory_space<vmem>> -> memref<128xi32, #tpu.memory_space<vmem>>
    %dma_start3A_878 = arith.constant 0 : i32
    %dma_start3A_879 = arith.constant 0 : i32
    %dma_start3A_880 = tpu.memref_slice %arg5[%dma_start3A_878, %dma_start3A_879] : memref<100000x64xf32, #tpu.memory_space<hbm>> -> memref<100000x64xf32, #tpu.memory_space<hbm>>
    tpu.enqueue_indirect_dma source(%dma_start3A_880 : memref<100000x64xf32, #tpu.memory_space<hbm>>) target(%dma_start3A_875 : memref<128x64xf32, #tpu.memory_space<vmem>>) offsets(%dma_start3A_877 : memref<128xi32, #tpu.memory_space<vmem>>) semaphore(%arg9 : memref<!tpu.dma_semaphore, #tpu.memory_space<semaphore_mem>>)
    %dma_start3A_881 = arith.constant 896 : i32
    %dma_start3A_882 = arith.constant 0 : i32
    %dma_start3A_883 = tpu.memref_slice %arg8[%dma_start3A_881, %dma_start3A_882] : memref<1280x64xf32, #tpu.memory_space<vmem>> -> memref<128x64xf32, #tpu.memory_space<vmem>>
    %dma_start3A_884 = arith.constant 896 : i32
    %dma_start3A_885 = tpu.memref_slice %arg7[%dma_start3A_884] : memref<1280xi32, #tpu.memory_space<vmem>> -> memref<128xi32, #tpu.memory_space<vmem>>
    %dma_start3A_886 = arith.constant 0 : i32
    %dma_start3A_887 = arith.constant 0 : i32
    %dma_start3A_888 = tpu.memref_slice %arg5[%dma_start3A_886, %dma_start3A_887] : memref<100000x64xf32, #tpu.memory_space<hbm>> -> memref<100000x64xf32, #tpu.memory_space<hbm>>
    tpu.enqueue_indirect_dma source(%dma_start3A_888 : memref<100000x64xf32, #tpu.memory_space<hbm>>) target(%dma_start3A_883 : memref<128x64xf32, #tpu.memory_space<vmem>>) offsets(%dma_start3A_885 : memref<128xi32, #tpu.memory_space<vmem>>) semaphore(%arg9 : memref<!tpu.dma_semaphore, #tpu.memory_space<semaphore_mem>>)
    %dma_start3A_889 = arith.constant 1024 : i32
    %dma_start3A_890 = arith.constant 0 : i32
    %dma_start3A_891 = tpu.memref_slice %arg8[%dma_start3A_889, %dma_start3A_890] : memref<1280x64xf32, #tpu.memory_space<vmem>> -> memref<128x64xf32, #tpu.memory_space<vmem>>
    %dma_start3A_892 = arith.constant 1024 : i32
    %dma_start3A_893 = tpu.memref_slice %arg7[%dma_start3A_892] : memref<1280xi32, #tpu.memory_space<vmem>> -> memref<128xi32, #tpu.memory_space<vmem>>
    %dma_start3A_894 = arith.constant 0 : i32
    %dma_start3A_895 = arith.constant 0 : i32
    %dma_start3A_896 = tpu.memref_slice %arg5[%dma_start3A_894, %dma_start3A_895] : memref<100000x64xf32, #tpu.memory_space<hbm>> -> memref<100000x64xf32, #tpu.memory_space<hbm>>
    tpu.enqueue_indirect_dma source(%dma_start3A_896 : memref<100000x64xf32, #tpu.memory_space<hbm>>) target(%dma_start3A_891 : memref<128x64xf32, #tpu.memory_space<vmem>>) offsets(%dma_start3A_893 : memref<128xi32, #tpu.memory_space<vmem>>) semaphore(%arg9 : memref<!tpu.dma_semaphore, #tpu.memory_space<semaphore_mem>>)
    %dma_start3A_897 = arith.constant 1152 : i32
    %dma_start3A_898 = arith.constant 0 : i32
    %dma_start3A_899 = tpu.memref_slice %arg8[%dma_start3A_897, %dma_start3A_898] : memref<1280x64xf32, #tpu.memory_space<vmem>> -> memref<128x64xf32, #tpu.memory_space<vmem>>
    %dma_start3A_900 = arith.constant 1152 : i32
    %dma_start3A_901 = tpu.memref_slice %arg7[%dma_start3A_900] : memref<1280xi32, #tpu.memory_space<vmem>> -> memref<128xi32, #tpu.memory_space<vmem>>
    %dma_start3A_902 = arith.constant 0 : i32
    %dma_start3A_903 = arith.constant 0 : i32
    %dma_start3A_904 = tpu.memref_slice %arg5[%dma_start3A_902, %dma_start3A_903] : memref<100000x64xf32, #tpu.memory_space<hbm>> -> memref<100000x64xf32, #tpu.memory_space<hbm>>
    tpu.enqueue_indirect_dma source(%dma_start3A_904 : memref<100000x64xf32, #tpu.memory_space<hbm>>) target(%dma_start3A_899 : memref<128x64xf32, #tpu.memory_space<vmem>>) offsets(%dma_start3A_901 : memref<128xi32, #tpu.memory_space<vmem>>) semaphore(%arg9 : memref<!tpu.dma_semaphore, #tpu.memory_space<semaphore_mem>>)
    %dma_wait3A_905 = arith.constant 0 : i32
    %dma_wait3A_906 = arith.constant 0 : i32
    %dma_wait3A_907 = tpu.memref_slice %arg8[%dma_wait3A_905, %dma_wait3A_906] : memref<1280x64xf32, #tpu.memory_space<vmem>> -> memref<128x64xf32, #tpu.memory_space<vmem>>
    %dma_wait3A_908 = arith.constant 0 : i32
    %dma_wait3A_909 = tpu.memref_slice %arg7[%dma_wait3A_908] : memref<1280xi32, #tpu.memory_space<vmem>> -> memref<128xi32, #tpu.memory_space<vmem>>
    %dma_wait3A_910 = arith.constant 0 : i32
    %dma_wait3A_911 = arith.constant 0 : i32
    %dma_wait3A_912 = tpu.memref_slice %arg5[%dma_wait3A_910, %dma_wait3A_911] : memref<100000x64xf32, #tpu.memory_space<hbm>> -> memref<100000x64xf32, #tpu.memory_space<hbm>>
    tpu.wait_indirect_dma semaphore(%arg9 : memref<!tpu.dma_semaphore, #tpu.memory_space<semaphore_mem>>) src(%dma_wait3A_912 : memref<100000x64xf32, #tpu.memory_space<hbm>>) dst(%dma_wait3A_907 : memref<128x64xf32, #tpu.memory_space<vmem>>)
    %dma_wait3A_913 = arith.constant 128 : i32
    %dma_wait3A_914 = arith.constant 0 : i32
    %dma_wait3A_915 = tpu.memref_slice %arg8[%dma_wait3A_913, %dma_wait3A_914] : memref<1280x64xf32, #tpu.memory_space<vmem>> -> memref<128x64xf32, #tpu.memory_space<vmem>>
    %dma_wait3A_916 = arith.constant 128 : i32
    %dma_wait3A_917 = tpu.memref_slice %arg7[%dma_wait3A_916] : memref<1280xi32, #tpu.memory_space<vmem>> -> memref<128xi32, #tpu.memory_space<vmem>>
    %dma_wait3A_918 = arith.constant 0 : i32
    %dma_wait3A_919 = arith.constant 0 : i32
    %dma_wait3A_920 = tpu.memref_slice %arg5[%dma_wait3A_918, %dma_wait3A_919] : memref<100000x64xf32, #tpu.memory_space<hbm>> -> memref<100000x64xf32, #tpu.memory_space<hbm>>
    tpu.wait_indirect_dma semaphore(%arg9 : memref<!tpu.dma_semaphore, #tpu.memory_space<semaphore_mem>>) src(%dma_wait3A_920 : memref<100000x64xf32, #tpu.memory_space<hbm>>) dst(%dma_wait3A_915 : memref<128x64xf32, #tpu.memory_space<vmem>>)
    %dma_wait3A_921 = arith.constant 256 : i32
    %dma_wait3A_922 = arith.constant 0 : i32
    %dma_wait3A_923 = tpu.memref_slice %arg8[%dma_wait3A_921, %dma_wait3A_922] : memref<1280x64xf32, #tpu.memory_space<vmem>> -> memref<128x64xf32, #tpu.memory_space<vmem>>
    %dma_wait3A_924 = arith.constant 256 : i32
    %dma_wait3A_925 = tpu.memref_slice %arg7[%dma_wait3A_924] : memref<1280xi32, #tpu.memory_space<vmem>> -> memref<128xi32, #tpu.memory_space<vmem>>
    %dma_wait3A_926 = arith.constant 0 : i32
    %dma_wait3A_927 = arith.constant 0 : i32
    %dma_wait3A_928 = tpu.memref_slice %arg5[%dma_wait3A_926, %dma_wait3A_927] : memref<100000x64xf32, #tpu.memory_space<hbm>> -> memref<100000x64xf32, #tpu.memory_space<hbm>>
    tpu.wait_indirect_dma semaphore(%arg9 : memref<!tpu.dma_semaphore, #tpu.memory_space<semaphore_mem>>) src(%dma_wait3A_928 : memref<100000x64xf32, #tpu.memory_space<hbm>>) dst(%dma_wait3A_923 : memref<128x64xf32, #tpu.memory_space<vmem>>)
    %dma_wait3A_929 = arith.constant 384 : i32
    %dma_wait3A_930 = arith.constant 0 : i32
    %dma_wait3A_931 = tpu.memref_slice %arg8[%dma_wait3A_929, %dma_wait3A_930] : memref<1280x64xf32, #tpu.memory_space<vmem>> -> memref<128x64xf32, #tpu.memory_space<vmem>>
    %dma_wait3A_932 = arith.constant 384 : i32
    %dma_wait3A_933 = tpu.memref_slice %arg7[%dma_wait3A_932] : memref<1280xi32, #tpu.memory_space<vmem>> -> memref<128xi32, #tpu.memory_space<vmem>>
    %dma_wait3A_934 = arith.constant 0 : i32
    %dma_wait3A_935 = arith.constant 0 : i32
    %dma_wait3A_936 = tpu.memref_slice %arg5[%dma_wait3A_934, %dma_wait3A_935] : memref<100000x64xf32, #tpu.memory_space<hbm>> -> memref<100000x64xf32, #tpu.memory_space<hbm>>
    tpu.wait_indirect_dma semaphore(%arg9 : memref<!tpu.dma_semaphore, #tpu.memory_space<semaphore_mem>>) src(%dma_wait3A_936 : memref<100000x64xf32, #tpu.memory_space<hbm>>) dst(%dma_wait3A_931 : memref<128x64xf32, #tpu.memory_space<vmem>>)
    %dma_wait3A_937 = arith.constant 512 : i32
    %dma_wait3A_938 = arith.constant 0 : i32
    %dma_wait3A_939 = tpu.memref_slice %arg8[%dma_wait3A_937, %dma_wait3A_938] : memref<1280x64xf32, #tpu.memory_space<vmem>> -> memref<128x64xf32, #tpu.memory_space<vmem>>
    %dma_wait3A_940 = arith.constant 512 : i32
    %dma_wait3A_941 = tpu.memref_slice %arg7[%dma_wait3A_940] : memref<1280xi32, #tpu.memory_space<vmem>> -> memref<128xi32, #tpu.memory_space<vmem>>
    %dma_wait3A_942 = arith.constant 0 : i32
    %dma_wait3A_943 = arith.constant 0 : i32
    %dma_wait3A_944 = tpu.memref_slice %arg5[%dma_wait3A_942, %dma_wait3A_943] : memref<100000x64xf32, #tpu.memory_space<hbm>> -> memref<100000x64xf32, #tpu.memory_space<hbm>>
    tpu.wait_indirect_dma semaphore(%arg9 : memref<!tpu.dma_semaphore, #tpu.memory_space<semaphore_mem>>) src(%dma_wait3A_944 : memref<100000x64xf32, #tpu.memory_space<hbm>>) dst(%dma_wait3A_939 : memref<128x64xf32, #tpu.memory_space<vmem>>)
    %dma_wait3A_945 = arith.constant 640 : i32
    %dma_wait3A_946 = arith.constant 0 : i32
    %dma_wait3A_947 = tpu.memref_slice %arg8[%dma_wait3A_945, %dma_wait3A_946] : memref<1280x64xf32, #tpu.memory_space<vmem>> -> memref<128x64xf32, #tpu.memory_space<vmem>>
    %dma_wait3A_948 = arith.constant 640 : i32
    %dma_wait3A_949 = tpu.memref_slice %arg7[%dma_wait3A_948] : memref<1280xi32, #tpu.memory_space<vmem>> -> memref<128xi32, #tpu.memory_space<vmem>>
    %dma_wait3A_950 = arith.constant 0 : i32
    %dma_wait3A_951 = arith.constant 0 : i32
    %dma_wait3A_952 = tpu.memref_slice %arg5[%dma_wait3A_950, %dma_wait3A_951] : memref<100000x64xf32, #tpu.memory_space<hbm>> -> memref<100000x64xf32, #tpu.memory_space<hbm>>
    tpu.wait_indirect_dma semaphore(%arg9 : memref<!tpu.dma_semaphore, #tpu.memory_space<semaphore_mem>>) src(%dma_wait3A_952 : memref<100000x64xf32, #tpu.memory_space<hbm>>) dst(%dma_wait3A_947 : memref<128x64xf32, #tpu.memory_space<vmem>>)
    %dma_wait3A_953 = arith.constant 768 : i32
    %dma_wait3A_954 = arith.constant 0 : i32
    %dma_wait3A_955 = tpu.memref_slice %arg8[%dma_wait3A_953, %dma_wait3A_954] : memref<1280x64xf32, #tpu.memory_space<vmem>> -> memref<128x64xf32, #tpu.memory_space<vmem>>
    %dma_wait3A_956 = arith.constant 768 : i32
    %dma_wait3A_957 = tpu.memref_slice %arg7[%dma_wait3A_956] : memref<1280xi32, #tpu.memory_space<vmem>> -> memref<128xi32, #tpu.memory_space<vmem>>
    %dma_wait3A_958 = arith.constant 0 : i32
    %dma_wait3A_959 = arith.constant 0 : i32
    %dma_wait3A_960 = tpu.memref_slice %arg5[%dma_wait3A_958, %dma_wait3A_959] : memref<100000x64xf32, #tpu.memory_space<hbm>> -> memref<100000x64xf32, #tpu.memory_space<hbm>>
    tpu.wait_indirect_dma semaphore(%arg9 : memref<!tpu.dma_semaphore, #tpu.memory_space<semaphore_mem>>) src(%dma_wait3A_960 : memref<100000x64xf32, #tpu.memory_space<hbm>>) dst(%dma_wait3A_955 : memref<128x64xf32, #tpu.memory_space<vmem>>)
    %dma_wait3A_961 = arith.constant 896 : i32
    %dma_wait3A_962 = arith.constant 0 : i32
    %dma_wait3A_963 = tpu.memref_slice %arg8[%dma_wait3A_961, %dma_wait3A_962] : memref<1280x64xf32, #tpu.memory_space<vmem>> -> memref<128x64xf32, #tpu.memory_space<vmem>>
    %dma_wait3A_964 = arith.constant 896 : i32
    %dma_wait3A_965 = tpu.memref_slice %arg7[%dma_wait3A_964] : memref<1280xi32, #tpu.memory_space<vmem>> -> memref<128xi32, #tpu.memory_space<vmem>>
    %dma_wait3A_966 = arith.constant 0 : i32
    %dma_wait3A_967 = arith.constant 0 : i32
    %dma_wait3A_968 = tpu.memref_slice %arg5[%dma_wait3A_966, %dma_wait3A_967] : memref<100000x64xf32, #tpu.memory_space<hbm>> -> memref<100000x64xf32, #tpu.memory_space<hbm>>
    tpu.wait_indirect_dma semaphore(%arg9 : memref<!tpu.dma_semaphore, #tpu.memory_space<semaphore_mem>>) src(%dma_wait3A_968 : memref<100000x64xf32, #tpu.memory_space<hbm>>) dst(%dma_wait3A_963 : memref<128x64xf32, #tpu.memory_space<vmem>>)
    %dma_wait3A_969 = arith.constant 1024 : i32
    %dma_wait3A_970 = arith.constant 0 : i32
    %dma_wait3A_971 = tpu.memref_slice %arg8[%dma_wait3A_969, %dma_wait3A_970] : memref<1280x64xf32, #tpu.memory_space<vmem>> -> memref<128x64xf32, #tpu.memory_space<vmem>>
    %dma_wait3A_972 = arith.constant 1024 : i32
    %dma_wait3A_973 = tpu.memref_slice %arg7[%dma_wait3A_972] : memref<1280xi32, #tpu.memory_space<vmem>> -> memref<128xi32, #tpu.memory_space<vmem>>
    %dma_wait3A_974 = arith.constant 0 : i32
    %dma_wait3A_975 = arith.constant 0 : i32
    %dma_wait3A_976 = tpu.memref_slice %arg5[%dma_wait3A_974, %dma_wait3A_975] : memref<100000x64xf32, #tpu.memory_space<hbm>> -> memref<100000x64xf32, #tpu.memory_space<hbm>>
    tpu.wait_indirect_dma semaphore(%arg9 : memref<!tpu.dma_semaphore, #tpu.memory_space<semaphore_mem>>) src(%dma_wait3A_976 : memref<100000x64xf32, #tpu.memory_space<hbm>>) dst(%dma_wait3A_971 : memref<128x64xf32, #tpu.memory_space<vmem>>)
    %dma_wait3A_977 = arith.constant 1152 : i32
    %dma_wait3A_978 = arith.constant 0 : i32
    %dma_wait3A_979 = tpu.memref_slice %arg8[%dma_wait3A_977, %dma_wait3A_978] : memref<1280x64xf32, #tpu.memory_space<vmem>> -> memref<128x64xf32, #tpu.memory_space<vmem>>
    %dma_wait3A_980 = arith.constant 1152 : i32
    %dma_wait3A_981 = tpu.memref_slice %arg7[%dma_wait3A_980] : memref<1280xi32, #tpu.memory_space<vmem>> -> memref<128xi32, #tpu.memory_space<vmem>>
    %dma_wait3A_982 = arith.constant 0 : i32
    %dma_wait3A_983 = arith.constant 0 : i32
    %dma_wait3A_984 = tpu.memref_slice %arg5[%dma_wait3A_982, %dma_wait3A_983] : memref<100000x64xf32, #tpu.memory_space<hbm>> -> memref<100000x64xf32, #tpu.memory_space<hbm>>
    tpu.wait_indirect_dma semaphore(%arg9 : memref<!tpu.dma_semaphore, #tpu.memory_space<semaphore_mem>>) src(%dma_wait3A_984 : memref<100000x64xf32, #tpu.memory_space<hbm>>) dst(%dma_wait3A_979 : memref<128x64xf32, #tpu.memory_space<vmem>>)
    %add3A_985 = arith.constant 0 : i32
    %add3A_986 = arith.addi %add3A_822, %add3A_985 : i32
    "tpu.region"() ({
      %run_scoped3A = tpu.sem_alloc : memref<!tpu.dma_semaphore, #tpu.memory_space<semaphore_mem>>
      %dma_start3A_1643 = arith.constant 0 : i32
      %dma_start3A_1644 = tpu.memref_slice %arg6[%add3A_986, %dma_start3A_1643] : memref<409600x64xf32, #tpu.memory_space<hbm>> -> memref<1280x64xf32, #tpu.memory_space<hbm>>
      %dma_start3A_1645 = arith.constant 0 : i32
      %dma_start3A_1646 = tpu.memref_slice %arg6[%add3A_986, %dma_start3A_1645] : memref<409600x64xf32, #tpu.memory_space<hbm>> -> memref<1280x64xf32, #tpu.memory_space<hbm>>
      tpu.enqueue_dma source(%arg8 : memref<1280x64xf32, #tpu.memory_space<vmem>>) target(%dma_start3A_1646 : memref<1280x64xf32, #tpu.memory_space<hbm>>) target_semaphore(%run_scoped3A : memref<!tpu.dma_semaphore, #tpu.memory_space<semaphore_mem>>)
      %dma_wait3A_1647 = arith.constant 0 : i32
      %dma_wait3A_1648 = tpu.memref_slice %arg6[%add3A_986, %dma_wait3A_1647] : memref<409600x64xf32, #tpu.memory_space<hbm>> -> memref<1280x64xf32, #tpu.memory_space<hbm>>
      %dma_wait3A_1649 = arith.constant 0 : i32
      %dma_wait3A_1650 = tpu.memref_slice %arg6[%add3A_986, %dma_wait3A_1649] : memref<409600x64xf32, #tpu.memory_space<hbm>> -> memref<1280x64xf32, #tpu.memory_space<hbm>>
      tpu.wait_dma2 semaphore(%run_scoped3A : memref<!tpu.dma_semaphore, #tpu.memory_space<semaphore_mem>>) src(%arg8 : memref<1280x64xf32, #tpu.memory_space<vmem>>) dst(%dma_wait3A_1650 : memref<1280x64xf32, #tpu.memory_space<hbm>>)
      tpu.yield
    }) : () -> ()
    %add3A_987 = arith.constant 1280 : i32
    %add3A_988 = arith.addi %mul3A_2, %add3A_987 : i32
    "tpu.region"() ({
      %run_scoped3A = tpu.sem_alloc : memref<!tpu.dma_semaphore, #tpu.memory_space<semaphore_mem>>
      %dma_start3A_1643 = tpu.memref_slice %arg3[%add3A_988] : memref<204800xi32, #tpu.memory_space<hbm>> -> memref<1280xi32, #tpu.memory_space<hbm>>
      %dma_start3A_1644 = tpu.memref_slice %arg3[%add3A_988] : memref<204800xi32, #tpu.memory_space<hbm>> -> memref<1280xi32, #tpu.memory_space<hbm>>
      tpu.enqueue_dma source(%dma_start3A_1644 : memref<1280xi32, #tpu.memory_space<hbm>>) target(%arg7 : memref<1280xi32, #tpu.memory_space<vmem>>) target_semaphore(%run_scoped3A : memref<!tpu.dma_semaphore, #tpu.memory_space<semaphore_mem>>)
      %dma_wait3A_1645 = tpu.memref_slice %arg3[%add3A_988] : memref<204800xi32, #tpu.memory_space<hbm>> -> memref<1280xi32, #tpu.memory_space<hbm>>
      %dma_wait3A_1646 = tpu.memref_slice %arg3[%add3A_988] : memref<204800xi32, #tpu.memory_space<hbm>> -> memref<1280xi32, #tpu.memory_space<hbm>>
      tpu.wait_dma2 semaphore(%run_scoped3A : memref<!tpu.dma_semaphore, #tpu.memory_space<semaphore_mem>>) src(%dma_wait3A_1646 : memref<1280xi32, #tpu.memory_space<hbm>>) dst(%arg7 : memref<1280xi32, #tpu.memory_space<vmem>>)
      tpu.yield
    }) : () -> ()
    %dma_start3A_989 = arith.constant 0 : i32
    %dma_start3A_990 = arith.constant 0 : i32
    %dma_start3A_991 = tpu.memref_slice %arg8[%dma_start3A_989, %dma_start3A_990] : memref<1280x64xf32, #tpu.memory_space<vmem>> -> memref<128x64xf32, #tpu.memory_space<vmem>>
    %dma_start3A_992 = arith.constant 0 : i32
    %dma_start3A_993 = tpu.memref_slice %arg7[%dma_start3A_992] : memref<1280xi32, #tpu.memory_space<vmem>> -> memref<128xi32, #tpu.memory_space<vmem>>
    %dma_start3A_994 = arith.constant 0 : i32
    %dma_start3A_995 = arith.constant 0 : i32
    %dma_start3A_996 = tpu.memref_slice %arg5[%dma_start3A_994, %dma_start3A_995] : memref<100000x64xf32, #tpu.memory_space<hbm>> -> memref<100000x64xf32, #tpu.memory_space<hbm>>
    tpu.enqueue_indirect_dma source(%dma_start3A_996 : memref<100000x64xf32, #tpu.memory_space<hbm>>) target(%dma_start3A_991 : memref<128x64xf32, #tpu.memory_space<vmem>>) offsets(%dma_start3A_993 : memref<128xi32, #tpu.memory_space<vmem>>) semaphore(%arg9 : memref<!tpu.dma_semaphore, #tpu.memory_space<semaphore_mem>>)
    %dma_start3A_997 = arith.constant 128 : i32
    %dma_start3A_998 = arith.constant 0 : i32
    %dma_start3A_999 = tpu.memref_slice %arg8[%dma_start3A_997, %dma_start3A_998] : memref<1280x64xf32, #tpu.memory_space<vmem>> -> memref<128x64xf32, #tpu.memory_space<vmem>>
    %dma_start3A_1000 = arith.constant 128 : i32
    %dma_start3A_1001 = tpu.memref_slice %arg7[%dma_start3A_1000] : memref<1280xi32, #tpu.memory_space<vmem>> -> memref<128xi32, #tpu.memory_space<vmem>>
    %dma_start3A_1002 = arith.constant 0 : i32
    %dma_start3A_1003 = arith.constant 0 : i32
    %dma_start3A_1004 = tpu.memref_slice %arg5[%dma_start3A_1002, %dma_start3A_1003] : memref<100000x64xf32, #tpu.memory_space<hbm>> -> memref<100000x64xf32, #tpu.memory_space<hbm>>
    tpu.enqueue_indirect_dma source(%dma_start3A_1004 : memref<100000x64xf32, #tpu.memory_space<hbm>>) target(%dma_start3A_999 : memref<128x64xf32, #tpu.memory_space<vmem>>) offsets(%dma_start3A_1001 : memref<128xi32, #tpu.memory_space<vmem>>) semaphore(%arg9 : memref<!tpu.dma_semaphore, #tpu.memory_space<semaphore_mem>>)
    %dma_start3A_1005 = arith.constant 256 : i32
    %dma_start3A_1006 = arith.constant 0 : i32
    %dma_start3A_1007 = tpu.memref_slice %arg8[%dma_start3A_1005, %dma_start3A_1006] : memref<1280x64xf32, #tpu.memory_space<vmem>> -> memref<128x64xf32, #tpu.memory_space<vmem>>
    %dma_start3A_1008 = arith.constant 256 : i32
    %dma_start3A_1009 = tpu.memref_slice %arg7[%dma_start3A_1008] : memref<1280xi32, #tpu.memory_space<vmem>> -> memref<128xi32, #tpu.memory_space<vmem>>
    %dma_start3A_1010 = arith.constant 0 : i32
    %dma_start3A_1011 = arith.constant 0 : i32
    %dma_start3A_1012 = tpu.memref_slice %arg5[%dma_start3A_1010, %dma_start3A_1011] : memref<100000x64xf32, #tpu.memory_space<hbm>> -> memref<100000x64xf32, #tpu.memory_space<hbm>>
    tpu.enqueue_indirect_dma source(%dma_start3A_1012 : memref<100000x64xf32, #tpu.memory_space<hbm>>) target(%dma_start3A_1007 : memref<128x64xf32, #tpu.memory_space<vmem>>) offsets(%dma_start3A_1009 : memref<128xi32, #tpu.memory_space<vmem>>) semaphore(%arg9 : memref<!tpu.dma_semaphore, #tpu.memory_space<semaphore_mem>>)
    %dma_start3A_1013 = arith.constant 384 : i32
    %dma_start3A_1014 = arith.constant 0 : i32
    %dma_start3A_1015 = tpu.memref_slice %arg8[%dma_start3A_1013, %dma_start3A_1014] : memref<1280x64xf32, #tpu.memory_space<vmem>> -> memref<128x64xf32, #tpu.memory_space<vmem>>
    %dma_start3A_1016 = arith.constant 384 : i32
    %dma_start3A_1017 = tpu.memref_slice %arg7[%dma_start3A_1016] : memref<1280xi32, #tpu.memory_space<vmem>> -> memref<128xi32, #tpu.memory_space<vmem>>
    %dma_start3A_1018 = arith.constant 0 : i32
    %dma_start3A_1019 = arith.constant 0 : i32
    %dma_start3A_1020 = tpu.memref_slice %arg5[%dma_start3A_1018, %dma_start3A_1019] : memref<100000x64xf32, #tpu.memory_space<hbm>> -> memref<100000x64xf32, #tpu.memory_space<hbm>>
    tpu.enqueue_indirect_dma source(%dma_start3A_1020 : memref<100000x64xf32, #tpu.memory_space<hbm>>) target(%dma_start3A_1015 : memref<128x64xf32, #tpu.memory_space<vmem>>) offsets(%dma_start3A_1017 : memref<128xi32, #tpu.memory_space<vmem>>) semaphore(%arg9 : memref<!tpu.dma_semaphore, #tpu.memory_space<semaphore_mem>>)
    %dma_start3A_1021 = arith.constant 512 : i32
    %dma_start3A_1022 = arith.constant 0 : i32
    %dma_start3A_1023 = tpu.memref_slice %arg8[%dma_start3A_1021, %dma_start3A_1022] : memref<1280x64xf32, #tpu.memory_space<vmem>> -> memref<128x64xf32, #tpu.memory_space<vmem>>
    %dma_start3A_1024 = arith.constant 512 : i32
    %dma_start3A_1025 = tpu.memref_slice %arg7[%dma_start3A_1024] : memref<1280xi32, #tpu.memory_space<vmem>> -> memref<128xi32, #tpu.memory_space<vmem>>
    %dma_start3A_1026 = arith.constant 0 : i32
    %dma_start3A_1027 = arith.constant 0 : i32
    %dma_start3A_1028 = tpu.memref_slice %arg5[%dma_start3A_1026, %dma_start3A_1027] : memref<100000x64xf32, #tpu.memory_space<hbm>> -> memref<100000x64xf32, #tpu.memory_space<hbm>>
    tpu.enqueue_indirect_dma source(%dma_start3A_1028 : memref<100000x64xf32, #tpu.memory_space<hbm>>) target(%dma_start3A_1023 : memref<128x64xf32, #tpu.memory_space<vmem>>) offsets(%dma_start3A_1025 : memref<128xi32, #tpu.memory_space<vmem>>) semaphore(%arg9 : memref<!tpu.dma_semaphore, #tpu.memory_space<semaphore_mem>>)
    %dma_start3A_1029 = arith.constant 640 : i32
    %dma_start3A_1030 = arith.constant 0 : i32
    %dma_start3A_1031 = tpu.memref_slice %arg8[%dma_start3A_1029, %dma_start3A_1030] : memref<1280x64xf32, #tpu.memory_space<vmem>> -> memref<128x64xf32, #tpu.memory_space<vmem>>
    %dma_start3A_1032 = arith.constant 640 : i32
    %dma_start3A_1033 = tpu.memref_slice %arg7[%dma_start3A_1032] : memref<1280xi32, #tpu.memory_space<vmem>> -> memref<128xi32, #tpu.memory_space<vmem>>
    %dma_start3A_1034 = arith.constant 0 : i32
    %dma_start3A_1035 = arith.constant 0 : i32
    %dma_start3A_1036 = tpu.memref_slice %arg5[%dma_start3A_1034, %dma_start3A_1035] : memref<100000x64xf32, #tpu.memory_space<hbm>> -> memref<100000x64xf32, #tpu.memory_space<hbm>>
    tpu.enqueue_indirect_dma source(%dma_start3A_1036 : memref<100000x64xf32, #tpu.memory_space<hbm>>) target(%dma_start3A_1031 : memref<128x64xf32, #tpu.memory_space<vmem>>) offsets(%dma_start3A_1033 : memref<128xi32, #tpu.memory_space<vmem>>) semaphore(%arg9 : memref<!tpu.dma_semaphore, #tpu.memory_space<semaphore_mem>>)
    %dma_start3A_1037 = arith.constant 768 : i32
    %dma_start3A_1038 = arith.constant 0 : i32
    %dma_start3A_1039 = tpu.memref_slice %arg8[%dma_start3A_1037, %dma_start3A_1038] : memref<1280x64xf32, #tpu.memory_space<vmem>> -> memref<128x64xf32, #tpu.memory_space<vmem>>
    %dma_start3A_1040 = arith.constant 768 : i32
    %dma_start3A_1041 = tpu.memref_slice %arg7[%dma_start3A_1040] : memref<1280xi32, #tpu.memory_space<vmem>> -> memref<128xi32, #tpu.memory_space<vmem>>
    %dma_start3A_1042 = arith.constant 0 : i32
    %dma_start3A_1043 = arith.constant 0 : i32
    %dma_start3A_1044 = tpu.memref_slice %arg5[%dma_start3A_1042, %dma_start3A_1043] : memref<100000x64xf32, #tpu.memory_space<hbm>> -> memref<100000x64xf32, #tpu.memory_space<hbm>>
    tpu.enqueue_indirect_dma source(%dma_start3A_1044 : memref<100000x64xf32, #tpu.memory_space<hbm>>) target(%dma_start3A_1039 : memref<128x64xf32, #tpu.memory_space<vmem>>) offsets(%dma_start3A_1041 : memref<128xi32, #tpu.memory_space<vmem>>) semaphore(%arg9 : memref<!tpu.dma_semaphore, #tpu.memory_space<semaphore_mem>>)
    %dma_start3A_1045 = arith.constant 896 : i32
    %dma_start3A_1046 = arith.constant 0 : i32
    %dma_start3A_1047 = tpu.memref_slice %arg8[%dma_start3A_1045, %dma_start3A_1046] : memref<1280x64xf32, #tpu.memory_space<vmem>> -> memref<128x64xf32, #tpu.memory_space<vmem>>
    %dma_start3A_1048 = arith.constant 896 : i32
    %dma_start3A_1049 = tpu.memref_slice %arg7[%dma_start3A_1048] : memref<1280xi32, #tpu.memory_space<vmem>> -> memref<128xi32, #tpu.memory_space<vmem>>
    %dma_start3A_1050 = arith.constant 0 : i32
    %dma_start3A_1051 = arith.constant 0 : i32
    %dma_start3A_1052 = tpu.memref_slice %arg5[%dma_start3A_1050, %dma_start3A_1051] : memref<100000x64xf32, #tpu.memory_space<hbm>> -> memref<100000x64xf32, #tpu.memory_space<hbm>>
    tpu.enqueue_indirect_dma source(%dma_start3A_1052 : memref<100000x64xf32, #tpu.memory_space<hbm>>) target(%dma_start3A_1047 : memref<128x64xf32, #tpu.memory_space<vmem>>) offsets(%dma_start3A_1049 : memref<128xi32, #tpu.memory_space<vmem>>) semaphore(%arg9 : memref<!tpu.dma_semaphore, #tpu.memory_space<semaphore_mem>>)
    %dma_start3A_1053 = arith.constant 1024 : i32
    %dma_start3A_1054 = arith.constant 0 : i32
    %dma_start3A_1055 = tpu.memref_slice %arg8[%dma_start3A_1053, %dma_start3A_1054] : memref<1280x64xf32, #tpu.memory_space<vmem>> -> memref<128x64xf32, #tpu.memory_space<vmem>>
    %dma_start3A_1056 = arith.constant 1024 : i32
    %dma_start3A_1057 = tpu.memref_slice %arg7[%dma_start3A_1056] : memref<1280xi32, #tpu.memory_space<vmem>> -> memref<128xi32, #tpu.memory_space<vmem>>
    %dma_start3A_1058 = arith.constant 0 : i32
    %dma_start3A_1059 = arith.constant 0 : i32
    %dma_start3A_1060 = tpu.memref_slice %arg5[%dma_start3A_1058, %dma_start3A_1059] : memref<100000x64xf32, #tpu.memory_space<hbm>> -> memref<100000x64xf32, #tpu.memory_space<hbm>>
    tpu.enqueue_indirect_dma source(%dma_start3A_1060 : memref<100000x64xf32, #tpu.memory_space<hbm>>) target(%dma_start3A_1055 : memref<128x64xf32, #tpu.memory_space<vmem>>) offsets(%dma_start3A_1057 : memref<128xi32, #tpu.memory_space<vmem>>) semaphore(%arg9 : memref<!tpu.dma_semaphore, #tpu.memory_space<semaphore_mem>>)
    %dma_start3A_1061 = arith.constant 1152 : i32
    %dma_start3A_1062 = arith.constant 0 : i32
    %dma_start3A_1063 = tpu.memref_slice %arg8[%dma_start3A_1061, %dma_start3A_1062] : memref<1280x64xf32, #tpu.memory_space<vmem>> -> memref<128x64xf32, #tpu.memory_space<vmem>>
    %dma_start3A_1064 = arith.constant 1152 : i32
    %dma_start3A_1065 = tpu.memref_slice %arg7[%dma_start3A_1064] : memref<1280xi32, #tpu.memory_space<vmem>> -> memref<128xi32, #tpu.memory_space<vmem>>
    %dma_start3A_1066 = arith.constant 0 : i32
    %dma_start3A_1067 = arith.constant 0 : i32
    %dma_start3A_1068 = tpu.memref_slice %arg5[%dma_start3A_1066, %dma_start3A_1067] : memref<100000x64xf32, #tpu.memory_space<hbm>> -> memref<100000x64xf32, #tpu.memory_space<hbm>>
    tpu.enqueue_indirect_dma source(%dma_start3A_1068 : memref<100000x64xf32, #tpu.memory_space<hbm>>) target(%dma_start3A_1063 : memref<128x64xf32, #tpu.memory_space<vmem>>) offsets(%dma_start3A_1065 : memref<128xi32, #tpu.memory_space<vmem>>) semaphore(%arg9 : memref<!tpu.dma_semaphore, #tpu.memory_space<semaphore_mem>>)
    %dma_wait3A_1069 = arith.constant 0 : i32
    %dma_wait3A_1070 = arith.constant 0 : i32
    %dma_wait3A_1071 = tpu.memref_slice %arg8[%dma_wait3A_1069, %dma_wait3A_1070] : memref<1280x64xf32, #tpu.memory_space<vmem>> -> memref<128x64xf32, #tpu.memory_space<vmem>>
    %dma_wait3A_1072 = arith.constant 0 : i32
    %dma_wait3A_1073 = tpu.memref_slice %arg7[%dma_wait3A_1072] : memref<1280xi32, #tpu.memory_space<vmem>> -> memref<128xi32, #tpu.memory_space<vmem>>
    %dma_wait3A_1074 = arith.constant 0 : i32
    %dma_wait3A_1075 = arith.constant 0 : i32
    %dma_wait3A_1076 = tpu.memref_slice %arg5[%dma_wait3A_1074, %dma_wait3A_1075] : memref<100000x64xf32, #tpu.memory_space<hbm>> -> memref<100000x64xf32, #tpu.memory_space<hbm>>
    tpu.wait_indirect_dma semaphore(%arg9 : memref<!tpu.dma_semaphore, #tpu.memory_space<semaphore_mem>>) src(%dma_wait3A_1076 : memref<100000x64xf32, #tpu.memory_space<hbm>>) dst(%dma_wait3A_1071 : memref<128x64xf32, #tpu.memory_space<vmem>>)
    %dma_wait3A_1077 = arith.constant 128 : i32
    %dma_wait3A_1078 = arith.constant 0 : i32
    %dma_wait3A_1079 = tpu.memref_slice %arg8[%dma_wait3A_1077, %dma_wait3A_1078] : memref<1280x64xf32, #tpu.memory_space<vmem>> -> memref<128x64xf32, #tpu.memory_space<vmem>>
    %dma_wait3A_1080 = arith.constant 128 : i32
    %dma_wait3A_1081 = tpu.memref_slice %arg7[%dma_wait3A_1080] : memref<1280xi32, #tpu.memory_space<vmem>> -> memref<128xi32, #tpu.memory_space<vmem>>
    %dma_wait3A_1082 = arith.constant 0 : i32
    %dma_wait3A_1083 = arith.constant 0 : i32
    %dma_wait3A_1084 = tpu.memref_slice %arg5[%dma_wait3A_1082, %dma_wait3A_1083] : memref<100000x64xf32, #tpu.memory_space<hbm>> -> memref<100000x64xf32, #tpu.memory_space<hbm>>
    tpu.wait_indirect_dma semaphore(%arg9 : memref<!tpu.dma_semaphore, #tpu.memory_space<semaphore_mem>>) src(%dma_wait3A_1084 : memref<100000x64xf32, #tpu.memory_space<hbm>>) dst(%dma_wait3A_1079 : memref<128x64xf32, #tpu.memory_space<vmem>>)
    %dma_wait3A_1085 = arith.constant 256 : i32
    %dma_wait3A_1086 = arith.constant 0 : i32
    %dma_wait3A_1087 = tpu.memref_slice %arg8[%dma_wait3A_1085, %dma_wait3A_1086] : memref<1280x64xf32, #tpu.memory_space<vmem>> -> memref<128x64xf32, #tpu.memory_space<vmem>>
    %dma_wait3A_1088 = arith.constant 256 : i32
    %dma_wait3A_1089 = tpu.memref_slice %arg7[%dma_wait3A_1088] : memref<1280xi32, #tpu.memory_space<vmem>> -> memref<128xi32, #tpu.memory_space<vmem>>
    %dma_wait3A_1090 = arith.constant 0 : i32
    %dma_wait3A_1091 = arith.constant 0 : i32
    %dma_wait3A_1092 = tpu.memref_slice %arg5[%dma_wait3A_1090, %dma_wait3A_1091] : memref<100000x64xf32, #tpu.memory_space<hbm>> -> memref<100000x64xf32, #tpu.memory_space<hbm>>
    tpu.wait_indirect_dma semaphore(%arg9 : memref<!tpu.dma_semaphore, #tpu.memory_space<semaphore_mem>>) src(%dma_wait3A_1092 : memref<100000x64xf32, #tpu.memory_space<hbm>>) dst(%dma_wait3A_1087 : memref<128x64xf32, #tpu.memory_space<vmem>>)
    %dma_wait3A_1093 = arith.constant 384 : i32
    %dma_wait3A_1094 = arith.constant 0 : i32
    %dma_wait3A_1095 = tpu.memref_slice %arg8[%dma_wait3A_1093, %dma_wait3A_1094] : memref<1280x64xf32, #tpu.memory_space<vmem>> -> memref<128x64xf32, #tpu.memory_space<vmem>>
    %dma_wait3A_1096 = arith.constant 384 : i32
    %dma_wait3A_1097 = tpu.memref_slice %arg7[%dma_wait3A_1096] : memref<1280xi32, #tpu.memory_space<vmem>> -> memref<128xi32, #tpu.memory_space<vmem>>
    %dma_wait3A_1098 = arith.constant 0 : i32
    %dma_wait3A_1099 = arith.constant 0 : i32
    %dma_wait3A_1100 = tpu.memref_slice %arg5[%dma_wait3A_1098, %dma_wait3A_1099] : memref<100000x64xf32, #tpu.memory_space<hbm>> -> memref<100000x64xf32, #tpu.memory_space<hbm>>
    tpu.wait_indirect_dma semaphore(%arg9 : memref<!tpu.dma_semaphore, #tpu.memory_space<semaphore_mem>>) src(%dma_wait3A_1100 : memref<100000x64xf32, #tpu.memory_space<hbm>>) dst(%dma_wait3A_1095 : memref<128x64xf32, #tpu.memory_space<vmem>>)
    %dma_wait3A_1101 = arith.constant 512 : i32
    %dma_wait3A_1102 = arith.constant 0 : i32
    %dma_wait3A_1103 = tpu.memref_slice %arg8[%dma_wait3A_1101, %dma_wait3A_1102] : memref<1280x64xf32, #tpu.memory_space<vmem>> -> memref<128x64xf32, #tpu.memory_space<vmem>>
    %dma_wait3A_1104 = arith.constant 512 : i32
    %dma_wait3A_1105 = tpu.memref_slice %arg7[%dma_wait3A_1104] : memref<1280xi32, #tpu.memory_space<vmem>> -> memref<128xi32, #tpu.memory_space<vmem>>
    %dma_wait3A_1106 = arith.constant 0 : i32
    %dma_wait3A_1107 = arith.constant 0 : i32
    %dma_wait3A_1108 = tpu.memref_slice %arg5[%dma_wait3A_1106, %dma_wait3A_1107] : memref<100000x64xf32, #tpu.memory_space<hbm>> -> memref<100000x64xf32, #tpu.memory_space<hbm>>
    tpu.wait_indirect_dma semaphore(%arg9 : memref<!tpu.dma_semaphore, #tpu.memory_space<semaphore_mem>>) src(%dma_wait3A_1108 : memref<100000x64xf32, #tpu.memory_space<hbm>>) dst(%dma_wait3A_1103 : memref<128x64xf32, #tpu.memory_space<vmem>>)
    %dma_wait3A_1109 = arith.constant 640 : i32
    %dma_wait3A_1110 = arith.constant 0 : i32
    %dma_wait3A_1111 = tpu.memref_slice %arg8[%dma_wait3A_1109, %dma_wait3A_1110] : memref<1280x64xf32, #tpu.memory_space<vmem>> -> memref<128x64xf32, #tpu.memory_space<vmem>>
    %dma_wait3A_1112 = arith.constant 640 : i32
    %dma_wait3A_1113 = tpu.memref_slice %arg7[%dma_wait3A_1112] : memref<1280xi32, #tpu.memory_space<vmem>> -> memref<128xi32, #tpu.memory_space<vmem>>
    %dma_wait3A_1114 = arith.constant 0 : i32
    %dma_wait3A_1115 = arith.constant 0 : i32
    %dma_wait3A_1116 = tpu.memref_slice %arg5[%dma_wait3A_1114, %dma_wait3A_1115] : memref<100000x64xf32, #tpu.memory_space<hbm>> -> memref<100000x64xf32, #tpu.memory_space<hbm>>
    tpu.wait_indirect_dma semaphore(%arg9 : memref<!tpu.dma_semaphore, #tpu.memory_space<semaphore_mem>>) src(%dma_wait3A_1116 : memref<100000x64xf32, #tpu.memory_space<hbm>>) dst(%dma_wait3A_1111 : memref<128x64xf32, #tpu.memory_space<vmem>>)
    %dma_wait3A_1117 = arith.constant 768 : i32
    %dma_wait3A_1118 = arith.constant 0 : i32
    %dma_wait3A_1119 = tpu.memref_slice %arg8[%dma_wait3A_1117, %dma_wait3A_1118] : memref<1280x64xf32, #tpu.memory_space<vmem>> -> memref<128x64xf32, #tpu.memory_space<vmem>>
    %dma_wait3A_1120 = arith.constant 768 : i32
    %dma_wait3A_1121 = tpu.memref_slice %arg7[%dma_wait3A_1120] : memref<1280xi32, #tpu.memory_space<vmem>> -> memref<128xi32, #tpu.memory_space<vmem>>
    %dma_wait3A_1122 = arith.constant 0 : i32
    %dma_wait3A_1123 = arith.constant 0 : i32
    %dma_wait3A_1124 = tpu.memref_slice %arg5[%dma_wait3A_1122, %dma_wait3A_1123] : memref<100000x64xf32, #tpu.memory_space<hbm>> -> memref<100000x64xf32, #tpu.memory_space<hbm>>
    tpu.wait_indirect_dma semaphore(%arg9 : memref<!tpu.dma_semaphore, #tpu.memory_space<semaphore_mem>>) src(%dma_wait3A_1124 : memref<100000x64xf32, #tpu.memory_space<hbm>>) dst(%dma_wait3A_1119 : memref<128x64xf32, #tpu.memory_space<vmem>>)
    %dma_wait3A_1125 = arith.constant 896 : i32
    %dma_wait3A_1126 = arith.constant 0 : i32
    %dma_wait3A_1127 = tpu.memref_slice %arg8[%dma_wait3A_1125, %dma_wait3A_1126] : memref<1280x64xf32, #tpu.memory_space<vmem>> -> memref<128x64xf32, #tpu.memory_space<vmem>>
    %dma_wait3A_1128 = arith.constant 896 : i32
    %dma_wait3A_1129 = tpu.memref_slice %arg7[%dma_wait3A_1128] : memref<1280xi32, #tpu.memory_space<vmem>> -> memref<128xi32, #tpu.memory_space<vmem>>
    %dma_wait3A_1130 = arith.constant 0 : i32
    %dma_wait3A_1131 = arith.constant 0 : i32
    %dma_wait3A_1132 = tpu.memref_slice %arg5[%dma_wait3A_1130, %dma_wait3A_1131] : memref<100000x64xf32, #tpu.memory_space<hbm>> -> memref<100000x64xf32, #tpu.memory_space<hbm>>
    tpu.wait_indirect_dma semaphore(%arg9 : memref<!tpu.dma_semaphore, #tpu.memory_space<semaphore_mem>>) src(%dma_wait3A_1132 : memref<100000x64xf32, #tpu.memory_space<hbm>>) dst(%dma_wait3A_1127 : memref<128x64xf32, #tpu.memory_space<vmem>>)
    %dma_wait3A_1133 = arith.constant 1024 : i32
    %dma_wait3A_1134 = arith.constant 0 : i32
    %dma_wait3A_1135 = tpu.memref_slice %arg8[%dma_wait3A_1133, %dma_wait3A_1134] : memref<1280x64xf32, #tpu.memory_space<vmem>> -> memref<128x64xf32, #tpu.memory_space<vmem>>
    %dma_wait3A_1136 = arith.constant 1024 : i32
    %dma_wait3A_1137 = tpu.memref_slice %arg7[%dma_wait3A_1136] : memref<1280xi32, #tpu.memory_space<vmem>> -> memref<128xi32, #tpu.memory_space<vmem>>
    %dma_wait3A_1138 = arith.constant 0 : i32
    %dma_wait3A_1139 = arith.constant 0 : i32
    %dma_wait3A_1140 = tpu.memref_slice %arg5[%dma_wait3A_1138, %dma_wait3A_1139] : memref<100000x64xf32, #tpu.memory_space<hbm>> -> memref<100000x64xf32, #tpu.memory_space<hbm>>
    tpu.wait_indirect_dma semaphore(%arg9 : memref<!tpu.dma_semaphore, #tpu.memory_space<semaphore_mem>>) src(%dma_wait3A_1140 : memref<100000x64xf32, #tpu.memory_space<hbm>>) dst(%dma_wait3A_1135 : memref<128x64xf32, #tpu.memory_space<vmem>>)
    %dma_wait3A_1141 = arith.constant 1152 : i32
    %dma_wait3A_1142 = arith.constant 0 : i32
    %dma_wait3A_1143 = tpu.memref_slice %arg8[%dma_wait3A_1141, %dma_wait3A_1142] : memref<1280x64xf32, #tpu.memory_space<vmem>> -> memref<128x64xf32, #tpu.memory_space<vmem>>
    %dma_wait3A_1144 = arith.constant 1152 : i32
    %dma_wait3A_1145 = tpu.memref_slice %arg7[%dma_wait3A_1144] : memref<1280xi32, #tpu.memory_space<vmem>> -> memref<128xi32, #tpu.memory_space<vmem>>
    %dma_wait3A_1146 = arith.constant 0 : i32
    %dma_wait3A_1147 = arith.constant 0 : i32
    %dma_wait3A_1148 = tpu.memref_slice %arg5[%dma_wait3A_1146, %dma_wait3A_1147] : memref<100000x64xf32, #tpu.memory_space<hbm>> -> memref<100000x64xf32, #tpu.memory_space<hbm>>
    tpu.wait_indirect_dma semaphore(%arg9 : memref<!tpu.dma_semaphore, #tpu.memory_space<semaphore_mem>>) src(%dma_wait3A_1148 : memref<100000x64xf32, #tpu.memory_space<hbm>>) dst(%dma_wait3A_1143 : memref<128x64xf32, #tpu.memory_space<vmem>>)
    %add3A_1149 = arith.constant 1280 : i32
    %add3A_1150 = arith.addi %add3A_822, %add3A_1149 : i32
    "tpu.region"() ({
      %run_scoped3A = tpu.sem_alloc : memref<!tpu.dma_semaphore, #tpu.memory_space<semaphore_mem>>
      %dma_start3A_1643 = arith.constant 0 : i32
      %dma_start3A_1644 = tpu.memref_slice %arg6[%add3A_1150, %dma_start3A_1643] : memref<409600x64xf32, #tpu.memory_space<hbm>> -> memref<1280x64xf32, #tpu.memory_space<hbm>>
      %dma_start3A_1645 = arith.constant 0 : i32
      %dma_start3A_1646 = tpu.memref_slice %arg6[%add3A_1150, %dma_start3A_1645] : memref<409600x64xf32, #tpu.memory_space<hbm>> -> memref<1280x64xf32, #tpu.memory_space<hbm>>
      tpu.enqueue_dma source(%arg8 : memref<1280x64xf32, #tpu.memory_space<vmem>>) target(%dma_start3A_1646 : memref<1280x64xf32, #tpu.memory_space<hbm>>) target_semaphore(%run_scoped3A : memref<!tpu.dma_semaphore, #tpu.memory_space<semaphore_mem>>)
      %dma_wait3A_1647 = arith.constant 0 : i32
      %dma_wait3A_1648 = tpu.memref_slice %arg6[%add3A_1150, %dma_wait3A_1647] : memref<409600x64xf32, #tpu.memory_space<hbm>> -> memref<1280x64xf32, #tpu.memory_space<hbm>>
      %dma_wait3A_1649 = arith.constant 0 : i32
      %dma_wait3A_1650 = tpu.memref_slice %arg6[%add3A_1150, %dma_wait3A_1649] : memref<409600x64xf32, #tpu.memory_space<hbm>> -> memref<1280x64xf32, #tpu.memory_space<hbm>>
      tpu.wait_dma2 semaphore(%run_scoped3A : memref<!tpu.dma_semaphore, #tpu.memory_space<semaphore_mem>>) src(%arg8 : memref<1280x64xf32, #tpu.memory_space<vmem>>) dst(%dma_wait3A_1650 : memref<1280x64xf32, #tpu.memory_space<hbm>>)
      tpu.yield
    }) : () -> ()
    %add3A_1151 = arith.constant 2560 : i32
    %add3A_1152 = arith.addi %mul3A_2, %add3A_1151 : i32
    "tpu.region"() ({
      %run_scoped3A = tpu.sem_alloc : memref<!tpu.dma_semaphore, #tpu.memory_space<semaphore_mem>>
      %dma_start3A_1643 = tpu.memref_slice %arg3[%add3A_1152] : memref<204800xi32, #tpu.memory_space<hbm>> -> memref<1280xi32, #tpu.memory_space<hbm>>
      %dma_start3A_1644 = tpu.memref_slice %arg3[%add3A_1152] : memref<204800xi32, #tpu.memory_space<hbm>> -> memref<1280xi32, #tpu.memory_space<hbm>>
      tpu.enqueue_dma source(%dma_start3A_1644 : memref<1280xi32, #tpu.memory_space<hbm>>) target(%arg7 : memref<1280xi32, #tpu.memory_space<vmem>>) target_semaphore(%run_scoped3A : memref<!tpu.dma_semaphore, #tpu.memory_space<semaphore_mem>>)
      %dma_wait3A_1645 = tpu.memref_slice %arg3[%add3A_1152] : memref<204800xi32, #tpu.memory_space<hbm>> -> memref<1280xi32, #tpu.memory_space<hbm>>
      %dma_wait3A_1646 = tpu.memref_slice %arg3[%add3A_1152] : memref<204800xi32, #tpu.memory_space<hbm>> -> memref<1280xi32, #tpu.memory_space<hbm>>
      tpu.wait_dma2 semaphore(%run_scoped3A : memref<!tpu.dma_semaphore, #tpu.memory_space<semaphore_mem>>) src(%dma_wait3A_1646 : memref<1280xi32, #tpu.memory_space<hbm>>) dst(%arg7 : memref<1280xi32, #tpu.memory_space<vmem>>)
      tpu.yield
    }) : () -> ()
    %dma_start3A_1153 = arith.constant 0 : i32
    %dma_start3A_1154 = arith.constant 0 : i32
    %dma_start3A_1155 = tpu.memref_slice %arg8[%dma_start3A_1153, %dma_start3A_1154] : memref<1280x64xf32, #tpu.memory_space<vmem>> -> memref<128x64xf32, #tpu.memory_space<vmem>>
    %dma_start3A_1156 = arith.constant 0 : i32
    %dma_start3A_1157 = tpu.memref_slice %arg7[%dma_start3A_1156] : memref<1280xi32, #tpu.memory_space<vmem>> -> memref<128xi32, #tpu.memory_space<vmem>>
    %dma_start3A_1158 = arith.constant 0 : i32
    %dma_start3A_1159 = arith.constant 0 : i32
    %dma_start3A_1160 = tpu.memref_slice %arg5[%dma_start3A_1158, %dma_start3A_1159] : memref<100000x64xf32, #tpu.memory_space<hbm>> -> memref<100000x64xf32, #tpu.memory_space<hbm>>
    tpu.enqueue_indirect_dma source(%dma_start3A_1160 : memref<100000x64xf32, #tpu.memory_space<hbm>>) target(%dma_start3A_1155 : memref<128x64xf32, #tpu.memory_space<vmem>>) offsets(%dma_start3A_1157 : memref<128xi32, #tpu.memory_space<vmem>>) semaphore(%arg9 : memref<!tpu.dma_semaphore, #tpu.memory_space<semaphore_mem>>)
    %dma_start3A_1161 = arith.constant 128 : i32
    %dma_start3A_1162 = arith.constant 0 : i32
    %dma_start3A_1163 = tpu.memref_slice %arg8[%dma_start3A_1161, %dma_start3A_1162] : memref<1280x64xf32, #tpu.memory_space<vmem>> -> memref<128x64xf32, #tpu.memory_space<vmem>>
    %dma_start3A_1164 = arith.constant 128 : i32
    %dma_start3A_1165 = tpu.memref_slice %arg7[%dma_start3A_1164] : memref<1280xi32, #tpu.memory_space<vmem>> -> memref<128xi32, #tpu.memory_space<vmem>>
    %dma_start3A_1166 = arith.constant 0 : i32
    %dma_start3A_1167 = arith.constant 0 : i32
    %dma_start3A_1168 = tpu.memref_slice %arg5[%dma_start3A_1166, %dma_start3A_1167] : memref<100000x64xf32, #tpu.memory_space<hbm>> -> memref<100000x64xf32, #tpu.memory_space<hbm>>
    tpu.enqueue_indirect_dma source(%dma_start3A_1168 : memref<100000x64xf32, #tpu.memory_space<hbm>>) target(%dma_start3A_1163 : memref<128x64xf32, #tpu.memory_space<vmem>>) offsets(%dma_start3A_1165 : memref<128xi32, #tpu.memory_space<vmem>>) semaphore(%arg9 : memref<!tpu.dma_semaphore, #tpu.memory_space<semaphore_mem>>)
    %dma_start3A_1169 = arith.constant 256 : i32
    %dma_start3A_1170 = arith.constant 0 : i32
    %dma_start3A_1171 = tpu.memref_slice %arg8[%dma_start3A_1169, %dma_start3A_1170] : memref<1280x64xf32, #tpu.memory_space<vmem>> -> memref<128x64xf32, #tpu.memory_space<vmem>>
    %dma_start3A_1172 = arith.constant 256 : i32
    %dma_start3A_1173 = tpu.memref_slice %arg7[%dma_start3A_1172] : memref<1280xi32, #tpu.memory_space<vmem>> -> memref<128xi32, #tpu.memory_space<vmem>>
    %dma_start3A_1174 = arith.constant 0 : i32
    %dma_start3A_1175 = arith.constant 0 : i32
    %dma_start3A_1176 = tpu.memref_slice %arg5[%dma_start3A_1174, %dma_start3A_1175] : memref<100000x64xf32, #tpu.memory_space<hbm>> -> memref<100000x64xf32, #tpu.memory_space<hbm>>
    tpu.enqueue_indirect_dma source(%dma_start3A_1176 : memref<100000x64xf32, #tpu.memory_space<hbm>>) target(%dma_start3A_1171 : memref<128x64xf32, #tpu.memory_space<vmem>>) offsets(%dma_start3A_1173 : memref<128xi32, #tpu.memory_space<vmem>>) semaphore(%arg9 : memref<!tpu.dma_semaphore, #tpu.memory_space<semaphore_mem>>)
    %dma_start3A_1177 = arith.constant 384 : i32
    %dma_start3A_1178 = arith.constant 0 : i32
    %dma_start3A_1179 = tpu.memref_slice %arg8[%dma_start3A_1177, %dma_start3A_1178] : memref<1280x64xf32, #tpu.memory_space<vmem>> -> memref<128x64xf32, #tpu.memory_space<vmem>>
    %dma_start3A_1180 = arith.constant 384 : i32
    %dma_start3A_1181 = tpu.memref_slice %arg7[%dma_start3A_1180] : memref<1280xi32, #tpu.memory_space<vmem>> -> memref<128xi32, #tpu.memory_space<vmem>>
    %dma_start3A_1182 = arith.constant 0 : i32
    %dma_start3A_1183 = arith.constant 0 : i32
    %dma_start3A_1184 = tpu.memref_slice %arg5[%dma_start3A_1182, %dma_start3A_1183] : memref<100000x64xf32, #tpu.memory_space<hbm>> -> memref<100000x64xf32, #tpu.memory_space<hbm>>
    tpu.enqueue_indirect_dma source(%dma_start3A_1184 : memref<100000x64xf32, #tpu.memory_space<hbm>>) target(%dma_start3A_1179 : memref<128x64xf32, #tpu.memory_space<vmem>>) offsets(%dma_start3A_1181 : memref<128xi32, #tpu.memory_space<vmem>>) semaphore(%arg9 : memref<!tpu.dma_semaphore, #tpu.memory_space<semaphore_mem>>)
    %dma_start3A_1185 = arith.constant 512 : i32
    %dma_start3A_1186 = arith.constant 0 : i32
    %dma_start3A_1187 = tpu.memref_slice %arg8[%dma_start3A_1185, %dma_start3A_1186] : memref<1280x64xf32, #tpu.memory_space<vmem>> -> memref<128x64xf32, #tpu.memory_space<vmem>>
    %dma_start3A_1188 = arith.constant 512 : i32
    %dma_start3A_1189 = tpu.memref_slice %arg7[%dma_start3A_1188] : memref<1280xi32, #tpu.memory_space<vmem>> -> memref<128xi32, #tpu.memory_space<vmem>>
    %dma_start3A_1190 = arith.constant 0 : i32
    %dma_start3A_1191 = arith.constant 0 : i32
    %dma_start3A_1192 = tpu.memref_slice %arg5[%dma_start3A_1190, %dma_start3A_1191] : memref<100000x64xf32, #tpu.memory_space<hbm>> -> memref<100000x64xf32, #tpu.memory_space<hbm>>
    tpu.enqueue_indirect_dma source(%dma_start3A_1192 : memref<100000x64xf32, #tpu.memory_space<hbm>>) target(%dma_start3A_1187 : memref<128x64xf32, #tpu.memory_space<vmem>>) offsets(%dma_start3A_1189 : memref<128xi32, #tpu.memory_space<vmem>>) semaphore(%arg9 : memref<!tpu.dma_semaphore, #tpu.memory_space<semaphore_mem>>)
    %dma_start3A_1193 = arith.constant 640 : i32
    %dma_start3A_1194 = arith.constant 0 : i32
    %dma_start3A_1195 = tpu.memref_slice %arg8[%dma_start3A_1193, %dma_start3A_1194] : memref<1280x64xf32, #tpu.memory_space<vmem>> -> memref<128x64xf32, #tpu.memory_space<vmem>>
    %dma_start3A_1196 = arith.constant 640 : i32
    %dma_start3A_1197 = tpu.memref_slice %arg7[%dma_start3A_1196] : memref<1280xi32, #tpu.memory_space<vmem>> -> memref<128xi32, #tpu.memory_space<vmem>>
    %dma_start3A_1198 = arith.constant 0 : i32
    %dma_start3A_1199 = arith.constant 0 : i32
    %dma_start3A_1200 = tpu.memref_slice %arg5[%dma_start3A_1198, %dma_start3A_1199] : memref<100000x64xf32, #tpu.memory_space<hbm>> -> memref<100000x64xf32, #tpu.memory_space<hbm>>
    tpu.enqueue_indirect_dma source(%dma_start3A_1200 : memref<100000x64xf32, #tpu.memory_space<hbm>>) target(%dma_start3A_1195 : memref<128x64xf32, #tpu.memory_space<vmem>>) offsets(%dma_start3A_1197 : memref<128xi32, #tpu.memory_space<vmem>>) semaphore(%arg9 : memref<!tpu.dma_semaphore, #tpu.memory_space<semaphore_mem>>)
    %dma_start3A_1201 = arith.constant 768 : i32
    %dma_start3A_1202 = arith.constant 0 : i32
    %dma_start3A_1203 = tpu.memref_slice %arg8[%dma_start3A_1201, %dma_start3A_1202] : memref<1280x64xf32, #tpu.memory_space<vmem>> -> memref<128x64xf32, #tpu.memory_space<vmem>>
    %dma_start3A_1204 = arith.constant 768 : i32
    %dma_start3A_1205 = tpu.memref_slice %arg7[%dma_start3A_1204] : memref<1280xi32, #tpu.memory_space<vmem>> -> memref<128xi32, #tpu.memory_space<vmem>>
    %dma_start3A_1206 = arith.constant 0 : i32
    %dma_start3A_1207 = arith.constant 0 : i32
    %dma_start3A_1208 = tpu.memref_slice %arg5[%dma_start3A_1206, %dma_start3A_1207] : memref<100000x64xf32, #tpu.memory_space<hbm>> -> memref<100000x64xf32, #tpu.memory_space<hbm>>
    tpu.enqueue_indirect_dma source(%dma_start3A_1208 : memref<100000x64xf32, #tpu.memory_space<hbm>>) target(%dma_start3A_1203 : memref<128x64xf32, #tpu.memory_space<vmem>>) offsets(%dma_start3A_1205 : memref<128xi32, #tpu.memory_space<vmem>>) semaphore(%arg9 : memref<!tpu.dma_semaphore, #tpu.memory_space<semaphore_mem>>)
    %dma_start3A_1209 = arith.constant 896 : i32
    %dma_start3A_1210 = arith.constant 0 : i32
    %dma_start3A_1211 = tpu.memref_slice %arg8[%dma_start3A_1209, %dma_start3A_1210] : memref<1280x64xf32, #tpu.memory_space<vmem>> -> memref<128x64xf32, #tpu.memory_space<vmem>>
    %dma_start3A_1212 = arith.constant 896 : i32
    %dma_start3A_1213 = tpu.memref_slice %arg7[%dma_start3A_1212] : memref<1280xi32, #tpu.memory_space<vmem>> -> memref<128xi32, #tpu.memory_space<vmem>>
    %dma_start3A_1214 = arith.constant 0 : i32
    %dma_start3A_1215 = arith.constant 0 : i32
    %dma_start3A_1216 = tpu.memref_slice %arg5[%dma_start3A_1214, %dma_start3A_1215] : memref<100000x64xf32, #tpu.memory_space<hbm>> -> memref<100000x64xf32, #tpu.memory_space<hbm>>
    tpu.enqueue_indirect_dma source(%dma_start3A_1216 : memref<100000x64xf32, #tpu.memory_space<hbm>>) target(%dma_start3A_1211 : memref<128x64xf32, #tpu.memory_space<vmem>>) offsets(%dma_start3A_1213 : memref<128xi32, #tpu.memory_space<vmem>>) semaphore(%arg9 : memref<!tpu.dma_semaphore, #tpu.memory_space<semaphore_mem>>)
    %dma_start3A_1217 = arith.constant 1024 : i32
    %dma_start3A_1218 = arith.constant 0 : i32
    %dma_start3A_1219 = tpu.memref_slice %arg8[%dma_start3A_1217, %dma_start3A_1218] : memref<1280x64xf32, #tpu.memory_space<vmem>> -> memref<128x64xf32, #tpu.memory_space<vmem>>
    %dma_start3A_1220 = arith.constant 1024 : i32
    %dma_start3A_1221 = tpu.memref_slice %arg7[%dma_start3A_1220] : memref<1280xi32, #tpu.memory_space<vmem>> -> memref<128xi32, #tpu.memory_space<vmem>>
    %dma_start3A_1222 = arith.constant 0 : i32
    %dma_start3A_1223 = arith.constant 0 : i32
    %dma_start3A_1224 = tpu.memref_slice %arg5[%dma_start3A_1222, %dma_start3A_1223] : memref<100000x64xf32, #tpu.memory_space<hbm>> -> memref<100000x64xf32, #tpu.memory_space<hbm>>
    tpu.enqueue_indirect_dma source(%dma_start3A_1224 : memref<100000x64xf32, #tpu.memory_space<hbm>>) target(%dma_start3A_1219 : memref<128x64xf32, #tpu.memory_space<vmem>>) offsets(%dma_start3A_1221 : memref<128xi32, #tpu.memory_space<vmem>>) semaphore(%arg9 : memref<!tpu.dma_semaphore, #tpu.memory_space<semaphore_mem>>)
    %dma_start3A_1225 = arith.constant 1152 : i32
    %dma_start3A_1226 = arith.constant 0 : i32
    %dma_start3A_1227 = tpu.memref_slice %arg8[%dma_start3A_1225, %dma_start3A_1226] : memref<1280x64xf32, #tpu.memory_space<vmem>> -> memref<128x64xf32, #tpu.memory_space<vmem>>
    %dma_start3A_1228 = arith.constant 1152 : i32
    %dma_start3A_1229 = tpu.memref_slice %arg7[%dma_start3A_1228] : memref<1280xi32, #tpu.memory_space<vmem>> -> memref<128xi32, #tpu.memory_space<vmem>>
    %dma_start3A_1230 = arith.constant 0 : i32
    %dma_start3A_1231 = arith.constant 0 : i32
    %dma_start3A_1232 = tpu.memref_slice %arg5[%dma_start3A_1230, %dma_start3A_1231] : memref<100000x64xf32, #tpu.memory_space<hbm>> -> memref<100000x64xf32, #tpu.memory_space<hbm>>
    tpu.enqueue_indirect_dma source(%dma_start3A_1232 : memref<100000x64xf32, #tpu.memory_space<hbm>>) target(%dma_start3A_1227 : memref<128x64xf32, #tpu.memory_space<vmem>>) offsets(%dma_start3A_1229 : memref<128xi32, #tpu.memory_space<vmem>>) semaphore(%arg9 : memref<!tpu.dma_semaphore, #tpu.memory_space<semaphore_mem>>)
    %dma_wait3A_1233 = arith.constant 0 : i32
    %dma_wait3A_1234 = arith.constant 0 : i32
    %dma_wait3A_1235 = tpu.memref_slice %arg8[%dma_wait3A_1233, %dma_wait3A_1234] : memref<1280x64xf32, #tpu.memory_space<vmem>> -> memref<128x64xf32, #tpu.memory_space<vmem>>
    %dma_wait3A_1236 = arith.constant 0 : i32
    %dma_wait3A_1237 = tpu.memref_slice %arg7[%dma_wait3A_1236] : memref<1280xi32, #tpu.memory_space<vmem>> -> memref<128xi32, #tpu.memory_space<vmem>>
    %dma_wait3A_1238 = arith.constant 0 : i32
    %dma_wait3A_1239 = arith.constant 0 : i32
    %dma_wait3A_1240 = tpu.memref_slice %arg5[%dma_wait3A_1238, %dma_wait3A_1239] : memref<100000x64xf32, #tpu.memory_space<hbm>> -> memref<100000x64xf32, #tpu.memory_space<hbm>>
    tpu.wait_indirect_dma semaphore(%arg9 : memref<!tpu.dma_semaphore, #tpu.memory_space<semaphore_mem>>) src(%dma_wait3A_1240 : memref<100000x64xf32, #tpu.memory_space<hbm>>) dst(%dma_wait3A_1235 : memref<128x64xf32, #tpu.memory_space<vmem>>)
    %dma_wait3A_1241 = arith.constant 128 : i32
    %dma_wait3A_1242 = arith.constant 0 : i32
    %dma_wait3A_1243 = tpu.memref_slice %arg8[%dma_wait3A_1241, %dma_wait3A_1242] : memref<1280x64xf32, #tpu.memory_space<vmem>> -> memref<128x64xf32, #tpu.memory_space<vmem>>
    %dma_wait3A_1244 = arith.constant 128 : i32
    %dma_wait3A_1245 = tpu.memref_slice %arg7[%dma_wait3A_1244] : memref<1280xi32, #tpu.memory_space<vmem>> -> memref<128xi32, #tpu.memory_space<vmem>>
    %dma_wait3A_1246 = arith.constant 0 : i32
    %dma_wait3A_1247 = arith.constant 0 : i32
    %dma_wait3A_1248 = tpu.memref_slice %arg5[%dma_wait3A_1246, %dma_wait3A_1247] : memref<100000x64xf32, #tpu.memory_space<hbm>> -> memref<100000x64xf32, #tpu.memory_space<hbm>>
    tpu.wait_indirect_dma semaphore(%arg9 : memref<!tpu.dma_semaphore, #tpu.memory_space<semaphore_mem>>) src(%dma_wait3A_1248 : memref<100000x64xf32, #tpu.memory_space<hbm>>) dst(%dma_wait3A_1243 : memref<128x64xf32, #tpu.memory_space<vmem>>)
    %dma_wait3A_1249 = arith.constant 256 : i32
    %dma_wait3A_1250 = arith.constant 0 : i32
    %dma_wait3A_1251 = tpu.memref_slice %arg8[%dma_wait3A_1249, %dma_wait3A_1250] : memref<1280x64xf32, #tpu.memory_space<vmem>> -> memref<128x64xf32, #tpu.memory_space<vmem>>
    %dma_wait3A_1252 = arith.constant 256 : i32
    %dma_wait3A_1253 = tpu.memref_slice %arg7[%dma_wait3A_1252] : memref<1280xi32, #tpu.memory_space<vmem>> -> memref<128xi32, #tpu.memory_space<vmem>>
    %dma_wait3A_1254 = arith.constant 0 : i32
    %dma_wait3A_1255 = arith.constant 0 : i32
    %dma_wait3A_1256 = tpu.memref_slice %arg5[%dma_wait3A_1254, %dma_wait3A_1255] : memref<100000x64xf32, #tpu.memory_space<hbm>> -> memref<100000x64xf32, #tpu.memory_space<hbm>>
    tpu.wait_indirect_dma semaphore(%arg9 : memref<!tpu.dma_semaphore, #tpu.memory_space<semaphore_mem>>) src(%dma_wait3A_1256 : memref<100000x64xf32, #tpu.memory_space<hbm>>) dst(%dma_wait3A_1251 : memref<128x64xf32, #tpu.memory_space<vmem>>)
    %dma_wait3A_1257 = arith.constant 384 : i32
    %dma_wait3A_1258 = arith.constant 0 : i32
    %dma_wait3A_1259 = tpu.memref_slice %arg8[%dma_wait3A_1257, %dma_wait3A_1258] : memref<1280x64xf32, #tpu.memory_space<vmem>> -> memref<128x64xf32, #tpu.memory_space<vmem>>
    %dma_wait3A_1260 = arith.constant 384 : i32
    %dma_wait3A_1261 = tpu.memref_slice %arg7[%dma_wait3A_1260] : memref<1280xi32, #tpu.memory_space<vmem>> -> memref<128xi32, #tpu.memory_space<vmem>>
    %dma_wait3A_1262 = arith.constant 0 : i32
    %dma_wait3A_1263 = arith.constant 0 : i32
    %dma_wait3A_1264 = tpu.memref_slice %arg5[%dma_wait3A_1262, %dma_wait3A_1263] : memref<100000x64xf32, #tpu.memory_space<hbm>> -> memref<100000x64xf32, #tpu.memory_space<hbm>>
    tpu.wait_indirect_dma semaphore(%arg9 : memref<!tpu.dma_semaphore, #tpu.memory_space<semaphore_mem>>) src(%dma_wait3A_1264 : memref<100000x64xf32, #tpu.memory_space<hbm>>) dst(%dma_wait3A_1259 : memref<128x64xf32, #tpu.memory_space<vmem>>)
    %dma_wait3A_1265 = arith.constant 512 : i32
    %dma_wait3A_1266 = arith.constant 0 : i32
    %dma_wait3A_1267 = tpu.memref_slice %arg8[%dma_wait3A_1265, %dma_wait3A_1266] : memref<1280x64xf32, #tpu.memory_space<vmem>> -> memref<128x64xf32, #tpu.memory_space<vmem>>
    %dma_wait3A_1268 = arith.constant 512 : i32
    %dma_wait3A_1269 = tpu.memref_slice %arg7[%dma_wait3A_1268] : memref<1280xi32, #tpu.memory_space<vmem>> -> memref<128xi32, #tpu.memory_space<vmem>>
    %dma_wait3A_1270 = arith.constant 0 : i32
    %dma_wait3A_1271 = arith.constant 0 : i32
    %dma_wait3A_1272 = tpu.memref_slice %arg5[%dma_wait3A_1270, %dma_wait3A_1271] : memref<100000x64xf32, #tpu.memory_space<hbm>> -> memref<100000x64xf32, #tpu.memory_space<hbm>>
    tpu.wait_indirect_dma semaphore(%arg9 : memref<!tpu.dma_semaphore, #tpu.memory_space<semaphore_mem>>) src(%dma_wait3A_1272 : memref<100000x64xf32, #tpu.memory_space<hbm>>) dst(%dma_wait3A_1267 : memref<128x64xf32, #tpu.memory_space<vmem>>)
    %dma_wait3A_1273 = arith.constant 640 : i32
    %dma_wait3A_1274 = arith.constant 0 : i32
    %dma_wait3A_1275 = tpu.memref_slice %arg8[%dma_wait3A_1273, %dma_wait3A_1274] : memref<1280x64xf32, #tpu.memory_space<vmem>> -> memref<128x64xf32, #tpu.memory_space<vmem>>
    %dma_wait3A_1276 = arith.constant 640 : i32
    %dma_wait3A_1277 = tpu.memref_slice %arg7[%dma_wait3A_1276] : memref<1280xi32, #tpu.memory_space<vmem>> -> memref<128xi32, #tpu.memory_space<vmem>>
    %dma_wait3A_1278 = arith.constant 0 : i32
    %dma_wait3A_1279 = arith.constant 0 : i32
    %dma_wait3A_1280 = tpu.memref_slice %arg5[%dma_wait3A_1278, %dma_wait3A_1279] : memref<100000x64xf32, #tpu.memory_space<hbm>> -> memref<100000x64xf32, #tpu.memory_space<hbm>>
    tpu.wait_indirect_dma semaphore(%arg9 : memref<!tpu.dma_semaphore, #tpu.memory_space<semaphore_mem>>) src(%dma_wait3A_1280 : memref<100000x64xf32, #tpu.memory_space<hbm>>) dst(%dma_wait3A_1275 : memref<128x64xf32, #tpu.memory_space<vmem>>)
    %dma_wait3A_1281 = arith.constant 768 : i32
    %dma_wait3A_1282 = arith.constant 0 : i32
    %dma_wait3A_1283 = tpu.memref_slice %arg8[%dma_wait3A_1281, %dma_wait3A_1282] : memref<1280x64xf32, #tpu.memory_space<vmem>> -> memref<128x64xf32, #tpu.memory_space<vmem>>
    %dma_wait3A_1284 = arith.constant 768 : i32
    %dma_wait3A_1285 = tpu.memref_slice %arg7[%dma_wait3A_1284] : memref<1280xi32, #tpu.memory_space<vmem>> -> memref<128xi32, #tpu.memory_space<vmem>>
    %dma_wait3A_1286 = arith.constant 0 : i32
    %dma_wait3A_1287 = arith.constant 0 : i32
    %dma_wait3A_1288 = tpu.memref_slice %arg5[%dma_wait3A_1286, %dma_wait3A_1287] : memref<100000x64xf32, #tpu.memory_space<hbm>> -> memref<100000x64xf32, #tpu.memory_space<hbm>>
    tpu.wait_indirect_dma semaphore(%arg9 : memref<!tpu.dma_semaphore, #tpu.memory_space<semaphore_mem>>) src(%dma_wait3A_1288 : memref<100000x64xf32, #tpu.memory_space<hbm>>) dst(%dma_wait3A_1283 : memref<128x64xf32, #tpu.memory_space<vmem>>)
    %dma_wait3A_1289 = arith.constant 896 : i32
    %dma_wait3A_1290 = arith.constant 0 : i32
    %dma_wait3A_1291 = tpu.memref_slice %arg8[%dma_wait3A_1289, %dma_wait3A_1290] : memref<1280x64xf32, #tpu.memory_space<vmem>> -> memref<128x64xf32, #tpu.memory_space<vmem>>
    %dma_wait3A_1292 = arith.constant 896 : i32
    %dma_wait3A_1293 = tpu.memref_slice %arg7[%dma_wait3A_1292] : memref<1280xi32, #tpu.memory_space<vmem>> -> memref<128xi32, #tpu.memory_space<vmem>>
    %dma_wait3A_1294 = arith.constant 0 : i32
    %dma_wait3A_1295 = arith.constant 0 : i32
    %dma_wait3A_1296 = tpu.memref_slice %arg5[%dma_wait3A_1294, %dma_wait3A_1295] : memref<100000x64xf32, #tpu.memory_space<hbm>> -> memref<100000x64xf32, #tpu.memory_space<hbm>>
    tpu.wait_indirect_dma semaphore(%arg9 : memref<!tpu.dma_semaphore, #tpu.memory_space<semaphore_mem>>) src(%dma_wait3A_1296 : memref<100000x64xf32, #tpu.memory_space<hbm>>) dst(%dma_wait3A_1291 : memref<128x64xf32, #tpu.memory_space<vmem>>)
    %dma_wait3A_1297 = arith.constant 1024 : i32
    %dma_wait3A_1298 = arith.constant 0 : i32
    %dma_wait3A_1299 = tpu.memref_slice %arg8[%dma_wait3A_1297, %dma_wait3A_1298] : memref<1280x64xf32, #tpu.memory_space<vmem>> -> memref<128x64xf32, #tpu.memory_space<vmem>>
    %dma_wait3A_1300 = arith.constant 1024 : i32
    %dma_wait3A_1301 = tpu.memref_slice %arg7[%dma_wait3A_1300] : memref<1280xi32, #tpu.memory_space<vmem>> -> memref<128xi32, #tpu.memory_space<vmem>>
    %dma_wait3A_1302 = arith.constant 0 : i32
    %dma_wait3A_1303 = arith.constant 0 : i32
    %dma_wait3A_1304 = tpu.memref_slice %arg5[%dma_wait3A_1302, %dma_wait3A_1303] : memref<100000x64xf32, #tpu.memory_space<hbm>> -> memref<100000x64xf32, #tpu.memory_space<hbm>>
    tpu.wait_indirect_dma semaphore(%arg9 : memref<!tpu.dma_semaphore, #tpu.memory_space<semaphore_mem>>) src(%dma_wait3A_1304 : memref<100000x64xf32, #tpu.memory_space<hbm>>) dst(%dma_wait3A_1299 : memref<128x64xf32, #tpu.memory_space<vmem>>)
    %dma_wait3A_1305 = arith.constant 1152 : i32
    %dma_wait3A_1306 = arith.constant 0 : i32
    %dma_wait3A_1307 = tpu.memref_slice %arg8[%dma_wait3A_1305, %dma_wait3A_1306] : memref<1280x64xf32, #tpu.memory_space<vmem>> -> memref<128x64xf32, #tpu.memory_space<vmem>>
    %dma_wait3A_1308 = arith.constant 1152 : i32
    %dma_wait3A_1309 = tpu.memref_slice %arg7[%dma_wait3A_1308] : memref<1280xi32, #tpu.memory_space<vmem>> -> memref<128xi32, #tpu.memory_space<vmem>>
    %dma_wait3A_1310 = arith.constant 0 : i32
    %dma_wait3A_1311 = arith.constant 0 : i32
    %dma_wait3A_1312 = tpu.memref_slice %arg5[%dma_wait3A_1310, %dma_wait3A_1311] : memref<100000x64xf32, #tpu.memory_space<hbm>> -> memref<100000x64xf32, #tpu.memory_space<hbm>>
    tpu.wait_indirect_dma semaphore(%arg9 : memref<!tpu.dma_semaphore, #tpu.memory_space<semaphore_mem>>) src(%dma_wait3A_1312 : memref<100000x64xf32, #tpu.memory_space<hbm>>) dst(%dma_wait3A_1307 : memref<128x64xf32, #tpu.memory_space<vmem>>)
    %add3A_1313 = arith.constant 2560 : i32
    %add3A_1314 = arith.addi %add3A_822, %add3A_1313 : i32
    "tpu.region"() ({
      %run_scoped3A = tpu.sem_alloc : memref<!tpu.dma_semaphore, #tpu.memory_space<semaphore_mem>>
      %dma_start3A_1643 = arith.constant 0 : i32
      %dma_start3A_1644 = tpu.memref_slice %arg6[%add3A_1314, %dma_start3A_1643] : memref<409600x64xf32, #tpu.memory_space<hbm>> -> memref<1280x64xf32, #tpu.memory_space<hbm>>
      %dma_start3A_1645 = arith.constant 0 : i32
      %dma_start3A_1646 = tpu.memref_slice %arg6[%add3A_1314, %dma_start3A_1645] : memref<409600x64xf32, #tpu.memory_space<hbm>> -> memref<1280x64xf32, #tpu.memory_space<hbm>>
      tpu.enqueue_dma source(%arg8 : memref<1280x64xf32, #tpu.memory_space<vmem>>) target(%dma_start3A_1646 : memref<1280x64xf32, #tpu.memory_space<hbm>>) target_semaphore(%run_scoped3A : memref<!tpu.dma_semaphore, #tpu.memory_space<semaphore_mem>>)
      %dma_wait3A_1647 = arith.constant 0 : i32
      %dma_wait3A_1648 = tpu.memref_slice %arg6[%add3A_1314, %dma_wait3A_1647] : memref<409600x64xf32, #tpu.memory_space<hbm>> -> memref<1280x64xf32, #tpu.memory_space<hbm>>
      %dma_wait3A_1649 = arith.constant 0 : i32
      %dma_wait3A_1650 = tpu.memref_slice %arg6[%add3A_1314, %dma_wait3A_1649] : memref<409600x64xf32, #tpu.memory_space<hbm>> -> memref<1280x64xf32, #tpu.memory_space<hbm>>
      tpu.wait_dma2 semaphore(%run_scoped3A : memref<!tpu.dma_semaphore, #tpu.memory_space<semaphore_mem>>) src(%arg8 : memref<1280x64xf32, #tpu.memory_space<vmem>>) dst(%dma_wait3A_1650 : memref<1280x64xf32, #tpu.memory_space<hbm>>)
      tpu.yield
    }) : () -> ()
    %add3A_1315 = arith.constant 3840 : i32
    %add3A_1316 = arith.addi %mul3A_2, %add3A_1315 : i32
    "tpu.region"() ({
      %run_scoped3A = tpu.sem_alloc : memref<!tpu.dma_semaphore, #tpu.memory_space<semaphore_mem>>
      %dma_start3A_1643 = tpu.memref_slice %arg3[%add3A_1316] : memref<204800xi32, #tpu.memory_space<hbm>> -> memref<1280xi32, #tpu.memory_space<hbm>>
      %dma_start3A_1644 = tpu.memref_slice %arg3[%add3A_1316] : memref<204800xi32, #tpu.memory_space<hbm>> -> memref<1280xi32, #tpu.memory_space<hbm>>
      tpu.enqueue_dma source(%dma_start3A_1644 : memref<1280xi32, #tpu.memory_space<hbm>>) target(%arg7 : memref<1280xi32, #tpu.memory_space<vmem>>) target_semaphore(%run_scoped3A : memref<!tpu.dma_semaphore, #tpu.memory_space<semaphore_mem>>)
      %dma_wait3A_1645 = tpu.memref_slice %arg3[%add3A_1316] : memref<204800xi32, #tpu.memory_space<hbm>> -> memref<1280xi32, #tpu.memory_space<hbm>>
      %dma_wait3A_1646 = tpu.memref_slice %arg3[%add3A_1316] : memref<204800xi32, #tpu.memory_space<hbm>> -> memref<1280xi32, #tpu.memory_space<hbm>>
      tpu.wait_dma2 semaphore(%run_scoped3A : memref<!tpu.dma_semaphore, #tpu.memory_space<semaphore_mem>>) src(%dma_wait3A_1646 : memref<1280xi32, #tpu.memory_space<hbm>>) dst(%arg7 : memref<1280xi32, #tpu.memory_space<vmem>>)
      tpu.yield
    }) : () -> ()
    %dma_start3A_1317 = arith.constant 0 : i32
    %dma_start3A_1318 = arith.constant 0 : i32
    %dma_start3A_1319 = tpu.memref_slice %arg8[%dma_start3A_1317, %dma_start3A_1318] : memref<1280x64xf32, #tpu.memory_space<vmem>> -> memref<128x64xf32, #tpu.memory_space<vmem>>
    %dma_start3A_1320 = arith.constant 0 : i32
    %dma_start3A_1321 = tpu.memref_slice %arg7[%dma_start3A_1320] : memref<1280xi32, #tpu.memory_space<vmem>> -> memref<128xi32, #tpu.memory_space<vmem>>
    %dma_start3A_1322 = arith.constant 0 : i32
    %dma_start3A_1323 = arith.constant 0 : i32
    %dma_start3A_1324 = tpu.memref_slice %arg5[%dma_start3A_1322, %dma_start3A_1323] : memref<100000x64xf32, #tpu.memory_space<hbm>> -> memref<100000x64xf32, #tpu.memory_space<hbm>>
    tpu.enqueue_indirect_dma source(%dma_start3A_1324 : memref<100000x64xf32, #tpu.memory_space<hbm>>) target(%dma_start3A_1319 : memref<128x64xf32, #tpu.memory_space<vmem>>) offsets(%dma_start3A_1321 : memref<128xi32, #tpu.memory_space<vmem>>) semaphore(%arg9 : memref<!tpu.dma_semaphore, #tpu.memory_space<semaphore_mem>>)
    %dma_start3A_1325 = arith.constant 128 : i32
    %dma_start3A_1326 = arith.constant 0 : i32
    %dma_start3A_1327 = tpu.memref_slice %arg8[%dma_start3A_1325, %dma_start3A_1326] : memref<1280x64xf32, #tpu.memory_space<vmem>> -> memref<128x64xf32, #tpu.memory_space<vmem>>
    %dma_start3A_1328 = arith.constant 128 : i32
    %dma_start3A_1329 = tpu.memref_slice %arg7[%dma_start3A_1328] : memref<1280xi32, #tpu.memory_space<vmem>> -> memref<128xi32, #tpu.memory_space<vmem>>
    %dma_start3A_1330 = arith.constant 0 : i32
    %dma_start3A_1331 = arith.constant 0 : i32
    %dma_start3A_1332 = tpu.memref_slice %arg5[%dma_start3A_1330, %dma_start3A_1331] : memref<100000x64xf32, #tpu.memory_space<hbm>> -> memref<100000x64xf32, #tpu.memory_space<hbm>>
    tpu.enqueue_indirect_dma source(%dma_start3A_1332 : memref<100000x64xf32, #tpu.memory_space<hbm>>) target(%dma_start3A_1327 : memref<128x64xf32, #tpu.memory_space<vmem>>) offsets(%dma_start3A_1329 : memref<128xi32, #tpu.memory_space<vmem>>) semaphore(%arg9 : memref<!tpu.dma_semaphore, #tpu.memory_space<semaphore_mem>>)
    %dma_start3A_1333 = arith.constant 256 : i32
    %dma_start3A_1334 = arith.constant 0 : i32
    %dma_start3A_1335 = tpu.memref_slice %arg8[%dma_start3A_1333, %dma_start3A_1334] : memref<1280x64xf32, #tpu.memory_space<vmem>> -> memref<128x64xf32, #tpu.memory_space<vmem>>
    %dma_start3A_1336 = arith.constant 256 : i32
    %dma_start3A_1337 = tpu.memref_slice %arg7[%dma_start3A_1336] : memref<1280xi32, #tpu.memory_space<vmem>> -> memref<128xi32, #tpu.memory_space<vmem>>
    %dma_start3A_1338 = arith.constant 0 : i32
    %dma_start3A_1339 = arith.constant 0 : i32
    %dma_start3A_1340 = tpu.memref_slice %arg5[%dma_start3A_1338, %dma_start3A_1339] : memref<100000x64xf32, #tpu.memory_space<hbm>> -> memref<100000x64xf32, #tpu.memory_space<hbm>>
    tpu.enqueue_indirect_dma source(%dma_start3A_1340 : memref<100000x64xf32, #tpu.memory_space<hbm>>) target(%dma_start3A_1335 : memref<128x64xf32, #tpu.memory_space<vmem>>) offsets(%dma_start3A_1337 : memref<128xi32, #tpu.memory_space<vmem>>) semaphore(%arg9 : memref<!tpu.dma_semaphore, #tpu.memory_space<semaphore_mem>>)
    %dma_start3A_1341 = arith.constant 384 : i32
    %dma_start3A_1342 = arith.constant 0 : i32
    %dma_start3A_1343 = tpu.memref_slice %arg8[%dma_start3A_1341, %dma_start3A_1342] : memref<1280x64xf32, #tpu.memory_space<vmem>> -> memref<128x64xf32, #tpu.memory_space<vmem>>
    %dma_start3A_1344 = arith.constant 384 : i32
    %dma_start3A_1345 = tpu.memref_slice %arg7[%dma_start3A_1344] : memref<1280xi32, #tpu.memory_space<vmem>> -> memref<128xi32, #tpu.memory_space<vmem>>
    %dma_start3A_1346 = arith.constant 0 : i32
    %dma_start3A_1347 = arith.constant 0 : i32
    %dma_start3A_1348 = tpu.memref_slice %arg5[%dma_start3A_1346, %dma_start3A_1347] : memref<100000x64xf32, #tpu.memory_space<hbm>> -> memref<100000x64xf32, #tpu.memory_space<hbm>>
    tpu.enqueue_indirect_dma source(%dma_start3A_1348 : memref<100000x64xf32, #tpu.memory_space<hbm>>) target(%dma_start3A_1343 : memref<128x64xf32, #tpu.memory_space<vmem>>) offsets(%dma_start3A_1345 : memref<128xi32, #tpu.memory_space<vmem>>) semaphore(%arg9 : memref<!tpu.dma_semaphore, #tpu.memory_space<semaphore_mem>>)
    %dma_start3A_1349 = arith.constant 512 : i32
    %dma_start3A_1350 = arith.constant 0 : i32
    %dma_start3A_1351 = tpu.memref_slice %arg8[%dma_start3A_1349, %dma_start3A_1350] : memref<1280x64xf32, #tpu.memory_space<vmem>> -> memref<128x64xf32, #tpu.memory_space<vmem>>
    %dma_start3A_1352 = arith.constant 512 : i32
    %dma_start3A_1353 = tpu.memref_slice %arg7[%dma_start3A_1352] : memref<1280xi32, #tpu.memory_space<vmem>> -> memref<128xi32, #tpu.memory_space<vmem>>
    %dma_start3A_1354 = arith.constant 0 : i32
    %dma_start3A_1355 = arith.constant 0 : i32
    %dma_start3A_1356 = tpu.memref_slice %arg5[%dma_start3A_1354, %dma_start3A_1355] : memref<100000x64xf32, #tpu.memory_space<hbm>> -> memref<100000x64xf32, #tpu.memory_space<hbm>>
    tpu.enqueue_indirect_dma source(%dma_start3A_1356 : memref<100000x64xf32, #tpu.memory_space<hbm>>) target(%dma_start3A_1351 : memref<128x64xf32, #tpu.memory_space<vmem>>) offsets(%dma_start3A_1353 : memref<128xi32, #tpu.memory_space<vmem>>) semaphore(%arg9 : memref<!tpu.dma_semaphore, #tpu.memory_space<semaphore_mem>>)
    %dma_start3A_1357 = arith.constant 640 : i32
    %dma_start3A_1358 = arith.constant 0 : i32
    %dma_start3A_1359 = tpu.memref_slice %arg8[%dma_start3A_1357, %dma_start3A_1358] : memref<1280x64xf32, #tpu.memory_space<vmem>> -> memref<128x64xf32, #tpu.memory_space<vmem>>
    %dma_start3A_1360 = arith.constant 640 : i32
    %dma_start3A_1361 = tpu.memref_slice %arg7[%dma_start3A_1360] : memref<1280xi32, #tpu.memory_space<vmem>> -> memref<128xi32, #tpu.memory_space<vmem>>
    %dma_start3A_1362 = arith.constant 0 : i32
    %dma_start3A_1363 = arith.constant 0 : i32
    %dma_start3A_1364 = tpu.memref_slice %arg5[%dma_start3A_1362, %dma_start3A_1363] : memref<100000x64xf32, #tpu.memory_space<hbm>> -> memref<100000x64xf32, #tpu.memory_space<hbm>>
    tpu.enqueue_indirect_dma source(%dma_start3A_1364 : memref<100000x64xf32, #tpu.memory_space<hbm>>) target(%dma_start3A_1359 : memref<128x64xf32, #tpu.memory_space<vmem>>) offsets(%dma_start3A_1361 : memref<128xi32, #tpu.memory_space<vmem>>) semaphore(%arg9 : memref<!tpu.dma_semaphore, #tpu.memory_space<semaphore_mem>>)
    %dma_start3A_1365 = arith.constant 768 : i32
    %dma_start3A_1366 = arith.constant 0 : i32
    %dma_start3A_1367 = tpu.memref_slice %arg8[%dma_start3A_1365, %dma_start3A_1366] : memref<1280x64xf32, #tpu.memory_space<vmem>> -> memref<128x64xf32, #tpu.memory_space<vmem>>
    %dma_start3A_1368 = arith.constant 768 : i32
    %dma_start3A_1369 = tpu.memref_slice %arg7[%dma_start3A_1368] : memref<1280xi32, #tpu.memory_space<vmem>> -> memref<128xi32, #tpu.memory_space<vmem>>
    %dma_start3A_1370 = arith.constant 0 : i32
    %dma_start3A_1371 = arith.constant 0 : i32
    %dma_start3A_1372 = tpu.memref_slice %arg5[%dma_start3A_1370, %dma_start3A_1371] : memref<100000x64xf32, #tpu.memory_space<hbm>> -> memref<100000x64xf32, #tpu.memory_space<hbm>>
    tpu.enqueue_indirect_dma source(%dma_start3A_1372 : memref<100000x64xf32, #tpu.memory_space<hbm>>) target(%dma_start3A_1367 : memref<128x64xf32, #tpu.memory_space<vmem>>) offsets(%dma_start3A_1369 : memref<128xi32, #tpu.memory_space<vmem>>) semaphore(%arg9 : memref<!tpu.dma_semaphore, #tpu.memory_space<semaphore_mem>>)
    %dma_start3A_1373 = arith.constant 896 : i32
    %dma_start3A_1374 = arith.constant 0 : i32
    %dma_start3A_1375 = tpu.memref_slice %arg8[%dma_start3A_1373, %dma_start3A_1374] : memref<1280x64xf32, #tpu.memory_space<vmem>> -> memref<128x64xf32, #tpu.memory_space<vmem>>
    %dma_start3A_1376 = arith.constant 896 : i32
    %dma_start3A_1377 = tpu.memref_slice %arg7[%dma_start3A_1376] : memref<1280xi32, #tpu.memory_space<vmem>> -> memref<128xi32, #tpu.memory_space<vmem>>
    %dma_start3A_1378 = arith.constant 0 : i32
    %dma_start3A_1379 = arith.constant 0 : i32
    %dma_start3A_1380 = tpu.memref_slice %arg5[%dma_start3A_1378, %dma_start3A_1379] : memref<100000x64xf32, #tpu.memory_space<hbm>> -> memref<100000x64xf32, #tpu.memory_space<hbm>>
    tpu.enqueue_indirect_dma source(%dma_start3A_1380 : memref<100000x64xf32, #tpu.memory_space<hbm>>) target(%dma_start3A_1375 : memref<128x64xf32, #tpu.memory_space<vmem>>) offsets(%dma_start3A_1377 : memref<128xi32, #tpu.memory_space<vmem>>) semaphore(%arg9 : memref<!tpu.dma_semaphore, #tpu.memory_space<semaphore_mem>>)
    %dma_start3A_1381 = arith.constant 1024 : i32
    %dma_start3A_1382 = arith.constant 0 : i32
    %dma_start3A_1383 = tpu.memref_slice %arg8[%dma_start3A_1381, %dma_start3A_1382] : memref<1280x64xf32, #tpu.memory_space<vmem>> -> memref<128x64xf32, #tpu.memory_space<vmem>>
    %dma_start3A_1384 = arith.constant 1024 : i32
    %dma_start3A_1385 = tpu.memref_slice %arg7[%dma_start3A_1384] : memref<1280xi32, #tpu.memory_space<vmem>> -> memref<128xi32, #tpu.memory_space<vmem>>
    %dma_start3A_1386 = arith.constant 0 : i32
    %dma_start3A_1387 = arith.constant 0 : i32
    %dma_start3A_1388 = tpu.memref_slice %arg5[%dma_start3A_1386, %dma_start3A_1387] : memref<100000x64xf32, #tpu.memory_space<hbm>> -> memref<100000x64xf32, #tpu.memory_space<hbm>>
    tpu.enqueue_indirect_dma source(%dma_start3A_1388 : memref<100000x64xf32, #tpu.memory_space<hbm>>) target(%dma_start3A_1383 : memref<128x64xf32, #tpu.memory_space<vmem>>) offsets(%dma_start3A_1385 : memref<128xi32, #tpu.memory_space<vmem>>) semaphore(%arg9 : memref<!tpu.dma_semaphore, #tpu.memory_space<semaphore_mem>>)
    %dma_start3A_1389 = arith.constant 1152 : i32
    %dma_start3A_1390 = arith.constant 0 : i32
    %dma_start3A_1391 = tpu.memref_slice %arg8[%dma_start3A_1389, %dma_start3A_1390] : memref<1280x64xf32, #tpu.memory_space<vmem>> -> memref<128x64xf32, #tpu.memory_space<vmem>>
    %dma_start3A_1392 = arith.constant 1152 : i32
    %dma_start3A_1393 = tpu.memref_slice %arg7[%dma_start3A_1392] : memref<1280xi32, #tpu.memory_space<vmem>> -> memref<128xi32, #tpu.memory_space<vmem>>
    %dma_start3A_1394 = arith.constant 0 : i32
    %dma_start3A_1395 = arith.constant 0 : i32
    %dma_start3A_1396 = tpu.memref_slice %arg5[%dma_start3A_1394, %dma_start3A_1395] : memref<100000x64xf32, #tpu.memory_space<hbm>> -> memref<100000x64xf32, #tpu.memory_space<hbm>>
    tpu.enqueue_indirect_dma source(%dma_start3A_1396 : memref<100000x64xf32, #tpu.memory_space<hbm>>) target(%dma_start3A_1391 : memref<128x64xf32, #tpu.memory_space<vmem>>) offsets(%dma_start3A_1393 : memref<128xi32, #tpu.memory_space<vmem>>) semaphore(%arg9 : memref<!tpu.dma_semaphore, #tpu.memory_space<semaphore_mem>>)
    %dma_wait3A_1397 = arith.constant 0 : i32
    %dma_wait3A_1398 = arith.constant 0 : i32
    %dma_wait3A_1399 = tpu.memref_slice %arg8[%dma_wait3A_1397, %dma_wait3A_1398] : memref<1280x64xf32, #tpu.memory_space<vmem>> -> memref<128x64xf32, #tpu.memory_space<vmem>>
    %dma_wait3A_1400 = arith.constant 0 : i32
    %dma_wait3A_1401 = tpu.memref_slice %arg7[%dma_wait3A_1400] : memref<1280xi32, #tpu.memory_space<vmem>> -> memref<128xi32, #tpu.memory_space<vmem>>
    %dma_wait3A_1402 = arith.constant 0 : i32
    %dma_wait3A_1403 = arith.constant 0 : i32
    %dma_wait3A_1404 = tpu.memref_slice %arg5[%dma_wait3A_1402, %dma_wait3A_1403] : memref<100000x64xf32, #tpu.memory_space<hbm>> -> memref<100000x64xf32, #tpu.memory_space<hbm>>
    tpu.wait_indirect_dma semaphore(%arg9 : memref<!tpu.dma_semaphore, #tpu.memory_space<semaphore_mem>>) src(%dma_wait3A_1404 : memref<100000x64xf32, #tpu.memory_space<hbm>>) dst(%dma_wait3A_1399 : memref<128x64xf32, #tpu.memory_space<vmem>>)
    %dma_wait3A_1405 = arith.constant 128 : i32
    %dma_wait3A_1406 = arith.constant 0 : i32
    %dma_wait3A_1407 = tpu.memref_slice %arg8[%dma_wait3A_1405, %dma_wait3A_1406] : memref<1280x64xf32, #tpu.memory_space<vmem>> -> memref<128x64xf32, #tpu.memory_space<vmem>>
    %dma_wait3A_1408 = arith.constant 128 : i32
    %dma_wait3A_1409 = tpu.memref_slice %arg7[%dma_wait3A_1408] : memref<1280xi32, #tpu.memory_space<vmem>> -> memref<128xi32, #tpu.memory_space<vmem>>
    %dma_wait3A_1410 = arith.constant 0 : i32
    %dma_wait3A_1411 = arith.constant 0 : i32
    %dma_wait3A_1412 = tpu.memref_slice %arg5[%dma_wait3A_1410, %dma_wait3A_1411] : memref<100000x64xf32, #tpu.memory_space<hbm>> -> memref<100000x64xf32, #tpu.memory_space<hbm>>
    tpu.wait_indirect_dma semaphore(%arg9 : memref<!tpu.dma_semaphore, #tpu.memory_space<semaphore_mem>>) src(%dma_wait3A_1412 : memref<100000x64xf32, #tpu.memory_space<hbm>>) dst(%dma_wait3A_1407 : memref<128x64xf32, #tpu.memory_space<vmem>>)
    %dma_wait3A_1413 = arith.constant 256 : i32
    %dma_wait3A_1414 = arith.constant 0 : i32
    %dma_wait3A_1415 = tpu.memref_slice %arg8[%dma_wait3A_1413, %dma_wait3A_1414] : memref<1280x64xf32, #tpu.memory_space<vmem>> -> memref<128x64xf32, #tpu.memory_space<vmem>>
    %dma_wait3A_1416 = arith.constant 256 : i32
    %dma_wait3A_1417 = tpu.memref_slice %arg7[%dma_wait3A_1416] : memref<1280xi32, #tpu.memory_space<vmem>> -> memref<128xi32, #tpu.memory_space<vmem>>
    %dma_wait3A_1418 = arith.constant 0 : i32
    %dma_wait3A_1419 = arith.constant 0 : i32
    %dma_wait3A_1420 = tpu.memref_slice %arg5[%dma_wait3A_1418, %dma_wait3A_1419] : memref<100000x64xf32, #tpu.memory_space<hbm>> -> memref<100000x64xf32, #tpu.memory_space<hbm>>
    tpu.wait_indirect_dma semaphore(%arg9 : memref<!tpu.dma_semaphore, #tpu.memory_space<semaphore_mem>>) src(%dma_wait3A_1420 : memref<100000x64xf32, #tpu.memory_space<hbm>>) dst(%dma_wait3A_1415 : memref<128x64xf32, #tpu.memory_space<vmem>>)
    %dma_wait3A_1421 = arith.constant 384 : i32
    %dma_wait3A_1422 = arith.constant 0 : i32
    %dma_wait3A_1423 = tpu.memref_slice %arg8[%dma_wait3A_1421, %dma_wait3A_1422] : memref<1280x64xf32, #tpu.memory_space<vmem>> -> memref<128x64xf32, #tpu.memory_space<vmem>>
    %dma_wait3A_1424 = arith.constant 384 : i32
    %dma_wait3A_1425 = tpu.memref_slice %arg7[%dma_wait3A_1424] : memref<1280xi32, #tpu.memory_space<vmem>> -> memref<128xi32, #tpu.memory_space<vmem>>
    %dma_wait3A_1426 = arith.constant 0 : i32
    %dma_wait3A_1427 = arith.constant 0 : i32
    %dma_wait3A_1428 = tpu.memref_slice %arg5[%dma_wait3A_1426, %dma_wait3A_1427] : memref<100000x64xf32, #tpu.memory_space<hbm>> -> memref<100000x64xf32, #tpu.memory_space<hbm>>
    tpu.wait_indirect_dma semaphore(%arg9 : memref<!tpu.dma_semaphore, #tpu.memory_space<semaphore_mem>>) src(%dma_wait3A_1428 : memref<100000x64xf32, #tpu.memory_space<hbm>>) dst(%dma_wait3A_1423 : memref<128x64xf32, #tpu.memory_space<vmem>>)
    %dma_wait3A_1429 = arith.constant 512 : i32
    %dma_wait3A_1430 = arith.constant 0 : i32
    %dma_wait3A_1431 = tpu.memref_slice %arg8[%dma_wait3A_1429, %dma_wait3A_1430] : memref<1280x64xf32, #tpu.memory_space<vmem>> -> memref<128x64xf32, #tpu.memory_space<vmem>>
    %dma_wait3A_1432 = arith.constant 512 : i32
    %dma_wait3A_1433 = tpu.memref_slice %arg7[%dma_wait3A_1432] : memref<1280xi32, #tpu.memory_space<vmem>> -> memref<128xi32, #tpu.memory_space<vmem>>
    %dma_wait3A_1434 = arith.constant 0 : i32
    %dma_wait3A_1435 = arith.constant 0 : i32
    %dma_wait3A_1436 = tpu.memref_slice %arg5[%dma_wait3A_1434, %dma_wait3A_1435] : memref<100000x64xf32, #tpu.memory_space<hbm>> -> memref<100000x64xf32, #tpu.memory_space<hbm>>
    tpu.wait_indirect_dma semaphore(%arg9 : memref<!tpu.dma_semaphore, #tpu.memory_space<semaphore_mem>>) src(%dma_wait3A_1436 : memref<100000x64xf32, #tpu.memory_space<hbm>>) dst(%dma_wait3A_1431 : memref<128x64xf32, #tpu.memory_space<vmem>>)
    %dma_wait3A_1437 = arith.constant 640 : i32
    %dma_wait3A_1438 = arith.constant 0 : i32
    %dma_wait3A_1439 = tpu.memref_slice %arg8[%dma_wait3A_1437, %dma_wait3A_1438] : memref<1280x64xf32, #tpu.memory_space<vmem>> -> memref<128x64xf32, #tpu.memory_space<vmem>>
    %dma_wait3A_1440 = arith.constant 640 : i32
    %dma_wait3A_1441 = tpu.memref_slice %arg7[%dma_wait3A_1440] : memref<1280xi32, #tpu.memory_space<vmem>> -> memref<128xi32, #tpu.memory_space<vmem>>
    %dma_wait3A_1442 = arith.constant 0 : i32
    %dma_wait3A_1443 = arith.constant 0 : i32
    %dma_wait3A_1444 = tpu.memref_slice %arg5[%dma_wait3A_1442, %dma_wait3A_1443] : memref<100000x64xf32, #tpu.memory_space<hbm>> -> memref<100000x64xf32, #tpu.memory_space<hbm>>
    tpu.wait_indirect_dma semaphore(%arg9 : memref<!tpu.dma_semaphore, #tpu.memory_space<semaphore_mem>>) src(%dma_wait3A_1444 : memref<100000x64xf32, #tpu.memory_space<hbm>>) dst(%dma_wait3A_1439 : memref<128x64xf32, #tpu.memory_space<vmem>>)
    %dma_wait3A_1445 = arith.constant 768 : i32
    %dma_wait3A_1446 = arith.constant 0 : i32
    %dma_wait3A_1447 = tpu.memref_slice %arg8[%dma_wait3A_1445, %dma_wait3A_1446] : memref<1280x64xf32, #tpu.memory_space<vmem>> -> memref<128x64xf32, #tpu.memory_space<vmem>>
    %dma_wait3A_1448 = arith.constant 768 : i32
    %dma_wait3A_1449 = tpu.memref_slice %arg7[%dma_wait3A_1448] : memref<1280xi32, #tpu.memory_space<vmem>> -> memref<128xi32, #tpu.memory_space<vmem>>
    %dma_wait3A_1450 = arith.constant 0 : i32
    %dma_wait3A_1451 = arith.constant 0 : i32
    %dma_wait3A_1452 = tpu.memref_slice %arg5[%dma_wait3A_1450, %dma_wait3A_1451] : memref<100000x64xf32, #tpu.memory_space<hbm>> -> memref<100000x64xf32, #tpu.memory_space<hbm>>
    tpu.wait_indirect_dma semaphore(%arg9 : memref<!tpu.dma_semaphore, #tpu.memory_space<semaphore_mem>>) src(%dma_wait3A_1452 : memref<100000x64xf32, #tpu.memory_space<hbm>>) dst(%dma_wait3A_1447 : memref<128x64xf32, #tpu.memory_space<vmem>>)
    %dma_wait3A_1453 = arith.constant 896 : i32
    %dma_wait3A_1454 = arith.constant 0 : i32
    %dma_wait3A_1455 = tpu.memref_slice %arg8[%dma_wait3A_1453, %dma_wait3A_1454] : memref<1280x64xf32, #tpu.memory_space<vmem>> -> memref<128x64xf32, #tpu.memory_space<vmem>>
    %dma_wait3A_1456 = arith.constant 896 : i32
    %dma_wait3A_1457 = tpu.memref_slice %arg7[%dma_wait3A_1456] : memref<1280xi32, #tpu.memory_space<vmem>> -> memref<128xi32, #tpu.memory_space<vmem>>
    %dma_wait3A_1458 = arith.constant 0 : i32
    %dma_wait3A_1459 = arith.constant 0 : i32
    %dma_wait3A_1460 = tpu.memref_slice %arg5[%dma_wait3A_1458, %dma_wait3A_1459] : memref<100000x64xf32, #tpu.memory_space<hbm>> -> memref<100000x64xf32, #tpu.memory_space<hbm>>
    tpu.wait_indirect_dma semaphore(%arg9 : memref<!tpu.dma_semaphore, #tpu.memory_space<semaphore_mem>>) src(%dma_wait3A_1460 : memref<100000x64xf32, #tpu.memory_space<hbm>>) dst(%dma_wait3A_1455 : memref<128x64xf32, #tpu.memory_space<vmem>>)
    %dma_wait3A_1461 = arith.constant 1024 : i32
    %dma_wait3A_1462 = arith.constant 0 : i32
    %dma_wait3A_1463 = tpu.memref_slice %arg8[%dma_wait3A_1461, %dma_wait3A_1462] : memref<1280x64xf32, #tpu.memory_space<vmem>> -> memref<128x64xf32, #tpu.memory_space<vmem>>
    %dma_wait3A_1464 = arith.constant 1024 : i32
    %dma_wait3A_1465 = tpu.memref_slice %arg7[%dma_wait3A_1464] : memref<1280xi32, #tpu.memory_space<vmem>> -> memref<128xi32, #tpu.memory_space<vmem>>
    %dma_wait3A_1466 = arith.constant 0 : i32
    %dma_wait3A_1467 = arith.constant 0 : i32
    %dma_wait3A_1468 = tpu.memref_slice %arg5[%dma_wait3A_1466, %dma_wait3A_1467] : memref<100000x64xf32, #tpu.memory_space<hbm>> -> memref<100000x64xf32, #tpu.memory_space<hbm>>
    tpu.wait_indirect_dma semaphore(%arg9 : memref<!tpu.dma_semaphore, #tpu.memory_space<semaphore_mem>>) src(%dma_wait3A_1468 : memref<100000x64xf32, #tpu.memory_space<hbm>>) dst(%dma_wait3A_1463 : memref<128x64xf32, #tpu.memory_space<vmem>>)
    %dma_wait3A_1469 = arith.constant 1152 : i32
    %dma_wait3A_1470 = arith.constant 0 : i32
    %dma_wait3A_1471 = tpu.memref_slice %arg8[%dma_wait3A_1469, %dma_wait3A_1470] : memref<1280x64xf32, #tpu.memory_space<vmem>> -> memref<128x64xf32, #tpu.memory_space<vmem>>
    %dma_wait3A_1472 = arith.constant 1152 : i32
    %dma_wait3A_1473 = tpu.memref_slice %arg7[%dma_wait3A_1472] : memref<1280xi32, #tpu.memory_space<vmem>> -> memref<128xi32, #tpu.memory_space<vmem>>
    %dma_wait3A_1474 = arith.constant 0 : i32
    %dma_wait3A_1475 = arith.constant 0 : i32
    %dma_wait3A_1476 = tpu.memref_slice %arg5[%dma_wait3A_1474, %dma_wait3A_1475] : memref<100000x64xf32, #tpu.memory_space<hbm>> -> memref<100000x64xf32, #tpu.memory_space<hbm>>
    tpu.wait_indirect_dma semaphore(%arg9 : memref<!tpu.dma_semaphore, #tpu.memory_space<semaphore_mem>>) src(%dma_wait3A_1476 : memref<100000x64xf32, #tpu.memory_space<hbm>>) dst(%dma_wait3A_1471 : memref<128x64xf32, #tpu.memory_space<vmem>>)
    %add3A_1477 = arith.constant 3840 : i32
    %add3A_1478 = arith.addi %add3A_822, %add3A_1477 : i32
    "tpu.region"() ({
      %run_scoped3A = tpu.sem_alloc : memref<!tpu.dma_semaphore, #tpu.memory_space<semaphore_mem>>
      %dma_start3A_1643 = arith.constant 0 : i32
      %dma_start3A_1644 = tpu.memref_slice %arg6[%add3A_1478, %dma_start3A_1643] : memref<409600x64xf32, #tpu.memory_space<hbm>> -> memref<1280x64xf32, #tpu.memory_space<hbm>>
      %dma_start3A_1645 = arith.constant 0 : i32
      %dma_start3A_1646 = tpu.memref_slice %arg6[%add3A_1478, %dma_start3A_1645] : memref<409600x64xf32, #tpu.memory_space<hbm>> -> memref<1280x64xf32, #tpu.memory_space<hbm>>
      tpu.enqueue_dma source(%arg8 : memref<1280x64xf32, #tpu.memory_space<vmem>>) target(%dma_start3A_1646 : memref<1280x64xf32, #tpu.memory_space<hbm>>) target_semaphore(%run_scoped3A : memref<!tpu.dma_semaphore, #tpu.memory_space<semaphore_mem>>)
      %dma_wait3A_1647 = arith.constant 0 : i32
      %dma_wait3A_1648 = tpu.memref_slice %arg6[%add3A_1478, %dma_wait3A_1647] : memref<409600x64xf32, #tpu.memory_space<hbm>> -> memref<1280x64xf32, #tpu.memory_space<hbm>>
      %dma_wait3A_1649 = arith.constant 0 : i32
      %dma_wait3A_1650 = tpu.memref_slice %arg6[%add3A_1478, %dma_wait3A_1649] : memref<409600x64xf32, #tpu.memory_space<hbm>> -> memref<1280x64xf32, #tpu.memory_space<hbm>>
      tpu.wait_dma2 semaphore(%run_scoped3A : memref<!tpu.dma_semaphore, #tpu.memory_space<semaphore_mem>>) src(%arg8 : memref<1280x64xf32, #tpu.memory_space<vmem>>) dst(%dma_wait3A_1650 : memref<1280x64xf32, #tpu.memory_space<hbm>>)
      tpu.yield
    }) : () -> ()
    %add3A_1479 = arith.constant 5120 : i32
    %add3A_1480 = arith.addi %mul3A_2, %add3A_1479 : i32
    "tpu.region"() ({
      %run_scoped3A = tpu.sem_alloc : memref<!tpu.dma_semaphore, #tpu.memory_space<semaphore_mem>>
      %dma_start3A_1643 = tpu.memref_slice %arg3[%add3A_1480] : memref<204800xi32, #tpu.memory_space<hbm>> -> memref<1280xi32, #tpu.memory_space<hbm>>
      %dma_start3A_1644 = tpu.memref_slice %arg3[%add3A_1480] : memref<204800xi32, #tpu.memory_space<hbm>> -> memref<1280xi32, #tpu.memory_space<hbm>>
      tpu.enqueue_dma source(%dma_start3A_1644 : memref<1280xi32, #tpu.memory_space<hbm>>) target(%arg7 : memref<1280xi32, #tpu.memory_space<vmem>>) target_semaphore(%run_scoped3A : memref<!tpu.dma_semaphore, #tpu.memory_space<semaphore_mem>>)
      %dma_wait3A_1645 = tpu.memref_slice %arg3[%add3A_1480] : memref<204800xi32, #tpu.memory_space<hbm>> -> memref<1280xi32, #tpu.memory_space<hbm>>
      %dma_wait3A_1646 = tpu.memref_slice %arg3[%add3A_1480] : memref<204800xi32, #tpu.memory_space<hbm>> -> memref<1280xi32, #tpu.memory_space<hbm>>
      tpu.wait_dma2 semaphore(%run_scoped3A : memref<!tpu.dma_semaphore, #tpu.memory_space<semaphore_mem>>) src(%dma_wait3A_1646 : memref<1280xi32, #tpu.memory_space<hbm>>) dst(%arg7 : memref<1280xi32, #tpu.memory_space<vmem>>)
      tpu.yield
    }) : () -> ()
    %dma_start3A_1481 = arith.constant 0 : i32
    %dma_start3A_1482 = arith.constant 0 : i32
    %dma_start3A_1483 = tpu.memref_slice %arg8[%dma_start3A_1481, %dma_start3A_1482] : memref<1280x64xf32, #tpu.memory_space<vmem>> -> memref<128x64xf32, #tpu.memory_space<vmem>>
    %dma_start3A_1484 = arith.constant 0 : i32
    %dma_start3A_1485 = tpu.memref_slice %arg7[%dma_start3A_1484] : memref<1280xi32, #tpu.memory_space<vmem>> -> memref<128xi32, #tpu.memory_space<vmem>>
    %dma_start3A_1486 = arith.constant 0 : i32
    %dma_start3A_1487 = arith.constant 0 : i32
    %dma_start3A_1488 = tpu.memref_slice %arg5[%dma_start3A_1486, %dma_start3A_1487] : memref<100000x64xf32, #tpu.memory_space<hbm>> -> memref<100000x64xf32, #tpu.memory_space<hbm>>
    tpu.enqueue_indirect_dma source(%dma_start3A_1488 : memref<100000x64xf32, #tpu.memory_space<hbm>>) target(%dma_start3A_1483 : memref<128x64xf32, #tpu.memory_space<vmem>>) offsets(%dma_start3A_1485 : memref<128xi32, #tpu.memory_space<vmem>>) semaphore(%arg9 : memref<!tpu.dma_semaphore, #tpu.memory_space<semaphore_mem>>)
    %dma_start3A_1489 = arith.constant 128 : i32
    %dma_start3A_1490 = arith.constant 0 : i32
    %dma_start3A_1491 = tpu.memref_slice %arg8[%dma_start3A_1489, %dma_start3A_1490] : memref<1280x64xf32, #tpu.memory_space<vmem>> -> memref<128x64xf32, #tpu.memory_space<vmem>>
    %dma_start3A_1492 = arith.constant 128 : i32
    %dma_start3A_1493 = tpu.memref_slice %arg7[%dma_start3A_1492] : memref<1280xi32, #tpu.memory_space<vmem>> -> memref<128xi32, #tpu.memory_space<vmem>>
    %dma_start3A_1494 = arith.constant 0 : i32
    %dma_start3A_1495 = arith.constant 0 : i32
    %dma_start3A_1496 = tpu.memref_slice %arg5[%dma_start3A_1494, %dma_start3A_1495] : memref<100000x64xf32, #tpu.memory_space<hbm>> -> memref<100000x64xf32, #tpu.memory_space<hbm>>
    tpu.enqueue_indirect_dma source(%dma_start3A_1496 : memref<100000x64xf32, #tpu.memory_space<hbm>>) target(%dma_start3A_1491 : memref<128x64xf32, #tpu.memory_space<vmem>>) offsets(%dma_start3A_1493 : memref<128xi32, #tpu.memory_space<vmem>>) semaphore(%arg9 : memref<!tpu.dma_semaphore, #tpu.memory_space<semaphore_mem>>)
    %dma_start3A_1497 = arith.constant 256 : i32
    %dma_start3A_1498 = arith.constant 0 : i32
    %dma_start3A_1499 = tpu.memref_slice %arg8[%dma_start3A_1497, %dma_start3A_1498] : memref<1280x64xf32, #tpu.memory_space<vmem>> -> memref<128x64xf32, #tpu.memory_space<vmem>>
    %dma_start3A_1500 = arith.constant 256 : i32
    %dma_start3A_1501 = tpu.memref_slice %arg7[%dma_start3A_1500] : memref<1280xi32, #tpu.memory_space<vmem>> -> memref<128xi32, #tpu.memory_space<vmem>>
    %dma_start3A_1502 = arith.constant 0 : i32
    %dma_start3A_1503 = arith.constant 0 : i32
    %dma_start3A_1504 = tpu.memref_slice %arg5[%dma_start3A_1502, %dma_start3A_1503] : memref<100000x64xf32, #tpu.memory_space<hbm>> -> memref<100000x64xf32, #tpu.memory_space<hbm>>
    tpu.enqueue_indirect_dma source(%dma_start3A_1504 : memref<100000x64xf32, #tpu.memory_space<hbm>>) target(%dma_start3A_1499 : memref<128x64xf32, #tpu.memory_space<vmem>>) offsets(%dma_start3A_1501 : memref<128xi32, #tpu.memory_space<vmem>>) semaphore(%arg9 : memref<!tpu.dma_semaphore, #tpu.memory_space<semaphore_mem>>)
    %dma_start3A_1505 = arith.constant 384 : i32
    %dma_start3A_1506 = arith.constant 0 : i32
    %dma_start3A_1507 = tpu.memref_slice %arg8[%dma_start3A_1505, %dma_start3A_1506] : memref<1280x64xf32, #tpu.memory_space<vmem>> -> memref<128x64xf32, #tpu.memory_space<vmem>>
    %dma_start3A_1508 = arith.constant 384 : i32
    %dma_start3A_1509 = tpu.memref_slice %arg7[%dma_start3A_1508] : memref<1280xi32, #tpu.memory_space<vmem>> -> memref<128xi32, #tpu.memory_space<vmem>>
    %dma_start3A_1510 = arith.constant 0 : i32
    %dma_start3A_1511 = arith.constant 0 : i32
    %dma_start3A_1512 = tpu.memref_slice %arg5[%dma_start3A_1510, %dma_start3A_1511] : memref<100000x64xf32, #tpu.memory_space<hbm>> -> memref<100000x64xf32, #tpu.memory_space<hbm>>
    tpu.enqueue_indirect_dma source(%dma_start3A_1512 : memref<100000x64xf32, #tpu.memory_space<hbm>>) target(%dma_start3A_1507 : memref<128x64xf32, #tpu.memory_space<vmem>>) offsets(%dma_start3A_1509 : memref<128xi32, #tpu.memory_space<vmem>>) semaphore(%arg9 : memref<!tpu.dma_semaphore, #tpu.memory_space<semaphore_mem>>)
    %dma_start3A_1513 = arith.constant 512 : i32
    %dma_start3A_1514 = arith.constant 0 : i32
    %dma_start3A_1515 = tpu.memref_slice %arg8[%dma_start3A_1513, %dma_start3A_1514] : memref<1280x64xf32, #tpu.memory_space<vmem>> -> memref<128x64xf32, #tpu.memory_space<vmem>>
    %dma_start3A_1516 = arith.constant 512 : i32
    %dma_start3A_1517 = tpu.memref_slice %arg7[%dma_start3A_1516] : memref<1280xi32, #tpu.memory_space<vmem>> -> memref<128xi32, #tpu.memory_space<vmem>>
    %dma_start3A_1518 = arith.constant 0 : i32
    %dma_start3A_1519 = arith.constant 0 : i32
    %dma_start3A_1520 = tpu.memref_slice %arg5[%dma_start3A_1518, %dma_start3A_1519] : memref<100000x64xf32, #tpu.memory_space<hbm>> -> memref<100000x64xf32, #tpu.memory_space<hbm>>
    tpu.enqueue_indirect_dma source(%dma_start3A_1520 : memref<100000x64xf32, #tpu.memory_space<hbm>>) target(%dma_start3A_1515 : memref<128x64xf32, #tpu.memory_space<vmem>>) offsets(%dma_start3A_1517 : memref<128xi32, #tpu.memory_space<vmem>>) semaphore(%arg9 : memref<!tpu.dma_semaphore, #tpu.memory_space<semaphore_mem>>)
    %dma_start3A_1521 = arith.constant 640 : i32
    %dma_start3A_1522 = arith.constant 0 : i32
    %dma_start3A_1523 = tpu.memref_slice %arg8[%dma_start3A_1521, %dma_start3A_1522] : memref<1280x64xf32, #tpu.memory_space<vmem>> -> memref<128x64xf32, #tpu.memory_space<vmem>>
    %dma_start3A_1524 = arith.constant 640 : i32
    %dma_start3A_1525 = tpu.memref_slice %arg7[%dma_start3A_1524] : memref<1280xi32, #tpu.memory_space<vmem>> -> memref<128xi32, #tpu.memory_space<vmem>>
    %dma_start3A_1526 = arith.constant 0 : i32
    %dma_start3A_1527 = arith.constant 0 : i32
    %dma_start3A_1528 = tpu.memref_slice %arg5[%dma_start3A_1526, %dma_start3A_1527] : memref<100000x64xf32, #tpu.memory_space<hbm>> -> memref<100000x64xf32, #tpu.memory_space<hbm>>
    tpu.enqueue_indirect_dma source(%dma_start3A_1528 : memref<100000x64xf32, #tpu.memory_space<hbm>>) target(%dma_start3A_1523 : memref<128x64xf32, #tpu.memory_space<vmem>>) offsets(%dma_start3A_1525 : memref<128xi32, #tpu.memory_space<vmem>>) semaphore(%arg9 : memref<!tpu.dma_semaphore, #tpu.memory_space<semaphore_mem>>)
    %dma_start3A_1529 = arith.constant 768 : i32
    %dma_start3A_1530 = arith.constant 0 : i32
    %dma_start3A_1531 = tpu.memref_slice %arg8[%dma_start3A_1529, %dma_start3A_1530] : memref<1280x64xf32, #tpu.memory_space<vmem>> -> memref<128x64xf32, #tpu.memory_space<vmem>>
    %dma_start3A_1532 = arith.constant 768 : i32
    %dma_start3A_1533 = tpu.memref_slice %arg7[%dma_start3A_1532] : memref<1280xi32, #tpu.memory_space<vmem>> -> memref<128xi32, #tpu.memory_space<vmem>>
    %dma_start3A_1534 = arith.constant 0 : i32
    %dma_start3A_1535 = arith.constant 0 : i32
    %dma_start3A_1536 = tpu.memref_slice %arg5[%dma_start3A_1534, %dma_start3A_1535] : memref<100000x64xf32, #tpu.memory_space<hbm>> -> memref<100000x64xf32, #tpu.memory_space<hbm>>
    tpu.enqueue_indirect_dma source(%dma_start3A_1536 : memref<100000x64xf32, #tpu.memory_space<hbm>>) target(%dma_start3A_1531 : memref<128x64xf32, #tpu.memory_space<vmem>>) offsets(%dma_start3A_1533 : memref<128xi32, #tpu.memory_space<vmem>>) semaphore(%arg9 : memref<!tpu.dma_semaphore, #tpu.memory_space<semaphore_mem>>)
    %dma_start3A_1537 = arith.constant 896 : i32
    %dma_start3A_1538 = arith.constant 0 : i32
    %dma_start3A_1539 = tpu.memref_slice %arg8[%dma_start3A_1537, %dma_start3A_1538] : memref<1280x64xf32, #tpu.memory_space<vmem>> -> memref<128x64xf32, #tpu.memory_space<vmem>>
    %dma_start3A_1540 = arith.constant 896 : i32
    %dma_start3A_1541 = tpu.memref_slice %arg7[%dma_start3A_1540] : memref<1280xi32, #tpu.memory_space<vmem>> -> memref<128xi32, #tpu.memory_space<vmem>>
    %dma_start3A_1542 = arith.constant 0 : i32
    %dma_start3A_1543 = arith.constant 0 : i32
    %dma_start3A_1544 = tpu.memref_slice %arg5[%dma_start3A_1542, %dma_start3A_1543] : memref<100000x64xf32, #tpu.memory_space<hbm>> -> memref<100000x64xf32, #tpu.memory_space<hbm>>
    tpu.enqueue_indirect_dma source(%dma_start3A_1544 : memref<100000x64xf32, #tpu.memory_space<hbm>>) target(%dma_start3A_1539 : memref<128x64xf32, #tpu.memory_space<vmem>>) offsets(%dma_start3A_1541 : memref<128xi32, #tpu.memory_space<vmem>>) semaphore(%arg9 : memref<!tpu.dma_semaphore, #tpu.memory_space<semaphore_mem>>)
    %dma_start3A_1545 = arith.constant 1024 : i32
    %dma_start3A_1546 = arith.constant 0 : i32
    %dma_start3A_1547 = tpu.memref_slice %arg8[%dma_start3A_1545, %dma_start3A_1546] : memref<1280x64xf32, #tpu.memory_space<vmem>> -> memref<128x64xf32, #tpu.memory_space<vmem>>
    %dma_start3A_1548 = arith.constant 1024 : i32
    %dma_start3A_1549 = tpu.memref_slice %arg7[%dma_start3A_1548] : memref<1280xi32, #tpu.memory_space<vmem>> -> memref<128xi32, #tpu.memory_space<vmem>>
    %dma_start3A_1550 = arith.constant 0 : i32
    %dma_start3A_1551 = arith.constant 0 : i32
    %dma_start3A_1552 = tpu.memref_slice %arg5[%dma_start3A_1550, %dma_start3A_1551] : memref<100000x64xf32, #tpu.memory_space<hbm>> -> memref<100000x64xf32, #tpu.memory_space<hbm>>
    tpu.enqueue_indirect_dma source(%dma_start3A_1552 : memref<100000x64xf32, #tpu.memory_space<hbm>>) target(%dma_start3A_1547 : memref<128x64xf32, #tpu.memory_space<vmem>>) offsets(%dma_start3A_1549 : memref<128xi32, #tpu.memory_space<vmem>>) semaphore(%arg9 : memref<!tpu.dma_semaphore, #tpu.memory_space<semaphore_mem>>)
    %dma_start3A_1553 = arith.constant 1152 : i32
    %dma_start3A_1554 = arith.constant 0 : i32
    %dma_start3A_1555 = tpu.memref_slice %arg8[%dma_start3A_1553, %dma_start3A_1554] : memref<1280x64xf32, #tpu.memory_space<vmem>> -> memref<128x64xf32, #tpu.memory_space<vmem>>
    %dma_start3A_1556 = arith.constant 1152 : i32
    %dma_start3A_1557 = tpu.memref_slice %arg7[%dma_start3A_1556] : memref<1280xi32, #tpu.memory_space<vmem>> -> memref<128xi32, #tpu.memory_space<vmem>>
    %dma_start3A_1558 = arith.constant 0 : i32
    %dma_start3A_1559 = arith.constant 0 : i32
    %dma_start3A_1560 = tpu.memref_slice %arg5[%dma_start3A_1558, %dma_start3A_1559] : memref<100000x64xf32, #tpu.memory_space<hbm>> -> memref<100000x64xf32, #tpu.memory_space<hbm>>
    tpu.enqueue_indirect_dma source(%dma_start3A_1560 : memref<100000x64xf32, #tpu.memory_space<hbm>>) target(%dma_start3A_1555 : memref<128x64xf32, #tpu.memory_space<vmem>>) offsets(%dma_start3A_1557 : memref<128xi32, #tpu.memory_space<vmem>>) semaphore(%arg9 : memref<!tpu.dma_semaphore, #tpu.memory_space<semaphore_mem>>)
    %dma_wait3A_1561 = arith.constant 0 : i32
    %dma_wait3A_1562 = arith.constant 0 : i32
    %dma_wait3A_1563 = tpu.memref_slice %arg8[%dma_wait3A_1561, %dma_wait3A_1562] : memref<1280x64xf32, #tpu.memory_space<vmem>> -> memref<128x64xf32, #tpu.memory_space<vmem>>
    %dma_wait3A_1564 = arith.constant 0 : i32
    %dma_wait3A_1565 = tpu.memref_slice %arg7[%dma_wait3A_1564] : memref<1280xi32, #tpu.memory_space<vmem>> -> memref<128xi32, #tpu.memory_space<vmem>>
    %dma_wait3A_1566 = arith.constant 0 : i32
    %dma_wait3A_1567 = arith.constant 0 : i32
    %dma_wait3A_1568 = tpu.memref_slice %arg5[%dma_wait3A_1566, %dma_wait3A_1567] : memref<100000x64xf32, #tpu.memory_space<hbm>> -> memref<100000x64xf32, #tpu.memory_space<hbm>>
    tpu.wait_indirect_dma semaphore(%arg9 : memref<!tpu.dma_semaphore, #tpu.memory_space<semaphore_mem>>) src(%dma_wait3A_1568 : memref<100000x64xf32, #tpu.memory_space<hbm>>) dst(%dma_wait3A_1563 : memref<128x64xf32, #tpu.memory_space<vmem>>)
    %dma_wait3A_1569 = arith.constant 128 : i32
    %dma_wait3A_1570 = arith.constant 0 : i32
    %dma_wait3A_1571 = tpu.memref_slice %arg8[%dma_wait3A_1569, %dma_wait3A_1570] : memref<1280x64xf32, #tpu.memory_space<vmem>> -> memref<128x64xf32, #tpu.memory_space<vmem>>
    %dma_wait3A_1572 = arith.constant 128 : i32
    %dma_wait3A_1573 = tpu.memref_slice %arg7[%dma_wait3A_1572] : memref<1280xi32, #tpu.memory_space<vmem>> -> memref<128xi32, #tpu.memory_space<vmem>>
    %dma_wait3A_1574 = arith.constant 0 : i32
    %dma_wait3A_1575 = arith.constant 0 : i32
    %dma_wait3A_1576 = tpu.memref_slice %arg5[%dma_wait3A_1574, %dma_wait3A_1575] : memref<100000x64xf32, #tpu.memory_space<hbm>> -> memref<100000x64xf32, #tpu.memory_space<hbm>>
    tpu.wait_indirect_dma semaphore(%arg9 : memref<!tpu.dma_semaphore, #tpu.memory_space<semaphore_mem>>) src(%dma_wait3A_1576 : memref<100000x64xf32, #tpu.memory_space<hbm>>) dst(%dma_wait3A_1571 : memref<128x64xf32, #tpu.memory_space<vmem>>)
    %dma_wait3A_1577 = arith.constant 256 : i32
    %dma_wait3A_1578 = arith.constant 0 : i32
    %dma_wait3A_1579 = tpu.memref_slice %arg8[%dma_wait3A_1577, %dma_wait3A_1578] : memref<1280x64xf32, #tpu.memory_space<vmem>> -> memref<128x64xf32, #tpu.memory_space<vmem>>
    %dma_wait3A_1580 = arith.constant 256 : i32
    %dma_wait3A_1581 = tpu.memref_slice %arg7[%dma_wait3A_1580] : memref<1280xi32, #tpu.memory_space<vmem>> -> memref<128xi32, #tpu.memory_space<vmem>>
    %dma_wait3A_1582 = arith.constant 0 : i32
    %dma_wait3A_1583 = arith.constant 0 : i32
    %dma_wait3A_1584 = tpu.memref_slice %arg5[%dma_wait3A_1582, %dma_wait3A_1583] : memref<100000x64xf32, #tpu.memory_space<hbm>> -> memref<100000x64xf32, #tpu.memory_space<hbm>>
    tpu.wait_indirect_dma semaphore(%arg9 : memref<!tpu.dma_semaphore, #tpu.memory_space<semaphore_mem>>) src(%dma_wait3A_1584 : memref<100000x64xf32, #tpu.memory_space<hbm>>) dst(%dma_wait3A_1579 : memref<128x64xf32, #tpu.memory_space<vmem>>)
    %dma_wait3A_1585 = arith.constant 384 : i32
    %dma_wait3A_1586 = arith.constant 0 : i32
    %dma_wait3A_1587 = tpu.memref_slice %arg8[%dma_wait3A_1585, %dma_wait3A_1586] : memref<1280x64xf32, #tpu.memory_space<vmem>> -> memref<128x64xf32, #tpu.memory_space<vmem>>
    %dma_wait3A_1588 = arith.constant 384 : i32
    %dma_wait3A_1589 = tpu.memref_slice %arg7[%dma_wait3A_1588] : memref<1280xi32, #tpu.memory_space<vmem>> -> memref<128xi32, #tpu.memory_space<vmem>>
    %dma_wait3A_1590 = arith.constant 0 : i32
    %dma_wait3A_1591 = arith.constant 0 : i32
    %dma_wait3A_1592 = tpu.memref_slice %arg5[%dma_wait3A_1590, %dma_wait3A_1591] : memref<100000x64xf32, #tpu.memory_space<hbm>> -> memref<100000x64xf32, #tpu.memory_space<hbm>>
    tpu.wait_indirect_dma semaphore(%arg9 : memref<!tpu.dma_semaphore, #tpu.memory_space<semaphore_mem>>) src(%dma_wait3A_1592 : memref<100000x64xf32, #tpu.memory_space<hbm>>) dst(%dma_wait3A_1587 : memref<128x64xf32, #tpu.memory_space<vmem>>)
    %dma_wait3A_1593 = arith.constant 512 : i32
    %dma_wait3A_1594 = arith.constant 0 : i32
    %dma_wait3A_1595 = tpu.memref_slice %arg8[%dma_wait3A_1593, %dma_wait3A_1594] : memref<1280x64xf32, #tpu.memory_space<vmem>> -> memref<128x64xf32, #tpu.memory_space<vmem>>
    %dma_wait3A_1596 = arith.constant 512 : i32
    %dma_wait3A_1597 = tpu.memref_slice %arg7[%dma_wait3A_1596] : memref<1280xi32, #tpu.memory_space<vmem>> -> memref<128xi32, #tpu.memory_space<vmem>>
    %dma_wait3A_1598 = arith.constant 0 : i32
    %dma_wait3A_1599 = arith.constant 0 : i32
    %dma_wait3A_1600 = tpu.memref_slice %arg5[%dma_wait3A_1598, %dma_wait3A_1599] : memref<100000x64xf32, #tpu.memory_space<hbm>> -> memref<100000x64xf32, #tpu.memory_space<hbm>>
    tpu.wait_indirect_dma semaphore(%arg9 : memref<!tpu.dma_semaphore, #tpu.memory_space<semaphore_mem>>) src(%dma_wait3A_1600 : memref<100000x64xf32, #tpu.memory_space<hbm>>) dst(%dma_wait3A_1595 : memref<128x64xf32, #tpu.memory_space<vmem>>)
    %dma_wait3A_1601 = arith.constant 640 : i32
    %dma_wait3A_1602 = arith.constant 0 : i32
    %dma_wait3A_1603 = tpu.memref_slice %arg8[%dma_wait3A_1601, %dma_wait3A_1602] : memref<1280x64xf32, #tpu.memory_space<vmem>> -> memref<128x64xf32, #tpu.memory_space<vmem>>
    %dma_wait3A_1604 = arith.constant 640 : i32
    %dma_wait3A_1605 = tpu.memref_slice %arg7[%dma_wait3A_1604] : memref<1280xi32, #tpu.memory_space<vmem>> -> memref<128xi32, #tpu.memory_space<vmem>>
    %dma_wait3A_1606 = arith.constant 0 : i32
    %dma_wait3A_1607 = arith.constant 0 : i32
    %dma_wait3A_1608 = tpu.memref_slice %arg5[%dma_wait3A_1606, %dma_wait3A_1607] : memref<100000x64xf32, #tpu.memory_space<hbm>> -> memref<100000x64xf32, #tpu.memory_space<hbm>>
    tpu.wait_indirect_dma semaphore(%arg9 : memref<!tpu.dma_semaphore, #tpu.memory_space<semaphore_mem>>) src(%dma_wait3A_1608 : memref<100000x64xf32, #tpu.memory_space<hbm>>) dst(%dma_wait3A_1603 : memref<128x64xf32, #tpu.memory_space<vmem>>)
    %dma_wait3A_1609 = arith.constant 768 : i32
    %dma_wait3A_1610 = arith.constant 0 : i32
    %dma_wait3A_1611 = tpu.memref_slice %arg8[%dma_wait3A_1609, %dma_wait3A_1610] : memref<1280x64xf32, #tpu.memory_space<vmem>> -> memref<128x64xf32, #tpu.memory_space<vmem>>
    %dma_wait3A_1612 = arith.constant 768 : i32
    %dma_wait3A_1613 = tpu.memref_slice %arg7[%dma_wait3A_1612] : memref<1280xi32, #tpu.memory_space<vmem>> -> memref<128xi32, #tpu.memory_space<vmem>>
    %dma_wait3A_1614 = arith.constant 0 : i32
    %dma_wait3A_1615 = arith.constant 0 : i32
    %dma_wait3A_1616 = tpu.memref_slice %arg5[%dma_wait3A_1614, %dma_wait3A_1615] : memref<100000x64xf32, #tpu.memory_space<hbm>> -> memref<100000x64xf32, #tpu.memory_space<hbm>>
    tpu.wait_indirect_dma semaphore(%arg9 : memref<!tpu.dma_semaphore, #tpu.memory_space<semaphore_mem>>) src(%dma_wait3A_1616 : memref<100000x64xf32, #tpu.memory_space<hbm>>) dst(%dma_wait3A_1611 : memref<128x64xf32, #tpu.memory_space<vmem>>)
    %dma_wait3A_1617 = arith.constant 896 : i32
    %dma_wait3A_1618 = arith.constant 0 : i32
    %dma_wait3A_1619 = tpu.memref_slice %arg8[%dma_wait3A_1617, %dma_wait3A_1618] : memref<1280x64xf32, #tpu.memory_space<vmem>> -> memref<128x64xf32, #tpu.memory_space<vmem>>
    %dma_wait3A_1620 = arith.constant 896 : i32
    %dma_wait3A_1621 = tpu.memref_slice %arg7[%dma_wait3A_1620] : memref<1280xi32, #tpu.memory_space<vmem>> -> memref<128xi32, #tpu.memory_space<vmem>>
    %dma_wait3A_1622 = arith.constant 0 : i32
    %dma_wait3A_1623 = arith.constant 0 : i32
    %dma_wait3A_1624 = tpu.memref_slice %arg5[%dma_wait3A_1622, %dma_wait3A_1623] : memref<100000x64xf32, #tpu.memory_space<hbm>> -> memref<100000x64xf32, #tpu.memory_space<hbm>>
    tpu.wait_indirect_dma semaphore(%arg9 : memref<!tpu.dma_semaphore, #tpu.memory_space<semaphore_mem>>) src(%dma_wait3A_1624 : memref<100000x64xf32, #tpu.memory_space<hbm>>) dst(%dma_wait3A_1619 : memref<128x64xf32, #tpu.memory_space<vmem>>)
    %dma_wait3A_1625 = arith.constant 1024 : i32
    %dma_wait3A_1626 = arith.constant 0 : i32
    %dma_wait3A_1627 = tpu.memref_slice %arg8[%dma_wait3A_1625, %dma_wait3A_1626] : memref<1280x64xf32, #tpu.memory_space<vmem>> -> memref<128x64xf32, #tpu.memory_space<vmem>>
    %dma_wait3A_1628 = arith.constant 1024 : i32
    %dma_wait3A_1629 = tpu.memref_slice %arg7[%dma_wait3A_1628] : memref<1280xi32, #tpu.memory_space<vmem>> -> memref<128xi32, #tpu.memory_space<vmem>>
    %dma_wait3A_1630 = arith.constant 0 : i32
    %dma_wait3A_1631 = arith.constant 0 : i32
    %dma_wait3A_1632 = tpu.memref_slice %arg5[%dma_wait3A_1630, %dma_wait3A_1631] : memref<100000x64xf32, #tpu.memory_space<hbm>> -> memref<100000x64xf32, #tpu.memory_space<hbm>>
    tpu.wait_indirect_dma semaphore(%arg9 : memref<!tpu.dma_semaphore, #tpu.memory_space<semaphore_mem>>) src(%dma_wait3A_1632 : memref<100000x64xf32, #tpu.memory_space<hbm>>) dst(%dma_wait3A_1627 : memref<128x64xf32, #tpu.memory_space<vmem>>)
    %dma_wait3A_1633 = arith.constant 1152 : i32
    %dma_wait3A_1634 = arith.constant 0 : i32
    %dma_wait3A_1635 = tpu.memref_slice %arg8[%dma_wait3A_1633, %dma_wait3A_1634] : memref<1280x64xf32, #tpu.memory_space<vmem>> -> memref<128x64xf32, #tpu.memory_space<vmem>>
    %dma_wait3A_1636 = arith.constant 1152 : i32
    %dma_wait3A_1637 = tpu.memref_slice %arg7[%dma_wait3A_1636] : memref<1280xi32, #tpu.memory_space<vmem>> -> memref<128xi32, #tpu.memory_space<vmem>>
    %dma_wait3A_1638 = arith.constant 0 : i32
    %dma_wait3A_1639 = arith.constant 0 : i32
    %dma_wait3A_1640 = tpu.memref_slice %arg5[%dma_wait3A_1638, %dma_wait3A_1639] : memref<100000x64xf32, #tpu.memory_space<hbm>> -> memref<100000x64xf32, #tpu.memory_space<hbm>>
    tpu.wait_indirect_dma semaphore(%arg9 : memref<!tpu.dma_semaphore, #tpu.memory_space<semaphore_mem>>) src(%dma_wait3A_1640 : memref<100000x64xf32, #tpu.memory_space<hbm>>) dst(%dma_wait3A_1635 : memref<128x64xf32, #tpu.memory_space<vmem>>)
    %add3A_1641 = arith.constant 5120 : i32
    %add3A_1642 = arith.addi %add3A_822, %add3A_1641 : i32
    "tpu.region"() ({
      %run_scoped3A = tpu.sem_alloc : memref<!tpu.dma_semaphore, #tpu.memory_space<semaphore_mem>>
      %dma_start3A_1643 = arith.constant 0 : i32
      %dma_start3A_1644 = tpu.memref_slice %arg6[%add3A_1642, %dma_start3A_1643] : memref<409600x64xf32, #tpu.memory_space<hbm>> -> memref<1280x64xf32, #tpu.memory_space<hbm>>
      %dma_start3A_1645 = arith.constant 0 : i32
      %dma_start3A_1646 = tpu.memref_slice %arg6[%add3A_1642, %dma_start3A_1645] : memref<409600x64xf32, #tpu.memory_space<hbm>> -> memref<1280x64xf32, #tpu.memory_space<hbm>>
      tpu.enqueue_dma source(%arg8 : memref<1280x64xf32, #tpu.memory_space<vmem>>) target(%dma_start3A_1646 : memref<1280x64xf32, #tpu.memory_space<hbm>>) target_semaphore(%run_scoped3A : memref<!tpu.dma_semaphore, #tpu.memory_space<semaphore_mem>>)
      %dma_wait3A_1647 = arith.constant 0 : i32
      %dma_wait3A_1648 = tpu.memref_slice %arg6[%add3A_1642, %dma_wait3A_1647] : memref<409600x64xf32, #tpu.memory_space<hbm>> -> memref<1280x64xf32, #tpu.memory_space<hbm>>
      %dma_wait3A_1649 = arith.constant 0 : i32
      %dma_wait3A_1650 = tpu.memref_slice %arg6[%add3A_1642, %dma_wait3A_1649] : memref<409600x64xf32, #tpu.memory_space<hbm>> -> memref<1280x64xf32, #tpu.memory_space<hbm>>
      tpu.wait_dma2 semaphore(%run_scoped3A : memref<!tpu.dma_semaphore, #tpu.memory_space<semaphore_mem>>) src(%arg8 : memref<1280x64xf32, #tpu.memory_space<vmem>>) dst(%dma_wait3A_1650 : memref<1280x64xf32, #tpu.memory_space<hbm>>)
      tpu.yield
    }) : () -> ()
    return
  }
}

</mosaic_0001>

<sc_bundles>
// kernel: kernel.3.cloned.1.call-start
scs
__scs_entry_jumppad:
0x0: {  	(pc) =	sbr.rel $0x88, $3  }
0x1: {  	(tag) =	ssettag $0x0;
	lr =	simm.s32 $0x1  }
0x2: {  	[smem:$0x3F9D] =	sst lr;
	_ =	strace $0xD0000000  }
0x3: {  	_ = 	snop  }
0x4: {  	_ = 	snop  }
0x5: {  	_ = 	snop  }
0x6: {  	_ = 	snop  }
0x7: {  	_ = 	snop  }
__scs_overlays_trampoline_lowered:
0x8: {  	[smem:$0x3FAC] =	sst s0  }
0x9: {  	[smem:$0x3FAD] =	sst s1  }
0xa: {  	[smem:$0x3FAE] =	sst s2  }
0xb: {  	[smem:$0x3FAF] =	sst s3  }
0xc: {  	[smem:$0x3FB0] =	sst s4  }
0xd: {  	[smem:$0x3FB1] =	sst s5  }
0xe: {  	[smem:$0x3FB2] =	sst s6  }
0xf: {  	[smem:$0x3FB3] =	sst s7  }
0x10: {  	[smem:$0x3FB4] =	sst s8  }
0x11: {  	[smem:$0x3FB5] =	sst s9;
	s0 =	simm.s32 @!p0 $0x0  }
0x12: {  	s1 =	sld [smem:$0x3F9B];
	s0 =	simm.s32 @p0 $0x1  }
0x13: {  	[smem:$0x3FB6] =	sst s0;
	s0 =	simm.s32 @!p1 $0x0  }
0x14: {  	s2 =	sld [smem:$0x3F9A];
	s0 =	simm.s32 @p1 $0x1  }
0x15: {  	[smem:$0x3FB7] =	sst s0;
	s0 =	simm.s32 @!p2 $0x0  }
0x16: {  	s3 =	sld [smem:$0x3FDB];
	s0 =	simm.s32 @p2 $0x1  }
0x17: {  	s4 =	simm.s32 $0x1BF5;
	[smem:$0x3FB9] =	sst s0  }
0x18: {  	s0 =	sld [smem:$0x3F9C];
	_ =	swait.ge [sflag:s4], $0x0  }
0x19: {  	s7 =	sld [smem:$0x3F9D]  }
0x1a: {  	s8 =	sadd.s32 $0xFFFFE003, lr  }
0x1b: {  	s9 =	sadd.s32 $0xFFFFFEF7, lr;
	s5 =	simm.s32 $0xFFFFFFFF;
	p2 =	slt.u32 s8, $0xFFFFF086  }
0x1c: {  	p1 =	slt.u32 s9, $0xF7A;
	s5 =	simm.s32 @!p2 $0x0  }
0x1d: {  	s5 =	simm.s32 @p1 $0x1;
	p0 =	seq.s32 s7, s2  }
0x1e: {  	s7 =	smul.u32 @!p0 $0xF7A, s2;
	p2 =	seq.s32 @!p0 s5, $0x0  }
0x1f: {  	s9 =	smul.u32 $0xF7A, s1;
	s8 =	simm.s32 @!p0 $0x1BF5;
	p2 =	por !p2, p0  }
0x20: {  	[sflag:s8] =	ssyncset.s32 @!p0 $0xFFFFF086;
	s6 =	sadd.s32 @!p0 s3, s7;
	s7 =	simm.s32 @!p0 $0x108  }
0x21: {  	s3 =	sadd.s32 s3, s9;
	s6 =	sadd.s32 @!p0 $0x88, s6;
	s7 =	simm.s32 @p2 $0x1082  }
0x22: {  	[simem:s7], [sflag:s8] =	dma.local @!p0 [hbm:s6], $0xF7A  }
0x23: {  	s9 =	sor.u32 $0xD0000000, s2;
	s6 =	simm.s32 $0x108;
	_ =	swait.ge @!p0 [sflag:s8], $0x0  }
0x24: {  	s3 =	sadd.s32 $0x88, s3;
	s6 =	simm.s32 @!p1 $0x1082;
	[sflag:s4] =	ssyncset.s32 $0xFFFFF086  }
0x25: {  	[simem:s6], [sflag:s4] =	dma.local [hbm:s3], $0xF7A  }
0x26: {  	[smem:$0x3F9D] =	sst s1;
	(tag) =	ssettag s2;
	_ =	strace s9  }
0x27: {  	s1 =	sld [smem:$0x3FAD]  }
0x28: {  	s2 =	sld [smem:$0x3FAE]  }
0x29: {  	s4 =	sld [smem:$0x3FB0]  }
0x2a: {  	p0 =	seq.s32 s5, $0x0;
	s5 =	sld [smem:$0x3FB1]  }
0x2b: {  	s6 =	sld [smem:$0x3FB2]  }
0x2c: {  	s7 =	sld [smem:$0x3FB3]  }
0x2d: {  	s3 =	simm.s32 $0x108;
	s8 =	sld [smem:$0x3FB4]  }
0x2e: {  	s3 =	simm.s32 @!p0 $0x1082;
	s9 =	sld [smem:$0x3FB5]  }
0x2f: {  	lr =	sadd.s32 s0, s3;
	s0 =	sld [smem:$0x3FAC]  }
0x30: {  	s3 =	sld [smem:$0x3FAF]  }
0x31: {  	[smem:$0x3FB8] =	sst s10  }
0x32: {  	s10 =	sld [smem:$0x3FB6];
	_ =	sdelay $0x3  }
0x33: {  	p0 =	seq.s32 s10, $0x1;
	s10 =	sld [smem:$0x3FB8];
	_ =	sdelay $0x3  }
0x34: {  	[smem:$0x3FB8] =	sst s10  }
0x35: {  	s10 =	sld [smem:$0x3FB7];
	_ =	sdelay $0x3  }
0x36: {  	p1 =	seq.s32 s10, $0x1;
	s10 =	sld [smem:$0x3FB8];
	_ =	sdelay $0x3  }
0x37: {  	[smem:$0x3FB8] =	sst s10  }
0x38: {  	s10 =	sld [smem:$0x3FB9]  }
0x39: {  	_ = 	snop;
	(pc) =	sbr.ind lr, $3  }
0x3a: {  	_ = 	snop  }
0x3b: {  	_ = 	snop  }
0x3c: {  	p2 =	seq.s32 s10, $0x1;
	s10 =	sld [smem:$0x3FB8]  }
0x3d: {  	_ =	shalt  }
0x3e: {  	_ =	shalt  }
0x3f: {  	_ =	shalt  }
0x40: {  	_ =	shalt  }
0x41: {  	_ =	shalt  }
0x42: {  	_ =	shalt  }
0x43: {  	_ =	shalt  }
0x44: {  	_ =	shalt  }
0x45: {  	_ =	shalt  }
0x46: {  	_ =	shalt  }
0x47: {  	_ =	shalt  }
0x48: {  	_ =	shalt  }
0x49: {  	_ =	shalt  }
0x4a: {  	_ =	shalt  }
0x4b: {  	_ =	shalt  }
0x4c: {  	_ =	shalt  }
0x4d: {  	_ =	shalt  }
0x4e: {  	_ =	shalt  }
0x4f: {  	_ =	shalt  }
0x50: {  	_ =	shalt  }
0x51: {  	_ =	shalt  }
0x52: {  	_ =	shalt  }
0x53: {  	_ =	shalt  }
0x54: {  	_ =	shalt  }
0x55: {  	_ =	shalt  }
0x56: {  	_ =	shalt  }
0x57: {  	_ =	shalt  }
0x58: {  	_ =	shalt  }
0x59: {  	_ =	shalt  }
0x5a: {  	_ =	shalt  }
0x5b: {  	_ =	shalt  }
0x5c: {  	_ =	shalt  }
0x5d: {  	_ =	shalt  }
0x5e: {  	_ =	shalt  }
0x5f: {  	_ =	shalt  }
0x60: {  	_ =	shalt  }
0x61: {  	_ =	shalt  }
0x62: {  	_ =	shalt  }
0x63: {  	_ =	shalt  }
0x64: {  	_ =	shalt  }
0x65: {  	_ =	shalt  }
0x66: {  	_ =	shalt  }
0x67: {  	_ =	shalt  }
0x68: {  	_ =	shalt  }
0x69: {  	_ =	shalt  }
0x6a: {  	_ =	shalt  }
0x6b: {  	_ =	shalt  }
0x6c: {  	_ =	shalt  }
0x6d: {  	_ =	shalt  }
0x6e: {  	_ =	shalt  }
0x6f: {  	_ =	shalt  }
0x70: {  	_ =	shalt  }
0x71: {  	_ =	shalt  }
0x72: {  	_ =	shalt  }
0x73: {  	_ =	shalt  }
0x74: {  	_ =	shalt  }
0x75: {  	_ =	shalt  }
0x76: {  	_ =	shalt  }
0x77: {  	_ =	shalt  }
0x78: {  	_ =	shalt  }
0x79: {  	_ =	shalt  }
0x7a: {  	_ =	shalt  }
0x7b: {  	_ =	shalt  }
0x7c: {  	_ =	shalt  }
0x7d: {  	_ =	shalt  }
0x7e: {  	_ =	shalt  }
0x7f: {  	_ =	shalt  }
0x80: {  	_ =	shalt  }
0x81: {  	_ =	shalt  }
0x82: {  	_ =	shalt  }
0x83: {  	_ =	shalt  }
0x84: {  	_ =	shalt  }
0x85: {  	_ =	shalt  }
0x86: {  	_ =	shalt  }
0x87: {  	_ =	shalt  }
.Lfunc_end0:
.L_simem_size_0:
called_computation.1_lowered:
.L_overlay_start_0:
0x88: {  	s2 =	sld [smem:$0x3FD9]  }
0x89: {  	s3 =	sld [smem:$0x3FFE];
	_ =	sdelay $0x1  }
0x8a: {  	s1 =	srdreg.scid  }
0x8b: {  	s0 =	sand.u32 $0x1, s1  }
0x8c: {  	s17 =	sshll.u32 s0, $0xA;
	s2 =	sadd.s32 s3, s2  }
0x8d: {  	s2 =	sadd.s32 s2, s17  }
0x8e: {  	[smem:$0x3FC4] =	sst s2  }
0x8f: {  	_ = 	snop  }
0x90: {  	s2 =	sld [smem:$0x3FD0];
	(tm) =	ssettm $0x1  }
0x91: {  	s18 =	sld [smem:$0x3FFB];
	_ =	sdelay $0x3  }
0x92: {  	_ =	strace s18  }
0x93: {  	s3 =	sld [smem:$0x3FFC];
	_ =	sdelay $0x3  }
0x94: {  	_ =	strace s3  }
0x95: {  	s3 =	sld [smem:$0x3FFD];
	_ =	sdelay $0x3  }
0x96: {  	_ =	strace s3  }
0x97: {  	_ =	strace $0x8FFFFFFF  }
0x98: {  	s19 =	sld [smem:$0x3FDB];
	_ =	sdelay $0x1  }
0x99: {  	s4 =	simm.s32 $_scs_section_size  }
0x9a: {  	s5 =	simm.s32 $_size__tile_overlayer_lowered;
	s6 =	simm.s32 $_tile_overlayer_lowered  }
0x9b: {  	s22 =	simm.s32 $0x1BFF;
	s21 =	sshll.u32 s6, $0x1;
	s3 =	sadd.s32 s4, s19  }
0x9c: {  	s7 =	simm.s32 $0x0;
	s20 =	sshll.u32 s5, $0x1;
	s5 =	sadd.s32 s21, s3  }
0x9d: {  	[timem:s7], [sflag:s22] =	dma.local [hbm:s5], s20  }
0x9e: {  	_ =	swait.ge [sflag:s22], s20  }
0x9f: {  	s4 =	ssub.s32 $0x0, s20;
	[sflag:s22] =	ssyncset.done $0x0  }
0xa0: {  	[sflag:s22] =	ssyncadd.s32 s4;
	_ =	sdelay $0x1  }
0xa1: {  	s23 =	simm.s32 $0x1B8B  }
0xa2: {  	_ =	swait.ge [sflag:s23], $0x1  }
0xa3: {  	[sflag:s23] =	ssyncset.done $0x0  }
0xa4: {  	s25 =	simm.s32 $0x1B8E;
	s24 =	sld [smem:$0x3FFE];
	[sflag:s23] =	ssyncadd.s32 $0xFFFFFFFF  }
0xa5: {  	s26 =	simm.s32 $execute0_lowered;
	[smem:$0x3FD2] =	sst s25  }
0xa6: {  	s5 =	sshll.u32 s26, $0x1;
	_ =	strace $0x80000046;
	[dreg:$0x1] =	wrdreg $0xFFFFFFFF  }
0xa7: {  	s28 =	simm.s32 $_size_execute0_lowered;
	s3 =	sadd.s32 s3, s5;
	[dreg:$0x0] =	wrdreg $0x0  }
0xa8: {  	s5 =	sshll.u32 s28, $0x1;
	[dreg:$0x2] =	wrdreg s3  }
0xa9: {  	[dreg:$0x3] =	wrdreg s5  }
0xaa: {  	[dreg:$0x4] =	wrdreg $0xC0  }
0xab: {  	_ =	task [dreg:s7], $0x5FFFF  }
0xac: {  	[dreg:$0x1] =	wrdreg $0xFFFFFFFF  }
0xad: {  	[dreg:$0x0] =	wrdreg $0x60  }
0xae: {  	[dreg:$0x2] =	wrdreg s24  }
0xaf: {  	[dreg:$0x3] =	wrdreg s2  }
0xb0: {  	[dreg:$0x4] =	wrdreg $0x9  }
0xb1: {  	_ =	task.clear_ibuf [dreg:s7], $0x5FFFF;
	_ =	strace $0x90000046  }
0xb2: {  	s29 =	simm.s32 $0x9;
	_ =	strace $0x80000048  }
0xb3: {  	_ =	swait.ge [sflag:s29], $0x1  }
0xb4: {  	[sflag:s29] =	ssyncadd.s32 $0xFFFFFFFF  }
0xb5: {  	_ =	strace $0x90000048  }
0xb6: {  	_ =	sfence  }
0xb7: {  	s30 =	sld [smem:$0x0];
	_ =	sdelay $0x2  }
0xb8: {  	s31 =	sshll.u32 s1, $0xD;
	s1 =	sshrl.u32 s1, $0x2  }
0xb9: {  	s3 =	sand.u32 $0x4000, s31;
	s1 =	sadd.s32 s1, s30  }
0xba: {  	s0 =	sor.u32 s3, s0;
	s1 =	sshll.u32 s1, $0x11  }
0xbb: {  	s0 =	sor.u32 s1, s0  }
0xbc: {  	s0 =	sadd.s32 $0x8F2B, s0  }
0xbd: {  	[sflag:s0] =	ssyncadd.remote.s32 $0x1  }
0xbe: {  	_ =	sfence.sel $0xFFFF  }
0xbf: {  	[dreg:$0x0] =	wrdreg $0xFFFFFFFF;
	(pc) =	sbr.abs _section_cstart, $3  }
0xc0: {  	[dreg:$0x1] =	wrdreg $0xFFFFFFFF  }
0xc1: {  	_ =	task.clear_ibuf [dreg:s7], $0x2FFFF;
	_ =	strace $0x9FFFFFFF  }
0xc2: {  	(tm) =	ssettm $0x7FFFFFFF  }
0xc3: {  	_ =	shalt  }
tec
execute0_lowered:
.L_overlay_start_1:
0x0: {  	(tag) =	ssettag $0x1  }
0x1: {  	s0 =	srdreg.scid;
	s1 =	rddreg [dreg:$0x0]  }
0x2: {  	s2 =	stileid.u32;
	s3 =	rddreg [dreg:$0x1]  }
0x3: {  	p0 =	por $0x0, $0x0;
	s0 =	sand.u32 $0x1, s0;
	s2 =	sshll.u32 s2, $0x1  }
0x4: {  	s28 =	simm.s32 $0x12500;
	s6 =	sadd.s32 $0x2400, s1;
	s4 =	sor.u32 s0, s2  }
0x5: {  	s13 =	sadd.s32 $0x8800, s1;
	s31 =	sadd.s32 $0xEC00, s1;
	s5 =	smul.u32 $0x1900, s4  }
0x6: {  	s2 =	simm.s32 $0x0;
	s0 =	ssub.s32 $0x2, s0;
	s8 =	smul.u32 $0xC800, s4  }
0x7: {  	[smem:$0x7FF] =	sst s2;
	s4 =	smul.u32 $0x64000, s4;
	s25 =	sshrl.u32 s0, $0x1  }
0x8: {  	_ =	strace $0x80000047;
	s0 =	ssub.s32 s0, s25;
	s25 =	simm.s32 $0x10500  }
0x9: {  	s7 =	sshrl.u32 s5, $0x3;
	s10 =	sadd.s32 $0x500, s5;
	s8 =	sadd.s32 s3, s8  }
0xa: {  	s16 =	sadd.s32 $0xA00, s5;
	s12 =	sadd.s32 $0xF00, s5;
	s5 =	sadd.s32 $0x1400, s5  }
0xb: {  	s4 =	sshrl.u32 s4, $0x3;
	s0 =	smax.u32 s0, $0x1;
	s9 =	sadd.s32 s6, s7  }
0xc: {  	s26 =	sshrl.u32 s10, $0x3;
	[dreg:$0x4] =	wrdreg s8;
	s10 =	sshll.u32 s10, $0x3  }
0xd: {  	s17 =	sshrl.u32 s16, $0x3;
	s18 =	sshrl.u32 s12, $0x3;
	s20 =	sshll.u32 s12, $0x3  }
0xe: {  	s21 =	sshrl.u32 s5, $0x3;
	s5 =	sshll.u32 s5, $0x3;
	s22 =	sadd.s32 s13, s7  }
0xf: {  	s8 =	simm.s32 $0x80;
	s12 =	simm.s32 $0x4500;
	p1 =	sne.s32 s0, $0x1  }
0x10: {  	s7 =	simm.s32 $0x1;
	[dreg:$0x3] =	wrdreg s9;
	s14 =	sadd.s32 s6, s26  }
0x11: {  	s15 =	sadd.s32 s3, s10;
	s11 =	sadd.s32 s6, s17;
	[dreg:$0xd] =	wrdreg s22  }
0x12: {  	s10 =	sshll.u32 s16, $0x3;
	s19 =	sadd.s32 s6, s18;
	[dreg:$0x5] =	wrdreg s14  }
0x13: {  	s6 =	sadd.s32 s6, s21;
	s5 =	sadd.s32 s3, s5;
	[dreg:$0x6] =	wrdreg s15  }
0x14: {  	s23 =	sadd.s32 s13, s26;
	s26 =	sadd.s32 s13, s17;
	[dreg:$0x7] =	wrdreg s11  }
0x15: {  	s29 =	sadd.s32 s13, s18;
	s9 =	sadd.s32 s13, s21;
	[dreg:$0x9] =	wrdreg s19  }
0x16: {  	s13 =	simm.s32 $0x180;
	s16 =	simm.s32 $0x200;
	[dreg:$0xb] =	wrdreg s6  }
0x17: {  	s17 =	simm.s32 $0x8500;
	s18 =	simm.s32 $0x280;
	[dreg:$0xc] =	wrdreg s5  }
0x18: {  	s21 =	simm.s32 $0xC500;
	s22 =	simm.s32 $0x380;
	[dreg:$0xf] =	wrdreg s23  }
0x19: {  	s10 =	sadd.s32 s3, s10;
	s6 =	sadd.s32 $0xD2200, s1;
	[dreg:$0x11] =	wrdreg s26  }
0x1a: {  	s5 =	simm.s32 $0x500;
	s11 =	simm.s32 $0x100;
	s15 =	simm.s32 $0x6500  }
0x1b: {  	s19 =	simm.s32 $0xA500;
	s1 =	sadd.s32 $0xFFFFFFFF, s0;
	s0 =	rddreg [dreg:$0x3]  }
0x1c: {  	s23 =	simm.s32 $0xE500;
	s26 =	simm.s32 $0x480;
	[dreg:$0x8] =	wrdreg s10  }
.Ltmp0:
0x1d: {  	s10 =	sadd.s32 s3, s20;
	s3 =	sadd.s32 s3, s4;
	(pc) =	sbr.rel @!p1 .LBB2_3-.Ltmp0, $4  }
0x1e: {  	s20 =	simm.s32 $0x300;
	[dreg:$0xa] =	wrdreg s10;
	s4 =	sadd.s32 $0x190000, s3  }
0x1f: {  	s24 =	sadd.s32 $0x192800, s3;
	s30 =	sadd.s32 $0x195000, s3;
	[dreg:$0xe] =	wrdreg s4  }
0x20: {  	s14 =	sadd.s32 $0x197800, s3;
	s10 =	simm.s32 $0x2500;
	[dreg:$0x10] =	wrdreg s24  }
0x21: {  	s4 =	sadd.s32 $0x19A000, s3;
	s3 =	simm.s32 $0x2;
	s24 =	simm.s32 $0x400  }
0x22: {  	[tilespmem:s2], [sflag:$0x2] =	stream.linear.gather [hbm4b:s0+s2], $0x500, $0x38;
	[tilespmem:$0x14500] =	vst v63  }
0x23: {  	_ =	swait.ge [sflag:s3], $0x500  }
0x24: {  	[sflag:s3] =	ssyncset.done $0x0  }
0x25: {  	[sflag:s3] =	ssyncadd.s32 $0xFFFFFB00  }
0x26: {  	[tilespmem:s5], [sflag:$0x1] =	stream.indirect.gather [hbm4b:s31+s8], $0x40, s2, s8, $0xb8;
	[tilespmem:$0x14500] =	vst v63  }
0x27: {  	_ = 	snop  }
0x28: {  	[tilespmem:s10], [sflag:$0x1] =	stream.indirect.gather [hbm4b:s31+s8], $0x40, s8, s8, $0xb8;
	[tilespmem:$0x14500] =	vst v63  }
0x29: {  	_ = 	snop  }
0x2a: {  	[tilespmem:s12], [sflag:$0x1] =	stream.indirect.gather [hbm4b:s31+s8], $0x40, s11, s8, $0xb8;
	[tilespmem:$0x14500] =	vst v63  }
0x2b: {  	_ = 	snop  }
0x2c: {  	[tilespmem:s15], [sflag:$0x1] =	stream.indirect.gather [hbm4b:s31+s8], $0x40, s13, s8, $0xb8;
	[tilespmem:$0x14500] =	vst v63  }
0x2d: {  	_ = 	snop  }
0x2e: {  	[tilespmem:s17], [sflag:$0x1] =	stream.indirect.gather [hbm4b:s31+s8], $0x40, s16, s8, $0xb8;
	[tilespmem:$0x14500] =	vst v63  }
0x2f: {  	_ = 	snop  }
0x30: {  	[tilespmem:s19], [sflag:$0x1] =	stream.indirect.gather [hbm4b:s31+s8], $0x40, s18, s8, $0xb8;
	[tilespmem:$0x14500] =	vst v63  }
0x31: {  	_ = 	snop  }
0x32: {  	[tilespmem:s21], [sflag:$0x1] =	stream.indirect.gather [hbm4b:s31+s8], $0x40, s20, s8, $0xb8;
	[tilespmem:$0x14500] =	vst v63  }
0x33: {  	_ = 	snop  }
0x34: {  	[tilespmem:s23], [sflag:$0x1] =	stream.indirect.gather [hbm4b:s31+s8], $0x40, s22, s8, $0xb8;
	[tilespmem:$0x14500] =	vst v63  }
0x35: {  	_ = 	snop  }
0x36: {  	[tilespmem:s25], [sflag:$0x1] =	stream.indirect.gather [hbm4b:s31+s8], $0x40, s24, s8, $0xb8;
	[tilespmem:$0x14500] =	vst v63  }
0x37: {  	_ = 	snop  }
0x38: {  	[tilespmem:s28], [sflag:$0x1] =	stream.indirect.gather [hbm4b:s31+s8], $0x40, s26, s8, $0xb8;
	[tilespmem:$0x14500] =	vst v63  }
0x39: {  	_ =	swait.ge [sflag:s7], $0x2000  }
0x3a: {  	[sflag:s7] =	ssyncset.done $0x0  }
0x3b: {  	[sflag:s7] =	ssyncadd.s32 $0xFFFFE000  }
0x3c: {  	_ =	swait.ge [sflag:s7], $0x2000  }
0x3d: {  	[sflag:s7] =	ssyncset.done $0x0  }
0x3e: {  	[sflag:s7] =	ssyncadd.s32 $0xFFFFE000  }
0x3f: {  	_ =	swait.ge [sflag:s7], $0x2000  }
0x40: {  	[sflag:s7] =	ssyncset.done $0x0  }
0x41: {  	[sflag:s7] =	ssyncadd.s32 $0xFFFFE000  }
0x42: {  	_ =	swait.ge [sflag:s7], $0x2000  }
0x43: {  	[sflag:s7] =	ssyncset.done $0x0  }
0x44: {  	[sflag:s7] =	ssyncadd.s32 $0xFFFFE000  }
0x45: {  	_ =	swait.ge [sflag:s7], $0x2000  }
0x46: {  	[sflag:s7] =	ssyncset.done $0x0  }
0x47: {  	[sflag:s7] =	ssyncadd.s32 $0xFFFFE000  }
0x48: {  	_ =	swait.ge [sflag:s7], $0x2000  }
0x49: {  	[sflag:s7] =	ssyncset.done $0x0  }
0x4a: {  	[sflag:s7] =	ssyncadd.s32 $0xFFFFE000  }
0x4b: {  	_ =	swait.ge [sflag:s7], $0x2000  }
0x4c: {  	[sflag:s7] =	ssyncset.done $0x0  }
0x4d: {  	[sflag:s7] =	ssyncadd.s32 $0xFFFFE000  }
0x4e: {  	_ =	swait.ge [sflag:s7], $0x2000  }
0x4f: {  	[sflag:s7] =	ssyncset.done $0x0  }
0x50: {  	[sflag:s7] =	ssyncadd.s32 $0xFFFFE000  }
0x51: {  	_ =	swait.ge [sflag:s7], $0x2000  }
0x52: {  	[sflag:s7] =	ssyncset.done $0x0  }
0x53: {  	[sflag:s7] =	ssyncadd.s32 $0xFFFFE000  }
0x54: {  	_ =	swait.ge [sflag:s7], $0x2000  }
0x55: {  	[sflag:s7] =	ssyncset.done $0x0  }
0x56: {  	s0 =	rddreg [dreg:$0x4];
	[sflag:s7] =	ssyncadd.s32 $0xFFFFE000  }
0x57: {  	[hbm4b:s0+s2] =	stream.linear.scatter [tilespmem:s5], [sflag:$0x2], $0x14000, $0x38;
	[tilespmem:$0x14500] =	vst v63  }
0x58: {  	_ =	swait.ge [sflag:s3], $0x14000  }
0x59: {  	[sflag:s3] =	ssyncset.done $0x0  }
0x5a: {  	s0 =	rddreg [dreg:$0x5];
	[sflag:s3] =	ssyncadd.s32 $0xFFFEC000  }
0x5b: {  	[tilespmem:s2], [sflag:$0x2] =	stream.linear.gather [hbm4b:s0+s2], $0x500, $0x38;
	[tilespmem:$0x14500] =	vst v63  }
0x5c: {  	_ =	swait.ge [sflag:s3], $0x500  }
0x5d: {  	[sflag:s3] =	ssyncset.done $0x0  }
0x5e: {  	[sflag:s3] =	ssyncadd.s32 $0xFFFFFB00  }
0x5f: {  	[tilespmem:s5], [sflag:$0x1] =	stream.indirect.gather [hbm4b:s31+s8], $0x40, s2, s8, $0xb8;
	[tilespmem:$0x14500] =	vst v63  }
0x60: {  	_ = 	snop  }
0x61: {  	[tilespmem:s10], [sflag:$0x1] =	stream.indirect.gather [hbm4b:s31+s8], $0x40, s8, s8, $0xb8;
	[tilespmem:$0x14500] =	vst v63  }
0x62: {  	_ = 	snop  }
0x63: {  	[tilespmem:s12], [sflag:$0x1] =	stream.indirect.gather [hbm4b:s31+s8], $0x40, s11, s8, $0xb8;
	[tilespmem:$0x14500] =	vst v63  }
0x64: {  	_ = 	snop  }
0x65: {  	[tilespmem:s15], [sflag:$0x1] =	stream.indirect.gather [hbm4b:s31+s8], $0x40, s13, s8, $0xb8;
	[tilespmem:$0x14500] =	vst v63  }
0x66: {  	_ = 	snop  }
0x67: {  	[tilespmem:s17], [sflag:$0x1] =	stream.indirect.gather [hbm4b:s31+s8], $0x40, s16, s8, $0xb8;
	[tilespmem:$0x14500] =	vst v63  }
0x68: {  	_ = 	snop  }
0x69: {  	[tilespmem:s19], [sflag:$0x1] =	stream.indirect.gather [hbm4b:s31+s8], $0x40, s18, s8, $0xb8;
	[tilespmem:$0x14500] =	vst v63  }
0x6a: {  	_ = 	snop  }
0x6b: {  	[tilespmem:s21], [sflag:$0x1] =	stream.indirect.gather [hbm4b:s31+s8], $0x40, s20, s8, $0xb8;
	[tilespmem:$0x14500] =	vst v63  }
0x6c: {  	_ = 	snop  }
0x6d: {  	[tilespmem:s23], [sflag:$0x1] =	stream.indirect.gather [hbm4b:s31+s8], $0x40, s22, s8, $0xb8;
	[tilespmem:$0x14500] =	vst v63  }
0x6e: {  	_ = 	snop  }
0x6f: {  	[tilespmem:s25], [sflag:$0x1] =	stream.indirect.gather [hbm4b:s31+s8], $0x40, s24, s8, $0xb8;
	[tilespmem:$0x14500] =	vst v63  }
0x70: {  	_ = 	snop  }
0x71: {  	[tilespmem:s28], [sflag:$0x1] =	stream.indirect.gather [hbm4b:s31+s8], $0x40, s26, s8, $0xb8;
	[tilespmem:$0x14500] =	vst v63  }
0x72: {  	_ =	swait.ge [sflag:s7], $0x2000  }
0x73: {  	[sflag:s7] =	ssyncset.done $0x0  }
0x74: {  	[sflag:s7] =	ssyncadd.s32 $0xFFFFE000  }
0x75: {  	_ =	swait.ge [sflag:s7], $0x2000  }
0x76: {  	[sflag:s7] =	ssyncset.done $0x0  }
0x77: {  	[sflag:s7] =	ssyncadd.s32 $0xFFFFE000  }
0x78: {  	_ =	swait.ge [sflag:s7], $0x2000  }
0x79: {  	[sflag:s7] =	ssyncset.done $0x0  }
0x7a: {  	[sflag:s7] =	ssyncadd.s32 $0xFFFFE000  }
0x7b: {  	_ =	swait.ge [sflag:s7], $0x2000  }
0x7c: {  	[sflag:s7] =	ssyncset.done $0x0  }
0x7d: {  	[sflag:s7] =	ssyncadd.s32 $0xFFFFE000  }
0x7e: {  	_ =	swait.ge [sflag:s7], $0x2000  }
0x7f: {  	[sflag:s7] =	ssyncset.done $0x0  }
0x80: {  	[sflag:s7] =	ssyncadd.s32 $0xFFFFE000  }
0x81: {  	_ =	swait.ge [sflag:s7], $0x2000  }
0x82: {  	[sflag:s7] =	ssyncset.done $0x0  }
0x83: {  	[sflag:s7] =	ssyncadd.s32 $0xFFFFE000  }
0x84: {  	_ =	swait.ge [sflag:s7], $0x2000  }
0x85: {  	[sflag:s7] =	ssyncset.done $0x0  }
0x86: {  	[sflag:s7] =	ssyncadd.s32 $0xFFFFE000  }
0x87: {  	_ =	swait.ge [sflag:s7], $0x2000  }
0x88: {  	[sflag:s7] =	ssyncset.done $0x0  }
0x89: {  	[sflag:s7] =	ssyncadd.s32 $0xFFFFE000  }
0x8a: {  	_ =	swait.ge [sflag:s7], $0x2000  }
0x8b: {  	[sflag:s7] =	ssyncset.done $0x0  }
0x8c: {  	[sflag:s7] =	ssyncadd.s32 $0xFFFFE000  }
0x8d: {  	_ =	swait.ge [sflag:s7], $0x2000  }
0x8e: {  	[sflag:s7] =	ssyncset.done $0x0  }
0x8f: {  	s0 =	rddreg [dreg:$0x6];
	[sflag:s7] =	ssyncadd.s32 $0xFFFFE000  }
0x90: {  	[hbm4b:s0+s2] =	stream.linear.scatter [tilespmem:s5], [sflag:$0x2], $0x14000, $0x38;
	[tilespmem:$0x14500] =	vst v63  }
0x91: {  	_ =	swait.ge [sflag:s3], $0x14000  }
0x92: {  	[sflag:s3] =	ssyncset.done $0x0  }
0x93: {  	s0 =	rddreg [dreg:$0x7];
	[sflag:s3] =	ssyncadd.s32 $0xFFFEC000  }
0x94: {  	[tilespmem:s2], [sflag:$0x2] =	stream.linear.gather [hbm4b:s0+s2], $0x500, $0x38;
	[tilespmem:$0x14500] =	vst v63  }
0x95: {  	_ =	swait.ge [sflag:s3], $0x500  }
0x96: {  	[sflag:s3] =	ssyncset.done $0x0  }
0x97: {  	[sflag:s3] =	ssyncadd.s32 $0xFFFFFB00  }
0x98: {  	[tilespmem:s5], [sflag:$0x1] =	stream.indirect.gather [hbm4b:s31+s8], $0x40, s2, s8, $0xb8;
	[tilespmem:$0x14500] =	vst v63  }
0x99: {  	_ = 	snop  }
0x9a: {  	[tilespmem:s10], [sflag:$0x1] =	stream.indirect.gather [hbm4b:s31+s8], $0x40, s8, s8, $0xb8;
	[tilespmem:$0x14500] =	vst v63  }
0x9b: {  	_ = 	snop  }
0x9c: {  	[tilespmem:s12], [sflag:$0x1] =	stream.indirect.gather [hbm4b:s31+s8], $0x40, s11, s8, $0xb8;
	[tilespmem:$0x14500] =	vst v63  }
0x9d: {  	_ = 	snop  }
0x9e: {  	[tilespmem:s15], [sflag:$0x1] =	stream.indirect.gather [hbm4b:s31+s8], $0x40, s13, s8, $0xb8;
	[tilespmem:$0x14500] =	vst v63  }
0x9f: {  	_ = 	snop  }
0xa0: {  	[tilespmem:s17], [sflag:$0x1] =	stream.indirect.gather [hbm4b:s31+s8], $0x40, s16, s8, $0xb8;
	[tilespmem:$0x14500] =	vst v63  }
0xa1: {  	_ = 	snop  }
0xa2: {  	[tilespmem:s19], [sflag:$0x1] =	stream.indirect.gather [hbm4b:s31+s8], $0x40, s18, s8, $0xb8;
	[tilespmem:$0x14500] =	vst v63  }
0xa3: {  	_ = 	snop  }
0xa4: {  	[tilespmem:s21], [sflag:$0x1] =	stream.indirect.gather [hbm4b:s31+s8], $0x40, s20, s8, $0xb8;
	[tilespmem:$0x14500] =	vst v63  }
0xa5: {  	_ = 	snop  }
0xa6: {  	[tilespmem:s23], [sflag:$0x1] =	stream.indirect.gather [hbm4b:s31+s8], $0x40, s22, s8, $0xb8;
	[tilespmem:$0x14500] =	vst v63  }
0xa7: {  	_ = 	snop  }
0xa8: {  	[tilespmem:s25], [sflag:$0x1] =	stream.indirect.gather [hbm4b:s31+s8], $0x40, s24, s8, $0xb8;
	[tilespmem:$0x14500] =	vst v63  }
0xa9: {  	_ = 	snop  }
0xaa: {  	[tilespmem:s28], [sflag:$0x1] =	stream.indirect.gather [hbm4b:s31+s8], $0x40, s26, s8, $0xb8;
	[tilespmem:$0x14500] =	vst v63  }
0xab: {  	_ =	swait.ge [sflag:s7], $0x2000  }
0xac: {  	[sflag:s7] =	ssyncset.done $0x0  }
0xad: {  	[sflag:s7] =	ssyncadd.s32 $0xFFFFE000  }
0xae: {  	_ =	swait.ge [sflag:s7], $0x2000  }
0xaf: {  	[sflag:s7] =	ssyncset.done $0x0  }
0xb0: {  	[sflag:s7] =	ssyncadd.s32 $0xFFFFE000  }
0xb1: {  	_ =	swait.ge [sflag:s7], $0x2000  }
0xb2: {  	[sflag:s7] =	ssyncset.done $0x0  }
0xb3: {  	[sflag:s7] =	ssyncadd.s32 $0xFFFFE000  }
0xb4: {  	_ =	swait.ge [sflag:s7], $0x2000  }
0xb5: {  	[sflag:s7] =	ssyncset.done $0x0  }
0xb6: {  	[sflag:s7] =	ssyncadd.s32 $0xFFFFE000  }
0xb7: {  	_ =	swait.ge [sflag:s7], $0x2000  }
0xb8: {  	[sflag:s7] =	ssyncset.done $0x0  }
0xb9: {  	[sflag:s7] =	ssyncadd.s32 $0xFFFFE000  }
0xba: {  	_ =	swait.ge [sflag:s7], $0x2000  }
0xbb: {  	[sflag:s7] =	ssyncset.done $0x0  }
0xbc: {  	[sflag:s7] =	ssyncadd.s32 $0xFFFFE000  }
0xbd: {  	_ =	swait.ge [sflag:s7], $0x2000  }
0xbe: {  	[sflag:s7] =	ssyncset.done $0x0  }
0xbf: {  	[sflag:s7] =	ssyncadd.s32 $0xFFFFE000  }
0xc0: {  	_ =	swait.ge [sflag:s7], $0x2000  }
0xc1: {  	[sflag:s7] =	ssyncset.done $0x0  }
0xc2: {  	[sflag:s7] =	ssyncadd.s32 $0xFFFFE000  }
0xc3: {  	_ =	swait.ge [sflag:s7], $0x2000  }
0xc4: {  	[sflag:s7] =	ssyncset.done $0x0  }
0xc5: {  	[sflag:s7] =	ssyncadd.s32 $0xFFFFE000  }
0xc6: {  	_ =	swait.ge [sflag:s7], $0x2000  }
0xc7: {  	[sflag:s7] =	ssyncset.done $0x0  }
0xc8: {  	s0 =	rddreg [dreg:$0x8];
	[sflag:s7] =	ssyncadd.s32 $0xFFFFE000  }
0xc9: {  	[hbm4b:s0+s2] =	stream.linear.scatter [tilespmem:s5], [sflag:$0x2], $0x14000, $0x38;
	[tilespmem:$0x14500] =	vst v63  }
0xca: {  	_ =	swait.ge [sflag:s3], $0x14000  }
0xcb: {  	[sflag:s3] =	ssyncset.done $0x0  }
0xcc: {  	s0 =	rddreg [dreg:$0x9];
	[sflag:s3] =	ssyncadd.s32 $0xFFFEC000  }
0xcd: {  	[tilespmem:s2], [sflag:$0x2] =	stream.linear.gather [hbm4b:s0+s2], $0x500, $0x38;
	[tilespmem:$0x14500] =	vst v63  }
0xce: {  	_ =	swait.ge [sflag:s3], $0x500  }
0xcf: {  	[sflag:s3] =	ssyncset.done $0x0  }
0xd0: {  	[sflag:s3] =	ssyncadd.s32 $0xFFFFFB00  }
0xd1: {  	[tilespmem:s5], [sflag:$0x1] =	stream.indirect.gather [hbm4b:s31+s8], $0x40, s2, s8, $0xb8;
	[tilespmem:$0x14500] =	vst v63  }
0xd2: {  	_ = 	snop  }
0xd3: {  	[tilespmem:s10], [sflag:$0x1] =	stream.indirect.gather [hbm4b:s31+s8], $0x40, s8, s8, $0xb8;
	[tilespmem:$0x14500] =	vst v63  }
0xd4: {  	_ = 	snop  }
0xd5: {  	[tilespmem:s12], [sflag:$0x1] =	stream.indirect.gather [hbm4b:s31+s8], $0x40, s11, s8, $0xb8;
	[tilespmem:$0x14500] =	vst v63  }
0xd6: {  	_ = 	snop  }
0xd7: {  	[tilespmem:s15], [sflag:$0x1] =	stream.indirect.gather [hbm4b:s31+s8], $0x40, s13, s8, $0xb8;
	[tilespmem:$0x14500] =	vst v63  }
0xd8: {  	_ = 	snop  }
0xd9: {  	[tilespmem:s17], [sflag:$0x1] =	stream.indirect.gather [hbm4b:s31+s8], $0x40, s16, s8, $0xb8;
	[tilespmem:$0x14500] =	vst v63  }
0xda: {  	_ = 	snop  }
0xdb: {  	[tilespmem:s19], [sflag:$0x1] =	stream.indirect.gather [hbm4b:s31+s8], $0x40, s18, s8, $0xb8;
	[tilespmem:$0x14500] =	vst v63  }
0xdc: {  	_ = 	snop  }
0xdd: {  	[tilespmem:s21], [sflag:$0x1] =	stream.indirect.gather [hbm4b:s31+s8], $0x40, s20, s8, $0xb8;
	[tilespmem:$0x14500] =	vst v63  }
0xde: {  	_ = 	snop  }
0xdf: {  	[tilespmem:s23], [sflag:$0x1] =	stream.indirect.gather [hbm4b:s31+s8], $0x40, s22, s8, $0xb8;
	[tilespmem:$0x14500] =	vst v63  }
0xe0: {  	_ = 	snop  }
0xe1: {  	[tilespmem:s25], [sflag:$0x1] =	stream.indirect.gather [hbm4b:s31+s8], $0x40, s24, s8, $0xb8;
	[tilespmem:$0x14500] =	vst v63  }
0xe2: {  	_ = 	snop  }
0xe3: {  	[tilespmem:s28], [sflag:$0x1] =	stream.indirect.gather [hbm4b:s31+s8], $0x40, s26, s8, $0xb8;
	[tilespmem:$0x14500] =	vst v63  }
0xe4: {  	_ =	swait.ge [sflag:s7], $0x2000  }
0xe5: {  	[sflag:s7] =	ssyncset.done $0x0  }
0xe6: {  	[sflag:s7] =	ssyncadd.s32 $0xFFFFE000  }
0xe7: {  	_ =	swait.ge [sflag:s7], $0x2000  }
0xe8: {  	[sflag:s7] =	ssyncset.done $0x0  }
0xe9: {  	[sflag:s7] =	ssyncadd.s32 $0xFFFFE000  }
0xea: {  	_ =	swait.ge [sflag:s7], $0x2000  }
0xeb: {  	[sflag:s7] =	ssyncset.done $0x0  }
0xec: {  	[sflag:s7] =	ssyncadd.s32 $0xFFFFE000  }
0xed: {  	_ =	swait.ge [sflag:s7], $0x2000  }
0xee: {  	[sflag:s7] =	ssyncset.done $0x0  }
0xef: {  	[sflag:s7] =	ssyncadd.s32 $0xFFFFE000  }
0xf0: {  	_ =	swait.ge [sflag:s7], $0x2000  }
0xf1: {  	[sflag:s7] =	ssyncset.done $0x0  }
0xf2: {  	[sflag:s7] =	ssyncadd.s32 $0xFFFFE000  }
0xf3: {  	_ =	swait.ge [sflag:s7], $0x2000  }
0xf4: {  	[sflag:s7] =	ssyncset.done $0x0  }
0xf5: {  	[sflag:s7] =	ssyncadd.s32 $0xFFFFE000  }
0xf6: {  	_ =	swait.ge [sflag:s7], $0x2000  }
0xf7: {  	[sflag:s7] =	ssyncset.done $0x0  }
0xf8: {  	[sflag:s7] =	ssyncadd.s32 $0xFFFFE000  }
0xf9: {  	_ =	swait.ge [sflag:s7], $0x2000  }
0xfa: {  	[sflag:s7] =	ssyncset.done $0x0  }
0xfb: {  	[sflag:s7] =	ssyncadd.s32 $0xFFFFE000  }
0xfc: {  	_ =	swait.ge [sflag:s7], $0x2000  }
0xfd: {  	[sflag:s7] =	ssyncset.done $0x0  }
0xfe: {  	[sflag:s7] =	ssyncadd.s32 $0xFFFFE000  }
0xff: {  	_ =	swait.ge [sflag:s7], $0x2000  }
0x100: {  	[sflag:s7] =	ssyncset.done $0x0  }
0x101: {  	s0 =	rddreg [dreg:$0xa];
	[sflag:s7] =	ssyncadd.s32 $0xFFFFE000  }
0x102: {  	[hbm4b:s0+s2] =	stream.linear.scatter [tilespmem:s5], [sflag:$0x2], $0x14000, $0x38;
	[tilespmem:$0x14500] =	vst v63  }
0x103: {  	_ =	swait.ge [sflag:s3], $0x14000  }
0x104: {  	[sflag:s3] =	ssyncset.done $0x0  }
0x105: {  	s0 =	rddreg [dreg:$0xb];
	[sflag:s3] =	ssyncadd.s32 $0xFFFEC000  }
0x106: {  	[tilespmem:s2], [sflag:$0x2] =	stream.linear.gather [hbm4b:s0+s2], $0x500, $0x38;
	[tilespmem:$0x14500] =	vst v63  }
0x107: {  	_ =	swait.ge [sflag:s3], $0x500  }
0x108: {  	[sflag:s3] =	ssyncset.done $0x0  }
0x109: {  	[sflag:s3] =	ssyncadd.s32 $0xFFFFFB00  }
0x10a: {  	[tilespmem:s5], [sflag:$0x1] =	stream.indirect.gather [hbm4b:s31+s8], $0x40, s2, s8, $0xb8;
	[tilespmem:$0x14500] =	vst v63  }
0x10b: {  	_ = 	snop  }
0x10c: {  	[tilespmem:s10], [sflag:$0x1] =	stream.indirect.gather [hbm4b:s31+s8], $0x40, s8, s8, $0xb8;
	[tilespmem:$0x14500] =	vst v63  }
0x10d: {  	_ = 	snop  }
0x10e: {  	[tilespmem:s12], [sflag:$0x1] =	stream.indirect.gather [hbm4b:s31+s8], $0x40, s11, s8, $0xb8;
	[tilespmem:$0x14500] =	vst v63  }
0x10f: {  	_ = 	snop  }
0x110: {  	[tilespmem:s15], [sflag:$0x1] =	stream.indirect.gather [hbm4b:s31+s8], $0x40, s13, s8, $0xb8;
	[tilespmem:$0x14500] =	vst v63  }
0x111: {  	_ = 	snop  }
0x112: {  	[tilespmem:s17], [sflag:$0x1] =	stream.indirect.gather [hbm4b:s31+s8], $0x40, s16, s8, $0xb8;
	[tilespmem:$0x14500] =	vst v63  }
0x113: {  	_ = 	snop  }
0x114: {  	[tilespmem:s19], [sflag:$0x1] =	stream.indirect.gather [hbm4b:s31+s8], $0x40, s18, s8, $0xb8;
	[tilespmem:$0x14500] =	vst v63  }
0x115: {  	_ = 	snop  }
0x116: {  	[tilespmem:s21], [sflag:$0x1] =	stream.indirect.gather [hbm4b:s31+s8], $0x40, s20, s8, $0xb8;
	[tilespmem:$0x14500] =	vst v63  }
0x117: {  	_ = 	snop  }
0x118: {  	[tilespmem:s23], [sflag:$0x1] =	stream.indirect.gather [hbm4b:s31+s8], $0x40, s22, s8, $0xb8;
	[tilespmem:$0x14500] =	vst v63  }
0x119: {  	_ = 	snop  }
0x11a: {  	[tilespmem:s25], [sflag:$0x1] =	stream.indirect.gather [hbm4b:s31+s8], $0x40, s24, s8, $0xb8;
	[tilespmem:$0x14500] =	vst v63  }
0x11b: {  	_ = 	snop  }
0x11c: {  	[tilespmem:s28], [sflag:$0x1] =	stream.indirect.gather [hbm4b:s31+s8], $0x40, s26, s8, $0xb8;
	[tilespmem:$0x14500] =	vst v63  }
0x11d: {  	_ =	swait.ge [sflag:s7], $0x2000  }
0x11e: {  	[sflag:s7] =	ssyncset.done $0x0  }
0x11f: {  	[sflag:s7] =	ssyncadd.s32 $0xFFFFE000  }
0x120: {  	_ =	swait.ge [sflag:s7], $0x2000  }
0x121: {  	[sflag:s7] =	ssyncset.done $0x0  }
0x122: {  	[sflag:s7] =	ssyncadd.s32 $0xFFFFE000  }
0x123: {  	_ =	swait.ge [sflag:s7], $0x2000  }
0x124: {  	[sflag:s7] =	ssyncset.done $0x0  }
0x125: {  	[sflag:s7] =	ssyncadd.s32 $0xFFFFE000  }
0x126: {  	_ =	swait.ge [sflag:s7], $0x2000  }
0x127: {  	[sflag:s7] =	ssyncset.done $0x0  }
0x128: {  	[sflag:s7] =	ssyncadd.s32 $0xFFFFE000  }
0x129: {  	_ =	swait.ge [sflag:s7], $0x2000  }
0x12a: {  	[sflag:s7] =	ssyncset.done $0x0  }
0x12b: {  	[sflag:s7] =	ssyncadd.s32 $0xFFFFE000  }
0x12c: {  	_ =	swait.ge [sflag:s7], $0x2000  }
0x12d: {  	[sflag:s7] =	ssyncset.done $0x0  }
0x12e: {  	[sflag:s7] =	ssyncadd.s32 $0xFFFFE000  }
0x12f: {  	_ =	swait.ge [sflag:s7], $0x2000  }
0x130: {  	[sflag:s7] =	ssyncset.done $0x0  }
0x131: {  	[sflag:s7] =	ssyncadd.s32 $0xFFFFE000  }
0x132: {  	_ =	swait.ge [sflag:s7], $0x2000  }
0x133: {  	[sflag:s7] =	ssyncset.done $0x0  }
0x134: {  	[sflag:s7] =	ssyncadd.s32 $0xFFFFE000  }
0x135: {  	_ =	swait.ge [sflag:s7], $0x2000  }
0x136: {  	[sflag:s7] =	ssyncset.done $0x0  }
0x137: {  	[sflag:s7] =	ssyncadd.s32 $0xFFFFE000  }
0x138: {  	_ =	swait.ge [sflag:s7], $0x2000  }
0x139: {  	[sflag:s7] =	ssyncset.done $0x0  }
0x13a: {  	s0 =	rddreg [dreg:$0xc];
	[sflag:s7] =	ssyncadd.s32 $0xFFFFE000  }
0x13b: {  	[hbm4b:s0+s2] =	stream.linear.scatter [tilespmem:s5], [sflag:$0x2], $0x14000, $0x38;
	[tilespmem:$0x14500] =	vst v63  }
0x13c: {  	_ =	swait.ge [sflag:s3], $0x14000  }
0x13d: {  	[sflag:s3] =	ssyncset.done $0x0  }
0x13e: {  	s0 =	rddreg [dreg:$0xd];
	[sflag:s3] =	ssyncadd.s32 $0xFFFEC000  }
0x13f: {  	[tilespmem:s2], [sflag:$0x2] =	stream.linear.gather [hbm4b:s0+s2], $0x500, $0x38;
	[tilespmem:$0x14500] =	vst v63  }
0x140: {  	_ =	swait.ge [sflag:s3], $0x500  }
0x141: {  	[sflag:s3] =	ssyncset.done $0x0  }
0x142: {  	[sflag:s3] =	ssyncadd.s32 $0xFFFFFB00  }
0x143: {  	[tilespmem:s5], [sflag:$0x1] =	stream.indirect.gather [hbm4b:s6+s8], $0x40, s2, s8, $0xb8;
	[tilespmem:$0x14500] =	vst v63  }
0x144: {  	_ = 	snop  }
0x145: {  	[tilespmem:s10], [sflag:$0x1] =	stream.indirect.gather [hbm4b:s6+s8], $0x40, s8, s8, $0xb8;
	[tilespmem:$0x14500] =	vst v63  }
0x146: {  	_ = 	snop  }
0x147: {  	[tilespmem:s12], [sflag:$0x1] =	stream.indirect.gather [hbm4b:s6+s8], $0x40, s11, s8, $0xb8;
	[tilespmem:$0x14500] =	vst v63  }
0x148: {  	_ = 	snop  }
0x149: {  	[tilespmem:s15], [sflag:$0x1] =	stream.indirect.gather [hbm4b:s6+s8], $0x40, s13, s8, $0xb8;
	[tilespmem:$0x14500] =	vst v63  }
0x14a: {  	_ = 	snop  }
0x14b: {  	[tilespmem:s17], [sflag:$0x1] =	stream.indirect.gather [hbm4b:s6+s8], $0x40, s16, s8, $0xb8;
	[tilespmem:$0x14500] =	vst v63  }
0x14c: {  	_ = 	snop  }
0x14d: {  	[tilespmem:s19], [sflag:$0x1] =	stream.indirect.gather [hbm4b:s6+s8], $0x40, s18, s8, $0xb8;
	[tilespmem:$0x14500] =	vst v63  }
0x14e: {  	_ = 	snop  }
0x14f: {  	[tilespmem:s21], [sflag:$0x1] =	stream.indirect.gather [hbm4b:s6+s8], $0x40, s20, s8, $0xb8;
	[tilespmem:$0x14500] =	vst v63  }
0x150: {  	_ = 	snop  }
0x151: {  	[tilespmem:s23], [sflag:$0x1] =	stream.indirect.gather [hbm4b:s6+s8], $0x40, s22, s8, $0xb8;
	[tilespmem:$0x14500] =	vst v63  }
0x152: {  	_ = 	snop  }
0x153: {  	[tilespmem:s25], [sflag:$0x1] =	stream.indirect.gather [hbm4b:s6+s8], $0x40, s24, s8, $0xb8;
	[tilespmem:$0x14500] =	vst v63  }
0x154: {  	_ = 	snop  }
0x155: {  	[tilespmem:s28], [sflag:$0x1] =	stream.indirect.gather [hbm4b:s6+s8], $0x40, s26, s8, $0xb8;
	[tilespmem:$0x14500] =	vst v63  }
0x156: {  	_ =	swait.ge [sflag:s7], $0x2000  }
0x157: {  	[sflag:s7] =	ssyncset.done $0x0  }
0x158: {  	[sflag:s7] =	ssyncadd.s32 $0xFFFFE000  }
0x159: {  	_ =	swait.ge [sflag:s7], $0x2000  }
0x15a: {  	[sflag:s7] =	ssyncset.done $0x0  }
0x15b: {  	[sflag:s7] =	ssyncadd.s32 $0xFFFFE000  }
0x15c: {  	_ =	swait.ge [sflag:s7], $0x2000  }
0x15d: {  	[sflag:s7] =	ssyncset.done $0x0  }
0x15e: {  	[sflag:s7] =	ssyncadd.s32 $0xFFFFE000  }
0x15f: {  	_ =	swait.ge [sflag:s7], $0x2000  }
0x160: {  	[sflag:s7] =	ssyncset.done $0x0  }
0x161: {  	[sflag:s7] =	ssyncadd.s32 $0xFFFFE000  }
0x162: {  	_ =	swait.ge [sflag:s7], $0x2000  }
0x163: {  	[sflag:s7] =	ssyncset.done $0x0  }
0x164: {  	[sflag:s7] =	ssyncadd.s32 $0xFFFFE000  }
0x165: {  	_ =	swait.ge [sflag:s7], $0x2000  }
0x166: {  	[sflag:s7] =	ssyncset.done $0x0  }
0x167: {  	[sflag:s7] =	ssyncadd.s32 $0xFFFFE000  }
0x168: {  	_ =	swait.ge [sflag:s7], $0x2000  }
0x169: {  	[sflag:s7] =	ssyncset.done $0x0  }
0x16a: {  	[sflag:s7] =	ssyncadd.s32 $0xFFFFE000  }
0x16b: {  	_ =	swait.ge [sflag:s7], $0x2000  }
0x16c: {  	[sflag:s7] =	ssyncset.done $0x0  }
0x16d: {  	[sflag:s7] =	ssyncadd.s32 $0xFFFFE000  }
0x16e: {  	_ =	swait.ge [sflag:s7], $0x2000  }
0x16f: {  	[sflag:s7] =	ssyncset.done $0x0  }
0x170: {  	[sflag:s7] =	ssyncadd.s32 $0xFFFFE000  }
0x171: {  	_ =	swait.ge [sflag:s7], $0x2000  }
0x172: {  	[sflag:s7] =	ssyncset.done $0x0  }
0x173: {  	s0 =	rddreg [dreg:$0xe];
	[sflag:s7] =	ssyncadd.s32 $0xFFFFE000  }
0x174: {  	[hbm4b:s0+s2] =	stream.linear.scatter [tilespmem:s5], [sflag:$0x2], $0x14000, $0x38;
	[tilespmem:$0x14500] =	vst v63  }
0x175: {  	_ =	swait.ge [sflag:s3], $0x14000  }
0x176: {  	[sflag:s3] =	ssyncset.done $0x0  }
0x177: {  	s0 =	rddreg [dreg:$0xf];
	[sflag:s3] =	ssyncadd.s32 $0xFFFEC000  }
0x178: {  	[tilespmem:s2], [sflag:$0x2] =	stream.linear.gather [hbm4b:s0+s2], $0x500, $0x38;
	[tilespmem:$0x14500] =	vst v63  }
0x179: {  	_ =	swait.ge [sflag:s3], $0x500  }
0x17a: {  	[sflag:s3] =	ssyncset.done $0x0  }
0x17b: {  	[sflag:s3] =	ssyncadd.s32 $0xFFFFFB00  }
0x17c: {  	[tilespmem:s5], [sflag:$0x1] =	stream.indirect.gather [hbm4b:s6+s8], $0x40, s2, s8, $0xb8;
	[tilespmem:$0x14500] =	vst v63  }
0x17d: {  	_ = 	snop  }
0x17e: {  	[tilespmem:s10], [sflag:$0x1] =	stream.indirect.gather [hbm4b:s6+s8], $0x40, s8, s8, $0xb8;
	[tilespmem:$0x14500] =	vst v63  }
0x17f: {  	_ = 	snop  }
0x180: {  	[tilespmem:s12], [sflag:$0x1] =	stream.indirect.gather [hbm4b:s6+s8], $0x40, s11, s8, $0xb8;
	[tilespmem:$0x14500] =	vst v63  }
0x181: {  	_ = 	snop  }
0x182: {  	[tilespmem:s15], [sflag:$0x1] =	stream.indirect.gather [hbm4b:s6+s8], $0x40, s13, s8, $0xb8;
	[tilespmem:$0x14500] =	vst v63  }
0x183: {  	_ = 	snop  }
0x184: {  	[tilespmem:s17], [sflag:$0x1] =	stream.indirect.gather [hbm4b:s6+s8], $0x40, s16, s8, $0xb8;
	[tilespmem:$0x14500] =	vst v63  }
0x185: {  	_ = 	snop  }
0x186: {  	[tilespmem:s19], [sflag:$0x1] =	stream.indirect.gather [hbm4b:s6+s8], $0x40, s18, s8, $0xb8;
	[tilespmem:$0x14500] =	vst v63  }
0x187: {  	_ = 	snop  }
0x188: {  	[tilespmem:s21], [sflag:$0x1] =	stream.indirect.gather [hbm4b:s6+s8], $0x40, s20, s8, $0xb8;
	[tilespmem:$0x14500] =	vst v63  }
0x189: {  	_ = 	snop  }
0x18a: {  	[tilespmem:s23], [sflag:$0x1] =	stream.indirect.gather [hbm4b:s6+s8], $0x40, s22, s8, $0xb8;
	[tilespmem:$0x14500] =	vst v63  }
0x18b: {  	_ = 	snop  }
0x18c: {  	[tilespmem:s25], [sflag:$0x1] =	stream.indirect.gather [hbm4b:s6+s8], $0x40, s24, s8, $0xb8;
	[tilespmem:$0x14500] =	vst v63  }
0x18d: {  	_ = 	snop  }
0x18e: {  	[tilespmem:s28], [sflag:$0x1] =	stream.indirect.gather [hbm4b:s6+s8], $0x40, s26, s8, $0xb8;
	[tilespmem:$0x14500] =	vst v63  }
0x18f: {  	_ =	swait.ge [sflag:s7], $0x2000  }
0x190: {  	[sflag:s7] =	ssyncset.done $0x0  }
0x191: {  	[sflag:s7] =	ssyncadd.s32 $0xFFFFE000  }
0x192: {  	_ =	swait.ge [sflag:s7], $0x2000  }
0x193: {  	[sflag:s7] =	ssyncset.done $0x0  }
0x194: {  	[sflag:s7] =	ssyncadd.s32 $0xFFFFE000  }
0x195: {  	_ =	swait.ge [sflag:s7], $0x2000  }
0x196: {  	[sflag:s7] =	ssyncset.done $0x0  }
0x197: {  	[sflag:s7] =	ssyncadd.s32 $0xFFFFE000  }
0x198: {  	_ =	swait.ge [sflag:s7], $0x2000  }
0x199: {  	[sflag:s7] =	ssyncset.done $0x0  }
0x19a: {  	[sflag:s7] =	ssyncadd.s32 $0xFFFFE000  }
0x19b: {  	_ =	swait.ge [sflag:s7], $0x2000  }
0x19c: {  	[sflag:s7] =	ssyncset.done $0x0  }
0x19d: {  	[sflag:s7] =	ssyncadd.s32 $0xFFFFE000  }
0x19e: {  	_ =	swait.ge [sflag:s7], $0x2000  }
0x19f: {  	[sflag:s7] =	ssyncset.done $0x0  }
0x1a0: {  	[sflag:s7] =	ssyncadd.s32 $0xFFFFE000  }
0x1a1: {  	_ =	swait.ge [sflag:s7], $0x2000  }
0x1a2: {  	[sflag:s7] =	ssyncset.done $0x0  }
0x1a3: {  	[sflag:s7] =	ssyncadd.s32 $0xFFFFE000  }
0x1a4: {  	_ =	swait.ge [sflag:s7], $0x2000  }
0x1a5: {  	[sflag:s7] =	ssyncset.done $0x0  }
0x1a6: {  	[sflag:s7] =	ssyncadd.s32 $0xFFFFE000  }
0x1a7: {  	_ =	swait.ge [sflag:s7], $0x2000  }
0x1a8: {  	[sflag:s7] =	ssyncset.done $0x0  }
0x1a9: {  	[sflag:s7] =	ssyncadd.s32 $0xFFFFE000  }
0x1aa: {  	_ =	swait.ge [sflag:s7], $0x2000  }
0x1ab: {  	[sflag:s7] =	ssyncset.done $0x0  }
0x1ac: {  	s0 =	rddreg [dreg:$0x10];
	[sflag:s7] =	ssyncadd.s32 $0xFFFFE000  }
0x1ad: {  	[hbm4b:s0+s2] =	stream.linear.scatter [tilespmem:s5], [sflag:$0x2], $0x14000, $0x38;
	[tilespmem:$0x14500] =	vst v63  }
0x1ae: {  	_ =	swait.ge [sflag:s3], $0x14000  }
0x1af: {  	[sflag:s3] =	ssyncset.done $0x0  }
0x1b0: {  	s0 =	rddreg [dreg:$0x11];
	[sflag:s3] =	ssyncadd.s32 $0xFFFEC000  }
0x1b1: {  	[tilespmem:s2], [sflag:$0x2] =	stream.linear.gather [hbm4b:s0+s2], $0x500, $0x38;
	[tilespmem:$0x14500] =	vst v63  }
0x1b2: {  	_ =	swait.ge [sflag:s3], $0x500  }
0x1b3: {  	[sflag:s3] =	ssyncset.done $0x0  }
0x1b4: {  	[sflag:s3] =	ssyncadd.s32 $0xFFFFFB00  }
0x1b5: {  	[tilespmem:s5], [sflag:$0x1] =	stream.indirect.gather [hbm4b:s6+s8], $0x40, s2, s8, $0xb8;
	[tilespmem:$0x14500] =	vst v63  }
0x1b6: {  	_ = 	snop  }
0x1b7: {  	[tilespmem:s10], [sflag:$0x1] =	stream.indirect.gather [hbm4b:s6+s8], $0x40, s8, s8, $0xb8;
	[tilespmem:$0x14500] =	vst v63  }
0x1b8: {  	_ = 	snop  }
0x1b9: {  	[tilespmem:s12], [sflag:$0x1] =	stream.indirect.gather [hbm4b:s6+s8], $0x40, s11, s8, $0xb8;
	[tilespmem:$0x14500] =	vst v63  }
0x1ba: {  	_ = 	snop  }
0x1bb: {  	[tilespmem:s15], [sflag:$0x1] =	stream.indirect.gather [hbm4b:s6+s8], $0x40, s13, s8, $0xb8;
	[tilespmem:$0x14500] =	vst v63  }
0x1bc: {  	_ = 	snop  }
0x1bd: {  	[tilespmem:s17], [sflag:$0x1] =	stream.indirect.gather [hbm4b:s6+s8], $0x40, s16, s8, $0xb8;
	[tilespmem:$0x14500] =	vst v63  }
0x1be: {  	_ = 	snop  }
0x1bf: {  	[tilespmem:s19], [sflag:$0x1] =	stream.indirect.gather [hbm4b:s6+s8], $0x40, s18, s8, $0xb8;
	[tilespmem:$0x14500] =	vst v63  }
0x1c0: {  	_ = 	snop  }
0x1c1: {  	[tilespmem:s21], [sflag:$0x1] =	stream.indirect.gather [hbm4b:s6+s8], $0x40, s20, s8, $0xb8;
	[tilespmem:$0x14500] =	vst v63  }
0x1c2: {  	_ = 	snop  }
0x1c3: {  	[tilespmem:s23], [sflag:$0x1] =	stream.indirect.gather [hbm4b:s6+s8], $0x40, s22, s8, $0xb8;
	[tilespmem:$0x14500] =	vst v63  }
0x1c4: {  	_ = 	snop  }
0x1c5: {  	[tilespmem:s25], [sflag:$0x1] =	stream.indirect.gather [hbm4b:s6+s8], $0x40, s24, s8, $0xb8;
	[tilespmem:$0x14500] =	vst v63  }
0x1c6: {  	_ = 	snop  }
0x1c7: {  	[tilespmem:s28], [sflag:$0x1] =	stream.indirect.gather [hbm4b:s6+s8], $0x40, s26, s8, $0xb8;
	[tilespmem:$0x14500] =	vst v63  }
0x1c8: {  	_ =	swait.ge [sflag:s7], $0x2000  }
0x1c9: {  	[sflag:s7] =	ssyncset.done $0x0  }
0x1ca: {  	[sflag:s7] =	ssyncadd.s32 $0xFFFFE000  }
0x1cb: {  	_ =	swait.ge [sflag:s7], $0x2000  }
0x1cc: {  	[sflag:s7] =	ssyncset.done $0x0  }
0x1cd: {  	[sflag:s7] =	ssyncadd.s32 $0xFFFFE000  }
0x1ce: {  	_ =	swait.ge [sflag:s7], $0x2000  }
0x1cf: {  	[sflag:s7] =	ssyncset.done $0x0  }
0x1d0: {  	[sflag:s7] =	ssyncadd.s32 $0xFFFFE000  }
0x1d1: {  	_ =	swait.ge [sflag:s7], $0x2000  }
0x1d2: {  	[sflag:s7] =	ssyncset.done $0x0  }
0x1d3: {  	[sflag:s7] =	ssyncadd.s32 $0xFFFFE000  }
0x1d4: {  	_ =	swait.ge [sflag:s7], $0x2000  }
0x1d5: {  	[sflag:s7] =	ssyncset.done $0x0  }
0x1d6: {  	[sflag:s7] =	ssyncadd.s32 $0xFFFFE000  }
0x1d7: {  	_ =	swait.ge [sflag:s7], $0x2000  }
0x1d8: {  	[sflag:s7] =	ssyncset.done $0x0  }
0x1d9: {  	[sflag:s7] =	ssyncadd.s32 $0xFFFFE000  }
0x1da: {  	_ =	swait.ge [sflag:s7], $0x2000  }
0x1db: {  	[sflag:s7] =	ssyncset.done $0x0  }
0x1dc: {  	[sflag:s7] =	ssyncadd.s32 $0xFFFFE000  }
0x1dd: {  	_ =	swait.ge [sflag:s7], $0x2000  }
0x1de: {  	[sflag:s7] =	ssyncset.done $0x0  }
0x1df: {  	[sflag:s7] =	ssyncadd.s32 $0xFFFFE000  }
0x1e0: {  	_ =	swait.ge [sflag:s7], $0x2000  }
0x1e1: {  	[sflag:s7] =	ssyncset.done $0x0  }
0x1e2: {  	[sflag:s7] =	ssyncadd.s32 $0xFFFFE000  }
0x1e3: {  	_ =	swait.ge [sflag:s7], $0x2000  }
0x1e4: {  	[sflag:s7] =	ssyncset.done $0x0  }
0x1e5: {  	[sflag:s7] =	ssyncadd.s32 $0xFFFFE000  }
0x1e6: {  	[hbm4b:s30+s2] =	stream.linear.scatter [tilespmem:s5], [sflag:$0x2], $0x14000, $0x38;
	[tilespmem:$0x14500] =	vst v63  }
0x1e7: {  	_ =	swait.ge [sflag:s3], $0x14000  }
0x1e8: {  	[sflag:s3] =	ssyncset.done $0x0  }
0x1e9: {  	[sflag:s3] =	ssyncadd.s32 $0xFFFEC000  }
0x1ea: {  	[tilespmem:s2], [sflag:$0x2] =	stream.linear.gather [hbm4b:s29+s2], $0x500, $0x38;
	[tilespmem:$0x14500] =	vst v63  }
0x1eb: {  	_ =	swait.ge [sflag:s3], $0x500  }
0x1ec: {  	[sflag:s3] =	ssyncset.done $0x0  }
0x1ed: {  	[sflag:s3] =	ssyncadd.s32 $0xFFFFFB00  }
0x1ee: {  	[tilespmem:s5], [sflag:$0x1] =	stream.indirect.gather [hbm4b:s6+s8], $0x40, s2, s8, $0xb8;
	[tilespmem:$0x14500] =	vst v63  }
0x1ef: {  	_ = 	snop  }
0x1f0: {  	[tilespmem:s10], [sflag:$0x1] =	stream.indirect.gather [hbm4b:s6+s8], $0x40, s8, s8, $0xb8;
	[tilespmem:$0x14500] =	vst v63  }
0x1f1: {  	_ = 	snop  }
0x1f2: {  	[tilespmem:s12], [sflag:$0x1] =	stream.indirect.gather [hbm4b:s6+s8], $0x40, s11, s8, $0xb8;
	[tilespmem:$0x14500] =	vst v63  }
0x1f3: {  	_ = 	snop  }
0x1f4: {  	[tilespmem:s15], [sflag:$0x1] =	stream.indirect.gather [hbm4b:s6+s8], $0x40, s13, s8, $0xb8;
	[tilespmem:$0x14500] =	vst v63  }
0x1f5: {  	_ = 	snop  }
0x1f6: {  	[tilespmem:s17], [sflag:$0x1] =	stream.indirect.gather [hbm4b:s6+s8], $0x40, s16, s8, $0xb8;
	[tilespmem:$0x14500] =	vst v63  }
0x1f7: {  	_ = 	snop  }
0x1f8: {  	[tilespmem:s19], [sflag:$0x1] =	stream.indirect.gather [hbm4b:s6+s8], $0x40, s18, s8, $0xb8;
	[tilespmem:$0x14500] =	vst v63  }
0x1f9: {  	_ = 	snop  }
0x1fa: {  	[tilespmem:s21], [sflag:$0x1] =	stream.indirect.gather [hbm4b:s6+s8], $0x40, s20, s8, $0xb8;
	[tilespmem:$0x14500] =	vst v63  }
0x1fb: {  	_ = 	snop  }
0x1fc: {  	[tilespmem:s23], [sflag:$0x1] =	stream.indirect.gather [hbm4b:s6+s8], $0x40, s22, s8, $0xb8;
	[tilespmem:$0x14500] =	vst v63  }
0x1fd: {  	_ = 	snop  }
0x1fe: {  	[tilespmem:s25], [sflag:$0x1] =	stream.indirect.gather [hbm4b:s6+s8], $0x40, s24, s8, $0xb8;
	[tilespmem:$0x14500] =	vst v63  }
0x1ff: {  	_ = 	snop  }
0x200: {  	[tilespmem:s28], [sflag:$0x1] =	stream.indirect.gather [hbm4b:s6+s8], $0x40, s26, s8, $0xb8;
	[tilespmem:$0x14500] =	vst v63  }
0x201: {  	_ =	swait.ge [sflag:s7], $0x2000  }
0x202: {  	[sflag:s7] =	ssyncset.done $0x0  }
0x203: {  	[sflag:s7] =	ssyncadd.s32 $0xFFFFE000  }
0x204: {  	_ =	swait.ge [sflag:s7], $0x2000  }
0x205: {  	[sflag:s7] =	ssyncset.done $0x0  }
0x206: {  	[sflag:s7] =	ssyncadd.s32 $0xFFFFE000  }
0x207: {  	_ =	swait.ge [sflag:s7], $0x2000  }
0x208: {  	[sflag:s7] =	ssyncset.done $0x0  }
0x209: {  	[sflag:s7] =	ssyncadd.s32 $0xFFFFE000  }
0x20a: {  	_ =	swait.ge [sflag:s7], $0x2000  }
0x20b: {  	[sflag:s7] =	ssyncset.done $0x0  }
0x20c: {  	[sflag:s7] =	ssyncadd.s32 $0xFFFFE000  }
0x20d: {  	_ =	swait.ge [sflag:s7], $0x2000  }
0x20e: {  	[sflag:s7] =	ssyncset.done $0x0  }
0x20f: {  	[sflag:s7] =	ssyncadd.s32 $0xFFFFE000  }
0x210: {  	_ =	swait.ge [sflag:s7], $0x2000  }
0x211: {  	[sflag:s7] =	ssyncset.done $0x0  }
0x212: {  	[sflag:s7] =	ssyncadd.s32 $0xFFFFE000  }
0x213: {  	_ =	swait.ge [sflag:s7], $0x2000  }
0x214: {  	[sflag:s7] =	ssyncset.done $0x0  }
0x215: {  	[sflag:s7] =	ssyncadd.s32 $0xFFFFE000  }
0x216: {  	_ =	swait.ge [sflag:s7], $0x2000  }
0x217: {  	[sflag:s7] =	ssyncset.done $0x0  }
0x218: {  	[sflag:s7] =	ssyncadd.s32 $0xFFFFE000  }
0x219: {  	_ =	swait.ge [sflag:s7], $0x2000  }
0x21a: {  	[sflag:s7] =	ssyncset.done $0x0  }
0x21b: {  	[sflag:s7] =	ssyncadd.s32 $0xFFFFE000  }
0x21c: {  	_ =	swait.ge [sflag:s7], $0x2000  }
0x21d: {  	[sflag:s7] =	ssyncset.done $0x0  }
0x21e: {  	[sflag:s7] =	ssyncadd.s32 $0xFFFFE000  }
0x21f: {  	[hbm4b:s14+s2] =	stream.linear.scatter [tilespmem:s5], [sflag:$0x2], $0x14000, $0x38;
	[tilespmem:$0x14500] =	vst v63  }
0x220: {  	_ =	swait.ge [sflag:s3], $0x14000  }
0x221: {  	[sflag:s3] =	ssyncset.done $0x0  }
0x222: {  	[sflag:s3] =	ssyncadd.s32 $0xFFFEC000  }
0x223: {  	[tilespmem:s2], [sflag:$0x2] =	stream.linear.gather [hbm4b:s9+s2], $0x500, $0x38;
	[tilespmem:$0x14500] =	vst v63  }
0x224: {  	_ =	swait.ge [sflag:s3], $0x500  }
0x225: {  	[sflag:s3] =	ssyncset.done $0x0  }
0x226: {  	[sflag:s3] =	ssyncadd.s32 $0xFFFFFB00  }
0x227: {  	[tilespmem:s5], [sflag:$0x1] =	stream.indirect.gather [hbm4b:s6+s8], $0x40, s2, s8, $0xb8;
	[tilespmem:$0x14500] =	vst v63  }
0x228: {  	_ = 	snop  }
0x229: {  	[tilespmem:s10], [sflag:$0x1] =	stream.indirect.gather [hbm4b:s6+s8], $0x40, s8, s8, $0xb8;
	[tilespmem:$0x14500] =	vst v63  }
0x22a: {  	_ = 	snop  }
0x22b: {  	[tilespmem:s12], [sflag:$0x1] =	stream.indirect.gather [hbm4b:s6+s8], $0x40, s11, s8, $0xb8;
	[tilespmem:$0x14500] =	vst v63  }
0x22c: {  	_ = 	snop  }
0x22d: {  	[tilespmem:s15], [sflag:$0x1] =	stream.indirect.gather [hbm4b:s6+s8], $0x40, s13, s8, $0xb8;
	[tilespmem:$0x14500] =	vst v63  }
0x22e: {  	_ = 	snop  }
0x22f: {  	[tilespmem:s17], [sflag:$0x1] =	stream.indirect.gather [hbm4b:s6+s8], $0x40, s16, s8, $0xb8;
	[tilespmem:$0x14500] =	vst v63  }
0x230: {  	_ = 	snop  }
0x231: {  	[tilespmem:s19], [sflag:$0x1] =	stream.indirect.gather [hbm4b:s6+s8], $0x40, s18, s8, $0xb8;
	[tilespmem:$0x14500] =	vst v63  }
0x232: {  	_ = 	snop  }
0x233: {  	[tilespmem:s21], [sflag:$0x1] =	stream.indirect.gather [hbm4b:s6+s8], $0x40, s20, s8, $0xb8;
	[tilespmem:$0x14500] =	vst v63  }
0x234: {  	_ = 	snop  }
0x235: {  	[tilespmem:s23], [sflag:$0x1] =	stream.indirect.gather [hbm4b:s6+s8], $0x40, s22, s8, $0xb8;
	[tilespmem:$0x14500] =	vst v63  }
0x236: {  	_ = 	snop  }
0x237: {  	[tilespmem:s25], [sflag:$0x1] =	stream.indirect.gather [hbm4b:s6+s8], $0x40, s24, s8, $0xb8;
	[tilespmem:$0x14500] =	vst v63  }
0x238: {  	_ = 	snop  }
0x239: {  	[tilespmem:s28], [sflag:$0x1] =	stream.indirect.gather [hbm4b:s6+s8], $0x40, s26, s8, $0xb8;
	[tilespmem:$0x14500] =	vst v63  }
0x23a: {  	_ =	swait.ge [sflag:s7], $0x2000  }
0x23b: {  	[sflag:s7] =	ssyncset.done $0x0  }
0x23c: {  	[sflag:s7] =	ssyncadd.s32 $0xFFFFE000  }
0x23d: {  	_ =	swait.ge [sflag:s7], $0x2000  }
0x23e: {  	[sflag:s7] =	ssyncset.done $0x0  }
0x23f: {  	[sflag:s7] =	ssyncadd.s32 $0xFFFFE000  }
0x240: {  	_ =	swait.ge [sflag:s7], $0x2000  }
0x241: {  	[sflag:s7] =	ssyncset.done $0x0  }
0x242: {  	[sflag:s7] =	ssyncadd.s32 $0xFFFFE000  }
0x243: {  	_ =	swait.ge [sflag:s7], $0x2000  }
0x244: {  	[sflag:s7] =	ssyncset.done $0x0  }
0x245: {  	[sflag:s7] =	ssyncadd.s32 $0xFFFFE000  }
0x246: {  	_ =	swait.ge [sflag:s7], $0x2000  }
0x247: {  	[sflag:s7] =	ssyncset.done $0x0  }
0x248: {  	[sflag:s7] =	ssyncadd.s32 $0xFFFFE000  }
0x249: {  	_ =	swait.ge [sflag:s7], $0x2000  }
0x24a: {  	[sflag:s7] =	ssyncset.done $0x0  }
0x24b: {  	[sflag:s7] =	ssyncadd.s32 $0xFFFFE000  }
0x24c: {  	_ =	swait.ge [sflag:s7], $0x2000  }
0x24d: {  	[sflag:s7] =	ssyncset.done $0x0  }
0x24e: {  	[sflag:s7] =	ssyncadd.s32 $0xFFFFE000  }
0x24f: {  	_ =	swait.ge [sflag:s7], $0x2000  }
0x250: {  	[sflag:s7] =	ssyncset.done $0x0  }
0x251: {  	[sflag:s7] =	ssyncadd.s32 $0xFFFFE000  }
0x252: {  	_ =	swait.ge [sflag:s7], $0x2000  }
0x253: {  	[sflag:s7] =	ssyncset.done $0x0  }
0x254: {  	[sflag:s7] =	ssyncadd.s32 $0xFFFFE000  }
0x255: {  	p1 =	sne.s32 s1, $0x1;
	_ =	swait.ge [sflag:s7], $0x2000  }
.Ltmp1:
0x256: {  	[sflag:s7] =	ssyncset.done $0x0;
	(pc) =	sbr.rel @!p1 .LBB2_3-.Ltmp1, $4  }
0x257: {  	[sflag:s7] =	ssyncadd.s32 $0xFFFFE000  }
0x258: {  	[hbm4b:s4+s2] =	stream.linear.scatter [tilespmem:s5], [sflag:$0x2], $0x14000, $0x38;
	[tilespmem:$0x14500] =	vst v63  }
0x259: {  	s1 =	sadd.s32 $0xFFFFFFFF, s1;
	_ =	swait.ge [sflag:s3], $0x14000  }
0x25a: {  	p0 =	por $0x1, $0x1;
	s0 =	rddreg [dreg:$0x3];
	[sflag:s3] =	ssyncset.done $0x0  }
.LBB2_2:
0x25b: {  	[sflag:s3] =	ssyncadd.s32 $0xFFFEC000  }
0x25c: {  	[tilespmem:s2], [sflag:$0x2] =	stream.linear.gather [hbm4b:s0+s2], $0x500, $0x38;
	[tilespmem:$0x14500] =	vst v63  }
0x25d: {  	_ =	swait.ge [sflag:s3], $0x500  }
0x25e: {  	[sflag:s3] =	ssyncset.done $0x0  }
0x25f: {  	[sflag:s3] =	ssyncadd.s32 $0xFFFFFB00  }
0x260: {  	[tilespmem:s5], [sflag:$0x1] =	stream.indirect.gather [hbm4b:s31+s8], $0x40, s2, s8, $0xb8;
	[tilespmem:$0x14500] =	vst v63  }
0x261: {  	_ = 	snop  }
0x262: {  	[tilespmem:s10], [sflag:$0x1] =	stream.indirect.gather [hbm4b:s31+s8], $0x40, s8, s8, $0xb8;
	[tilespmem:$0x14500] =	vst v63  }
0x263: {  	_ = 	snop  }
0x264: {  	[tilespmem:s12], [sflag:$0x1] =	stream.indirect.gather [hbm4b:s31+s8], $0x40, s11, s8, $0xb8;
	[tilespmem:$0x14500] =	vst v63  }
0x265: {  	_ = 	snop  }
0x266: {  	[tilespmem:s15], [sflag:$0x1] =	stream.indirect.gather [hbm4b:s31+s8], $0x40, s13, s8, $0xb8;
	[tilespmem:$0x14500] =	vst v63  }
0x267: {  	_ = 	snop  }
0x268: {  	[tilespmem:s17], [sflag:$0x1] =	stream.indirect.gather [hbm4b:s31+s8], $0x40, s16, s8, $0xb8;
	[tilespmem:$0x14500] =	vst v63  }
0x269: {  	_ = 	snop  }
0x26a: {  	[tilespmem:s19], [sflag:$0x1] =	stream.indirect.gather [hbm4b:s31+s8], $0x40, s18, s8, $0xb8;
	[tilespmem:$0x14500] =	vst v63  }
0x26b: {  	_ = 	snop  }
0x26c: {  	[tilespmem:s21], [sflag:$0x1] =	stream.indirect.gather [hbm4b:s31+s8], $0x40, s20, s8, $0xb8;
	[tilespmem:$0x14500] =	vst v63  }
0x26d: {  	_ = 	snop  }
0x26e: {  	[tilespmem:s23], [sflag:$0x1] =	stream.indirect.gather [hbm4b:s31+s8], $0x40, s22, s8, $0xb8;
	[tilespmem:$0x14500] =	vst v63  }
0x26f: {  	_ = 	snop  }
0x270: {  	[tilespmem:s25], [sflag:$0x1] =	stream.indirect.gather [hbm4b:s31+s8], $0x40, s24, s8, $0xb8;
	[tilespmem:$0x14500] =	vst v63  }
0x271: {  	_ = 	snop  }
0x272: {  	[tilespmem:s28], [sflag:$0x1] =	stream.indirect.gather [hbm4b:s31+s8], $0x40, s26, s8, $0xb8;
	[tilespmem:$0x14500] =	vst v63  }
0x273: {  	_ =	swait.ge [sflag:s7], $0x2000  }
0x274: {  	[sflag:s7] =	ssyncset.done $0x0  }
0x275: {  	[sflag:s7] =	ssyncadd.s32 $0xFFFFE000  }
0x276: {  	_ =	swait.ge [sflag:s7], $0x2000  }
0x277: {  	[sflag:s7] =	ssyncset.done $0x0  }
0x278: {  	[sflag:s7] =	ssyncadd.s32 $0xFFFFE000  }
0x279: {  	_ =	swait.ge [sflag:s7], $0x2000  }
0x27a: {  	[sflag:s7] =	ssyncset.done $0x0  }
0x27b: {  	[sflag:s7] =	ssyncadd.s32 $0xFFFFE000  }
0x27c: {  	_ =	swait.ge [sflag:s7], $0x2000  }
0x27d: {  	[sflag:s7] =	ssyncset.done $0x0  }
0x27e: {  	[sflag:s7] =	ssyncadd.s32 $0xFFFFE000  }
0x27f: {  	_ =	swait.ge [sflag:s7], $0x2000  }
0x280: {  	[sflag:s7] =	ssyncset.done $0x0  }
0x281: {  	[sflag:s7] =	ssyncadd.s32 $0xFFFFE000  }
0x282: {  	_ =	swait.ge [sflag:s7], $0x2000  }
0x283: {  	[sflag:s7] =	ssyncset.done $0x0  }
0x284: {  	[sflag:s7] =	ssyncadd.s32 $0xFFFFE000  }
0x285: {  	_ =	swait.ge [sflag:s7], $0x2000  }
0x286: {  	[sflag:s7] =	ssyncset.done $0x0  }
0x287: {  	[sflag:s7] =	ssyncadd.s32 $0xFFFFE000  }
0x288: {  	_ =	swait.ge [sflag:s7], $0x2000  }
0x289: {  	[sflag:s7] =	ssyncset.done $0x0  }
0x28a: {  	[sflag:s7] =	ssyncadd.s32 $0xFFFFE000  }
0x28b: {  	_ =	swait.ge [sflag:s7], $0x2000  }
0x28c: {  	[sflag:s7] =	ssyncset.done $0x0  }
0x28d: {  	[sflag:s7] =	ssyncadd.s32 $0xFFFFE000  }
0x28e: {  	_ =	swait.ge [sflag:s7], $0x2000  }
0x28f: {  	[sflag:s7] =	ssyncset.done $0x0  }
0x290: {  	s0 =	rddreg [dreg:$0x4];
	[sflag:s7] =	ssyncadd.s32 $0xFFFFE000  }
0x291: {  	[hbm4b:s0+s2] =	stream.linear.scatter [tilespmem:s5], [sflag:$0x2], $0x14000, $0x38;
	[tilespmem:$0x14500] =	vst v63  }
0x292: {  	_ =	swait.ge [sflag:s3], $0x14000  }
0x293: {  	[sflag:s3] =	ssyncset.done $0x0  }
0x294: {  	s0 =	rddreg [dreg:$0x5];
	[sflag:s3] =	ssyncadd.s32 $0xFFFEC000  }
0x295: {  	[tilespmem:s2], [sflag:$0x2] =	stream.linear.gather [hbm4b:s0+s2], $0x500, $0x38;
	[tilespmem:$0x14500] =	vst v63  }
0x296: {  	_ =	swait.ge [sflag:s3], $0x500  }
0x297: {  	[sflag:s3] =	ssyncset.done $0x0  }
0x298: {  	[sflag:s3] =	ssyncadd.s32 $0xFFFFFB00  }
0x299: {  	[tilespmem:s5], [sflag:$0x1] =	stream.indirect.gather [hbm4b:s31+s8], $0x40, s2, s8, $0xb8;
	[tilespmem:$0x14500] =	vst v63  }
0x29a: {  	_ = 	snop  }
0x29b: {  	[tilespmem:s10], [sflag:$0x1] =	stream.indirect.gather [hbm4b:s31+s8], $0x40, s8, s8, $0xb8;
	[tilespmem:$0x14500] =	vst v63  }
0x29c: {  	_ = 	snop  }
0x29d: {  	[tilespmem:s12], [sflag:$0x1] =	stream.indirect.gather [hbm4b:s31+s8], $0x40, s11, s8, $0xb8;
	[tilespmem:$0x14500] =	vst v63  }
0x29e: {  	_ = 	snop  }
0x29f: {  	[tilespmem:s15], [sflag:$0x1] =	stream.indirect.gather [hbm4b:s31+s8], $0x40, s13, s8, $0xb8;
	[tilespmem:$0x14500] =	vst v63  }
0x2a0: {  	_ = 	snop  }
0x2a1: {  	[tilespmem:s17], [sflag:$0x1] =	stream.indirect.gather [hbm4b:s31+s8], $0x40, s16, s8, $0xb8;
	[tilespmem:$0x14500] =	vst v63  }
0x2a2: {  	_ = 	snop  }
0x2a3: {  	[tilespmem:s19], [sflag:$0x1] =	stream.indirect.gather [hbm4b:s31+s8], $0x40, s18, s8, $0xb8;
	[tilespmem:$0x14500] =	vst v63  }
0x2a4: {  	_ = 	snop  }
0x2a5: {  	[tilespmem:s21], [sflag:$0x1] =	stream.indirect.gather [hbm4b:s31+s8], $0x40, s20, s8, $0xb8;
	[tilespmem:$0x14500] =	vst v63  }
0x2a6: {  	_ = 	snop  }
0x2a7: {  	[tilespmem:s23], [sflag:$0x1] =	stream.indirect.gather [hbm4b:s31+s8], $0x40, s22, s8, $0xb8;
	[tilespmem:$0x14500] =	vst v63  }
0x2a8: {  	_ = 	snop  }
0x2a9: {  	[tilespmem:s25], [sflag:$0x1] =	stream.indirect.gather [hbm4b:s31+s8], $0x40, s24, s8, $0xb8;
	[tilespmem:$0x14500] =	vst v63  }
0x2aa: {  	_ = 	snop  }
0x2ab: {  	[tilespmem:s28], [sflag:$0x1] =	stream.indirect.gather [hbm4b:s31+s8], $0x40, s26, s8, $0xb8;
	[tilespmem:$0x14500] =	vst v63  }
0x2ac: {  	_ =	swait.ge [sflag:s7], $0x2000  }
0x2ad: {  	[sflag:s7] =	ssyncset.done $0x0  }
0x2ae: {  	[sflag:s7] =	ssyncadd.s32 $0xFFFFE000  }
0x2af: {  	_ =	swait.ge [sflag:s7], $0x2000  }
0x2b0: {  	[sflag:s7] =	ssyncset.done $0x0  }
0x2b1: {  	[sflag:s7] =	ssyncadd.s32 $0xFFFFE000  }
0x2b2: {  	_ =	swait.ge [sflag:s7], $0x2000  }
0x2b3: {  	[sflag:s7] =	ssyncset.done $0x0  }
0x2b4: {  	[sflag:s7] =	ssyncadd.s32 $0xFFFFE000  }
0x2b5: {  	_ =	swait.ge [sflag:s7], $0x2000  }
0x2b6: {  	[sflag:s7] =	ssyncset.done $0x0  }
0x2b7: {  	[sflag:s7] =	ssyncadd.s32 $0xFFFFE000  }
0x2b8: {  	_ =	swait.ge [sflag:s7], $0x2000  }
0x2b9: {  	[sflag:s7] =	ssyncset.done $0x0  }
0x2ba: {  	[sflag:s7] =	ssyncadd.s32 $0xFFFFE000  }
0x2bb: {  	_ =	swait.ge [sflag:s7], $0x2000  }
0x2bc: {  	[sflag:s7] =	ssyncset.done $0x0  }
0x2bd: {  	[sflag:s7] =	ssyncadd.s32 $0xFFFFE000  }
0x2be: {  	_ =	swait.ge [sflag:s7], $0x2000  }
0x2bf: {  	[sflag:s7] =	ssyncset.done $0x0  }
0x2c0: {  	[sflag:s7] =	ssyncadd.s32 $0xFFFFE000  }
0x2c1: {  	_ =	swait.ge [sflag:s7], $0x2000  }
0x2c2: {  	[sflag:s7] =	ssyncset.done $0x0  }
0x2c3: {  	[sflag:s7] =	ssyncadd.s32 $0xFFFFE000  }
0x2c4: {  	_ =	swait.ge [sflag:s7], $0x2000  }
0x2c5: {  	[sflag:s7] =	ssyncset.done $0x0  }
0x2c6: {  	[sflag:s7] =	ssyncadd.s32 $0xFFFFE000  }
0x2c7: {  	_ =	swait.ge [sflag:s7], $0x2000  }
0x2c8: {  	[sflag:s7] =	ssyncset.done $0x0  }
0x2c9: {  	s0 =	rddreg [dreg:$0x6];
	[sflag:s7] =	ssyncadd.s32 $0xFFFFE000  }
0x2ca: {  	[hbm4b:s0+s2] =	stream.linear.scatter [tilespmem:s5], [sflag:$0x2], $0x14000, $0x38;
	[tilespmem:$0x14500] =	vst v63  }
0x2cb: {  	_ =	swait.ge [sflag:s3], $0x14000  }
0x2cc: {  	[sflag:s3] =	ssyncset.done $0x0  }
0x2cd: {  	s0 =	rddreg [dreg:$0x7];
	[sflag:s3] =	ssyncadd.s32 $0xFFFEC000  }
0x2ce: {  	[tilespmem:s2], [sflag:$0x2] =	stream.linear.gather [hbm4b:s0+s2], $0x500, $0x38;
	[tilespmem:$0x14500] =	vst v63  }
0x2cf: {  	_ =	swait.ge [sflag:s3], $0x500  }
0x2d0: {  	[sflag:s3] =	ssyncset.done $0x0  }
0x2d1: {  	[sflag:s3] =	ssyncadd.s32 $0xFFFFFB00  }
0x2d2: {  	[tilespmem:s5], [sflag:$0x1] =	stream.indirect.gather [hbm4b:s31+s8], $0x40, s2, s8, $0xb8;
	[tilespmem:$0x14500] =	vst v63  }
0x2d3: {  	_ = 	snop  }
0x2d4: {  	[tilespmem:s10], [sflag:$0x1] =	stream.indirect.gather [hbm4b:s31+s8], $0x40, s8, s8, $0xb8;
	[tilespmem:$0x14500] =	vst v63  }
0x2d5: {  	_ = 	snop  }
0x2d6: {  	[tilespmem:s12], [sflag:$0x1] =	stream.indirect.gather [hbm4b:s31+s8], $0x40, s11, s8, $0xb8;
	[tilespmem:$0x14500] =	vst v63  }
0x2d7: {  	_ = 	snop  }
0x2d8: {  	[tilespmem:s15], [sflag:$0x1] =	stream.indirect.gather [hbm4b:s31+s8], $0x40, s13, s8, $0xb8;
	[tilespmem:$0x14500] =	vst v63  }
0x2d9: {  	_ = 	snop  }
0x2da: {  	[tilespmem:s17], [sflag:$0x1] =	stream.indirect.gather [hbm4b:s31+s8], $0x40, s16, s8, $0xb8;
	[tilespmem:$0x14500] =	vst v63  }
0x2db: {  	_ = 	snop  }
0x2dc: {  	[tilespmem:s19], [sflag:$0x1] =	stream.indirect.gather [hbm4b:s31+s8], $0x40, s18, s8, $0xb8;
	[tilespmem:$0x14500] =	vst v63  }
0x2dd: {  	_ = 	snop  }
0x2de: {  	[tilespmem:s21], [sflag:$0x1] =	stream.indirect.gather [hbm4b:s31+s8], $0x40, s20, s8, $0xb8;
	[tilespmem:$0x14500] =	vst v63  }
0x2df: {  	_ = 	snop  }
0x2e0: {  	[tilespmem:s23], [sflag:$0x1] =	stream.indirect.gather [hbm4b:s31+s8], $0x40, s22, s8, $0xb8;
	[tilespmem:$0x14500] =	vst v63  }
0x2e1: {  	_ = 	snop  }
0x2e2: {  	[tilespmem:s25], [sflag:$0x1] =	stream.indirect.gather [hbm4b:s31+s8], $0x40, s24, s8, $0xb8;
	[tilespmem:$0x14500] =	vst v63  }
0x2e3: {  	_ = 	snop  }
0x2e4: {  	[tilespmem:s28], [sflag:$0x1] =	stream.indirect.gather [hbm4b:s31+s8], $0x40, s26, s8, $0xb8;
	[tilespmem:$0x14500] =	vst v63  }
0x2e5: {  	_ =	swait.ge [sflag:s7], $0x2000  }
0x2e6: {  	[sflag:s7] =	ssyncset.done $0x0  }
0x2e7: {  	[sflag:s7] =	ssyncadd.s32 $0xFFFFE000  }
0x2e8: {  	_ =	swait.ge [sflag:s7], $0x2000  }
0x2e9: {  	[sflag:s7] =	ssyncset.done $0x0  }
0x2ea: {  	[sflag:s7] =	ssyncadd.s32 $0xFFFFE000  }
0x2eb: {  	_ =	swait.ge [sflag:s7], $0x2000  }
0x2ec: {  	[sflag:s7] =	ssyncset.done $0x0  }
0x2ed: {  	[sflag:s7] =	ssyncadd.s32 $0xFFFFE000  }
0x2ee: {  	_ =	swait.ge [sflag:s7], $0x2000  }
0x2ef: {  	[sflag:s7] =	ssyncset.done $0x0  }
0x2f0: {  	[sflag:s7] =	ssyncadd.s32 $0xFFFFE000  }
0x2f1: {  	_ =	swait.ge [sflag:s7], $0x2000  }
0x2f2: {  	[sflag:s7] =	ssyncset.done $0x0  }
0x2f3: {  	[sflag:s7] =	ssyncadd.s32 $0xFFFFE000  }
0x2f4: {  	_ =	swait.ge [sflag:s7], $0x2000  }
0x2f5: {  	[sflag:s7] =	ssyncset.done $0x0  }
0x2f6: {  	[sflag:s7] =	ssyncadd.s32 $0xFFFFE000  }
0x2f7: {  	_ =	swait.ge [sflag:s7], $0x2000  }
0x2f8: {  	[sflag:s7] =	ssyncset.done $0x0  }
0x2f9: {  	[sflag:s7] =	ssyncadd.s32 $0xFFFFE000  }
0x2fa: {  	_ =	swait.ge [sflag:s7], $0x2000  }
0x2fb: {  	[sflag:s7] =	ssyncset.done $0x0  }
0x2fc: {  	[sflag:s7] =	ssyncadd.s32 $0xFFFFE000  }
0x2fd: {  	_ =	swait.ge [sflag:s7], $0x2000  }
0x2fe: {  	[sflag:s7] =	ssyncset.done $0x0  }
0x2ff: {  	[sflag:s7] =	ssyncadd.s32 $0xFFFFE000  }
0x300: {  	_ =	swait.ge [sflag:s7], $0x2000  }
0x301: {  	[sflag:s7] =	ssyncset.done $0x0  }
0x302: {  	s0 =	rddreg [dreg:$0x8];
	[sflag:s7] =	ssyncadd.s32 $0xFFFFE000  }
0x303: {  	[hbm4b:s0+s2] =	stream.linear.scatter [tilespmem:s5], [sflag:$0x2], $0x14000, $0x38;
	[tilespmem:$0x14500] =	vst v63  }
0x304: {  	_ =	swait.ge [sflag:s3], $0x14000  }
0x305: {  	[sflag:s3] =	ssyncset.done $0x0  }
0x306: {  	s0 =	rddreg [dreg:$0x9];
	[sflag:s3] =	ssyncadd.s32 $0xFFFEC000  }
0x307: {  	[tilespmem:s2], [sflag:$0x2] =	stream.linear.gather [hbm4b:s0+s2], $0x500, $0x38;
	[tilespmem:$0x14500] =	vst v63  }
0x308: {  	_ =	swait.ge [sflag:s3], $0x500  }
0x309: {  	[sflag:s3] =	ssyncset.done $0x0  }
0x30a: {  	[sflag:s3] =	ssyncadd.s32 $0xFFFFFB00  }
0x30b: {  	[tilespmem:s5], [sflag:$0x1] =	stream.indirect.gather [hbm4b:s31+s8], $0x40, s2, s8, $0xb8;
	[tilespmem:$0x14500] =	vst v63  }
0x30c: {  	_ = 	snop  }
0x30d: {  	[tilespmem:s10], [sflag:$0x1] =	stream.indirect.gather [hbm4b:s31+s8], $0x40, s8, s8, $0xb8;
	[tilespmem:$0x14500] =	vst v63  }
0x30e: {  	_ = 	snop  }
0x30f: {  	[tilespmem:s12], [sflag:$0x1] =	stream.indirect.gather [hbm4b:s31+s8], $0x40, s11, s8, $0xb8;
	[tilespmem:$0x14500] =	vst v63  }
0x310: {  	_ = 	snop  }
0x311: {  	[tilespmem:s15], [sflag:$0x1] =	stream.indirect.gather [hbm4b:s31+s8], $0x40, s13, s8, $0xb8;
	[tilespmem:$0x14500] =	vst v63  }
0x312: {  	_ = 	snop  }
0x313: {  	[tilespmem:s17], [sflag:$0x1] =	stream.indirect.gather [hbm4b:s31+s8], $0x40, s16, s8, $0xb8;
	[tilespmem:$0x14500] =	vst v63  }
0x314: {  	_ = 	snop  }
0x315: {  	[tilespmem:s19], [sflag:$0x1] =	stream.indirect.gather [hbm4b:s31+s8], $0x40, s18, s8, $0xb8;
	[tilespmem:$0x14500] =	vst v63  }
0x316: {  	_ = 	snop  }
0x317: {  	[tilespmem:s21], [sflag:$0x1] =	stream.indirect.gather [hbm4b:s31+s8], $0x40, s20, s8, $0xb8;
	[tilespmem:$0x14500] =	vst v63  }
0x318: {  	_ = 	snop  }
0x319: {  	[tilespmem:s23], [sflag:$0x1] =	stream.indirect.gather [hbm4b:s31+s8], $0x40, s22, s8, $0xb8;
	[tilespmem:$0x14500] =	vst v63  }
0x31a: {  	_ = 	snop  }
0x31b: {  	[tilespmem:s25], [sflag:$0x1] =	stream.indirect.gather [hbm4b:s31+s8], $0x40, s24, s8, $0xb8;
	[tilespmem:$0x14500] =	vst v63  }
0x31c: {  	_ = 	snop  }
0x31d: {  	[tilespmem:s28], [sflag:$0x1] =	stream.indirect.gather [hbm4b:s31+s8], $0x40, s26, s8, $0xb8;
	[tilespmem:$0x14500] =	vst v63  }
0x31e: {  	_ =	swait.ge [sflag:s7], $0x2000  }
0x31f: {  	[sflag:s7] =	ssyncset.done $0x0  }
0x320: {  	[sflag:s7] =	ssyncadd.s32 $0xFFFFE000  }
0x321: {  	_ =	swait.ge [sflag:s7], $0x2000  }
0x322: {  	[sflag:s7] =	ssyncset.done $0x0  }
0x323: {  	[sflag:s7] =	ssyncadd.s32 $0xFFFFE000  }
0x324: {  	_ =	swait.ge [sflag:s7], $0x2000  }
0x325: {  	[sflag:s7] =	ssyncset.done $0x0  }
0x326: {  	[sflag:s7] =	ssyncadd.s32 $0xFFFFE000  }
0x327: {  	_ =	swait.ge [sflag:s7], $0x2000  }
0x328: {  	[sflag:s7] =	ssyncset.done $0x0  }
0x329: {  	[sflag:s7] =	ssyncadd.s32 $0xFFFFE000  }
0x32a: {  	_ =	swait.ge [sflag:s7], $0x2000  }
0x32b: {  	[sflag:s7] =	ssyncset.done $0x0  }
0x32c: {  	[sflag:s7] =	ssyncadd.s32 $0xFFFFE000  }
0x32d: {  	_ =	swait.ge [sflag:s7], $0x2000  }
0x32e: {  	[sflag:s7] =	ssyncset.done $0x0  }
0x32f: {  	[sflag:s7] =	ssyncadd.s32 $0xFFFFE000  }
0x330: {  	_ =	swait.ge [sflag:s7], $0x2000  }
0x331: {  	[sflag:s7] =	ssyncset.done $0x0  }
0x332: {  	[sflag:s7] =	ssyncadd.s32 $0xFFFFE000  }
0x333: {  	_ =	swait.ge [sflag:s7], $0x2000  }
0x334: {  	[sflag:s7] =	ssyncset.done $0x0  }
0x335: {  	[sflag:s7] =	ssyncadd.s32 $0xFFFFE000  }
0x336: {  	_ =	swait.ge [sflag:s7], $0x2000  }
0x337: {  	[sflag:s7] =	ssyncset.done $0x0  }
0x338: {  	[sflag:s7] =	ssyncadd.s32 $0xFFFFE000  }
0x339: {  	_ =	swait.ge [sflag:s7], $0x2000  }
0x33a: {  	[sflag:s7] =	ssyncset.done $0x0  }
0x33b: {  	s0 =	rddreg [dreg:$0xa];
	[sflag:s7] =	ssyncadd.s32 $0xFFFFE000  }
0x33c: {  	[hbm4b:s0+s2] =	stream.linear.scatter [tilespmem:s5], [sflag:$0x2], $0x14000, $0x38;
	[tilespmem:$0x14500] =	vst v63  }
0x33d: {  	_ =	swait.ge [sflag:s3], $0x14000  }
0x33e: {  	[sflag:s3] =	ssyncset.done $0x0  }
0x33f: {  	s0 =	rddreg [dreg:$0xb];
	[sflag:s3] =	ssyncadd.s32 $0xFFFEC000  }
0x340: {  	[tilespmem:s2], [sflag:$0x2] =	stream.linear.gather [hbm4b:s0+s2], $0x500, $0x38;
	[tilespmem:$0x14500] =	vst v63  }
0x341: {  	_ =	swait.ge [sflag:s3], $0x500  }
0x342: {  	[sflag:s3] =	ssyncset.done $0x0  }
0x343: {  	[sflag:s3] =	ssyncadd.s32 $0xFFFFFB00  }
0x344: {  	[tilespmem:s5], [sflag:$0x1] =	stream.indirect.gather [hbm4b:s31+s8], $0x40, s2, s8, $0xb8;
	[tilespmem:$0x14500] =	vst v63  }
0x345: {  	_ = 	snop  }
0x346: {  	[tilespmem:s10], [sflag:$0x1] =	stream.indirect.gather [hbm4b:s31+s8], $0x40, s8, s8, $0xb8;
	[tilespmem:$0x14500] =	vst v63  }
0x347: {  	_ = 	snop  }
0x348: {  	[tilespmem:s12], [sflag:$0x1] =	stream.indirect.gather [hbm4b:s31+s8], $0x40, s11, s8, $0xb8;
	[tilespmem:$0x14500] =	vst v63  }
0x349: {  	_ = 	snop  }
0x34a: {  	[tilespmem:s15], [sflag:$0x1] =	stream.indirect.gather [hbm4b:s31+s8], $0x40, s13, s8, $0xb8;
	[tilespmem:$0x14500] =	vst v63  }
0x34b: {  	_ = 	snop  }
0x34c: {  	[tilespmem:s17], [sflag:$0x1] =	stream.indirect.gather [hbm4b:s31+s8], $0x40, s16, s8, $0xb8;
	[tilespmem:$0x14500] =	vst v63  }
0x34d: {  	_ = 	snop  }
0x34e: {  	[tilespmem:s19], [sflag:$0x1] =	stream.indirect.gather [hbm4b:s31+s8], $0x40, s18, s8, $0xb8;
	[tilespmem:$0x14500] =	vst v63  }
0x34f: {  	_ = 	snop  }
0x350: {  	[tilespmem:s21], [sflag:$0x1] =	stream.indirect.gather [hbm4b:s31+s8], $0x40, s20, s8, $0xb8;
	[tilespmem:$0x14500] =	vst v63  }
0x351: {  	_ = 	snop  }
0x352: {  	[tilespmem:s23], [sflag:$0x1] =	stream.indirect.gather [hbm4b:s31+s8], $0x40, s22, s8, $0xb8;
	[tilespmem:$0x14500] =	vst v63  }
0x353: {  	_ = 	snop  }
0x354: {  	[tilespmem:s25], [sflag:$0x1] =	stream.indirect.gather [hbm4b:s31+s8], $0x40, s24, s8, $0xb8;
	[tilespmem:$0x14500] =	vst v63  }
0x355: {  	_ = 	snop  }
0x356: {  	[tilespmem:s28], [sflag:$0x1] =	stream.indirect.gather [hbm4b:s31+s8], $0x40, s26, s8, $0xb8;
	[tilespmem:$0x14500] =	vst v63  }
0x357: {  	_ =	swait.ge [sflag:s7], $0x2000  }
0x358: {  	[sflag:s7] =	ssyncset.done $0x0  }
0x359: {  	[sflag:s7] =	ssyncadd.s32 $0xFFFFE000  }
0x35a: {  	_ =	swait.ge [sflag:s7], $0x2000  }
0x35b: {  	[sflag:s7] =	ssyncset.done $0x0  }
0x35c: {  	[sflag:s7] =	ssyncadd.s32 $0xFFFFE000  }
0x35d: {  	_ =	swait.ge [sflag:s7], $0x2000  }
0x35e: {  	[sflag:s7] =	ssyncset.done $0x0  }
0x35f: {  	[sflag:s7] =	ssyncadd.s32 $0xFFFFE000  }
0x360: {  	_ =	swait.ge [sflag:s7], $0x2000  }
0x361: {  	[sflag:s7] =	ssyncset.done $0x0  }
0x362: {  	[sflag:s7] =	ssyncadd.s32 $0xFFFFE000  }
0x363: {  	_ =	swait.ge [sflag:s7], $0x2000  }
0x364: {  	[sflag:s7] =	ssyncset.done $0x0  }
0x365: {  	[sflag:s7] =	ssyncadd.s32 $0xFFFFE000  }
0x366: {  	_ =	swait.ge [sflag:s7], $0x2000  }
0x367: {  	[sflag:s7] =	ssyncset.done $0x0  }
0x368: {  	[sflag:s7] =	ssyncadd.s32 $0xFFFFE000  }
0x369: {  	_ =	swait.ge [sflag:s7], $0x2000  }
0x36a: {  	[sflag:s7] =	ssyncset.done $0x0  }
0x36b: {  	[sflag:s7] =	ssyncadd.s32 $0xFFFFE000  }
0x36c: {  	_ =	swait.ge [sflag:s7], $0x2000  }
0x36d: {  	[sflag:s7] =	ssyncset.done $0x0  }
0x36e: {  	[sflag:s7] =	ssyncadd.s32 $0xFFFFE000  }
0x36f: {  	_ =	swait.ge [sflag:s7], $0x2000  }
0x370: {  	[sflag:s7] =	ssyncset.done $0x0  }
0x371: {  	[sflag:s7] =	ssyncadd.s32 $0xFFFFE000  }
0x372: {  	_ =	swait.ge [sflag:s7], $0x2000  }
0x373: {  	[sflag:s7] =	ssyncset.done $0x0  }
0x374: {  	s0 =	rddreg [dreg:$0xc];
	[sflag:s7] =	ssyncadd.s32 $0xFFFFE000  }
0x375: {  	[hbm4b:s0+s2] =	stream.linear.scatter [tilespmem:s5], [sflag:$0x2], $0x14000, $0x38;
	[tilespmem:$0x14500] =	vst v63  }
0x376: {  	_ =	swait.ge [sflag:s3], $0x14000  }
0x377: {  	[sflag:s3] =	ssyncset.done $0x0  }
0x378: {  	s0 =	rddreg [dreg:$0xd];
	[sflag:s3] =	ssyncadd.s32 $0xFFFEC000  }
0x379: {  	[tilespmem:s2], [sflag:$0x2] =	stream.linear.gather [hbm4b:s0+s2], $0x500, $0x38;
	[tilespmem:$0x14500] =	vst v63  }
0x37a: {  	_ =	swait.ge [sflag:s3], $0x500  }
0x37b: {  	[sflag:s3] =	ssyncset.done $0x0  }
0x37c: {  	[sflag:s3] =	ssyncadd.s32 $0xFFFFFB00  }
0x37d: {  	[tilespmem:s5], [sflag:$0x1] =	stream.indirect.gather [hbm4b:s6+s8], $0x40, s2, s8, $0xb8;
	[tilespmem:$0x14500] =	vst v63  }
0x37e: {  	_ = 	snop  }
0x37f: {  	[tilespmem:s10], [sflag:$0x1] =	stream.indirect.gather [hbm4b:s6+s8], $0x40, s8, s8, $0xb8;
	[tilespmem:$0x14500] =	vst v63  }
0x380: {  	_ = 	snop  }
0x381: {  	[tilespmem:s12], [sflag:$0x1] =	stream.indirect.gather [hbm4b:s6+s8], $0x40, s11, s8, $0xb8;
	[tilespmem:$0x14500] =	vst v63  }
0x382: {  	_ = 	snop  }
0x383: {  	[tilespmem:s15], [sflag:$0x1] =	stream.indirect.gather [hbm4b:s6+s8], $0x40, s13, s8, $0xb8;
	[tilespmem:$0x14500] =	vst v63  }
0x384: {  	_ = 	snop  }
0x385: {  	[tilespmem:s17], [sflag:$0x1] =	stream.indirect.gather [hbm4b:s6+s8], $0x40, s16, s8, $0xb8;
	[tilespmem:$0x14500] =	vst v63  }
0x386: {  	_ = 	snop  }
0x387: {  	[tilespmem:s19], [sflag:$0x1] =	stream.indirect.gather [hbm4b:s6+s8], $0x40, s18, s8, $0xb8;
	[tilespmem:$0x14500] =	vst v63  }
0x388: {  	_ = 	snop  }
0x389: {  	[tilespmem:s21], [sflag:$0x1] =	stream.indirect.gather [hbm4b:s6+s8], $0x40, s20, s8, $0xb8;
	[tilespmem:$0x14500] =	vst v63  }
0x38a: {  	_ = 	snop  }
0x38b: {  	[tilespmem:s23], [sflag:$0x1] =	stream.indirect.gather [hbm4b:s6+s8], $0x40, s22, s8, $0xb8;
	[tilespmem:$0x14500] =	vst v63  }
0x38c: {  	_ = 	snop  }
0x38d: {  	[tilespmem:s25], [sflag:$0x1] =	stream.indirect.gather [hbm4b:s6+s8], $0x40, s24, s8, $0xb8;
	[tilespmem:$0x14500] =	vst v63  }
0x38e: {  	_ = 	snop  }
0x38f: {  	[tilespmem:s28], [sflag:$0x1] =	stream.indirect.gather [hbm4b:s6+s8], $0x40, s26, s8, $0xb8;
	[tilespmem:$0x14500] =	vst v63  }
0x390: {  	_ =	swait.ge [sflag:s7], $0x2000  }
0x391: {  	[sflag:s7] =	ssyncset.done $0x0  }
0x392: {  	[sflag:s7] =	ssyncadd.s32 $0xFFFFE000  }
0x393: {  	_ =	swait.ge [sflag:s7], $0x2000  }
0x394: {  	[sflag:s7] =	ssyncset.done $0x0  }
0x395: {  	[sflag:s7] =	ssyncadd.s32 $0xFFFFE000  }
0x396: {  	_ =	swait.ge [sflag:s7], $0x2000  }
0x397: {  	[sflag:s7] =	ssyncset.done $0x0  }
0x398: {  	[sflag:s7] =	ssyncadd.s32 $0xFFFFE000  }
0x399: {  	_ =	swait.ge [sflag:s7], $0x2000  }
0x39a: {  	[sflag:s7] =	ssyncset.done $0x0  }
0x39b: {  	[sflag:s7] =	ssyncadd.s32 $0xFFFFE000  }
0x39c: {  	_ =	swait.ge [sflag:s7], $0x2000  }
0x39d: {  	[sflag:s7] =	ssyncset.done $0x0  }
0x39e: {  	[sflag:s7] =	ssyncadd.s32 $0xFFFFE000  }
0x39f: {  	_ =	swait.ge [sflag:s7], $0x2000  }
0x3a0: {  	[sflag:s7] =	ssyncset.done $0x0  }
0x3a1: {  	[sflag:s7] =	ssyncadd.s32 $0xFFFFE000  }
0x3a2: {  	_ =	swait.ge [sflag:s7], $0x2000  }
0x3a3: {  	[sflag:s7] =	ssyncset.done $0x0  }
0x3a4: {  	[sflag:s7] =	ssyncadd.s32 $0xFFFFE000  }
0x3a5: {  	_ =	swait.ge [sflag:s7], $0x2000  }
0x3a6: {  	[sflag:s7] =	ssyncset.done $0x0  }
0x3a7: {  	[sflag:s7] =	ssyncadd.s32 $0xFFFFE000  }
0x3a8: {  	_ =	swait.ge [sflag:s7], $0x2000  }
0x3a9: {  	[sflag:s7] =	ssyncset.done $0x0  }
0x3aa: {  	[sflag:s7] =	ssyncadd.s32 $0xFFFFE000  }
0x3ab: {  	_ =	swait.ge [sflag:s7], $0x2000  }
0x3ac: {  	[sflag:s7] =	ssyncset.done $0x0  }
0x3ad: {  	s0 =	rddreg [dreg:$0xe];
	[sflag:s7] =	ssyncadd.s32 $0xFFFFE000  }
0x3ae: {  	[hbm4b:s0+s2] =	stream.linear.scatter [tilespmem:s5], [sflag:$0x2], $0x14000, $0x38;
	[tilespmem:$0x14500] =	vst v63  }
0x3af: {  	_ =	swait.ge [sflag:s3], $0x14000  }
0x3b0: {  	[sflag:s3] =	ssyncset.done $0x0  }
0x3b1: {  	s0 =	rddreg [dreg:$0xf];
	[sflag:s3] =	ssyncadd.s32 $0xFFFEC000  }
0x3b2: {  	[tilespmem:s2], [sflag:$0x2] =	stream.linear.gather [hbm4b:s0+s2], $0x500, $0x38;
	[tilespmem:$0x14500] =	vst v63  }
0x3b3: {  	_ =	swait.ge [sflag:s3], $0x500  }
0x3b4: {  	[sflag:s3] =	ssyncset.done $0x0  }
0x3b5: {  	[sflag:s3] =	ssyncadd.s32 $0xFFFFFB00  }
0x3b6: {  	[tilespmem:s5], [sflag:$0x1] =	stream.indirect.gather [hbm4b:s6+s8], $0x40, s2, s8, $0xb8;
	[tilespmem:$0x14500] =	vst v63  }
0x3b7: {  	_ = 	snop  }
0x3b8: {  	[tilespmem:s10], [sflag:$0x1] =	stream.indirect.gather [hbm4b:s6+s8], $0x40, s8, s8, $0xb8;
	[tilespmem:$0x14500] =	vst v63  }
0x3b9: {  	_ = 	snop  }
0x3ba: {  	[tilespmem:s12], [sflag:$0x1] =	stream.indirect.gather [hbm4b:s6+s8], $0x40, s11, s8, $0xb8;
	[tilespmem:$0x14500] =	vst v63  }
0x3bb: {  	_ = 	snop  }
0x3bc: {  	[tilespmem:s15], [sflag:$0x1] =	stream.indirect.gather [hbm4b:s6+s8], $0x40, s13, s8, $0xb8;
	[tilespmem:$0x14500] =	vst v63  }
0x3bd: {  	_ = 	snop  }
0x3be: {  	[tilespmem:s17], [sflag:$0x1] =	stream.indirect.gather [hbm4b:s6+s8], $0x40, s16, s8, $0xb8;
	[tilespmem:$0x14500] =	vst v63  }
0x3bf: {  	_ = 	snop  }
0x3c0: {  	[tilespmem:s19], [sflag:$0x1] =	stream.indirect.gather [hbm4b:s6+s8], $0x40, s18, s8, $0xb8;
	[tilespmem:$0x14500] =	vst v63  }
0x3c1: {  	_ = 	snop  }
0x3c2: {  	[tilespmem:s21], [sflag:$0x1] =	stream.indirect.gather [hbm4b:s6+s8], $0x40, s20, s8, $0xb8;
	[tilespmem:$0x14500] =	vst v63  }
0x3c3: {  	_ = 	snop  }
0x3c4: {  	[tilespmem:s23], [sflag:$0x1] =	stream.indirect.gather [hbm4b:s6+s8], $0x40, s22, s8, $0xb8;
	[tilespmem:$0x14500] =	vst v63  }
0x3c5: {  	_ = 	snop  }
0x3c6: {  	[tilespmem:s25], [sflag:$0x1] =	stream.indirect.gather [hbm4b:s6+s8], $0x40, s24, s8, $0xb8;
	[tilespmem:$0x14500] =	vst v63  }
0x3c7: {  	_ = 	snop  }
0x3c8: {  	[tilespmem:s28], [sflag:$0x1] =	stream.indirect.gather [hbm4b:s6+s8], $0x40, s26, s8, $0xb8;
	[tilespmem:$0x14500] =	vst v63  }
0x3c9: {  	_ =	swait.ge [sflag:s7], $0x2000  }
0x3ca: {  	[sflag:s7] =	ssyncset.done $0x0  }
0x3cb: {  	[sflag:s7] =	ssyncadd.s32 $0xFFFFE000  }
0x3cc: {  	_ =	swait.ge [sflag:s7], $0x2000  }
0x3cd: {  	[sflag:s7] =	ssyncset.done $0x0  }
0x3ce: {  	[sflag:s7] =	ssyncadd.s32 $0xFFFFE000  }
0x3cf: {  	_ =	swait.ge [sflag:s7], $0x2000  }
0x3d0: {  	[sflag:s7] =	ssyncset.done $0x0  }
0x3d1: {  	[sflag:s7] =	ssyncadd.s32 $0xFFFFE000  }
0x3d2: {  	_ =	swait.ge [sflag:s7], $0x2000  }
0x3d3: {  	[sflag:s7] =	ssyncset.done $0x0  }
0x3d4: {  	[sflag:s7] =	ssyncadd.s32 $0xFFFFE000  }
0x3d5: {  	_ =	swait.ge [sflag:s7], $0x2000  }
0x3d6: {  	[sflag:s7] =	ssyncset.done $0x0  }
0x3d7: {  	[sflag:s7] =	ssyncadd.s32 $0xFFFFE000  }
0x3d8: {  	_ =	swait.ge [sflag:s7], $0x2000  }
0x3d9: {  	[sflag:s7] =	ssyncset.done $0x0  }
0x3da: {  	[sflag:s7] =	ssyncadd.s32 $0xFFFFE000  }
0x3db: {  	_ =	swait.ge [sflag:s7], $0x2000  }
0x3dc: {  	[sflag:s7] =	ssyncset.done $0x0  }
0x3dd: {  	[sflag:s7] =	ssyncadd.s32 $0xFFFFE000  }
0x3de: {  	_ =	swait.ge [sflag:s7], $0x2000  }
0x3df: {  	[sflag:s7] =	ssyncset.done $0x0  }
0x3e0: {  	[sflag:s7] =	ssyncadd.s32 $0xFFFFE000  }
0x3e1: {  	_ =	swait.ge [sflag:s7], $0x2000  }
0x3e2: {  	[sflag:s7] =	ssyncset.done $0x0  }
0x3e3: {  	[sflag:s7] =	ssyncadd.s32 $0xFFFFE000  }
0x3e4: {  	_ =	swait.ge [sflag:s7], $0x2000  }
0x3e5: {  	[sflag:s7] =	ssyncset.done $0x0  }
0x3e6: {  	s0 =	rddreg [dreg:$0x10];
	[sflag:s7] =	ssyncadd.s32 $0xFFFFE000  }
0x3e7: {  	[hbm4b:s0+s2] =	stream.linear.scatter [tilespmem:s5], [sflag:$0x2], $0x14000, $0x38;
	[tilespmem:$0x14500] =	vst v63  }
0x3e8: {  	_ =	swait.ge [sflag:s3], $0x14000  }
0x3e9: {  	[sflag:s3] =	ssyncset.done $0x0  }
0x3ea: {  	s0 =	rddreg [dreg:$0x11];
	[sflag:s3] =	ssyncadd.s32 $0xFFFEC000  }
0x3eb: {  	[tilespmem:s2], [sflag:$0x2] =	stream.linear.gather [hbm4b:s0+s2], $0x500, $0x38;
	[tilespmem:$0x14500] =	vst v63  }
0x3ec: {  	_ =	swait.ge [sflag:s3], $0x500  }
0x3ed: {  	[sflag:s3] =	ssyncset.done $0x0  }
0x3ee: {  	[sflag:s3] =	ssyncadd.s32 $0xFFFFFB00  }
0x3ef: {  	[tilespmem:s5], [sflag:$0x1] =	stream.indirect.gather [hbm4b:s6+s8], $0x40, s2, s8, $0xb8;
	[tilespmem:$0x14500] =	vst v63  }
0x3f0: {  	_ = 	snop  }
0x3f1: {  	[tilespmem:s10], [sflag:$0x1] =	stream.indirect.gather [hbm4b:s6+s8], $0x40, s8, s8, $0xb8;
	[tilespmem:$0x14500] =	vst v63  }
0x3f2: {  	_ = 	snop  }
0x3f3: {  	[tilespmem:s12], [sflag:$0x1] =	stream.indirect.gather [hbm4b:s6+s8], $0x40, s11, s8, $0xb8;
	[tilespmem:$0x14500] =	vst v63  }
0x3f4: {  	_ = 	snop  }
0x3f5: {  	[tilespmem:s15], [sflag:$0x1] =	stream.indirect.gather [hbm4b:s6+s8], $0x40, s13, s8, $0xb8;
	[tilespmem:$0x14500] =	vst v63  }
0x3f6: {  	_ = 	snop  }
0x3f7: {  	[tilespmem:s17], [sflag:$0x1] =	stream.indirect.gather [hbm4b:s6+s8], $0x40, s16, s8, $0xb8;
	[tilespmem:$0x14500] =	vst v63  }
0x3f8: {  	_ = 	snop  }
0x3f9: {  	[tilespmem:s19], [sflag:$0x1] =	stream.indirect.gather [hbm4b:s6+s8], $0x40, s18, s8, $0xb8;
	[tilespmem:$0x14500] =	vst v63  }
0x3fa: {  	_ = 	snop  }
0x3fb: {  	[tilespmem:s21], [sflag:$0x1] =	stream.indirect.gather [hbm4b:s6+s8], $0x40, s20, s8, $0xb8;
	[tilespmem:$0x14500] =	vst v63  }
0x3fc: {  	_ = 	snop  }
0x3fd: {  	[tilespmem:s23], [sflag:$0x1] =	stream.indirect.gather [hbm4b:s6+s8], $0x40, s22, s8, $0xb8;
	[tilespmem:$0x14500] =	vst v63  }
0x3fe: {  	_ = 	snop  }
0x3ff: {  	[tilespmem:s25], [sflag:$0x1] =	stream.indirect.gather [hbm4b:s6+s8], $0x40, s24, s8, $0xb8;
	[tilespmem:$0x14500] =	vst v63  }
0x400: {  	_ = 	snop  }
0x401: {  	[tilespmem:s28], [sflag:$0x1] =	stream.indirect.gather [hbm4b:s6+s8], $0x40, s26, s8, $0xb8;
	[tilespmem:$0x14500] =	vst v63  }
0x402: {  	_ =	swait.ge [sflag:s7], $0x2000  }
0x403: {  	[sflag:s7] =	ssyncset.done $0x0  }
0x404: {  	[sflag:s7] =	ssyncadd.s32 $0xFFFFE000  }
0x405: {  	_ =	swait.ge [sflag:s7], $0x2000  }
0x406: {  	[sflag:s7] =	ssyncset.done $0x0  }
0x407: {  	[sflag:s7] =	ssyncadd.s32 $0xFFFFE000  }
0x408: {  	_ =	swait.ge [sflag:s7], $0x2000  }
0x409: {  	[sflag:s7] =	ssyncset.done $0x0  }
0x40a: {  	[sflag:s7] =	ssyncadd.s32 $0xFFFFE000  }
0x40b: {  	_ =	swait.ge [sflag:s7], $0x2000  }
0x40c: {  	[sflag:s7] =	ssyncset.done $0x0  }
0x40d: {  	[sflag:s7] =	ssyncadd.s32 $0xFFFFE000  }
0x40e: {  	_ =	swait.ge [sflag:s7], $0x2000  }
0x40f: {  	[sflag:s7] =	ssyncset.done $0x0  }
0x410: {  	[sflag:s7] =	ssyncadd.s32 $0xFFFFE000  }
0x411: {  	_ =	swait.ge [sflag:s7], $0x2000  }
0x412: {  	[sflag:s7] =	ssyncset.done $0x0  }
0x413: {  	[sflag:s7] =	ssyncadd.s32 $0xFFFFE000  }
0x414: {  	_ =	swait.ge [sflag:s7], $0x2000  }
0x415: {  	[sflag:s7] =	ssyncset.done $0x0  }
0x416: {  	[sflag:s7] =	ssyncadd.s32 $0xFFFFE000  }
0x417: {  	_ =	swait.ge [sflag:s7], $0x2000  }
0x418: {  	[sflag:s7] =	ssyncset.done $0x0  }
0x419: {  	[sflag:s7] =	ssyncadd.s32 $0xFFFFE000  }
0x41a: {  	_ =	swait.ge [sflag:s7], $0x2000  }
0x41b: {  	[sflag:s7] =	ssyncset.done $0x0  }
0x41c: {  	[sflag:s7] =	ssyncadd.s32 $0xFFFFE000  }
0x41d: {  	_ =	swait.ge [sflag:s7], $0x2000  }
0x41e: {  	[sflag:s7] =	ssyncset.done $0x0  }
0x41f: {  	[sflag:s7] =	ssyncadd.s32 $0xFFFFE000  }
0x420: {  	[hbm4b:s30+s2] =	stream.linear.scatter [tilespmem:s5], [sflag:$0x2], $0x14000, $0x38;
	[tilespmem:$0x14500] =	vst v63  }
0x421: {  	_ =	swait.ge [sflag:s3], $0x14000  }
0x422: {  	[sflag:s3] =	ssyncset.done $0x0  }
0x423: {  	[sflag:s3] =	ssyncadd.s32 $0xFFFEC000  }
0x424: {  	[tilespmem:s2], [sflag:$0x2] =	stream.linear.gather [hbm4b:s29+s2], $0x500, $0x38;
	[tilespmem:$0x14500] =	vst v63  }
0x425: {  	_ =	swait.ge [sflag:s3], $0x500  }
0x426: {  	[sflag:s3] =	ssyncset.done $0x0  }
0x427: {  	[sflag:s3] =	ssyncadd.s32 $0xFFFFFB00  }
0x428: {  	[tilespmem:s5], [sflag:$0x1] =	stream.indirect.gather [hbm4b:s6+s8], $0x40, s2, s8, $0xb8;
	[tilespmem:$0x14500] =	vst v63  }
0x429: {  	_ = 	snop  }
0x42a: {  	[tilespmem:s10], [sflag:$0x1] =	stream.indirect.gather [hbm4b:s6+s8], $0x40, s8, s8, $0xb8;
	[tilespmem:$0x14500] =	vst v63  }
0x42b: {  	_ = 	snop  }
0x42c: {  	[tilespmem:s12], [sflag:$0x1] =	stream.indirect.gather [hbm4b:s6+s8], $0x40, s11, s8, $0xb8;
	[tilespmem:$0x14500] =	vst v63  }
0x42d: {  	_ = 	snop  }
0x42e: {  	[tilespmem:s15], [sflag:$0x1] =	stream.indirect.gather [hbm4b:s6+s8], $0x40, s13, s8, $0xb8;
	[tilespmem:$0x14500] =	vst v63  }
0x42f: {  	_ = 	snop  }
0x430: {  	[tilespmem:s17], [sflag:$0x1] =	stream.indirect.gather [hbm4b:s6+s8], $0x40, s16, s8, $0xb8;
	[tilespmem:$0x14500] =	vst v63  }
0x431: {  	_ = 	snop  }
0x432: {  	[tilespmem:s19], [sflag:$0x1] =	stream.indirect.gather [hbm4b:s6+s8], $0x40, s18, s8, $0xb8;
	[tilespmem:$0x14500] =	vst v63  }
0x433: {  	_ = 	snop  }
0x434: {  	[tilespmem:s21], [sflag:$0x1] =	stream.indirect.gather [hbm4b:s6+s8], $0x40, s20, s8, $0xb8;
	[tilespmem:$0x14500] =	vst v63  }
0x435: {  	_ = 	snop  }
0x436: {  	[tilespmem:s23], [sflag:$0x1] =	stream.indirect.gather [hbm4b:s6+s8], $0x40, s22, s8, $0xb8;
	[tilespmem:$0x14500] =	vst v63  }
0x437: {  	_ = 	snop  }
0x438: {  	[tilespmem:s25], [sflag:$0x1] =	stream.indirect.gather [hbm4b:s6+s8], $0x40, s24, s8, $0xb8;
	[tilespmem:$0x14500] =	vst v63  }
0x439: {  	_ = 	snop  }
0x43a: {  	[tilespmem:s28], [sflag:$0x1] =	stream.indirect.gather [hbm4b:s6+s8], $0x40, s26, s8, $0xb8;
	[tilespmem:$0x14500] =	vst v63  }
0x43b: {  	_ =	swait.ge [sflag:s7], $0x2000  }
0x43c: {  	[sflag:s7] =	ssyncset.done $0x0  }
0x43d: {  	[sflag:s7] =	ssyncadd.s32 $0xFFFFE000  }
0x43e: {  	_ =	swait.ge [sflag:s7], $0x2000  }
0x43f: {  	[sflag:s7] =	ssyncset.done $0x0  }
0x440: {  	[sflag:s7] =	ssyncadd.s32 $0xFFFFE000  }
0x441: {  	_ =	swait.ge [sflag:s7], $0x2000  }
0x442: {  	[sflag:s7] =	ssyncset.done $0x0  }
0x443: {  	[sflag:s7] =	ssyncadd.s32 $0xFFFFE000  }
0x444: {  	_ =	swait.ge [sflag:s7], $0x2000  }
0x445: {  	[sflag:s7] =	ssyncset.done $0x0  }
0x446: {  	[sflag:s7] =	ssyncadd.s32 $0xFFFFE000  }
0x447: {  	_ =	swait.ge [sflag:s7], $0x2000  }
0x448: {  	[sflag:s7] =	ssyncset.done $0x0  }
0x449: {  	[sflag:s7] =	ssyncadd.s32 $0xFFFFE000  }
0x44a: {  	_ =	swait.ge [sflag:s7], $0x2000  }
0x44b: {  	[sflag:s7] =	ssyncset.done $0x0  }
0x44c: {  	[sflag:s7] =	ssyncadd.s32 $0xFFFFE000  }
0x44d: {  	_ =	swait.ge [sflag:s7], $0x2000  }
0x44e: {  	[sflag:s7] =	ssyncset.done $0x0  }
0x44f: {  	[sflag:s7] =	ssyncadd.s32 $0xFFFFE000  }
0x450: {  	_ =	swait.ge [sflag:s7], $0x2000  }
0x451: {  	[sflag:s7] =	ssyncset.done $0x0  }
0x452: {  	[sflag:s7] =	ssyncadd.s32 $0xFFFFE000  }
0x453: {  	_ =	swait.ge [sflag:s7], $0x2000  }
0x454: {  	[sflag:s7] =	ssyncset.done $0x0  }
0x455: {  	[sflag:s7] =	ssyncadd.s32 $0xFFFFE000  }
0x456: {  	_ =	swait.ge [sflag:s7], $0x2000  }
0x457: {  	[sflag:s7] =	ssyncset.done $0x0  }
0x458: {  	[sflag:s7] =	ssyncadd.s32 $0xFFFFE000  }
0x459: {  	[hbm4b:s14+s2] =	stream.linear.scatter [tilespmem:s5], [sflag:$0x2], $0x14000, $0x38;
	[tilespmem:$0x14500] =	vst v63  }
0x45a: {  	_ =	swait.ge [sflag:s3], $0x14000  }
0x45b: {  	[sflag:s3] =	ssyncset.done $0x0  }
0x45c: {  	[sflag:s3] =	ssyncadd.s32 $0xFFFEC000  }
0x45d: {  	[tilespmem:s2], [sflag:$0x2] =	stream.linear.gather [hbm4b:s9+s2], $0x500, $0x38;
	[tilespmem:$0x14500] =	vst v63  }
0x45e: {  	_ =	swait.ge [sflag:s3], $0x500  }
0x45f: {  	[sflag:s3] =	ssyncset.done $0x0  }
0x460: {  	[sflag:s3] =	ssyncadd.s32 $0xFFFFFB00  }
0x461: {  	[tilespmem:s5], [sflag:$0x1] =	stream.indirect.gather [hbm4b:s6+s8], $0x40, s2, s8, $0xb8;
	[tilespmem:$0x14500] =	vst v63  }
0x462: {  	_ = 	snop  }
0x463: {  	[tilespmem:s10], [sflag:$0x1] =	stream.indirect.gather [hbm4b:s6+s8], $0x40, s8, s8, $0xb8;
	[tilespmem:$0x14500] =	vst v63  }
0x464: {  	_ = 	snop  }
0x465: {  	[tilespmem:s12], [sflag:$0x1] =	stream.indirect.gather [hbm4b:s6+s8], $0x40, s11, s8, $0xb8;
	[tilespmem:$0x14500] =	vst v63  }
0x466: {  	_ = 	snop  }
0x467: {  	[tilespmem:s15], [sflag:$0x1] =	stream.indirect.gather [hbm4b:s6+s8], $0x40, s13, s8, $0xb8;
	[tilespmem:$0x14500] =	vst v63  }
0x468: {  	_ = 	snop  }
0x469: {  	[tilespmem:s17], [sflag:$0x1] =	stream.indirect.gather [hbm4b:s6+s8], $0x40, s16, s8, $0xb8;
	[tilespmem:$0x14500] =	vst v63  }
0x46a: {  	_ = 	snop  }
0x46b: {  	[tilespmem:s19], [sflag:$0x1] =	stream.indirect.gather [hbm4b:s6+s8], $0x40, s18, s8, $0xb8;
	[tilespmem:$0x14500] =	vst v63  }
0x46c: {  	_ = 	snop  }
0x46d: {  	[tilespmem:s21], [sflag:$0x1] =	stream.indirect.gather [hbm4b:s6+s8], $0x40, s20, s8, $0xb8;
	[tilespmem:$0x14500] =	vst v63  }
0x46e: {  	_ = 	snop  }
0x46f: {  	[tilespmem:s23], [sflag:$0x1] =	stream.indirect.gather [hbm4b:s6+s8], $0x40, s22, s8, $0xb8;
	[tilespmem:$0x14500] =	vst v63  }
0x470: {  	_ = 	snop  }
0x471: {  	[tilespmem:s25], [sflag:$0x1] =	stream.indirect.gather [hbm4b:s6+s8], $0x40, s24, s8, $0xb8;
	[tilespmem:$0x14500] =	vst v63  }
0x472: {  	_ = 	snop  }
0x473: {  	[tilespmem:s28], [sflag:$0x1] =	stream.indirect.gather [hbm4b:s6+s8], $0x40, s26, s8, $0xb8;
	[tilespmem:$0x14500] =	vst v63  }
0x474: {  	_ =	swait.ge [sflag:s7], $0x2000  }
0x475: {  	[sflag:s7] =	ssyncset.done $0x0  }
0x476: {  	[sflag:s7] =	ssyncadd.s32 $0xFFFFE000  }
0x477: {  	_ =	swait.ge [sflag:s7], $0x2000  }
0x478: {  	[sflag:s7] =	ssyncset.done $0x0  }
0x479: {  	[sflag:s7] =	ssyncadd.s32 $0xFFFFE000  }
0x47a: {  	_ =	swait.ge [sflag:s7], $0x2000  }
0x47b: {  	[sflag:s7] =	ssyncset.done $0x0  }
0x47c: {  	[sflag:s7] =	ssyncadd.s32 $0xFFFFE000  }
0x47d: {  	_ =	swait.ge [sflag:s7], $0x2000  }
0x47e: {  	[sflag:s7] =	ssyncset.done $0x0  }
0x47f: {  	[sflag:s7] =	ssyncadd.s32 $0xFFFFE000  }
0x480: {  	_ =	swait.ge [sflag:s7], $0x2000  }
0x481: {  	[sflag:s7] =	ssyncset.done $0x0  }
0x482: {  	[sflag:s7] =	ssyncadd.s32 $0xFFFFE000  }
0x483: {  	_ =	swait.ge [sflag:s7], $0x2000  }
0x484: {  	[sflag:s7] =	ssyncset.done $0x0  }
0x485: {  	[sflag:s7] =	ssyncadd.s32 $0xFFFFE000  }
0x486: {  	_ =	swait.ge [sflag:s7], $0x2000  }
0x487: {  	[sflag:s7] =	ssyncset.done $0x0  }
0x488: {  	[sflag:s7] =	ssyncadd.s32 $0xFFFFE000  }
0x489: {  	_ =	swait.ge [sflag:s7], $0x2000  }
0x48a: {  	[sflag:s7] =	ssyncset.done $0x0  }
0x48b: {  	[sflag:s7] =	ssyncadd.s32 $0xFFFFE000  }
0x48c: {  	_ =	swait.ge [sflag:s7], $0x2000  }
0x48d: {  	[sflag:s7] =	ssyncset.done $0x0  }
0x48e: {  	[sflag:s7] =	ssyncadd.s32 $0xFFFFE000  }
0x48f: {  	p1 =	sne.s32 s1, $0x1;
	_ =	swait.ge [sflag:s7], $0x2000  }
.Ltmp2:
0x490: {  	[sflag:s7] =	ssyncset.done $0x0;
	(pc) =	sbr.rel @p1 .LBB2_2-.Ltmp2, $4  }
0x491: {  	[sflag:s7] =	ssyncadd.s32 $0xFFFFE000  }
0x492: {  	[hbm4b:s4+s2] =	stream.linear.scatter [tilespmem:s5], [sflag:$0x2], $0x14000, $0x38;
	[tilespmem:$0x14500] =	vst v63  }
0x493: {  	_ =	swait.ge [sflag:s3], $0x14000  }
0x494: {  	s1 =	sadd.s32 $0xFFFFFFFF, s1;
	s0 =	rddreg [dreg:$0x3];
	[sflag:s3] =	ssyncset.done $0x0  }
.LBB2_3:
0x495: {  	[sflag:s3] =	ssyncadd.s32 @p0 $0xFFFEC000  }
0x496: {  	[tilespmem:s2], [sflag:$0x2] =	stream.linear.gather [hbm4b:s0+s2], $0x500, $0x38;
	[tilespmem:$0x14500] =	vst v63  }
0x497: {  	_ =	swait.ge [sflag:s3], $0x500  }
0x498: {  	[sflag:s3] =	ssyncset.done $0x0  }
0x499: {  	[sflag:s3] =	ssyncadd.s32 $0xFFFFFB00  }
0x49a: {  	[tilespmem:s5], [sflag:$0x1] =	stream.indirect.gather [hbm4b:s31+s8], $0x40, s2, s8, $0xb8;
	[tilespmem:$0x14500] =	vst v63  }
0x49b: {  	_ = 	snop  }
0x49c: {  	[tilespmem:s10], [sflag:$0x1] =	stream.indirect.gather [hbm4b:s31+s8], $0x40, s8, s8, $0xb8;
	[tilespmem:$0x14500] =	vst v63  }
0x49d: {  	_ = 	snop  }
0x49e: {  	[tilespmem:s12], [sflag:$0x1] =	stream.indirect.gather [hbm4b:s31+s8], $0x40, s11, s8, $0xb8;
	[tilespmem:$0x14500] =	vst v63  }
0x49f: {  	_ = 	snop  }
0x4a0: {  	[tilespmem:s15], [sflag:$0x1] =	stream.indirect.gather [hbm4b:s31+s8], $0x40, s13, s8, $0xb8;
	[tilespmem:$0x14500] =	vst v63  }
0x4a1: {  	_ = 	snop  }
0x4a2: {  	[tilespmem:s17], [sflag:$0x1] =	stream.indirect.gather [hbm4b:s31+s8], $0x40, s16, s8, $0xb8;
	[tilespmem:$0x14500] =	vst v63  }
0x4a3: {  	_ = 	snop  }
0x4a4: {  	[tilespmem:s19], [sflag:$0x1] =	stream.indirect.gather [hbm4b:s31+s8], $0x40, s18, s8, $0xb8;
	[tilespmem:$0x14500] =	vst v63  }
0x4a5: {  	_ = 	snop  }
0x4a6: {  	[tilespmem:s21], [sflag:$0x1] =	stream.indirect.gather [hbm4b:s31+s8], $0x40, s20, s8, $0xb8;
	[tilespmem:$0x14500] =	vst v63  }
0x4a7: {  	_ = 	snop  }
0x4a8: {  	[tilespmem:s23], [sflag:$0x1] =	stream.indirect.gather [hbm4b:s31+s8], $0x40, s22, s8, $0xb8;
	[tilespmem:$0x14500] =	vst v63  }
0x4a9: {  	_ = 	snop  }
0x4aa: {  	[tilespmem:s25], [sflag:$0x1] =	stream.indirect.gather [hbm4b:s31+s8], $0x40, s24, s8, $0xb8;
	[tilespmem:$0x14500] =	vst v63  }
0x4ab: {  	_ = 	snop  }
0x4ac: {  	[tilespmem:s28], [sflag:$0x1] =	stream.indirect.gather [hbm4b:s31+s8], $0x40, s26, s8, $0xb8;
	[tilespmem:$0x14500] =	vst v63  }
0x4ad: {  	_ =	swait.ge [sflag:s7], $0x2000  }
0x4ae: {  	[sflag:s7] =	ssyncset.done $0x0  }
0x4af: {  	[sflag:s7] =	ssyncadd.s32 $0xFFFFE000  }
0x4b0: {  	_ =	swait.ge [sflag:s7], $0x2000  }
0x4b1: {  	[sflag:s7] =	ssyncset.done $0x0  }
0x4b2: {  	[sflag:s7] =	ssyncadd.s32 $0xFFFFE000  }
0x4b3: {  	_ =	swait.ge [sflag:s7], $0x2000  }
0x4b4: {  	[sflag:s7] =	ssyncset.done $0x0  }
0x4b5: {  	[sflag:s7] =	ssyncadd.s32 $0xFFFFE000  }
0x4b6: {  	_ =	swait.ge [sflag:s7], $0x2000  }
0x4b7: {  	[sflag:s7] =	ssyncset.done $0x0  }
0x4b8: {  	[sflag:s7] =	ssyncadd.s32 $0xFFFFE000  }
0x4b9: {  	_ =	swait.ge [sflag:s7], $0x2000  }
0x4ba: {  	[sflag:s7] =	ssyncset.done $0x0  }
0x4bb: {  	[sflag:s7] =	ssyncadd.s32 $0xFFFFE000  }
0x4bc: {  	_ =	swait.ge [sflag:s7], $0x2000  }
0x4bd: {  	[sflag:s7] =	ssyncset.done $0x0  }
0x4be: {  	[sflag:s7] =	ssyncadd.s32 $0xFFFFE000  }
0x4bf: {  	_ =	swait.ge [sflag:s7], $0x2000  }
0x4c0: {  	[sflag:s7] =	ssyncset.done $0x0  }
0x4c1: {  	[sflag:s7] =	ssyncadd.s32 $0xFFFFE000  }
0x4c2: {  	_ =	swait.ge [sflag:s7], $0x2000  }
0x4c3: {  	[sflag:s7] =	ssyncset.done $0x0  }
0x4c4: {  	[sflag:s7] =	ssyncadd.s32 $0xFFFFE000  }
0x4c5: {  	_ =	swait.ge [sflag:s7], $0x2000  }
0x4c6: {  	[sflag:s7] =	ssyncset.done $0x0  }
0x4c7: {  	[sflag:s7] =	ssyncadd.s32 $0xFFFFE000  }
0x4c8: {  	_ =	swait.ge [sflag:s7], $0x2000  }
0x4c9: {  	[sflag:s7] =	ssyncset.done $0x0  }
0x4ca: {  	s1 =	rddreg [dreg:$0x4];
	[sflag:s7] =	ssyncadd.s32 $0xFFFFE000  }
0x4cb: {  	[hbm4b:s1+s2] =	stream.linear.scatter [tilespmem:s5], [sflag:$0x2], $0x14000, $0x38;
	[tilespmem:$0x14500] =	vst v63  }
0x4cc: {  	_ =	swait.ge [sflag:s3], $0x14000  }
0x4cd: {  	[sflag:s3] =	ssyncset.done $0x0  }
0x4ce: {  	s1 =	rddreg [dreg:$0x5];
	[sflag:s3] =	ssyncadd.s32 $0xFFFEC000  }
0x4cf: {  	[tilespmem:s2], [sflag:$0x2] =	stream.linear.gather [hbm4b:s1+s2], $0x500, $0x38;
	[tilespmem:$0x14500] =	vst v63  }
0x4d0: {  	_ =	swait.ge [sflag:s3], $0x500  }
0x4d1: {  	[sflag:s3] =	ssyncset.done $0x0  }
0x4d2: {  	[sflag:s3] =	ssyncadd.s32 $0xFFFFFB00  }
0x4d3: {  	[tilespmem:s5], [sflag:$0x1] =	stream.indirect.gather [hbm4b:s31+s8], $0x40, s2, s8, $0xb8;
	[tilespmem:$0x14500] =	vst v63  }
0x4d4: {  	_ = 	snop  }
0x4d5: {  	[tilespmem:s10], [sflag:$0x1] =	stream.indirect.gather [hbm4b:s31+s8], $0x40, s8, s8, $0xb8;
	[tilespmem:$0x14500] =	vst v63  }
0x4d6: {  	_ = 	snop  }
0x4d7: {  	[tilespmem:s12], [sflag:$0x1] =	stream.indirect.gather [hbm4b:s31+s8], $0x40, s11, s8, $0xb8;
	[tilespmem:$0x14500] =	vst v63  }
0x4d8: {  	_ = 	snop  }
0x4d9: {  	[tilespmem:s15], [sflag:$0x1] =	stream.indirect.gather [hbm4b:s31+s8], $0x40, s13, s8, $0xb8;
	[tilespmem:$0x14500] =	vst v63  }
0x4da: {  	_ = 	snop  }
0x4db: {  	[tilespmem:s17], [sflag:$0x1] =	stream.indirect.gather [hbm4b:s31+s8], $0x40, s16, s8, $0xb8;
	[tilespmem:$0x14500] =	vst v63  }
0x4dc: {  	_ = 	snop  }
0x4dd: {  	[tilespmem:s19], [sflag:$0x1] =	stream.indirect.gather [hbm4b:s31+s8], $0x40, s18, s8, $0xb8;
	[tilespmem:$0x14500] =	vst v63  }
0x4de: {  	_ = 	snop  }
0x4df: {  	[tilespmem:s21], [sflag:$0x1] =	stream.indirect.gather [hbm4b:s31+s8], $0x40, s20, s8, $0xb8;
	[tilespmem:$0x14500] =	vst v63  }
0x4e0: {  	_ = 	snop  }
0x4e1: {  	[tilespmem:s23], [sflag:$0x1] =	stream.indirect.gather [hbm4b:s31+s8], $0x40, s22, s8, $0xb8;
	[tilespmem:$0x14500] =	vst v63  }
0x4e2: {  	_ = 	snop  }
0x4e3: {  	[tilespmem:s25], [sflag:$0x1] =	stream.indirect.gather [hbm4b:s31+s8], $0x40, s24, s8, $0xb8;
	[tilespmem:$0x14500] =	vst v63  }
0x4e4: {  	_ = 	snop  }
0x4e5: {  	[tilespmem:s28], [sflag:$0x1] =	stream.indirect.gather [hbm4b:s31+s8], $0x40, s26, s8, $0xb8;
	[tilespmem:$0x14500] =	vst v63  }
0x4e6: {  	_ =	swait.ge [sflag:s7], $0x2000  }
0x4e7: {  	[sflag:s7] =	ssyncset.done $0x0  }
0x4e8: {  	[sflag:s7] =	ssyncadd.s32 $0xFFFFE000  }
0x4e9: {  	_ =	swait.ge [sflag:s7], $0x2000  }
0x4ea: {  	[sflag:s7] =	ssyncset.done $0x0  }
0x4eb: {  	[sflag:s7] =	ssyncadd.s32 $0xFFFFE000  }
0x4ec: {  	_ =	swait.ge [sflag:s7], $0x2000  }
0x4ed: {  	[sflag:s7] =	ssyncset.done $0x0  }
0x4ee: {  	[sflag:s7] =	ssyncadd.s32 $0xFFFFE000  }
0x4ef: {  	_ =	swait.ge [sflag:s7], $0x2000  }
0x4f0: {  	[sflag:s7] =	ssyncset.done $0x0  }
0x4f1: {  	[sflag:s7] =	ssyncadd.s32 $0xFFFFE000  }
0x4f2: {  	_ =	swait.ge [sflag:s7], $0x2000  }
0x4f3: {  	[sflag:s7] =	ssyncset.done $0x0  }
0x4f4: {  	[sflag:s7] =	ssyncadd.s32 $0xFFFFE000  }
0x4f5: {  	_ =	swait.ge [sflag:s7], $0x2000  }
0x4f6: {  	[sflag:s7] =	ssyncset.done $0x0  }
0x4f7: {  	[sflag:s7] =	ssyncadd.s32 $0xFFFFE000  }
0x4f8: {  	_ =	swait.ge [sflag:s7], $0x2000  }
0x4f9: {  	[sflag:s7] =	ssyncset.done $0x0  }
0x4fa: {  	[sflag:s7] =	ssyncadd.s32 $0xFFFFE000  }
0x4fb: {  	_ =	swait.ge [sflag:s7], $0x2000  }
0x4fc: {  	[sflag:s7] =	ssyncset.done $0x0  }
0x4fd: {  	[sflag:s7] =	ssyncadd.s32 $0xFFFFE000  }
0x4fe: {  	_ =	swait.ge [sflag:s7], $0x2000  }
0x4ff: {  	[sflag:s7] =	ssyncset.done $0x0  }
0x500: {  	[sflag:s7] =	ssyncadd.s32 $0xFFFFE000  }
0x501: {  	_ =	swait.ge [sflag:s7], $0x2000  }
0x502: {  	[sflag:s7] =	ssyncset.done $0x0  }
0x503: {  	s1 =	rddreg [dreg:$0x6];
	[sflag:s7] =	ssyncadd.s32 $0xFFFFE000  }
0x504: {  	[hbm4b:s1+s2] =	stream.linear.scatter [tilespmem:s5], [sflag:$0x2], $0x14000, $0x38;
	[tilespmem:$0x14500] =	vst v63  }
0x505: {  	_ =	swait.ge [sflag:s3], $0x14000  }
0x506: {  	[sflag:s3] =	ssyncset.done $0x0  }
0x507: {  	s1 =	rddreg [dreg:$0x7];
	[sflag:s3] =	ssyncadd.s32 $0xFFFEC000  }
0x508: {  	[tilespmem:s2], [sflag:$0x2] =	stream.linear.gather [hbm4b:s1+s2], $0x500, $0x38;
	[tilespmem:$0x14500] =	vst v63  }
0x509: {  	_ =	swait.ge [sflag:s3], $0x500  }
0x50a: {  	[sflag:s3] =	ssyncset.done $0x0  }
0x50b: {  	[sflag:s3] =	ssyncadd.s32 $0xFFFFFB00  }
0x50c: {  	[tilespmem:s5], [sflag:$0x1] =	stream.indirect.gather [hbm4b:s31+s8], $0x40, s2, s8, $0xb8;
	[tilespmem:$0x14500] =	vst v63  }
0x50d: {  	_ = 	snop  }
0x50e: {  	[tilespmem:s10], [sflag:$0x1] =	stream.indirect.gather [hbm4b:s31+s8], $0x40, s8, s8, $0xb8;
	[tilespmem:$0x14500] =	vst v63  }
0x50f: {  	_ = 	snop  }
0x510: {  	[tilespmem:s12], [sflag:$0x1] =	stream.indirect.gather [hbm4b:s31+s8], $0x40, s11, s8, $0xb8;
	[tilespmem:$0x14500] =	vst v63  }
0x511: {  	_ = 	snop  }
0x512: {  	[tilespmem:s15], [sflag:$0x1] =	stream.indirect.gather [hbm4b:s31+s8], $0x40, s13, s8, $0xb8;
	[tilespmem:$0x14500] =	vst v63  }
0x513: {  	_ = 	snop  }
0x514: {  	[tilespmem:s17], [sflag:$0x1] =	stream.indirect.gather [hbm4b:s31+s8], $0x40, s16, s8, $0xb8;
	[tilespmem:$0x14500] =	vst v63  }
0x515: {  	_ = 	snop  }
0x516: {  	[tilespmem:s19], [sflag:$0x1] =	stream.indirect.gather [hbm4b:s31+s8], $0x40, s18, s8, $0xb8;
	[tilespmem:$0x14500] =	vst v63  }
0x517: {  	_ = 	snop  }
0x518: {  	[tilespmem:s21], [sflag:$0x1] =	stream.indirect.gather [hbm4b:s31+s8], $0x40, s20, s8, $0xb8;
	[tilespmem:$0x14500] =	vst v63  }
0x519: {  	_ = 	snop  }
0x51a: {  	[tilespmem:s23], [sflag:$0x1] =	stream.indirect.gather [hbm4b:s31+s8], $0x40, s22, s8, $0xb8;
	[tilespmem:$0x14500] =	vst v63  }
0x51b: {  	_ = 	snop  }
0x51c: {  	[tilespmem:s25], [sflag:$0x1] =	stream.indirect.gather [hbm4b:s31+s8], $0x40, s24, s8, $0xb8;
	[tilespmem:$0x14500] =	vst v63  }
0x51d: {  	_ = 	snop  }
0x51e: {  	[tilespmem:s28], [sflag:$0x1] =	stream.indirect.gather [hbm4b:s31+s8], $0x40, s26, s8, $0xb8;
	[tilespmem:$0x14500] =	vst v63  }
0x51f: {  	_ =	swait.ge [sflag:s7], $0x2000  }
0x520: {  	[sflag:s7] =	ssyncset.done $0x0  }
0x521: {  	[sflag:s7] =	ssyncadd.s32 $0xFFFFE000  }
0x522: {  	_ =	swait.ge [sflag:s7], $0x2000  }
0x523: {  	[sflag:s7] =	ssyncset.done $0x0  }
0x524: {  	[sflag:s7] =	ssyncadd.s32 $0xFFFFE000  }
0x525: {  	_ =	swait.ge [sflag:s7], $0x2000  }
0x526: {  	[sflag:s7] =	ssyncset.done $0x0  }
0x527: {  	[sflag:s7] =	ssyncadd.s32 $0xFFFFE000  }
0x528: {  	_ =	swait.ge [sflag:s7], $0x2000  }
0x529: {  	[sflag:s7] =	ssyncset.done $0x0  }
0x52a: {  	[sflag:s7] =	ssyncadd.s32 $0xFFFFE000  }
0x52b: {  	_ =	swait.ge [sflag:s7], $0x2000  }
0x52c: {  	[sflag:s7] =	ssyncset.done $0x0  }
0x52d: {  	[sflag:s7] =	ssyncadd.s32 $0xFFFFE000  }
0x52e: {  	_ =	swait.ge [sflag:s7], $0x2000  }
0x52f: {  	[sflag:s7] =	ssyncset.done $0x0  }
0x530: {  	[sflag:s7] =	ssyncadd.s32 $0xFFFFE000  }
0x531: {  	_ =	swait.ge [sflag:s7], $0x2000  }
0x532: {  	[sflag:s7] =	ssyncset.done $0x0  }
0x533: {  	[sflag:s7] =	ssyncadd.s32 $0xFFFFE000  }
0x534: {  	_ =	swait.ge [sflag:s7], $0x2000  }
0x535: {  	[sflag:s7] =	ssyncset.done $0x0  }
0x536: {  	[sflag:s7] =	ssyncadd.s32 $0xFFFFE000  }
0x537: {  	_ =	swait.ge [sflag:s7], $0x2000  }
0x538: {  	[sflag:s7] =	ssyncset.done $0x0  }
0x539: {  	[sflag:s7] =	ssyncadd.s32 $0xFFFFE000  }
0x53a: {  	_ =	swait.ge [sflag:s7], $0x2000  }
0x53b: {  	[sflag:s7] =	ssyncset.done $0x0  }
0x53c: {  	s1 =	rddreg [dreg:$0x8];
	[sflag:s7] =	ssyncadd.s32 $0xFFFFE000  }
0x53d: {  	[hbm4b:s1+s2] =	stream.linear.scatter [tilespmem:s5], [sflag:$0x2], $0x14000, $0x38;
	[tilespmem:$0x14500] =	vst v63  }
0x53e: {  	_ =	swait.ge [sflag:s3], $0x14000  }
0x53f: {  	[sflag:s3] =	ssyncset.done $0x0  }
0x540: {  	s1 =	rddreg [dreg:$0x9];
	[sflag:s3] =	ssyncadd.s32 $0xFFFEC000  }
0x541: {  	[tilespmem:s2], [sflag:$0x2] =	stream.linear.gather [hbm4b:s1+s2], $0x500, $0x38;
	[tilespmem:$0x14500] =	vst v63  }
0x542: {  	_ =	swait.ge [sflag:s3], $0x500  }
0x543: {  	[sflag:s3] =	ssyncset.done $0x0  }
0x544: {  	[sflag:s3] =	ssyncadd.s32 $0xFFFFFB00  }
0x545: {  	[tilespmem:s5], [sflag:$0x1] =	stream.indirect.gather [hbm4b:s31+s8], $0x40, s2, s8, $0xb8;
	[tilespmem:$0x14500] =	vst v63  }
0x546: {  	_ = 	snop  }
0x547: {  	[tilespmem:s10], [sflag:$0x1] =	stream.indirect.gather [hbm4b:s31+s8], $0x40, s8, s8, $0xb8;
	[tilespmem:$0x14500] =	vst v63  }
0x548: {  	_ = 	snop  }
0x549: {  	[tilespmem:s12], [sflag:$0x1] =	stream.indirect.gather [hbm4b:s31+s8], $0x40, s11, s8, $0xb8;
	[tilespmem:$0x14500] =	vst v63  }
0x54a: {  	_ = 	snop  }
0x54b: {  	[tilespmem:s15], [sflag:$0x1] =	stream.indirect.gather [hbm4b:s31+s8], $0x40, s13, s8, $0xb8;
	[tilespmem:$0x14500] =	vst v63  }
0x54c: {  	_ = 	snop  }
0x54d: {  	[tilespmem:s17], [sflag:$0x1] =	stream.indirect.gather [hbm4b:s31+s8], $0x40, s16, s8, $0xb8;
	[tilespmem:$0x14500] =	vst v63  }
0x54e: {  	_ = 	snop  }
0x54f: {  	[tilespmem:s19], [sflag:$0x1] =	stream.indirect.gather [hbm4b:s31+s8], $0x40, s18, s8, $0xb8;
	[tilespmem:$0x14500] =	vst v63  }
0x550: {  	_ = 	snop  }
0x551: {  	[tilespmem:s21], [sflag:$0x1] =	stream.indirect.gather [hbm4b:s31+s8], $0x40, s20, s8, $0xb8;
	[tilespmem:$0x14500] =	vst v63  }
0x552: {  	_ = 	snop  }
0x553: {  	[tilespmem:s23], [sflag:$0x1] =	stream.indirect.gather [hbm4b:s31+s8], $0x40, s22, s8, $0xb8;
	[tilespmem:$0x14500] =	vst v63  }
0x554: {  	_ = 	snop  }
0x555: {  	[tilespmem:s25], [sflag:$0x1] =	stream.indirect.gather [hbm4b:s31+s8], $0x40, s24, s8, $0xb8;
	[tilespmem:$0x14500] =	vst v63  }
0x556: {  	_ = 	snop  }
0x557: {  	[tilespmem:s28], [sflag:$0x1] =	stream.indirect.gather [hbm4b:s31+s8], $0x40, s26, s8, $0xb8;
	[tilespmem:$0x14500] =	vst v63  }
0x558: {  	_ =	swait.ge [sflag:s7], $0x2000  }
0x559: {  	[sflag:s7] =	ssyncset.done $0x0  }
0x55a: {  	[sflag:s7] =	ssyncadd.s32 $0xFFFFE000  }
0x55b: {  	_ =	swait.ge [sflag:s7], $0x2000  }
0x55c: {  	[sflag:s7] =	ssyncset.done $0x0  }
0x55d: {  	[sflag:s7] =	ssyncadd.s32 $0xFFFFE000  }
0x55e: {  	_ =	swait.ge [sflag:s7], $0x2000  }
0x55f: {  	[sflag:s7] =	ssyncset.done $0x0  }
0x560: {  	[sflag:s7] =	ssyncadd.s32 $0xFFFFE000  }
0x561: {  	_ =	swait.ge [sflag:s7], $0x2000  }
0x562: {  	[sflag:s7] =	ssyncset.done $0x0  }
0x563: {  	[sflag:s7] =	ssyncadd.s32 $0xFFFFE000  }
0x564: {  	_ =	swait.ge [sflag:s7], $0x2000  }
0x565: {  	[sflag:s7] =	ssyncset.done $0x0  }
0x566: {  	[sflag:s7] =	ssyncadd.s32 $0xFFFFE000  }
0x567: {  	_ =	swait.ge [sflag:s7], $0x2000  }
0x568: {  	[sflag:s7] =	ssyncset.done $0x0  }
0x569: {  	[sflag:s7] =	ssyncadd.s32 $0xFFFFE000  }
0x56a: {  	_ =	swait.ge [sflag:s7], $0x2000  }
0x56b: {  	[sflag:s7] =	ssyncset.done $0x0  }
0x56c: {  	[sflag:s7] =	ssyncadd.s32 $0xFFFFE000  }
0x56d: {  	_ =	swait.ge [sflag:s7], $0x2000  }
0x56e: {  	[sflag:s7] =	ssyncset.done $0x0  }
0x56f: {  	[sflag:s7] =	ssyncadd.s32 $0xFFFFE000  }
0x570: {  	_ =	swait.ge [sflag:s7], $0x2000  }
0x571: {  	[sflag:s7] =	ssyncset.done $0x0  }
0x572: {  	[sflag:s7] =	ssyncadd.s32 $0xFFFFE000  }
0x573: {  	_ =	swait.ge [sflag:s7], $0x2000  }
0x574: {  	[sflag:s7] =	ssyncset.done $0x0  }
0x575: {  	s1 =	rddreg [dreg:$0xa];
	[sflag:s7] =	ssyncadd.s32 $0xFFFFE000  }
0x576: {  	[hbm4b:s1+s2] =	stream.linear.scatter [tilespmem:s5], [sflag:$0x2], $0x14000, $0x38;
	[tilespmem:$0x14500] =	vst v63  }
0x577: {  	_ =	swait.ge [sflag:s3], $0x14000  }
0x578: {  	[sflag:s3] =	ssyncset.done $0x0  }
0x579: {  	s1 =	rddreg [dreg:$0xb];
	[sflag:s3] =	ssyncadd.s32 $0xFFFEC000  }
0x57a: {  	[tilespmem:s2], [sflag:$0x2] =	stream.linear.gather [hbm4b:s1+s2], $0x500, $0x38;
	[tilespmem:$0x14500] =	vst v63  }
0x57b: {  	_ =	swait.ge [sflag:s3], $0x500  }
0x57c: {  	[sflag:s3] =	ssyncset.done $0x0  }
0x57d: {  	[sflag:s3] =	ssyncadd.s32 $0xFFFFFB00  }
0x57e: {  	[tilespmem:s5], [sflag:$0x1] =	stream.indirect.gather [hbm4b:s31+s8], $0x40, s2, s8, $0xb8;
	[tilespmem:$0x14500] =	vst v63  }
0x57f: {  	_ = 	snop  }
0x580: {  	[tilespmem:s10], [sflag:$0x1] =	stream.indirect.gather [hbm4b:s31+s8], $0x40, s8, s8, $0xb8;
	[tilespmem:$0x14500] =	vst v63  }
0x581: {  	_ = 	snop  }
0x582: {  	[tilespmem:s12], [sflag:$0x1] =	stream.indirect.gather [hbm4b:s31+s8], $0x40, s11, s8, $0xb8;
	[tilespmem:$0x14500] =	vst v63  }
0x583: {  	_ = 	snop  }
0x584: {  	[tilespmem:s15], [sflag:$0x1] =	stream.indirect.gather [hbm4b:s31+s8], $0x40, s13, s8, $0xb8;
	[tilespmem:$0x14500] =	vst v63  }
0x585: {  	_ = 	snop  }
0x586: {  	[tilespmem:s17], [sflag:$0x1] =	stream.indirect.gather [hbm4b:s31+s8], $0x40, s16, s8, $0xb8;
	[tilespmem:$0x14500] =	vst v63  }
0x587: {  	_ = 	snop  }
0x588: {  	[tilespmem:s19], [sflag:$0x1] =	stream.indirect.gather [hbm4b:s31+s8], $0x40, s18, s8, $0xb8;
	[tilespmem:$0x14500] =	vst v63  }
0x589: {  	_ = 	snop  }
0x58a: {  	[tilespmem:s21], [sflag:$0x1] =	stream.indirect.gather [hbm4b:s31+s8], $0x40, s20, s8, $0xb8;
	[tilespmem:$0x14500] =	vst v63  }
0x58b: {  	_ = 	snop  }
0x58c: {  	[tilespmem:s23], [sflag:$0x1] =	stream.indirect.gather [hbm4b:s31+s8], $0x40, s22, s8, $0xb8;
	[tilespmem:$0x14500] =	vst v63  }
0x58d: {  	_ = 	snop  }
0x58e: {  	[tilespmem:s25], [sflag:$0x1] =	stream.indirect.gather [hbm4b:s31+s8], $0x40, s24, s8, $0xb8;
	[tilespmem:$0x14500] =	vst v63  }
0x58f: {  	_ = 	snop  }
0x590: {  	[tilespmem:s28], [sflag:$0x1] =	stream.indirect.gather [hbm4b:s31+s8], $0x40, s26, s8, $0xb8;
	[tilespmem:$0x14500] =	vst v63  }
0x591: {  	_ =	swait.ge [sflag:s7], $0x2000  }
0x592: {  	[sflag:s7] =	ssyncset.done $0x0  }
0x593: {  	[sflag:s7] =	ssyncadd.s32 $0xFFFFE000  }
0x594: {  	_ =	swait.ge [sflag:s7], $0x2000  }
0x595: {  	[sflag:s7] =	ssyncset.done $0x0  }
0x596: {  	[sflag:s7] =	ssyncadd.s32 $0xFFFFE000  }
0x597: {  	_ =	swait.ge [sflag:s7], $0x2000  }
0x598: {  	[sflag:s7] =	ssyncset.done $0x0  }
0x599: {  	[sflag:s7] =	ssyncadd.s32 $0xFFFFE000  }
0x59a: {  	_ =	swait.ge [sflag:s7], $0x2000  }
0x59b: {  	[sflag:s7] =	ssyncset.done $0x0  }
0x59c: {  	[sflag:s7] =	ssyncadd.s32 $0xFFFFE000  }
0x59d: {  	_ =	swait.ge [sflag:s7], $0x2000  }
0x59e: {  	[sflag:s7] =	ssyncset.done $0x0  }
0x59f: {  	[sflag:s7] =	ssyncadd.s32 $0xFFFFE000  }
0x5a0: {  	_ =	swait.ge [sflag:s7], $0x2000  }
0x5a1: {  	[sflag:s7] =	ssyncset.done $0x0  }
0x5a2: {  	[sflag:s7] =	ssyncadd.s32 $0xFFFFE000  }
0x5a3: {  	_ =	swait.ge [sflag:s7], $0x2000  }
0x5a4: {  	[sflag:s7] =	ssyncset.done $0x0  }
0x5a5: {  	[sflag:s7] =	ssyncadd.s32 $0xFFFFE000  }
0x5a6: {  	_ =	swait.ge [sflag:s7], $0x2000  }
0x5a7: {  	[sflag:s7] =	ssyncset.done $0x0  }
0x5a8: {  	[sflag:s7] =	ssyncadd.s32 $0xFFFFE000  }
0x5a9: {  	_ =	swait.ge [sflag:s7], $0x2000  }
0x5aa: {  	[sflag:s7] =	ssyncset.done $0x0  }
0x5ab: {  	[sflag:s7] =	ssyncadd.s32 $0xFFFFE000  }
0x5ac: {  	_ =	swait.ge [sflag:s7], $0x2000  }
0x5ad: {  	[sflag:s7] =	ssyncset.done $0x0  }
0x5ae: {  	s31 =	rddreg [dreg:$0xc];
	[sflag:s7] =	ssyncadd.s32 $0xFFFFE000  }
0x5af: {  	[hbm4b:s31+s2] =	stream.linear.scatter [tilespmem:s5], [sflag:$0x2], $0x14000, $0x38;
	[tilespmem:$0x14500] =	vst v63  }
0x5b0: {  	_ =	swait.ge [sflag:s3], $0x14000  }
0x5b1: {  	[sflag:s3] =	ssyncset.done $0x0  }
0x5b2: {  	s1 =	rddreg [dreg:$0xd];
	[sflag:s3] =	ssyncadd.s32 $0xFFFEC000  }
0x5b3: {  	[tilespmem:s2], [sflag:$0x2] =	stream.linear.gather [hbm4b:s1+s2], $0x500, $0x38;
	[tilespmem:$0x14500] =	vst v63  }
0x5b4: {  	_ =	swait.ge [sflag:s3], $0x500  }
0x5b5: {  	[sflag:s3] =	ssyncset.done $0x0  }
0x5b6: {  	[sflag:s3] =	ssyncadd.s32 $0xFFFFFB00  }
0x5b7: {  	[tilespmem:s5], [sflag:$0x1] =	stream.indirect.gather [hbm4b:s6+s8], $0x40, s2, s8, $0xb8;
	[tilespmem:$0x14500] =	vst v63  }
0x5b8: {  	_ = 	snop  }
0x5b9: {  	[tilespmem:s10], [sflag:$0x1] =	stream.indirect.gather [hbm4b:s6+s8], $0x40, s8, s8, $0xb8;
	[tilespmem:$0x14500] =	vst v63  }
0x5ba: {  	_ = 	snop  }
0x5bb: {  	[tilespmem:s12], [sflag:$0x1] =	stream.indirect.gather [hbm4b:s6+s8], $0x40, s11, s8, $0xb8;
	[tilespmem:$0x14500] =	vst v63  }
0x5bc: {  	_ = 	snop  }
0x5bd: {  	[tilespmem:s15], [sflag:$0x1] =	stream.indirect.gather [hbm4b:s6+s8], $0x40, s13, s8, $0xb8;
	[tilespmem:$0x14500] =	vst v63  }
0x5be: {  	_ = 	snop  }
0x5bf: {  	[tilespmem:s17], [sflag:$0x1] =	stream.indirect.gather [hbm4b:s6+s8], $0x40, s16, s8, $0xb8;
	[tilespmem:$0x14500] =	vst v63  }
0x5c0: {  	_ = 	snop  }
0x5c1: {  	[tilespmem:s19], [sflag:$0x1] =	stream.indirect.gather [hbm4b:s6+s8], $0x40, s18, s8, $0xb8;
	[tilespmem:$0x14500] =	vst v63  }
0x5c2: {  	_ = 	snop  }
0x5c3: {  	[tilespmem:s21], [sflag:$0x1] =	stream.indirect.gather [hbm4b:s6+s8], $0x40, s20, s8, $0xb8;
	[tilespmem:$0x14500] =	vst v63  }
0x5c4: {  	_ = 	snop  }
0x5c5: {  	[tilespmem:s23], [sflag:$0x1] =	stream.indirect.gather [hbm4b:s6+s8], $0x40, s22, s8, $0xb8;
	[tilespmem:$0x14500] =	vst v63  }
0x5c6: {  	_ = 	snop  }
0x5c7: {  	[tilespmem:s25], [sflag:$0x1] =	stream.indirect.gather [hbm4b:s6+s8], $0x40, s24, s8, $0xb8;
	[tilespmem:$0x14500] =	vst v63  }
0x5c8: {  	_ = 	snop  }
0x5c9: {  	[tilespmem:s28], [sflag:$0x1] =	stream.indirect.gather [hbm4b:s6+s8], $0x40, s26, s8, $0xb8;
	[tilespmem:$0x14500] =	vst v63  }
0x5ca: {  	_ =	swait.ge [sflag:s7], $0x2000  }
0x5cb: {  	[sflag:s7] =	ssyncset.done $0x0  }
0x5cc: {  	[sflag:s7] =	ssyncadd.s32 $0xFFFFE000  }
0x5cd: {  	_ =	swait.ge [sflag:s7], $0x2000  }
0x5ce: {  	[sflag:s7] =	ssyncset.done $0x0  }
0x5cf: {  	[sflag:s7] =	ssyncadd.s32 $0xFFFFE000  }
0x5d0: {  	_ =	swait.ge [sflag:s7], $0x2000  }
0x5d1: {  	[sflag:s7] =	ssyncset.done $0x0  }
0x5d2: {  	[sflag:s7] =	ssyncadd.s32 $0xFFFFE000  }
0x5d3: {  	_ =	swait.ge [sflag:s7], $0x2000  }
0x5d4: {  	[sflag:s7] =	ssyncset.done $0x0  }
0x5d5: {  	[sflag:s7] =	ssyncadd.s32 $0xFFFFE000  }
0x5d6: {  	_ =	swait.ge [sflag:s7], $0x2000  }
0x5d7: {  	[sflag:s7] =	ssyncset.done $0x0  }
0x5d8: {  	[sflag:s7] =	ssyncadd.s32 $0xFFFFE000  }
0x5d9: {  	_ =	swait.ge [sflag:s7], $0x2000  }
0x5da: {  	[sflag:s7] =	ssyncset.done $0x0  }
0x5db: {  	[sflag:s7] =	ssyncadd.s32 $0xFFFFE000  }
0x5dc: {  	_ =	swait.ge [sflag:s7], $0x2000  }
0x5dd: {  	[sflag:s7] =	ssyncset.done $0x0  }
0x5de: {  	[sflag:s7] =	ssyncadd.s32 $0xFFFFE000  }
0x5df: {  	_ =	swait.ge [sflag:s7], $0x2000  }
0x5e0: {  	[sflag:s7] =	ssyncset.done $0x0  }
0x5e1: {  	[sflag:s7] =	ssyncadd.s32 $0xFFFFE000  }
0x5e2: {  	_ =	swait.ge [sflag:s7], $0x2000  }
0x5e3: {  	[sflag:s7] =	ssyncset.done $0x0  }
0x5e4: {  	[sflag:s7] =	ssyncadd.s32 $0xFFFFE000  }
0x5e5: {  	_ =	swait.ge [sflag:s7], $0x2000  }
0x5e6: {  	[sflag:s7] =	ssyncset.done $0x0  }
0x5e7: {  	s31 =	rddreg [dreg:$0xe];
	[sflag:s7] =	ssyncadd.s32 $0xFFFFE000  }
0x5e8: {  	[hbm4b:s31+s2] =	stream.linear.scatter [tilespmem:s5], [sflag:$0x2], $0x14000, $0x38;
	[tilespmem:$0x14500] =	vst v63  }
0x5e9: {  	_ =	swait.ge [sflag:s3], $0x14000  }
0x5ea: {  	[sflag:s3] =	ssyncset.done $0x0  }
0x5eb: {  	s1 =	rddreg [dreg:$0xf];
	[sflag:s3] =	ssyncadd.s32 $0xFFFEC000  }
0x5ec: {  	[tilespmem:s2], [sflag:$0x2] =	stream.linear.gather [hbm4b:s1+s2], $0x500, $0x38;
	[tilespmem:$0x14500] =	vst v63  }
0x5ed: {  	_ =	swait.ge [sflag:s3], $0x500  }
0x5ee: {  	[sflag:s3] =	ssyncset.done $0x0  }
0x5ef: {  	[sflag:s3] =	ssyncadd.s32 $0xFFFFFB00  }
0x5f0: {  	[tilespmem:s5], [sflag:$0x1] =	stream.indirect.gather [hbm4b:s6+s8], $0x40, s2, s8, $0xb8;
	[tilespmem:$0x14500] =	vst v63  }
0x5f1: {  	_ = 	snop  }
0x5f2: {  	[tilespmem:s10], [sflag:$0x1] =	stream.indirect.gather [hbm4b:s6+s8], $0x40, s8, s8, $0xb8;
	[tilespmem:$0x14500] =	vst v63  }
0x5f3: {  	_ = 	snop  }
0x5f4: {  	[tilespmem:s12], [sflag:$0x1] =	stream.indirect.gather [hbm4b:s6+s8], $0x40, s11, s8, $0xb8;
	[tilespmem:$0x14500] =	vst v63  }
0x5f5: {  	_ = 	snop  }
0x5f6: {  	[tilespmem:s15], [sflag:$0x1] =	stream.indirect.gather [hbm4b:s6+s8], $0x40, s13, s8, $0xb8;
	[tilespmem:$0x14500] =	vst v63  }
0x5f7: {  	_ = 	snop  }
0x5f8: {  	[tilespmem:s17], [sflag:$0x1] =	stream.indirect.gather [hbm4b:s6+s8], $0x40, s16, s8, $0xb8;
	[tilespmem:$0x14500] =	vst v63  }
0x5f9: {  	_ = 	snop  }
0x5fa: {  	[tilespmem:s19], [sflag:$0x1] =	stream.indirect.gather [hbm4b:s6+s8], $0x40, s18, s8, $0xb8;
	[tilespmem:$0x14500] =	vst v63  }
0x5fb: {  	_ = 	snop  }
0x5fc: {  	[tilespmem:s21], [sflag:$0x1] =	stream.indirect.gather [hbm4b:s6+s8], $0x40, s20, s8, $0xb8;
	[tilespmem:$0x14500] =	vst v63  }
0x5fd: {  	_ = 	snop  }
0x5fe: {  	[tilespmem:s23], [sflag:$0x1] =	stream.indirect.gather [hbm4b:s6+s8], $0x40, s22, s8, $0xb8;
	[tilespmem:$0x14500] =	vst v63  }
0x5ff: {  	_ = 	snop  }
0x600: {  	[tilespmem:s25], [sflag:$0x1] =	stream.indirect.gather [hbm4b:s6+s8], $0x40, s24, s8, $0xb8;
	[tilespmem:$0x14500] =	vst v63  }
0x601: {  	_ = 	snop  }
0x602: {  	[tilespmem:s28], [sflag:$0x1] =	stream.indirect.gather [hbm4b:s6+s8], $0x40, s26, s8, $0xb8;
	[tilespmem:$0x14500] =	vst v63  }
0x603: {  	_ =	swait.ge [sflag:s7], $0x2000  }
0x604: {  	[sflag:s7] =	ssyncset.done $0x0  }
0x605: {  	[sflag:s7] =	ssyncadd.s32 $0xFFFFE000  }
0x606: {  	_ =	swait.ge [sflag:s7], $0x2000  }
0x607: {  	[sflag:s7] =	ssyncset.done $0x0  }
0x608: {  	[sflag:s7] =	ssyncadd.s32 $0xFFFFE000  }
0x609: {  	_ =	swait.ge [sflag:s7], $0x2000  }
0x60a: {  	[sflag:s7] =	ssyncset.done $0x0  }
0x60b: {  	[sflag:s7] =	ssyncadd.s32 $0xFFFFE000  }
0x60c: {  	_ =	swait.ge [sflag:s7], $0x2000  }
0x60d: {  	[sflag:s7] =	ssyncset.done $0x0  }
0x60e: {  	[sflag:s7] =	ssyncadd.s32 $0xFFFFE000  }
0x60f: {  	_ =	swait.ge [sflag:s7], $0x2000  }
0x610: {  	[sflag:s7] =	ssyncset.done $0x0  }
0x611: {  	[sflag:s7] =	ssyncadd.s32 $0xFFFFE000  }
0x612: {  	_ =	swait.ge [sflag:s7], $0x2000  }
0x613: {  	[sflag:s7] =	ssyncset.done $0x0  }
0x614: {  	[sflag:s7] =	ssyncadd.s32 $0xFFFFE000  }
0x615: {  	_ =	swait.ge [sflag:s7], $0x2000  }
0x616: {  	[sflag:s7] =	ssyncset.done $0x0  }
0x617: {  	[sflag:s7] =	ssyncadd.s32 $0xFFFFE000  }
0x618: {  	_ =	swait.ge [sflag:s7], $0x2000  }
0x619: {  	[sflag:s7] =	ssyncset.done $0x0  }
0x61a: {  	[sflag:s7] =	ssyncadd.s32 $0xFFFFE000  }
0x61b: {  	_ =	swait.ge [sflag:s7], $0x2000  }
0x61c: {  	[sflag:s7] =	ssyncset.done $0x0  }
0x61d: {  	[sflag:s7] =	ssyncadd.s32 $0xFFFFE000  }
0x61e: {  	_ =	swait.ge [sflag:s7], $0x2000  }
0x61f: {  	[sflag:s7] =	ssyncset.done $0x0  }
0x620: {  	s31 =	rddreg [dreg:$0x10];
	[sflag:s7] =	ssyncadd.s32 $0xFFFFE000  }
0x621: {  	[hbm4b:s31+s2] =	stream.linear.scatter [tilespmem:s5], [sflag:$0x2], $0x14000, $0x38;
	[tilespmem:$0x14500] =	vst v63  }
0x622: {  	_ =	swait.ge [sflag:s3], $0x14000  }
0x623: {  	[sflag:s3] =	ssyncset.done $0x0  }
0x624: {  	s1 =	rddreg [dreg:$0x11];
	[sflag:s3] =	ssyncadd.s32 $0xFFFEC000  }
0x625: {  	[tilespmem:s2], [sflag:$0x2] =	stream.linear.gather [hbm4b:s1+s2], $0x500, $0x38;
	[tilespmem:$0x14500] =	vst v63  }
0x626: {  	_ =	swait.ge [sflag:s3], $0x500  }
0x627: {  	[sflag:s3] =	ssyncset.done $0x0  }
0x628: {  	[sflag:s3] =	ssyncadd.s32 $0xFFFFFB00  }
0x629: {  	[tilespmem:s5], [sflag:$0x1] =	stream.indirect.gather [hbm4b:s6+s8], $0x40, s2, s8, $0xb8;
	[tilespmem:$0x14500] =	vst v63  }
0x62a: {  	_ = 	snop  }
0x62b: {  	[tilespmem:s10], [sflag:$0x1] =	stream.indirect.gather [hbm4b:s6+s8], $0x40, s8, s8, $0xb8;
	[tilespmem:$0x14500] =	vst v63  }
0x62c: {  	_ = 	snop  }
0x62d: {  	[tilespmem:s12], [sflag:$0x1] =	stream.indirect.gather [hbm4b:s6+s8], $0x40, s11, s8, $0xb8;
	[tilespmem:$0x14500] =	vst v63  }
0x62e: {  	_ = 	snop  }
0x62f: {  	[tilespmem:s15], [sflag:$0x1] =	stream.indirect.gather [hbm4b:s6+s8], $0x40, s13, s8, $0xb8;
	[tilespmem:$0x14500] =	vst v63  }
0x630: {  	_ = 	snop  }
0x631: {  	[tilespmem:s17], [sflag:$0x1] =	stream.indirect.gather [hbm4b:s6+s8], $0x40, s16, s8, $0xb8;
	[tilespmem:$0x14500] =	vst v63  }
0x632: {  	_ = 	snop  }
0x633: {  	[tilespmem:s19], [sflag:$0x1] =	stream.indirect.gather [hbm4b:s6+s8], $0x40, s18, s8, $0xb8;
	[tilespmem:$0x14500] =	vst v63  }
0x634: {  	_ = 	snop  }
0x635: {  	[tilespmem:s21], [sflag:$0x1] =	stream.indirect.gather [hbm4b:s6+s8], $0x40, s20, s8, $0xb8;
	[tilespmem:$0x14500] =	vst v63  }
0x636: {  	_ = 	snop  }
0x637: {  	[tilespmem:s23], [sflag:$0x1] =	stream.indirect.gather [hbm4b:s6+s8], $0x40, s22, s8, $0xb8;
	[tilespmem:$0x14500] =	vst v63  }
0x638: {  	_ = 	snop  }
0x639: {  	[tilespmem:s25], [sflag:$0x1] =	stream.indirect.gather [hbm4b:s6+s8], $0x40, s24, s8, $0xb8;
	[tilespmem:$0x14500] =	vst v63  }
0x63a: {  	_ = 	snop  }
0x63b: {  	[tilespmem:s28], [sflag:$0x1] =	stream.indirect.gather [hbm4b:s6+s8], $0x40, s26, s8, $0xb8;
	[tilespmem:$0x14500] =	vst v63  }
0x63c: {  	_ =	swait.ge [sflag:s7], $0x2000  }
0x63d: {  	[sflag:s7] =	ssyncset.done $0x0  }
0x63e: {  	[sflag:s7] =	ssyncadd.s32 $0xFFFFE000  }
0x63f: {  	_ =	swait.ge [sflag:s7], $0x2000  }
0x640: {  	[sflag:s7] =	ssyncset.done $0x0  }
0x641: {  	[sflag:s7] =	ssyncadd.s32 $0xFFFFE000  }
0x642: {  	_ =	swait.ge [sflag:s7], $0x2000  }
0x643: {  	[sflag:s7] =	ssyncset.done $0x0  }
0x644: {  	[sflag:s7] =	ssyncadd.s32 $0xFFFFE000  }
0x645: {  	_ =	swait.ge [sflag:s7], $0x2000  }
0x646: {  	[sflag:s7] =	ssyncset.done $0x0  }
0x647: {  	[sflag:s7] =	ssyncadd.s32 $0xFFFFE000  }
0x648: {  	_ =	swait.ge [sflag:s7], $0x2000  }
0x649: {  	[sflag:s7] =	ssyncset.done $0x0  }
0x64a: {  	[sflag:s7] =	ssyncadd.s32 $0xFFFFE000  }
0x64b: {  	_ =	swait.ge [sflag:s7], $0x2000  }
0x64c: {  	[sflag:s7] =	ssyncset.done $0x0  }
0x64d: {  	[sflag:s7] =	ssyncadd.s32 $0xFFFFE000  }
0x64e: {  	_ =	swait.ge [sflag:s7], $0x2000  }
0x64f: {  	[sflag:s7] =	ssyncset.done $0x0  }
0x650: {  	[sflag:s7] =	ssyncadd.s32 $0xFFFFE000  }
0x651: {  	_ =	swait.ge [sflag:s7], $0x2000  }
0x652: {  	[sflag:s7] =	ssyncset.done $0x0  }
0x653: {  	[sflag:s7] =	ssyncadd.s32 $0xFFFFE000  }
0x654: {  	_ =	swait.ge [sflag:s7], $0x2000  }
0x655: {  	[sflag:s7] =	ssyncset.done $0x0  }
0x656: {  	[sflag:s7] =	ssyncadd.s32 $0xFFFFE000  }
0x657: {  	_ =	swait.ge [sflag:s7], $0x2000  }
0x658: {  	[sflag:s7] =	ssyncset.done $0x0  }
0x659: {  	[sflag:s7] =	ssyncadd.s32 $0xFFFFE000  }
0x65a: {  	[hbm4b:s30+s2] =	stream.linear.scatter [tilespmem:s5], [sflag:$0x2], $0x14000, $0x38;
	[tilespmem:$0x14500] =	vst v63  }
0x65b: {  	_ =	swait.ge [sflag:s3], $0x14000  }
0x65c: {  	[sflag:s3] =	ssyncset.done $0x0  }
0x65d: {  	[sflag:s3] =	ssyncadd.s32 $0xFFFEC000  }
0x65e: {  	[tilespmem:s2], [sflag:$0x2] =	stream.linear.gather [hbm4b:s29+s2], $0x500, $0x38;
	[tilespmem:$0x14500] =	vst v63  }
0x65f: {  	_ =	swait.ge [sflag:s3], $0x500  }
0x660: {  	[sflag:s3] =	ssyncset.done $0x0  }
0x661: {  	[sflag:s3] =	ssyncadd.s32 $0xFFFFFB00  }
0x662: {  	[tilespmem:s5], [sflag:$0x1] =	stream.indirect.gather [hbm4b:s6+s8], $0x40, s2, s8, $0xb8;
	[tilespmem:$0x14500] =	vst v63  }
0x663: {  	_ = 	snop  }
0x664: {  	[tilespmem:s10], [sflag:$0x1] =	stream.indirect.gather [hbm4b:s6+s8], $0x40, s8, s8, $0xb8;
	[tilespmem:$0x14500] =	vst v63  }
0x665: {  	_ = 	snop  }
0x666: {  	[tilespmem:s12], [sflag:$0x1] =	stream.indirect.gather [hbm4b:s6+s8], $0x40, s11, s8, $0xb8;
	[tilespmem:$0x14500] =	vst v63  }
0x667: {  	_ = 	snop  }
0x668: {  	[tilespmem:s15], [sflag:$0x1] =	stream.indirect.gather [hbm4b:s6+s8], $0x40, s13, s8, $0xb8;
	[tilespmem:$0x14500] =	vst v63  }
0x669: {  	_ = 	snop  }
0x66a: {  	[tilespmem:s17], [sflag:$0x1] =	stream.indirect.gather [hbm4b:s6+s8], $0x40, s16, s8, $0xb8;
	[tilespmem:$0x14500] =	vst v63  }
0x66b: {  	_ = 	snop  }
0x66c: {  	[tilespmem:s19], [sflag:$0x1] =	stream.indirect.gather [hbm4b:s6+s8], $0x40, s18, s8, $0xb8;
	[tilespmem:$0x14500] =	vst v63  }
0x66d: {  	_ = 	snop  }
0x66e: {  	[tilespmem:s21], [sflag:$0x1] =	stream.indirect.gather [hbm4b:s6+s8], $0x40, s20, s8, $0xb8;
	[tilespmem:$0x14500] =	vst v63  }
0x66f: {  	_ = 	snop  }
0x670: {  	[tilespmem:s23], [sflag:$0x1] =	stream.indirect.gather [hbm4b:s6+s8], $0x40, s22, s8, $0xb8;
	[tilespmem:$0x14500] =	vst v63  }
0x671: {  	_ = 	snop  }
0x672: {  	[tilespmem:s25], [sflag:$0x1] =	stream.indirect.gather [hbm4b:s6+s8], $0x40, s24, s8, $0xb8;
	[tilespmem:$0x14500] =	vst v63  }
0x673: {  	_ = 	snop  }
0x674: {  	[tilespmem:s28], [sflag:$0x1] =	stream.indirect.gather [hbm4b:s6+s8], $0x40, s26, s8, $0xb8;
	[tilespmem:$0x14500] =	vst v63  }
0x675: {  	_ =	swait.ge [sflag:s7], $0x2000  }
0x676: {  	[sflag:s7] =	ssyncset.done $0x0  }
0x677: {  	[sflag:s7] =	ssyncadd.s32 $0xFFFFE000  }
0x678: {  	_ =	swait.ge [sflag:s7], $0x2000  }
0x679: {  	[sflag:s7] =	ssyncset.done $0x0  }
0x67a: {  	[sflag:s7] =	ssyncadd.s32 $0xFFFFE000  }
0x67b: {  	_ =	swait.ge [sflag:s7], $0x2000  }
0x67c: {  	[sflag:s7] =	ssyncset.done $0x0  }
0x67d: {  	[sflag:s7] =	ssyncadd.s32 $0xFFFFE000  }
0x67e: {  	_ =	swait.ge [sflag:s7], $0x2000  }
0x67f: {  	[sflag:s7] =	ssyncset.done $0x0  }
0x680: {  	[sflag:s7] =	ssyncadd.s32 $0xFFFFE000  }
0x681: {  	_ =	swait.ge [sflag:s7], $0x2000  }
0x682: {  	[sflag:s7] =	ssyncset.done $0x0  }
0x683: {  	[sflag:s7] =	ssyncadd.s32 $0xFFFFE000  }
0x684: {  	_ =	swait.ge [sflag:s7], $0x2000  }
0x685: {  	[sflag:s7] =	ssyncset.done $0x0  }
0x686: {  	[sflag:s7] =	ssyncadd.s32 $0xFFFFE000  }
0x687: {  	_ =	swait.ge [sflag:s7], $0x2000  }
0x688: {  	[sflag:s7] =	ssyncset.done $0x0  }
0x689: {  	[sflag:s7] =	ssyncadd.s32 $0xFFFFE000  }
0x68a: {  	_ =	swait.ge [sflag:s7], $0x2000  }
0x68b: {  	[sflag:s7] =	ssyncset.done $0x0  }
0x68c: {  	[sflag:s7] =	ssyncadd.s32 $0xFFFFE000  }
0x68d: {  	_ =	swait.ge [sflag:s7], $0x2000  }
0x68e: {  	[sflag:s7] =	ssyncset.done $0x0  }
0x68f: {  	[sflag:s7] =	ssyncadd.s32 $0xFFFFE000  }
0x690: {  	_ =	swait.ge [sflag:s7], $0x2000  }
0x691: {  	[sflag:s7] =	ssyncset.done $0x0  }
0x692: {  	[sflag:s7] =	ssyncadd.s32 $0xFFFFE000  }
0x693: {  	[hbm4b:s14+s2] =	stream.linear.scatter [tilespmem:s5], [sflag:$0x2], $0x14000, $0x38;
	[tilespmem:$0x14500] =	vst v63  }
0x694: {  	_ =	swait.ge [sflag:s3], $0x14000  }
0x695: {  	[sflag:s3] =	ssyncset.done $0x0  }
0x696: {  	[sflag:s3] =	ssyncadd.s32 $0xFFFEC000  }
0x697: {  	[tilespmem:s2], [sflag:$0x2] =	stream.linear.gather [hbm4b:s9+s2], $0x500, $0x38;
	[tilespmem:$0x14500] =	vst v63  }
0x698: {  	_ =	swait.ge [sflag:s3], $0x500  }
0x699: {  	[sflag:s3] =	ssyncset.done $0x0  }
0x69a: {  	[sflag:s3] =	ssyncadd.s32 $0xFFFFFB00  }
0x69b: {  	[tilespmem:s5], [sflag:$0x1] =	stream.indirect.gather [hbm4b:s6+s8], $0x40, s2, s8, $0xb8;
	[tilespmem:$0x14500] =	vst v63  }
0x69c: {  	_ = 	snop  }
0x69d: {  	[tilespmem:s10], [sflag:$0x1] =	stream.indirect.gather [hbm4b:s6+s8], $0x40, s8, s8, $0xb8;
	[tilespmem:$0x14500] =	vst v63  }
0x69e: {  	_ = 	snop  }
0x69f: {  	[tilespmem:s12], [sflag:$0x1] =	stream.indirect.gather [hbm4b:s6+s8], $0x40, s11, s8, $0xb8;
	[tilespmem:$0x14500] =	vst v63  }
0x6a0: {  	_ = 	snop  }
0x6a1: {  	[tilespmem:s15], [sflag:$0x1] =	stream.indirect.gather [hbm4b:s6+s8], $0x40, s13, s8, $0xb8;
	[tilespmem:$0x14500] =	vst v63  }
0x6a2: {  	_ = 	snop  }
0x6a3: {  	[tilespmem:s17], [sflag:$0x1] =	stream.indirect.gather [hbm4b:s6+s8], $0x40, s16, s8, $0xb8;
	[tilespmem:$0x14500] =	vst v63  }
0x6a4: {  	_ = 	snop  }
0x6a5: {  	[tilespmem:s19], [sflag:$0x1] =	stream.indirect.gather [hbm4b:s6+s8], $0x40, s18, s8, $0xb8;
	[tilespmem:$0x14500] =	vst v63  }
0x6a6: {  	_ = 	snop  }
0x6a7: {  	[tilespmem:s21], [sflag:$0x1] =	stream.indirect.gather [hbm4b:s6+s8], $0x40, s20, s8, $0xb8;
	[tilespmem:$0x14500] =	vst v63  }
0x6a8: {  	_ = 	snop  }
0x6a9: {  	[tilespmem:s23], [sflag:$0x1] =	stream.indirect.gather [hbm4b:s6+s8], $0x40, s22, s8, $0xb8;
	[tilespmem:$0x14500] =	vst v63  }
0x6aa: {  	_ = 	snop  }
0x6ab: {  	[tilespmem:s25], [sflag:$0x1] =	stream.indirect.gather [hbm4b:s6+s8], $0x40, s24, s8, $0xb8;
	[tilespmem:$0x14500] =	vst v63  }
0x6ac: {  	_ = 	snop  }
0x6ad: {  	[tilespmem:s28], [sflag:$0x1] =	stream.indirect.gather [hbm4b:s6+s8], $0x40, s26, s8, $0xb8;
	[tilespmem:$0x14500] =	vst v63  }
0x6ae: {  	_ =	swait.ge [sflag:s7], $0x2000  }
0x6af: {  	[sflag:s7] =	ssyncset.done $0x0  }
0x6b0: {  	[sflag:s7] =	ssyncadd.s32 $0xFFFFE000  }
0x6b1: {  	_ =	swait.ge [sflag:s7], $0x2000  }
0x6b2: {  	[sflag:s7] =	ssyncset.done $0x0  }
0x6b3: {  	[sflag:s7] =	ssyncadd.s32 $0xFFFFE000  }
0x6b4: {  	_ =	swait.ge [sflag:s7], $0x2000  }
0x6b5: {  	[sflag:s7] =	ssyncset.done $0x0  }
0x6b6: {  	[sflag:s7] =	ssyncadd.s32 $0xFFFFE000  }
0x6b7: {  	_ =	swait.ge [sflag:s7], $0x2000  }
0x6b8: {  	[sflag:s7] =	ssyncset.done $0x0  }
0x6b9: {  	[sflag:s7] =	ssyncadd.s32 $0xFFFFE000  }
0x6ba: {  	_ =	swait.ge [sflag:s7], $0x2000  }
0x6bb: {  	[sflag:s7] =	ssyncset.done $0x0  }
0x6bc: {  	[sflag:s7] =	ssyncadd.s32 $0xFFFFE000  }
0x6bd: {  	_ =	swait.ge [sflag:s7], $0x2000  }
0x6be: {  	[sflag:s7] =	ssyncset.done $0x0  }
0x6bf: {  	[sflag:s7] =	ssyncadd.s32 $0xFFFFE000  }
0x6c0: {  	_ =	swait.ge [sflag:s7], $0x2000  }
0x6c1: {  	[sflag:s7] =	ssyncset.done $0x0  }
0x6c2: {  	[sflag:s7] =	ssyncadd.s32 $0xFFFFE000  }
0x6c3: {  	_ =	swait.ge [sflag:s7], $0x2000  }
0x6c4: {  	[sflag:s7] =	ssyncset.done $0x0  }
0x6c5: {  	[sflag:s7] =	ssyncadd.s32 $0xFFFFE000  }
0x6c6: {  	_ =	swait.ge [sflag:s7], $0x2000  }
0x6c7: {  	[sflag:s7] =	ssyncset.done $0x0  }
0x6c8: {  	[sflag:s7] =	ssyncadd.s32 $0xFFFFE000  }
0x6c9: {  	_ =	swait.ge [sflag:s7], $0x2000  }
0x6ca: {  	[sflag:s7] =	ssyncset.done $0x0  }
0x6cb: {  	[sflag:s7] =	ssyncadd.s32 $0xFFFFE000  }
0x6cc: {  	[hbm4b:s4+s2] =	stream.linear.scatter [tilespmem:s5], [sflag:$0x2], $0x14000, $0x38;
	[tilespmem:$0x14500] =	vst v63  }
0x6cd: {  	_ =	swait.ge [sflag:s3], $0x14000  }
0x6ce: {  	[sflag:s3] =	ssyncset.done $0x0  }
0x6cf: {  	[sflag:s3] =	ssyncadd.s32 $0xFFFEC000  }
0x6d0: {  	_ =	sfence.sel $0x180000  }
0x6d1: {  	[bflag:$0x0] =	sbarrier.arrive $0xFFFF  }
0x6d2: {  	_ =	strace $0x90000047  }
0x6d3: {  	s31 =	stileid.u32;
	[bflag:$0x2] =	sbarrier.arrive $0xFFFF  }
0x6d4: {  	p0 =	sne.s32 s31, $0x0;
	s0 =	rddreg [dreg:$0x2]  }
0x6d5: {  	s0 =	sadd.s32 @!p0 $0x100000, s0  }
0x6d6: {  	[sflag:s0] =	ssyncadd.tile.s32 @!p0 $0x1;
	_ =	shalt  }
.Lfunc_end2:
_tile_overlayer_lowered:
.L_overlay_start_2:
0x6d7: {  	(tag) =	ssettag $0x2  }
0x6d8: {  	s0 =	rddreg [dreg:$0x0];
	s2 =	stileid.u32  }
0x6d9: {  	s1 =	rddreg [dreg:$0x1];
	p0 =	sne.s32 s2, $0x0  }
0x6da: {  	s3 =	rddreg [dreg:$0x2];
	[bflag:$0x3] =	sbarrier.arrive $0xFFFF;
	s2 =	simm.s32 @!p0 $0x1C02  }
0x6db: {  	[timem:s3], [sflag:s2] =	dma.local @!p0 [hbm:s0], s1  }
0x6dc: {  	s0 =	simm.s32 @!p0 $0x2  }
0x6dd: {  	_ =	swait.ge @!p0 [sflag:s0], s1  }
0x6de: {  	s1 =	ssub.s32 @!p0 $0x0, s1;
	[sflag:s0] =	ssyncset.done @!p0 $0x0  }
0x6df: {  	[sflag:s0] =	ssyncadd.s32 @!p0 s1  }
0x6e0: {  	[bflag:$0x3] =	sbarrier.arrive $0xFFFF  }
0x6e1: {  	_ =	shalt  }

// kernel: sparse-core-data-format-call.cloned.1.call-start
scs
called_computation_lowered:
.L_overlay_start_0:
0x0: {  	s2 =	sld [smem:$0x3FD9]  }
0x1: {  	s3 =	sld [smem:$0x3FFE];
	_ =	sdelay $0x1  }
0x2: {  	s1 =	srdreg.scid  }
0x3: {  	s0 =	sand.u32 $0x1, s1  }
0x4: {  	s18 =	sshll.u32 s0, $0xA;
	s2 =	sadd.s32 s3, s2  }
0x5: {  	s2 =	sadd.s32 s2, s18  }
0x6: {  	[smem:$0x3FC4] =	sst s2  }
0x7: {  	_ = 	snop  }
0x8: {  	s2 =	sld [smem:$0x3FD0];
	(tm) =	ssettm $0x1  }
0x9: {  	s19 =	sld [smem:$0x3FFB];
	_ =	sdelay $0x3  }
0xa: {  	_ =	strace s19  }
0xb: {  	s3 =	sld [smem:$0x3FFC];
	_ =	sdelay $0x3  }
0xc: {  	_ =	strace s3  }
0xd: {  	s3 =	sld [smem:$0x3FFD];
	_ =	sdelay $0x3  }
0xe: {  	_ =	strace s3  }
0xf: {  	_ =	strace $0x8FFFFFFF  }
0x10: {  	s20 =	sld [smem:$0x3FDB];
	_ =	sdelay $0x1  }
0x11: {  	s4 =	simm.s32 $_scs_section_size  }
0x12: {  	s5 =	simm.s32 $_size__tile_overlayer_lowered;
	s6 =	simm.s32 $_tile_overlayer_lowered  }
0x13: {  	s23 =	simm.s32 $0x1BFF;
	s22 =	sshll.u32 s6, $0x1;
	s3 =	sadd.s32 s4, s20  }
0x14: {  	s7 =	simm.s32 $0x0;
	s21 =	sshll.u32 s5, $0x1;
	s5 =	sadd.s32 s22, s3  }
0x15: {  	[timem:s7], [sflag:s23] =	dma.local [hbm:s5], s21  }
0x16: {  	_ =	swait.ge [sflag:s23], s21  }
0x17: {  	s4 =	ssub.s32 $0x0, s21;
	[sflag:s23] =	ssyncset.done $0x0  }
0x18: {  	[sflag:s23] =	ssyncadd.s32 s4;
	_ =	sdelay $0x1  }
0x19: {  	s24 =	simm.s32 $0x1B8B  }
0x1a: {  	_ =	swait.ge [sflag:s24], $0x1  }
0x1b: {  	[sflag:s24] =	ssyncset.done $0x0  }
0x1c: {  	s26 =	simm.s32 $0x1B8E;
	s25 =	sld [smem:$0x3FFE];
	[sflag:s24] =	ssyncadd.s32 $0xFFFFFFFF  }
0x1d: {  	s27 =	simm.s32 $execute0_lowered;
	[smem:$0x3FD2] =	sst s26  }
0x1e: {  	s5 =	sshll.u32 s27, $0x1;
	_ =	strace $0x80000049;
	[dreg:$0x1] =	wrdreg $0xFFFFFFFF  }
0x1f: {  	s28 =	simm.s32 $_size_execute0_lowered;
	s3 =	sadd.s32 s3, s5;
	[dreg:$0x0] =	wrdreg $0x0  }
0x20: {  	s5 =	sshll.u32 s28, $0x1;
	[dreg:$0x2] =	wrdreg s3  }
0x21: {  	[dreg:$0x3] =	wrdreg s5  }
0x22: {  	[dreg:$0x4] =	wrdreg $0xC0  }
0x23: {  	_ =	task [dreg:s7], $0x5FFFF  }
0x24: {  	[dreg:$0x1] =	wrdreg $0xFFFFFFFF  }
0x25: {  	[dreg:$0x0] =	wrdreg $0x60  }
0x26: {  	[dreg:$0x2] =	wrdreg s25  }
0x27: {  	[dreg:$0x3] =	wrdreg s2  }
0x28: {  	[dreg:$0x4] =	wrdreg $0x9  }
0x29: {  	_ =	task.clear_ibuf [dreg:s7], $0x5FFFF;
	_ =	strace $0x90000049  }
0x2a: {  	s29 =	simm.s32 $0x9;
	_ =	strace $0x8000004B  }
0x2b: {  	_ =	swait.ge [sflag:s29], $0x1  }
0x2c: {  	[sflag:s29] =	ssyncadd.s32 $0xFFFFFFFF  }
0x2d: {  	_ =	strace $0x9000004B  }
0x2e: {  	_ =	sfence  }
0x2f: {  	s30 =	sld [smem:$0x0];
	_ =	sdelay $0x2  }
0x30: {  	s31 =	sshll.u32 s1, $0xD;
	s1 =	sshrl.u32 s1, $0x2  }
0x31: {  	s3 =	sand.u32 $0x4000, s31;
	s1 =	sadd.s32 s1, s30  }
0x32: {  	s0 =	sor.u32 s3, s0;
	s1 =	sshll.u32 s1, $0x11  }
0x33: {  	s0 =	sor.u32 s1, s0  }
0x34: {  	s0 =	sadd.s32 $0x8F2B, s0  }
0x35: {  	[sflag:s0] =	ssyncadd.remote.s32 $0x1  }
0x36: {  	_ =	sfence.sel $0xFFFF  }
0x37: {  	[dreg:$0x0] =	wrdreg $0xFFFFFFFF;
	(pc) =	sbr.abs _section_cstart, $3  }
0x38: {  	[dreg:$0x1] =	wrdreg $0xFFFFFFFF  }
0x39: {  	_ =	task.clear_ibuf [dreg:s7], $0x2FFFF;
	_ =	strace $0x9FFFFFFF  }
0x3a: {  	(tm) =	ssettm $0x7FFFFFFF  }
0x3b: {  	_ =	shalt  }
tec
execute0_lowered:
.L_overlay_start_1:
0x0: {  	(tag) =	ssettag $0x1  }
0x1: {  	s0 =	stileid.u32;
	s1 =	srdreg.scid  }
0x2: {  	s2 =	sshll.u32 s0, $0x6;
	s1 =	sshll.u32 s1, $0xA  }
0x3: {  	s1 =	sor.u32 s2, s1  }
0x4: {  	s7 =	rddreg [dreg:$0x0];
	s1 =	sand.u32 $0x780, s1  }
0x5: {  	s8 =	simm.s32 $0x2;
	s2 =	sand.u32 $0x1, s0;
	s3 =	ssub.s32 $0x1000, s1  }
0x6: {  	s14 =	simm.s32 $0x0;
	s4 =	ssub.s32 $0x2, s2;
	s5 =	sand.u32 $0x780, s3  }
0x7: {  	s6 =	sshrl.u32 s4, $0x1;
	p0 =	sne.s32 s5, $0x0;
	s5 =	simm.s32 $0x1  }
0x8: {  	s4 =	sand.u32 $0x1, s4;
	s3 =	sshrl.u32 s3, $0xB;
	s5 =	simm.s32 @!p0 $0x0  }
0x9: {  	s9 =	simm.s32 $0x8000;
	s6 =	sadd.s32 s4, s6;
	s3 =	sadd.s32 s5, s3  }
0xa: {  	s15 =	simm.s32 $0x0;
	s16 =	simm.s32 $0x0;
	s6 =	smul.u32 s3, s6  }
.Ltmp0:
0xb: {  	s10 =	simm.s32 $0x0;
	s13 =	simm.s32 $0x0;
	(pc) =	sbr.rel .LBB1_1-.Ltmp0, $4  }
0xc: {  	s7 =	sadd.s32 $0x2400, s7;
	s4 =	rddreg [dreg:$0x1];
	s5 =	simm.s32 $0x1  }
0xd: {  	s3 =	rddreg [dreg:$0x2];
	_ =	strace $0x8000004A;
	s6 =	smul.u32 $0x32, s6  }
0xe: {  	s12 =	smov.u32 s2;
	s11 =	smov.u32 s1;
	[sflag:s5] =	ssyncpa.u1 $0x0  }
0xf: {  	p0 =	por $0x0, $0x0;
	[sflag:s8] =	ssyncpa.u1 $0x0;
	s8 =	sor.u32 $0x1, s6  }
.LBB1_4:
0x10: {  	s16 =	smul.u32 $0x190000, s16  }
0x11: {  	s19 =	sshll.u32 s15, $0x3;
	s20 =	sand.u32 $0x78, s15;
	s30 =	sand.u32 $0x7E00, s15  }
0x12: {  	s14 =	sshll.u32 s14, $0xF;
	s19 =	sand.u32 $0xC00, s19;
	s16 =	sadd.s32 s4, s16  }
0x13: {  	[tilespmem:s18+$0x810 ss:$0x81] =	vst.msk $0xffff, v2;
	s31 =	sand.u32 $0x7, s15;
	s19 =	sor.u32 s20, s19;
	s16 =	sadd.s32 s30, s16  }
0x14: {  	[tilespmem:s18+$0x1020 ss:$0x81] =	vst.msk $0xffff, v0;
	s15 =	sshll.u32 s31, $0x12;
	s19 =	sshrl.u32 s19, $0x3;
	s14 =	sadd.s32 s14, s16  }
0x15: {  	[tilespmem:s18+$0x0 ss:$0x81] =	vst.msk $0xffff, v1;
	s15 =	sor.u32 $0x400, s15;
	s14 =	sadd.s32 s19, s14  }
0x16: {  	[hbm4b:s14+s15] =	stream.strided.scatter [tilespmem:s17], [sflag:$0x2], $0x2000, s9, s15, $0x20;
	[tilespmem:$0x8080] =	vst v63  }
.LBB1_5:
0x17: {  	s17 =	sadd.s32 $0x1, s10  }
0x18: {  	s14 =	sadd.s32 $0x800, s11;
	s18 =	smov.u32 s11;
	p2 =	sgt.s32 s17, $0x31  }
0x19: {  	s18 =	smov.u32 @p2 s14  }
0x1a: {  	s20 =	smov.u32 s12;
	s14 =	sadd.s32 $0x2, s12;
	p3 =	sgt.s32 s18, $0xFFF  }
0x1b: {  	s20 =	smov.u32 @p3 s14  }
0x1c: {  	s17 =	simm.s32 @p2 $0x0;
	p2 =	sgt.s32 s20, $0x1  }
0x1d: {  	p1 =	slt.u32 s13, $0x2;
	s20 =	smov.u32 @p2 s2;
	p2 =	sne.s32 s13, s8  }
.Ltmp1:
0x1e: {  	s19 =	simm.s32 @!p1 $0x2;
	(pc) =	sbr.rel @!p2 .LBB1_6-.Ltmp1, $4  }
0x1f: {  	s15 =	smov.u32 s11;
	s16 =	smov.u32 s12;
	_ =	swait.ge @!p1 [sflag:s19], $0x2000  }
0x20: {  	p0 =	por !p0, !p0;
	[sflag:s19] =	ssyncset.done @!p1 $0x0;
	s18 =	smov.u32 @p3 s1  }
0x21: {  	s14 =	smov.u32 s10;
	[sflag:s19] =	ssyncadd.s32 @!p1 $0xFFFFE000;
	s10 =	smov.u32 s17  }
0x22: {  	s11 =	smov.u32 s18;
	s13 =	sadd.s32 $0x1, s13;
	s12 =	smov.u32 s20  }
.LBB1_1:
0x23: {  	p1 =	sge.u32 s13, s6  }
0x24: {  	s17 =	sand.u32 @!p1 $0x1FFFFFF, s10;
	s19 =	smul.u32 @!p1 $0x380000, s12  }
0x25: {  	s18 =	smulhi.u32 @!p1 $0x4924925, s17  }
0x26: {  	s21 =	smul.u32 @!p1 $0x380, s11  }
0x27: {  	s18 =	smul.u32 @!p1 $0x38, s18  }
0x28: {  	s31 =	sadd.s32 $0xFFFFFFFF, s13;
	s19 =	sadd.s32 @!p1 s7, s19  }
0x29: {  	s20 =	sxor.u32 @!p1 $0xFFFFFFFF, s13;
	s19 =	sadd.s32 @!p1 s21, s19;
	s17 =	ssub.s32 @!p1 s17, s18  }
0x2a: {  	s18 =	sshll.u32 @!p1 s20, $0xD;
	s20 =	simm.s32 @!p1 $0x1C00;
	s17 =	sshll.u32 @!p1 s17, $0x4  }
0x2b: {  	s18 =	sand.u32 @!p1 $0x2000, s18;
	s17 =	sadd.s32 @!p1 s17, s19;
	s19 =	simm.s32 @!p1 $0x40  }
0x2c: {  	[tilespmem:s18], [sflag:$0x1] =	stream.strided.gather @!p1 [hbm4b:s17+s19], $0x2000, s20, s19, $0x38;
	[tilespmem:$0x8080] =	vst v63  }
0x2d: {  	p1 =	sge.u32 s31, s6  }
.Ltmp2:
0x2e: {  	_ = 	snop;
	(pc) =	sbr.rel @p1 .LBB1_5-.Ltmp2, $1  }
0x2f: {  	_ =	sdelay $0x3  }
0x30: {  	s17 =	simm.s32 $0x1  }
0x31: {  	_ =	swait.ge [sflag:s5], $0x2000;
	s17 =	simm.s32 @!p0 $0x0  }
0x32: {  	[sflag:s5] =	ssyncset.done $0x0;
	s18 =	sshll.u32 s17, $0xD  }
0x33: {  	[sflag:s5] =	ssyncadd.s32 $0xFFFFE000;
	s21 =	sor.u32 $0x20, s18  }
0x34: {  	s17 =	smul.u32 $0x8100, s17;
	v3 =	vld [tilespmem:s21+$0x10]  }
0x35: {  	s30 =	sand.u32 $0x1, s13;
	v2 =	vld [tilespmem:s21+$0xFFFFFFF0]  }
0x36: {  	s18 =	smul.u32 $0x8100, s30;
	s17 =	sshrl.u32 s17, $0x2;
	v0 =	vld [tilespmem:s21+$0x0]  }
0x37: {  	v1 =	vld [tilespmem:s21+$0xFFFFFFE0];
	s19 =	sor.u32 $0x4000, s17  }
0x38: {  	s31 =	sshrl.u32 s18, $0x2;
	s18 =	sadd.s32 $0x0, s19  }
0x39: {  	s20 =	simm.s32 $0x4;
	s21 =	sadd.s32 $0x40, s21;
	s17 =	sor.u32 $0x4000, s31;
	[tilespmem:s18+$0x1830 ss:$0x81] =	vst.msk $0xffff, v3  }
.LBB1_3:
0x3a: {  	v3 =	vld [tilespmem:s21+$0x10];
	p1 =	sne.s32 s20, $0x1FC;
	[tilespmem:s18+$0x810 ss:$0x81] =	vst.msk $0xffff, v2;
	s22 =	smov.u32 s20;
	s20 =	sadd.s32 $0x4, s20  }
.Ltmp3:
0x3b: {  	v2 =	vld [tilespmem:s21+$0xFFFFFFF0];
	[tilespmem:s18+$0x1020 ss:$0x81] =	vst.msk $0xffff, v0;
	(pc) =	sbr.rel @p1 .LBB1_3-.Ltmp3, $4  }
0x3c: {  	v0 =	vld [tilespmem:s21+$0x0];
	[tilespmem:s18+$0x0 ss:$0x81] =	vst.msk $0xffff, v1  }
0x3d: {  	s18 =	sshra.s32 s22, $0x2;
	v1 =	vld [tilespmem:s21+$0xFFFFFFE0]  }
0x3e: {  	s18 =	sadd.s32 s18, s19  }
0x3f: {  	s21 =	sadd.s32 $0x40, s21;
	[tilespmem:s18+$0x1830 ss:$0x81] =	vst.msk $0xffff, v3  }
.Ltmp4:
0x40: {  	_ = 	snop;
	(pc) =	sbr.rel .LBB1_4-.Ltmp4, $1  }
0x41: {  	_ =	sdelay $0x3  }
.LBB1_6:
0x42: {  	_ =	sfence.sel $0x180000  }
0x43: {  	s1 =	simm.s32 $0x1;
	[bflag:$0x0] =	sbarrier.arrive $0xFFFF  }
0x44: {  	s31 =	simm.s32 $0x2;
	[sflag:s1] =	ssyncpa.u1 $0x1  }
0x45: {  	[sflag:s31] =	ssyncpa.u1 $0x1  }
0x46: {  	p0 =	sne.s32 s0, $0x0;
	_ =	strace $0x9000004A  }
0x47: {  	s0 =	sadd.s32 @!p0 $0x100000, s3;
	[bflag:$0x2] =	sbarrier.arrive $0xFFFF  }
0x48: {  	[sflag:s0] =	ssyncadd.tile.s32 @!p0 $0x1;
	_ =	shalt  }
.Lfunc_end1:
_tile_overlayer_lowered:
.L_overlay_start_2:
0x49: {  	(tag) =	ssettag $0x2  }
0x4a: {  	s0 =	rddreg [dreg:$0x0];
	s2 =	stileid.u32  }
0x4b: {  	s1 =	rddreg [dreg:$0x1];
	p0 =	sne.s32 s2, $0x0  }
0x4c: {  	s3 =	rddreg [dreg:$0x2];
	[bflag:$0x3] =	sbarrier.arrive $0xFFFF;
	s2 =	simm.s32 @!p0 $0x1C01  }
0x4d: {  	[timem:s3], [sflag:s2] =	dma.local @!p0 [hbm:s0], s1  }
0x4e: {  	s0 =	simm.s32 @!p0 $0x1  }
0x4f: {  	_ =	swait.ge @!p0 [sflag:s0], s1  }
0x50: {  	s1 =	ssub.s32 @!p0 $0x0, s1;
	[sflag:s0] =	ssyncset.done @!p0 $0x0  }
0x51: {  	[sflag:s0] =	ssyncadd.s32 @!p0 s1  }
0x52: {  	[bflag:$0x3] =	sbarrier.arrive $0xFFFF  }
0x53: {  	_ =	shalt  }

</sc_bundles>
